<compile_context>
chip_gen: v7x
topology: tpu7x:2x2x1
jax: 0.10.2.dev20260603
libtpu: 0.0.44.dev20260713+nightly
codegen_flags: <defaults>
</compile_context>

<pallas_src>
import functools

import jax
import jax.numpy as jnp
from jax import lax
from jax.experimental import pallas as pl
from jax.experimental.pallas import tpu as pltpu
from jax.experimental.pallas import tpu_sc as plsc

BATCH = 16384
NFIELD = 26
DIM = 16
TOTAL_ROWS = 2600000
NC = 2
NS = 16
NW = NC * NS
PER_W = BATCH // NW
FLAT_PER_W = PER_W * NFIELD
CB = 64
CHUNKS = PER_W // CB
ROWS_PER_CHUNK = CB * NFIELD
DMA_ROWS = 128
DMAS_PER_CHUNK = ROWS_PER_CHUNK // DMA_ROWS


@functools.partial(
    pl.kernel,
    mesh=plsc.VectorSubcoreMesh(core_axis_name="c", subcore_axis_name="s"),
    compiler_params=pltpu.CompilerParams(use_tc_tiling_on_sc=False),
    out_type=jax.ShapeDtypeStruct((BATCH, DIM), jnp.float32),
    scratch_types=[
        pltpu.VMEM((FLAT_PER_W,), jnp.int32),
        pltpu.VMEM((ROWS_PER_CHUNK, DIM), jnp.float32),
        pltpu.VMEM((ROWS_PER_CHUNK, DIM), jnp.float32),
        pltpu.VMEM((PER_W, DIM), jnp.float32),
        pltpu.VMEM((DIM,), jnp.float32),
        pltpu.VMEM((208,), jnp.int32),
        pltpu.SemaphoreType.DMA,
        pltpu.SemaphoreType.DMA,
    ],
)
def _sc_kernel(xf, table, bias, off, out, x_v, rows0, rows1, out_v, bias_v,
               off_v, sem0, sem1):
    wid = lax.axis_index("s") * NC + lax.axis_index("c")
    base = wid * FLAT_PER_W
    pltpu.sync_copy(xf.at[pl.ds(base, FLAT_PER_W)], x_v)
    pltpu.sync_copy(bias, bias_v)
    pltpu.sync_copy(off, off_v)

    @plsc.parallel_loop(0, FLAT_PER_W // 16)
    def prep(p):
        s = p * 16
        m = lax.rem(p, 13) * 16
        x_v[pl.ds(s, 16)] = x_v[pl.ds(s, 16)] + off_v[pl.ds(m, 16)]

    bufs = (rows0, rows1)
    sems = (sem0, sem1)

    tbl = table

    def fire(c, buf, sem):
        s = c * ROWS_PER_CHUNK
        return [
            pltpu.async_copy(
                tbl.at[x_v.at[pl.ds(s, ROWS_PER_CHUNK)]],
                buf,
                sem,
            )
        ]

    def compute(c, buf):
        @plsc.parallel_loop(0, CB)
        def body(b):
            r = b * NFIELD
            accs = [buf[r + f, :] for f in range(4)]
            accs[0] = accs[0] + bias_v[...]
            for f in range(4, NFIELD):
                accs[f % 4] = accs[f % 4] + buf[r + f, :]
            out_v[c * CB + b, :] = (accs[0] + accs[1]) + (accs[2] + accs[3])

    pending = fire(0, bufs[0], sems[0])
    for c in range(CHUNKS):
        nxt = fire(c + 1, bufs[(c + 1) % 2], sems[(c + 1) % 2]) \
            if c + 1 < CHUNKS else []
        for h in pending:
            h.wait()
        compute(c, bufs[c % 2])
        pending = nxt

    pltpu.sync_copy(out_v, out.at[pl.ds(wid * PER_W, PER_W), :])


RN = 1024
_FULL_RUNS = TOTAL_ROWS // RN
_TAIL = TOTAL_ROWS - _FULL_RUNS * RN
_RPW = ((_FULL_RUNS + NW - 1) // NW + 2) // 3 * 3


@functools.partial(
    pl.kernel,
    mesh=plsc.VectorSubcoreMesh(core_axis_name="c", subcore_axis_name="s"),
    compiler_params=pltpu.CompilerParams(
        use_tc_tiling_on_sc=True, needs_layout_passes=False),
    out_type=jax.ShapeDtypeStruct((TOTAL_ROWS * DIM,), jnp.float32),
    scratch_types=[
        pltpu.VMEM((DIM * RN,), jnp.float32),
        pltpu.VMEM((DIM * RN,), jnp.float32),
        pltpu.VMEM((DIM * RN,), jnp.float32),
        pltpu.VMEM((RN * DIM,), jnp.float32),
        pltpu.VMEM((RN * DIM,), jnp.float32),
        pltpu.SemaphoreType.DMA,
        pltpu.SemaphoreType.DMA,
        pltpu.SemaphoreType.DMA,
        pltpu.SemaphoreType.DMA,
        pltpu.SemaphoreType.DMA,
    ],
)
def _sc_detile(tblt, tail8, out, strips0, strips1, strips2, rows0, rows1,
               sem0, sem1, sem2, osem0, osem1):
    wid = lax.axis_index("s") * NC + lax.axis_index("c")
    lane = lax.iota(jnp.int32, 16)
    gbase = lane * RN

    def run_of(k):
        return jnp.minimum(wid + k * NW, _FULL_RUNS - 1)

    def fire(k, buf, sem):
        r0 = run_of(k) * RN
        for c in range(DIM):
            pltpu.async_copy(
                tblt.at[c, pl.ds(r0, RN)], buf.at[pl.ds(c * RN, RN)], sem)

    def drain(buf, sem):
        for c in range(DIM):
            pltpu.make_async_copy(
                tblt.at[0, pl.ds(0, RN)], buf.at[pl.ds(c * RN, RN)], sem
            ).wait()

    def owait(rv, osem):
        pltpu.make_async_copy(
            out.at[pl.ds(0, RN * DIM)], rv, osem).wait()

    def transpose_run(k, buf, rv, osem, j):
        @pl.when(j > 0)
        def _():
            owait(rv, osem)

        @plsc.parallel_loop(0, RN, unroll=8)
        def row(i):
            r = plsc.load_gather(buf, [gbase + i])
            rv[pl.ds(i * DIM, DIM)] = r

        pltpu.async_copy(
            rv, out.at[pl.ds(run_of(k) * (RN * DIM), RN * DIM)], osem)

    fire(0, strips0, sem0)
    fire(1, strips1, sem1)

    def triple(j, carry):
        k0 = j * 3
        drain(strips0, sem0)
        fire(k0 + 2, strips2, sem2)
        transpose_run(k0, strips0, rows0, osem0, j)
        drain(strips1, sem1)
        fire(k0 + 3, strips0, sem0)
        transpose_run(k0 + 1, strips1, rows1, osem1, j)
        drain(strips2, sem2)
        fire(k0 + 4, strips1, sem1)
        transpose_run(k0 + 2, strips2, rows0, osem0, j + 1)
        return carry

    lax.fori_loop(0, _RPW // 3, triple, 0)
    drain(strips0, sem0)
    drain(strips1, sem1)
    owait(rows0, osem0)
    owait(rows1, osem1)

    @pl.when(wid == 0)
    def _tail():
        pltpu.sync_copy(
            tail8, out.at[pl.ds(_FULL_RUNS * RN * DIM, _TAIL * DIM)])


def kernel(x, table, bias, offsets):
    xf = x.reshape(-1).astype(jnp.int32)
    off = jnp.tile(offsets.astype(jnp.int32), 208 // NFIELD)
    b16 = bias.reshape(DIM).astype(jnp.float32)
    tail8 = jax.lax.slice(
        table, (_FULL_RUNS * RN, 0), (TOTAL_ROWS, DIM)).reshape(_TAIL * DIM)
    tbl_lin = _sc_detile(table.T, tail8).reshape(TOTAL_ROWS, DIM)
    return _sc_kernel(xf, tbl_lin, b16, off)

# --- scband reference (transcript-rebuilt; emitter-appended) ---
"""Pipeline reference for scband-sparse-linear-40913858462149 (READ-ONLY COPY).

The authoritative reference and input builder live on the scoring server;
editing this copy changes nothing except your own understanding.
"""

import jax, jax.numpy as jnp
import numpy as np

FIELD_DIMS = [100000] * 26
OUTPUT_DIM = 16
BATCH = 16384
NUM_FIELDS = len(FIELD_DIMS)
TOTAL_ROWS = sum(FIELD_DIMS)


def setup_inputs(seed: int = 0) -> dict:
    key = jax.random.key(seed)
    k_x, k_w = jax.random.split(key)
    x = jax.random.randint(k_x, (BATCH, NUM_FIELDS), 0, 100000, dtype=jnp.int64)
    # nn.Embedding default init: N(0, 1)
    table = jax.random.normal(k_w, (TOTAL_ROWS, OUTPUT_DIM), dtype=jnp.float32)
    bias = jnp.zeros((1, OUTPUT_DIM), dtype=jnp.float32)
    offsets = jnp.asarray(
        np.array((0, *np.cumsum(FIELD_DIMS)[:-1])), dtype=jnp.int64
    )
    return {"x": x, "table": table, "bias": bias, "offsets": offsets}


def reference(x, table, bias, offsets):
    # x: (N, num_fields) int; add per-field offsets into the flat table
    idx = x + offsets[None, :]
    # embedding lookup: (N, num_fields, output_dim)
    emb = jnp.take(table, idx, axis=0)
    # sum over fields -> linear combination of sparse features, plus bias
    out = jnp.sum(emb, axis=1) + bias
    return out

if __name__ == "__main__":
    import jax
    _d = setup_inputs()
    print(jax.jit(kernel)(*tuple(_d.values())))

</pallas_src>

<mosaic_0001>
#map = affine_map<(d0, d1) -> (0, 0)>
#map1 = affine_map<(d0, d1) -> (0)>
module attributes {stable_mosaic.version = 14 : i64} {
  func.func @_sc_detile(%arg0: i32, %arg1: i32, %arg2: memref<16x2600000xf32, #tpu.memory_space<hbm>>, %arg3: memref<1024xf32, #tpu.memory_space<hbm>>, %arg4: memref<41600000xf32, #tpu.memory_space<hbm>>, %arg5: memref<16384xf32, #tpu.memory_space<vmem>>, %arg6: memref<16384xf32, #tpu.memory_space<vmem>>, %arg7: memref<16384xf32, #tpu.memory_space<vmem>>, %arg8: memref<16384xf32, #tpu.memory_space<vmem>>, %arg9: memref<16384xf32, #tpu.memory_space<vmem>>, %arg10: memref<!tpu.dma_semaphore, #tpu.memory_space<semaphore_mem>>, %arg11: memref<!tpu.dma_semaphore, #tpu.memory_space<semaphore_mem>>, %arg12: memref<!tpu.dma_semaphore, #tpu.memory_space<semaphore_mem>>, %arg13: memref<!tpu.dma_semaphore, #tpu.memory_space<semaphore_mem>>, %arg14: memref<!tpu.dma_semaphore, #tpu.memory_space<semaphore_mem>>) attributes {dimension_semantics = [#tpu.dimension_semantics<core_parallel>, #tpu.dimension_semantics<subcore_parallel>], iteration_bounds = array<i64: 2, 16>, scalar_prefetch = 0 : i64, scratch_operands = 10 : i64, tpu.core_type = #tpu.core_type<sc_vector_subcore>, window_params = [{transform_indices = #map}, {transform_indices = #map1}, {transform_indices = #map1}]} {
    %mul3A = arith.constant 2 : i32
    %mul3A_0 = arith.muli %arg1, %mul3A : i32
    %add3A = arith.addi %mul3A_0, %arg0 : i32
    %iota3A = tpu.iota {dimensions = array<i32: 0>} : vector<16xi32>
    %mul3A_1 = arith.constant 1024 : i32
    %mul3A_2 = vector.broadcast %mul3A_1 : i32 to vector<16xi32>
    %mul3A_3 = arith.muli %iota3A, %mul3A_2 : vector<16xi32>
    %add3A_4 = arith.constant 0 : i32
    %add3A_5 = arith.addi %add3A, %add3A_4 : i32
    %min3A = arith.constant 2538 : i32
    %min3A_6 = arith.minsi %add3A_5, %min3A : i32
    %mul3A_7 = arith.constant 1024 : i32
    %mul3A_8 = arith.muli %min3A_6, %mul3A_7 : i32
    %dma_start3A = arith.constant 0 : i32
    %dma_start3A_9 = arith.constant 0 : i32
    %dma_start3A_10 = tpu.memref_slice %arg5[%dma_start3A_9] : memref<16384xf32, #tpu.memory_space<vmem>> -> memref<1024xf32, #tpu.memory_space<vmem>>
    %dma_start3A_11 = tpu.memref_slice %arg2[%dma_start3A, %mul3A_8] : memref<16x2600000xf32, #tpu.memory_space<hbm>> -> memref<1x1024xf32, #tpu.memory_space<hbm>>
    %dma_start3A_12 = tpu.memref_squeeze %dma_start3A_11 : memref<1x1024xf32, #tpu.memory_space<hbm>> -> memref<1024xf32, #tpu.memory_space<hbm>>
    %dma_start3A_13 = arith.constant 0 : i32
    %dma_start3A_14 = tpu.memref_slice %arg5[%dma_start3A_13] : memref<16384xf32, #tpu.memory_space<vmem>> -> memref<1024xf32, #tpu.memory_space<vmem>>
    %dma_start3A_15 = tpu.memref_slice %arg2[%dma_start3A, %mul3A_8] : memref<16x2600000xf32, #tpu.memory_space<hbm>> -> memref<1x1024xf32, #tpu.memory_space<hbm>>
    %dma_start3A_16 = tpu.memref_squeeze %dma_start3A_15 : memref<1x1024xf32, #tpu.memory_space<hbm>> -> memref<1024xf32, #tpu.memory_space<hbm>>
    tpu.enqueue_dma source(%dma_start3A_16 : memref<1024xf32, #tpu.memory_space<hbm>>) target(%dma_start3A_14 : memref<1024xf32, #tpu.memory_space<vmem>>) target_semaphore(%arg10 : memref<!tpu.dma_semaphore, #tpu.memory_space<semaphore_mem>>)
    %dma_start3A_17 = arith.constant 1 : i32
    %dma_start3A_18 = arith.constant 1024 : i32
    %dma_start3A_19 = tpu.memref_slice %arg5[%dma_start3A_18] : memref<16384xf32, #tpu.memory_space<vmem>> -> memref<1024xf32, #tpu.memory_space<vmem>>
    %dma_start3A_20 = tpu.memref_slice %arg2[%dma_start3A_17, %mul3A_8] : memref<16x2600000xf32, #tpu.memory_space<hbm>> -> memref<1x1024xf32, #tpu.memory_space<hbm>>
    %dma_start3A_21 = tpu.memref_squeeze %dma_start3A_20 : memref<1x1024xf32, #tpu.memory_space<hbm>> -> memref<1024xf32, #tpu.memory_space<hbm>>
    %dma_start3A_22 = arith.constant 1024 : i32
    %dma_start3A_23 = tpu.memref_slice %arg5[%dma_start3A_22] : memref<16384xf32, #tpu.memory_space<vmem>> -> memref<1024xf32, #tpu.memory_space<vmem>>
    %dma_start3A_24 = tpu.memref_slice %arg2[%dma_start3A_17, %mul3A_8] : memref<16x2600000xf32, #tpu.memory_space<hbm>> -> memref<1x1024xf32, #tpu.memory_space<hbm>>
    %dma_start3A_25 = tpu.memref_squeeze %dma_start3A_24 : memref<1x1024xf32, #tpu.memory_space<hbm>> -> memref<1024xf32, #tpu.memory_space<hbm>>
    tpu.enqueue_dma source(%dma_start3A_25 : memref<1024xf32, #tpu.memory_space<hbm>>) target(%dma_start3A_23 : memref<1024xf32, #tpu.memory_space<vmem>>) target_semaphore(%arg10 : memref<!tpu.dma_semaphore, #tpu.memory_space<semaphore_mem>>)
    %dma_start3A_26 = arith.constant 2 : i32
    %dma_start3A_27 = arith.constant 2048 : i32
    %dma_start3A_28 = tpu.memref_slice %arg5[%dma_start3A_27] : memref<16384xf32, #tpu.memory_space<vmem>> -> memref<1024xf32, #tpu.memory_space<vmem>>
    %dma_start3A_29 = tpu.memref_slice %arg2[%dma_start3A_26, %mul3A_8] : memref<16x2600000xf32, #tpu.memory_space<hbm>> -> memref<1x1024xf32, #tpu.memory_space<hbm>>
    %dma_start3A_30 = tpu.memref_squeeze %dma_start3A_29 : memref<1x1024xf32, #tpu.memory_space<hbm>> -> memref<1024xf32, #tpu.memory_space<hbm>>
    %dma_start3A_31 = arith.constant 2048 : i32
    %dma_start3A_32 = tpu.memref_slice %arg5[%dma_start3A_31] : memref<16384xf32, #tpu.memory_space<vmem>> -> memref<1024xf32, #tpu.memory_space<vmem>>
    %dma_start3A_33 = tpu.memref_slice %arg2[%dma_start3A_26, %mul3A_8] : memref<16x2600000xf32, #tpu.memory_space<hbm>> -> memref<1x1024xf32, #tpu.memory_space<hbm>>
    %dma_start3A_34 = tpu.memref_squeeze %dma_start3A_33 : memref<1x1024xf32, #tpu.memory_space<hbm>> -> memref<1024xf32, #tpu.memory_space<hbm>>
    tpu.enqueue_dma source(%dma_start3A_34 : memref<1024xf32, #tpu.memory_space<hbm>>) target(%dma_start3A_32 : memref<1024xf32, #tpu.memory_space<vmem>>) target_semaphore(%arg10 : memref<!tpu.dma_semaphore, #tpu.memory_space<semaphore_mem>>)
    %dma_start3A_35 = arith.constant 3 : i32
    %dma_start3A_36 = arith.constant 3072 : i32
    %dma_start3A_37 = tpu.memref_slice %arg5[%dma_start3A_36] : memref<16384xf32, #tpu.memory_space<vmem>> -> memref<1024xf32, #tpu.memory_space<vmem>>
    %dma_start3A_38 = tpu.memref_slice %arg2[%dma_start3A_35, %mul3A_8] : memref<16x2600000xf32, #tpu.memory_space<hbm>> -> memref<1x1024xf32, #tpu.memory_space<hbm>>
    %dma_start3A_39 = tpu.memref_squeeze %dma_start3A_38 : memref<1x1024xf32, #tpu.memory_space<hbm>> -> memref<1024xf32, #tpu.memory_space<hbm>>
    %dma_start3A_40 = arith.constant 3072 : i32
    %dma_start3A_41 = tpu.memref_slice %arg5[%dma_start3A_40] : memref<16384xf32, #tpu.memory_space<vmem>> -> memref<1024xf32, #tpu.memory_space<vmem>>
    %dma_start3A_42 = tpu.memref_slice %arg2[%dma_start3A_35, %mul3A_8] : memref<16x2600000xf32, #tpu.memory_space<hbm>> -> memref<1x1024xf32, #tpu.memory_space<hbm>>
    %dma_start3A_43 = tpu.memref_squeeze %dma_start3A_42 : memref<1x1024xf32, #tpu.memory_space<hbm>> -> memref<1024xf32, #tpu.memory_space<hbm>>
    tpu.enqueue_dma source(%dma_start3A_43 : memref<1024xf32, #tpu.memory_space<hbm>>) target(%dma_start3A_41 : memref<1024xf32, #tpu.memory_space<vmem>>) target_semaphore(%arg10 : memref<!tpu.dma_semaphore, #tpu.memory_space<semaphore_mem>>)
    %dma_start3A_44 = arith.constant 4 : i32
    %dma_start3A_45 = arith.constant 4096 : i32
    %dma_start3A_46 = tpu.memref_slice %arg5[%dma_start3A_45] : memref<16384xf32, #tpu.memory_space<vmem>> -> memref<1024xf32, #tpu.memory_space<vmem>>
    %dma_start3A_47 = tpu.memref_slice %arg2[%dma_start3A_44, %mul3A_8] : memref<16x2600000xf32, #tpu.memory_space<hbm>> -> memref<1x1024xf32, #tpu.memory_space<hbm>>
    %dma_start3A_48 = tpu.memref_squeeze %dma_start3A_47 : memref<1x1024xf32, #tpu.memory_space<hbm>> -> memref<1024xf32, #tpu.memory_space<hbm>>
    %dma_start3A_49 = arith.constant 4096 : i32
    %dma_start3A_50 = tpu.memref_slice %arg5[%dma_start3A_49] : memref<16384xf32, #tpu.memory_space<vmem>> -> memref<1024xf32, #tpu.memory_space<vmem>>
    %dma_start3A_51 = tpu.memref_slice %arg2[%dma_start3A_44, %mul3A_8] : memref<16x2600000xf32, #tpu.memory_space<hbm>> -> memref<1x1024xf32, #tpu.memory_space<hbm>>
    %dma_start3A_52 = tpu.memref_squeeze %dma_start3A_51 : memref<1x1024xf32, #tpu.memory_space<hbm>> -> memref<1024xf32, #tpu.memory_space<hbm>>
    tpu.enqueue_dma source(%dma_start3A_52 : memref<1024xf32, #tpu.memory_space<hbm>>) target(%dma_start3A_50 : memref<1024xf32, #tpu.memory_space<vmem>>) target_semaphore(%arg10 : memref<!tpu.dma_semaphore, #tpu.memory_space<semaphore_mem>>)
    %dma_start3A_53 = arith.constant 5 : i32
    %dma_start3A_54 = arith.constant 5120 : i32
    %dma_start3A_55 = tpu.memref_slice %arg5[%dma_start3A_54] : memref<16384xf32, #tpu.memory_space<vmem>> -> memref<1024xf32, #tpu.memory_space<vmem>>
    %dma_start3A_56 = tpu.memref_slice %arg2[%dma_start3A_53, %mul3A_8] : memref<16x2600000xf32, #tpu.memory_space<hbm>> -> memref<1x1024xf32, #tpu.memory_space<hbm>>
    %dma_start3A_57 = tpu.memref_squeeze %dma_start3A_56 : memref<1x1024xf32, #tpu.memory_space<hbm>> -> memref<1024xf32, #tpu.memory_space<hbm>>
    %dma_start3A_58 = arith.constant 5120 : i32
    %dma_start3A_59 = tpu.memref_slice %arg5[%dma_start3A_58] : memref<16384xf32, #tpu.memory_space<vmem>> -> memref<1024xf32, #tpu.memory_space<vmem>>
    %dma_start3A_60 = tpu.memref_slice %arg2[%dma_start3A_53, %mul3A_8] : memref<16x2600000xf32, #tpu.memory_space<hbm>> -> memref<1x1024xf32, #tpu.memory_space<hbm>>
    %dma_start3A_61 = tpu.memref_squeeze %dma_start3A_60 : memref<1x1024xf32, #tpu.memory_space<hbm>> -> memref<1024xf32, #tpu.memory_space<hbm>>
    tpu.enqueue_dma source(%dma_start3A_61 : memref<1024xf32, #tpu.memory_space<hbm>>) target(%dma_start3A_59 : memref<1024xf32, #tpu.memory_space<vmem>>) target_semaphore(%arg10 : memref<!tpu.dma_semaphore, #tpu.memory_space<semaphore_mem>>)
    %dma_start3A_62 = arith.constant 6 : i32
    %dma_start3A_63 = arith.constant 6144 : i32
    %dma_start3A_64 = tpu.memref_slice %arg5[%dma_start3A_63] : memref<16384xf32, #tpu.memory_space<vmem>> -> memref<1024xf32, #tpu.memory_space<vmem>>
    %dma_start3A_65 = tpu.memref_slice %arg2[%dma_start3A_62, %mul3A_8] : memref<16x2600000xf32, #tpu.memory_space<hbm>> -> memref<1x1024xf32, #tpu.memory_space<hbm>>
    %dma_start3A_66 = tpu.memref_squeeze %dma_start3A_65 : memref<1x1024xf32, #tpu.memory_space<hbm>> -> memref<1024xf32, #tpu.memory_space<hbm>>
    %dma_start3A_67 = arith.constant 6144 : i32
    %dma_start3A_68 = tpu.memref_slice %arg5[%dma_start3A_67] : memref<16384xf32, #tpu.memory_space<vmem>> -> memref<1024xf32, #tpu.memory_space<vmem>>
    %dma_start3A_69 = tpu.memref_slice %arg2[%dma_start3A_62, %mul3A_8] : memref<16x2600000xf32, #tpu.memory_space<hbm>> -> memref<1x1024xf32, #tpu.memory_space<hbm>>
    %dma_start3A_70 = tpu.memref_squeeze %dma_start3A_69 : memref<1x1024xf32, #tpu.memory_space<hbm>> -> memref<1024xf32, #tpu.memory_space<hbm>>
    tpu.enqueue_dma source(%dma_start3A_70 : memref<1024xf32, #tpu.memory_space<hbm>>) target(%dma_start3A_68 : memref<1024xf32, #tpu.memory_space<vmem>>) target_semaphore(%arg10 : memref<!tpu.dma_semaphore, #tpu.memory_space<semaphore_mem>>)
    %dma_start3A_71 = arith.constant 7 : i32
    %dma_start3A_72 = arith.constant 7168 : i32
    %dma_start3A_73 = tpu.memref_slice %arg5[%dma_start3A_72] : memref<16384xf32, #tpu.memory_space<vmem>> -> memref<1024xf32, #tpu.memory_space<vmem>>
    %dma_start3A_74 = tpu.memref_slice %arg2[%dma_start3A_71, %mul3A_8] : memref<16x2600000xf32, #tpu.memory_space<hbm>> -> memref<1x1024xf32, #tpu.memory_space<hbm>>
    %dma_start3A_75 = tpu.memref_squeeze %dma_start3A_74 : memref<1x1024xf32, #tpu.memory_space<hbm>> -> memref<1024xf32, #tpu.memory_space<hbm>>
    %dma_start3A_76 = arith.constant 7168 : i32
    %dma_start3A_77 = tpu.memref_slice %arg5[%dma_start3A_76] : memref<16384xf32, #tpu.memory_space<vmem>> -> memref<1024xf32, #tpu.memory_space<vmem>>
    %dma_start3A_78 = tpu.memref_slice %arg2[%dma_start3A_71, %mul3A_8] : memref<16x2600000xf32, #tpu.memory_space<hbm>> -> memref<1x1024xf32, #tpu.memory_space<hbm>>
    %dma_start3A_79 = tpu.memref_squeeze %dma_start3A_78 : memref<1x1024xf32, #tpu.memory_space<hbm>> -> memref<1024xf32, #tpu.memory_space<hbm>>
    tpu.enqueue_dma source(%dma_start3A_79 : memref<1024xf32, #tpu.memory_space<hbm>>) target(%dma_start3A_77 : memref<1024xf32, #tpu.memory_space<vmem>>) target_semaphore(%arg10 : memref<!tpu.dma_semaphore, #tpu.memory_space<semaphore_mem>>)
    %dma_start3A_80 = arith.constant 8 : i32
    %dma_start3A_81 = arith.constant 8192 : i32
    %dma_start3A_82 = tpu.memref_slice %arg5[%dma_start3A_81] : memref<16384xf32, #tpu.memory_space<vmem>> -> memref<1024xf32, #tpu.memory_space<vmem>>
    %dma_start3A_83 = tpu.memref_slice %arg2[%dma_start3A_80, %mul3A_8] : memref<16x2600000xf32, #tpu.memory_space<hbm>> -> memref<1x1024xf32, #tpu.memory_space<hbm>>
    %dma_start3A_84 = tpu.memref_squeeze %dma_start3A_83 : memref<1x1024xf32, #tpu.memory_space<hbm>> -> memref<1024xf32, #tpu.memory_space<hbm>>
    %dma_start3A_85 = arith.constant 8192 : i32
    %dma_start3A_86 = tpu.memref_slice %arg5[%dma_start3A_85] : memref<16384xf32, #tpu.memory_space<vmem>> -> memref<1024xf32, #tpu.memory_space<vmem>>
    %dma_start3A_87 = tpu.memref_slice %arg2[%dma_start3A_80, %mul3A_8] : memref<16x2600000xf32, #tpu.memory_space<hbm>> -> memref<1x1024xf32, #tpu.memory_space<hbm>>
    %dma_start3A_88 = tpu.memref_squeeze %dma_start3A_87 : memref<1x1024xf32, #tpu.memory_space<hbm>> -> memref<1024xf32, #tpu.memory_space<hbm>>
    tpu.enqueue_dma source(%dma_start3A_88 : memref<1024xf32, #tpu.memory_space<hbm>>) target(%dma_start3A_86 : memref<1024xf32, #tpu.memory_space<vmem>>) target_semaphore(%arg10 : memref<!tpu.dma_semaphore, #tpu.memory_space<semaphore_mem>>)
    %dma_start3A_89 = arith.constant 9 : i32
    %dma_start3A_90 = arith.constant 9216 : i32
    %dma_start3A_91 = tpu.memref_slice %arg5[%dma_start3A_90] : memref<16384xf32, #tpu.memory_space<vmem>> -> memref<1024xf32, #tpu.memory_space<vmem>>
    %dma_start3A_92 = tpu.memref_slice %arg2[%dma_start3A_89, %mul3A_8] : memref<16x2600000xf32, #tpu.memory_space<hbm>> -> memref<1x1024xf32, #tpu.memory_space<hbm>>
    %dma_start3A_93 = tpu.memref_squeeze %dma_start3A_92 : memref<1x1024xf32, #tpu.memory_space<hbm>> -> memref<1024xf32, #tpu.memory_space<hbm>>
    %dma_start3A_94 = arith.constant 9216 : i32
    %dma_start3A_95 = tpu.memref_slice %arg5[%dma_start3A_94] : memref<16384xf32, #tpu.memory_space<vmem>> -> memref<1024xf32, #tpu.memory_space<vmem>>
    %dma_start3A_96 = tpu.memref_slice %arg2[%dma_start3A_89, %mul3A_8] : memref<16x2600000xf32, #tpu.memory_space<hbm>> -> memref<1x1024xf32, #tpu.memory_space<hbm>>
    %dma_start3A_97 = tpu.memref_squeeze %dma_start3A_96 : memref<1x1024xf32, #tpu.memory_space<hbm>> -> memref<1024xf32, #tpu.memory_space<hbm>>
    tpu.enqueue_dma source(%dma_start3A_97 : memref<1024xf32, #tpu.memory_space<hbm>>) target(%dma_start3A_95 : memref<1024xf32, #tpu.memory_space<vmem>>) target_semaphore(%arg10 : memref<!tpu.dma_semaphore, #tpu.memory_space<semaphore_mem>>)
    %dma_start3A_98 = arith.constant 10 : i32
    %dma_start3A_99 = arith.constant 10240 : i32
    %dma_start3A_100 = tpu.memref_slice %arg5[%dma_start3A_99] : memref<16384xf32, #tpu.memory_space<vmem>> -> memref<1024xf32, #tpu.memory_space<vmem>>
    %dma_start3A_101 = tpu.memref_slice %arg2[%dma_start3A_98, %mul3A_8] : memref<16x2600000xf32, #tpu.memory_space<hbm>> -> memref<1x1024xf32, #tpu.memory_space<hbm>>
    %dma_start3A_102 = tpu.memref_squeeze %dma_start3A_101 : memref<1x1024xf32, #tpu.memory_space<hbm>> -> memref<1024xf32, #tpu.memory_space<hbm>>
    %dma_start3A_103 = arith.constant 10240 : i32
    %dma_start3A_104 = tpu.memref_slice %arg5[%dma_start3A_103] : memref<16384xf32, #tpu.memory_space<vmem>> -> memref<1024xf32, #tpu.memory_space<vmem>>
    %dma_start3A_105 = tpu.memref_slice %arg2[%dma_start3A_98, %mul3A_8] : memref<16x2600000xf32, #tpu.memory_space<hbm>> -> memref<1x1024xf32, #tpu.memory_space<hbm>>
    %dma_start3A_106 = tpu.memref_squeeze %dma_start3A_105 : memref<1x1024xf32, #tpu.memory_space<hbm>> -> memref<1024xf32, #tpu.memory_space<hbm>>
    tpu.enqueue_dma source(%dma_start3A_106 : memref<1024xf32, #tpu.memory_space<hbm>>) target(%dma_start3A_104 : memref<1024xf32, #tpu.memory_space<vmem>>) target_semaphore(%arg10 : memref<!tpu.dma_semaphore, #tpu.memory_space<semaphore_mem>>)
    %dma_start3A_107 = arith.constant 11 : i32
    %dma_start3A_108 = arith.constant 11264 : i32
    %dma_start3A_109 = tpu.memref_slice %arg5[%dma_start3A_108] : memref<16384xf32, #tpu.memory_space<vmem>> -> memref<1024xf32, #tpu.memory_space<vmem>>
    %dma_start3A_110 = tpu.memref_slice %arg2[%dma_start3A_107, %mul3A_8] : memref<16x2600000xf32, #tpu.memory_space<hbm>> -> memref<1x1024xf32, #tpu.memory_space<hbm>>
    %dma_start3A_111 = tpu.memref_squeeze %dma_start3A_110 : memref<1x1024xf32, #tpu.memory_space<hbm>> -> memref<1024xf32, #tpu.memory_space<hbm>>
    %dma_start3A_112 = arith.constant 11264 : i32
    %dma_start3A_113 = tpu.memref_slice %arg5[%dma_start3A_112] : memref<16384xf32, #tpu.memory_space<vmem>> -> memref<1024xf32, #tpu.memory_space<vmem>>
    %dma_start3A_114 = tpu.memref_slice %arg2[%dma_start3A_107, %mul3A_8] : memref<16x2600000xf32, #tpu.memory_space<hbm>> -> memref<1x1024xf32, #tpu.memory_space<hbm>>
    %dma_start3A_115 = tpu.memref_squeeze %dma_start3A_114 : memref<1x1024xf32, #tpu.memory_space<hbm>> -> memref<1024xf32, #tpu.memory_space<hbm>>
    tpu.enqueue_dma source(%dma_start3A_115 : memref<1024xf32, #tpu.memory_space<hbm>>) target(%dma_start3A_113 : memref<1024xf32, #tpu.memory_space<vmem>>) target_semaphore(%arg10 : memref<!tpu.dma_semaphore, #tpu.memory_space<semaphore_mem>>)
    %dma_start3A_116 = arith.constant 12 : i32
    %dma_start3A_117 = arith.constant 12288 : i32
    %dma_start3A_118 = tpu.memref_slice %arg5[%dma_start3A_117] : memref<16384xf32, #tpu.memory_space<vmem>> -> memref<1024xf32, #tpu.memory_space<vmem>>
    %dma_start3A_119 = tpu.memref_slice %arg2[%dma_start3A_116, %mul3A_8] : memref<16x2600000xf32, #tpu.memory_space<hbm>> -> memref<1x1024xf32, #tpu.memory_space<hbm>>
    %dma_start3A_120 = tpu.memref_squeeze %dma_start3A_119 : memref<1x1024xf32, #tpu.memory_space<hbm>> -> memref<1024xf32, #tpu.memory_space<hbm>>
    %dma_start3A_121 = arith.constant 12288 : i32
    %dma_start3A_122 = tpu.memref_slice %arg5[%dma_start3A_121] : memref<16384xf32, #tpu.memory_space<vmem>> -> memref<1024xf32, #tpu.memory_space<vmem>>
    %dma_start3A_123 = tpu.memref_slice %arg2[%dma_start3A_116, %mul3A_8] : memref<16x2600000xf32, #tpu.memory_space<hbm>> -> memref<1x1024xf32, #tpu.memory_space<hbm>>
    %dma_start3A_124 = tpu.memref_squeeze %dma_start3A_123 : memref<1x1024xf32, #tpu.memory_space<hbm>> -> memref<1024xf32, #tpu.memory_space<hbm>>
    tpu.enqueue_dma source(%dma_start3A_124 : memref<1024xf32, #tpu.memory_space<hbm>>) target(%dma_start3A_122 : memref<1024xf32, #tpu.memory_space<vmem>>) target_semaphore(%arg10 : memref<!tpu.dma_semaphore, #tpu.memory_space<semaphore_mem>>)
    %dma_start3A_125 = arith.constant 13 : i32
    %dma_start3A_126 = arith.constant 13312 : i32
    %dma_start3A_127 = tpu.memref_slice %arg5[%dma_start3A_126] : memref<16384xf32, #tpu.memory_space<vmem>> -> memref<1024xf32, #tpu.memory_space<vmem>>
    %dma_start3A_128 = tpu.memref_slice %arg2[%dma_start3A_125, %mul3A_8] : memref<16x2600000xf32, #tpu.memory_space<hbm>> -> memref<1x1024xf32, #tpu.memory_space<hbm>>
    %dma_start3A_129 = tpu.memref_squeeze %dma_start3A_128 : memref<1x1024xf32, #tpu.memory_space<hbm>> -> memref<1024xf32, #tpu.memory_space<hbm>>
    %dma_start3A_130 = arith.constant 13312 : i32
    %dma_start3A_131 = tpu.memref_slice %arg5[%dma_start3A_130] : memref<16384xf32, #tpu.memory_space<vmem>> -> memref<1024xf32, #tpu.memory_space<vmem>>
    %dma_start3A_132 = tpu.memref_slice %arg2[%dma_start3A_125, %mul3A_8] : memref<16x2600000xf32, #tpu.memory_space<hbm>> -> memref<1x1024xf32, #tpu.memory_space<hbm>>
    %dma_start3A_133 = tpu.memref_squeeze %dma_start3A_132 : memref<1x1024xf32, #tpu.memory_space<hbm>> -> memref<1024xf32, #tpu.memory_space<hbm>>
    tpu.enqueue_dma source(%dma_start3A_133 : memref<1024xf32, #tpu.memory_space<hbm>>) target(%dma_start3A_131 : memref<1024xf32, #tpu.memory_space<vmem>>) target_semaphore(%arg10 : memref<!tpu.dma_semaphore, #tpu.memory_space<semaphore_mem>>)
    %dma_start3A_134 = arith.constant 14 : i32
    %dma_start3A_135 = arith.constant 14336 : i32
    %dma_start3A_136 = tpu.memref_slice %arg5[%dma_start3A_135] : memref<16384xf32, #tpu.memory_space<vmem>> -> memref<1024xf32, #tpu.memory_space<vmem>>
    %dma_start3A_137 = tpu.memref_slice %arg2[%dma_start3A_134, %mul3A_8] : memref<16x2600000xf32, #tpu.memory_space<hbm>> -> memref<1x1024xf32, #tpu.memory_space<hbm>>
    %dma_start3A_138 = tpu.memref_squeeze %dma_start3A_137 : memref<1x1024xf32, #tpu.memory_space<hbm>> -> memref<1024xf32, #tpu.memory_space<hbm>>
    %dma_start3A_139 = arith.constant 14336 : i32
    %dma_start3A_140 = tpu.memref_slice %arg5[%dma_start3A_139] : memref<16384xf32, #tpu.memory_space<vmem>> -> memref<1024xf32, #tpu.memory_space<vmem>>
    %dma_start3A_141 = tpu.memref_slice %arg2[%dma_start3A_134, %mul3A_8] : memref<16x2600000xf32, #tpu.memory_space<hbm>> -> memref<1x1024xf32, #tpu.memory_space<hbm>>
    %dma_start3A_142 = tpu.memref_squeeze %dma_start3A_141 : memref<1x1024xf32, #tpu.memory_space<hbm>> -> memref<1024xf32, #tpu.memory_space<hbm>>
    tpu.enqueue_dma source(%dma_start3A_142 : memref<1024xf32, #tpu.memory_space<hbm>>) target(%dma_start3A_140 : memref<1024xf32, #tpu.memory_space<vmem>>) target_semaphore(%arg10 : memref<!tpu.dma_semaphore, #tpu.memory_space<semaphore_mem>>)
    %dma_start3A_143 = arith.constant 15 : i32
    %dma_start3A_144 = arith.constant 15360 : i32
    %dma_start3A_145 = tpu.memref_slice %arg5[%dma_start3A_144] : memref<16384xf32, #tpu.memory_space<vmem>> -> memref<1024xf32, #tpu.memory_space<vmem>>
    %dma_start3A_146 = tpu.memref_slice %arg2[%dma_start3A_143, %mul3A_8] : memref<16x2600000xf32, #tpu.memory_space<hbm>> -> memref<1x1024xf32, #tpu.memory_space<hbm>>
    %dma_start3A_147 = tpu.memref_squeeze %dma_start3A_146 : memref<1x1024xf32, #tpu.memory_space<hbm>> -> memref<1024xf32, #tpu.memory_space<hbm>>
    %dma_start3A_148 = arith.constant 15360 : i32
    %dma_start3A_149 = tpu.memref_slice %arg5[%dma_start3A_148] : memref<16384xf32, #tpu.memory_space<vmem>> -> memref<1024xf32, #tpu.memory_space<vmem>>
    %dma_start3A_150 = tpu.memref_slice %arg2[%dma_start3A_143, %mul3A_8] : memref<16x2600000xf32, #tpu.memory_space<hbm>> -> memref<1x1024xf32, #tpu.memory_space<hbm>>
    %dma_start3A_151 = tpu.memref_squeeze %dma_start3A_150 : memref<1x1024xf32, #tpu.memory_space<hbm>> -> memref<1024xf32, #tpu.memory_space<hbm>>
    tpu.enqueue_dma source(%dma_start3A_151 : memref<1024xf32, #tpu.memory_space<hbm>>) target(%dma_start3A_149 : memref<1024xf32, #tpu.memory_space<vmem>>) target_semaphore(%arg10 : memref<!tpu.dma_semaphore, #tpu.memory_space<semaphore_mem>>)
    %add3A_152 = arith.constant 32 : i32
    %add3A_153 = arith.addi %add3A, %add3A_152 : i32
    %min3A_154 = arith.constant 2538 : i32
    %min3A_155 = arith.minsi %add3A_153, %min3A_154 : i32
    %mul3A_156 = arith.constant 1024 : i32
    %mul3A_157 = arith.muli %min3A_155, %mul3A_156 : i32
    %dma_start3A_158 = arith.constant 0 : i32
    %dma_start3A_159 = arith.constant 0 : i32
    %dma_start3A_160 = tpu.memref_slice %arg6[%dma_start3A_159] : memref<16384xf32, #tpu.memory_space<vmem>> -> memref<1024xf32, #tpu.memory_space<vmem>>
    %dma_start3A_161 = tpu.memref_slice %arg2[%dma_start3A_158, %mul3A_157] : memref<16x2600000xf32, #tpu.memory_space<hbm>> -> memref<1x1024xf32, #tpu.memory_space<hbm>>
    %dma_start3A_162 = tpu.memref_squeeze %dma_start3A_161 : memref<1x1024xf32, #tpu.memory_space<hbm>> -> memref<1024xf32, #tpu.memory_space<hbm>>
    %dma_start3A_163 = arith.constant 0 : i32
    %dma_start3A_164 = tpu.memref_slice %arg6[%dma_start3A_163] : memref<16384xf32, #tpu.memory_space<vmem>> -> memref<1024xf32, #tpu.memory_space<vmem>>
    %dma_start3A_165 = tpu.memref_slice %arg2[%dma_start3A_158, %mul3A_157] : memref<16x2600000xf32, #tpu.memory_space<hbm>> -> memref<1x1024xf32, #tpu.memory_space<hbm>>
    %dma_start3A_166 = tpu.memref_squeeze %dma_start3A_165 : memref<1x1024xf32, #tpu.memory_space<hbm>> -> memref<1024xf32, #tpu.memory_space<hbm>>
    tpu.enqueue_dma source(%dma_start3A_166 : memref<1024xf32, #tpu.memory_space<hbm>>) target(%dma_start3A_164 : memref<1024xf32, #tpu.memory_space<vmem>>) target_semaphore(%arg11 : memref<!tpu.dma_semaphore, #tpu.memory_space<semaphore_mem>>)
    %dma_start3A_167 = arith.constant 1 : i32
    %dma_start3A_168 = arith.constant 1024 : i32
    %dma_start3A_169 = tpu.memref_slice %arg6[%dma_start3A_168] : memref<16384xf32, #tpu.memory_space<vmem>> -> memref<1024xf32, #tpu.memory_space<vmem>>
    %dma_start3A_170 = tpu.memref_slice %arg2[%dma_start3A_167, %mul3A_157] : memref<16x2600000xf32, #tpu.memory_space<hbm>> -> memref<1x1024xf32, #tpu.memory_space<hbm>>
    %dma_start3A_171 = tpu.memref_squeeze %dma_start3A_170 : memref<1x1024xf32, #tpu.memory_space<hbm>> -> memref<1024xf32, #tpu.memory_space<hbm>>
    %dma_start3A_172 = arith.constant 1024 : i32
    %dma_start3A_173 = tpu.memref_slice %arg6[%dma_start3A_172] : memref<16384xf32, #tpu.memory_space<vmem>> -> memref<1024xf32, #tpu.memory_space<vmem>>
    %dma_start3A_174 = tpu.memref_slice %arg2[%dma_start3A_167, %mul3A_157] : memref<16x2600000xf32, #tpu.memory_space<hbm>> -> memref<1x1024xf32, #tpu.memory_space<hbm>>
    %dma_start3A_175 = tpu.memref_squeeze %dma_start3A_174 : memref<1x1024xf32, #tpu.memory_space<hbm>> -> memref<1024xf32, #tpu.memory_space<hbm>>
    tpu.enqueue_dma source(%dma_start3A_175 : memref<1024xf32, #tpu.memory_space<hbm>>) target(%dma_start3A_173 : memref<1024xf32, #tpu.memory_space<vmem>>) target_semaphore(%arg11 : memref<!tpu.dma_semaphore, #tpu.memory_space<semaphore_mem>>)
    %dma_start3A_176 = arith.constant 2 : i32
    %dma_start3A_177 = arith.constant 2048 : i32
    %dma_start3A_178 = tpu.memref_slice %arg6[%dma_start3A_177] : memref<16384xf32, #tpu.memory_space<vmem>> -> memref<1024xf32, #tpu.memory_space<vmem>>
    %dma_start3A_179 = tpu.memref_slice %arg2[%dma_start3A_176, %mul3A_157] : memref<16x2600000xf32, #tpu.memory_space<hbm>> -> memref<1x1024xf32, #tpu.memory_space<hbm>>
    %dma_start3A_180 = tpu.memref_squeeze %dma_start3A_179 : memref<1x1024xf32, #tpu.memory_space<hbm>> -> memref<1024xf32, #tpu.memory_space<hbm>>
    %dma_start3A_181 = arith.constant 2048 : i32
    %dma_start3A_182 = tpu.memref_slice %arg6[%dma_start3A_181] : memref<16384xf32, #tpu.memory_space<vmem>> -> memref<1024xf32, #tpu.memory_space<vmem>>
    %dma_start3A_183 = tpu.memref_slice %arg2[%dma_start3A_176, %mul3A_157] : memref<16x2600000xf32, #tpu.memory_space<hbm>> -> memref<1x1024xf32, #tpu.memory_space<hbm>>
    %dma_start3A_184 = tpu.memref_squeeze %dma_start3A_183 : memref<1x1024xf32, #tpu.memory_space<hbm>> -> memref<1024xf32, #tpu.memory_space<hbm>>
    tpu.enqueue_dma source(%dma_start3A_184 : memref<1024xf32, #tpu.memory_space<hbm>>) target(%dma_start3A_182 : memref<1024xf32, #tpu.memory_space<vmem>>) target_semaphore(%arg11 : memref<!tpu.dma_semaphore, #tpu.memory_space<semaphore_mem>>)
    %dma_start3A_185 = arith.constant 3 : i32
    %dma_start3A_186 = arith.constant 3072 : i32
    %dma_start3A_187 = tpu.memref_slice %arg6[%dma_start3A_186] : memref<16384xf32, #tpu.memory_space<vmem>> -> memref<1024xf32, #tpu.memory_space<vmem>>
    %dma_start3A_188 = tpu.memref_slice %arg2[%dma_start3A_185, %mul3A_157] : memref<16x2600000xf32, #tpu.memory_space<hbm>> -> memref<1x1024xf32, #tpu.memory_space<hbm>>
    %dma_start3A_189 = tpu.memref_squeeze %dma_start3A_188 : memref<1x1024xf32, #tpu.memory_space<hbm>> -> memref<1024xf32, #tpu.memory_space<hbm>>
    %dma_start3A_190 = arith.constant 3072 : i32
    %dma_start3A_191 = tpu.memref_slice %arg6[%dma_start3A_190] : memref<16384xf32, #tpu.memory_space<vmem>> -> memref<1024xf32, #tpu.memory_space<vmem>>
    %dma_start3A_192 = tpu.memref_slice %arg2[%dma_start3A_185, %mul3A_157] : memref<16x2600000xf32, #tpu.memory_space<hbm>> -> memref<1x1024xf32, #tpu.memory_space<hbm>>
    %dma_start3A_193 = tpu.memref_squeeze %dma_start3A_192 : memref<1x1024xf32, #tpu.memory_space<hbm>> -> memref<1024xf32, #tpu.memory_space<hbm>>
    tpu.enqueue_dma source(%dma_start3A_193 : memref<1024xf32, #tpu.memory_space<hbm>>) target(%dma_start3A_191 : memref<1024xf32, #tpu.memory_space<vmem>>) target_semaphore(%arg11 : memref<!tpu.dma_semaphore, #tpu.memory_space<semaphore_mem>>)
    %dma_start3A_194 = arith.constant 4 : i32
    %dma_start3A_195 = arith.constant 4096 : i32
    %dma_start3A_196 = tpu.memref_slice %arg6[%dma_start3A_195] : memref<16384xf32, #tpu.memory_space<vmem>> -> memref<1024xf32, #tpu.memory_space<vmem>>
    %dma_start3A_197 = tpu.memref_slice %arg2[%dma_start3A_194, %mul3A_157] : memref<16x2600000xf32, #tpu.memory_space<hbm>> -> memref<1x1024xf32, #tpu.memory_space<hbm>>
    %dma_start3A_198 = tpu.memref_squeeze %dma_start3A_197 : memref<1x1024xf32, #tpu.memory_space<hbm>> -> memref<1024xf32, #tpu.memory_space<hbm>>
    %dma_start3A_199 = arith.constant 4096 : i32
    %dma_start3A_200 = tpu.memref_slice %arg6[%dma_start3A_199] : memref<16384xf32, #tpu.memory_space<vmem>> -> memref<1024xf32, #tpu.memory_space<vmem>>
    %dma_start3A_201 = tpu.memref_slice %arg2[%dma_start3A_194, %mul3A_157] : memref<16x2600000xf32, #tpu.memory_space<hbm>> -> memref<1x1024xf32, #tpu.memory_space<hbm>>
    %dma_start3A_202 = tpu.memref_squeeze %dma_start3A_201 : memref<1x1024xf32, #tpu.memory_space<hbm>> -> memref<1024xf32, #tpu.memory_space<hbm>>
    tpu.enqueue_dma source(%dma_start3A_202 : memref<1024xf32, #tpu.memory_space<hbm>>) target(%dma_start3A_200 : memref<1024xf32, #tpu.memory_space<vmem>>) target_semaphore(%arg11 : memref<!tpu.dma_semaphore, #tpu.memory_space<semaphore_mem>>)
    %dma_start3A_203 = arith.constant 5 : i32
    %dma_start3A_204 = arith.constant 5120 : i32
    %dma_start3A_205 = tpu.memref_slice %arg6[%dma_start3A_204] : memref<16384xf32, #tpu.memory_space<vmem>> -> memref<1024xf32, #tpu.memory_space<vmem>>
    %dma_start3A_206 = tpu.memref_slice %arg2[%dma_start3A_203, %mul3A_157] : memref<16x2600000xf32, #tpu.memory_space<hbm>> -> memref<1x1024xf32, #tpu.memory_space<hbm>>
    %dma_start3A_207 = tpu.memref_squeeze %dma_start3A_206 : memref<1x1024xf32, #tpu.memory_space<hbm>> -> memref<1024xf32, #tpu.memory_space<hbm>>
    %dma_start3A_208 = arith.constant 5120 : i32
    %dma_start3A_209 = tpu.memref_slice %arg6[%dma_start3A_208] : memref<16384xf32, #tpu.memory_space<vmem>> -> memref<1024xf32, #tpu.memory_space<vmem>>
    %dma_start3A_210 = tpu.memref_slice %arg2[%dma_start3A_203, %mul3A_157] : memref<16x2600000xf32, #tpu.memory_space<hbm>> -> memref<1x1024xf32, #tpu.memory_space<hbm>>
    %dma_start3A_211 = tpu.memref_squeeze %dma_start3A_210 : memref<1x1024xf32, #tpu.memory_space<hbm>> -> memref<1024xf32, #tpu.memory_space<hbm>>
    tpu.enqueue_dma source(%dma_start3A_211 : memref<1024xf32, #tpu.memory_space<hbm>>) target(%dma_start3A_209 : memref<1024xf32, #tpu.memory_space<vmem>>) target_semaphore(%arg11 : memref<!tpu.dma_semaphore, #tpu.memory_space<semaphore_mem>>)
    %dma_start3A_212 = arith.constant 6 : i32
    %dma_start3A_213 = arith.constant 6144 : i32
    %dma_start3A_214 = tpu.memref_slice %arg6[%dma_start3A_213] : memref<16384xf32, #tpu.memory_space<vmem>> -> memref<1024xf32, #tpu.memory_space<vmem>>
    %dma_start3A_215 = tpu.memref_slice %arg2[%dma_start3A_212, %mul3A_157] : memref<16x2600000xf32, #tpu.memory_space<hbm>> -> memref<1x1024xf32, #tpu.memory_space<hbm>>
    %dma_start3A_216 = tpu.memref_squeeze %dma_start3A_215 : memref<1x1024xf32, #tpu.memory_space<hbm>> -> memref<1024xf32, #tpu.memory_space<hbm>>
    %dma_start3A_217 = arith.constant 6144 : i32
    %dma_start3A_218 = tpu.memref_slice %arg6[%dma_start3A_217] : memref<16384xf32, #tpu.memory_space<vmem>> -> memref<1024xf32, #tpu.memory_space<vmem>>
    %dma_start3A_219 = tpu.memref_slice %arg2[%dma_start3A_212, %mul3A_157] : memref<16x2600000xf32, #tpu.memory_space<hbm>> -> memref<1x1024xf32, #tpu.memory_space<hbm>>
    %dma_start3A_220 = tpu.memref_squeeze %dma_start3A_219 : memref<1x1024xf32, #tpu.memory_space<hbm>> -> memref<1024xf32, #tpu.memory_space<hbm>>
    tpu.enqueue_dma source(%dma_start3A_220 : memref<1024xf32, #tpu.memory_space<hbm>>) target(%dma_start3A_218 : memref<1024xf32, #tpu.memory_space<vmem>>) target_semaphore(%arg11 : memref<!tpu.dma_semaphore, #tpu.memory_space<semaphore_mem>>)
    %dma_start3A_221 = arith.constant 7 : i32
    %dma_start3A_222 = arith.constant 7168 : i32
    %dma_start3A_223 = tpu.memref_slice %arg6[%dma_start3A_222] : memref<16384xf32, #tpu.memory_space<vmem>> -> memref<1024xf32, #tpu.memory_space<vmem>>
    %dma_start3A_224 = tpu.memref_slice %arg2[%dma_start3A_221, %mul3A_157] : memref<16x2600000xf32, #tpu.memory_space<hbm>> -> memref<1x1024xf32, #tpu.memory_space<hbm>>
    %dma_start3A_225 = tpu.memref_squeeze %dma_start3A_224 : memref<1x1024xf32, #tpu.memory_space<hbm>> -> memref<1024xf32, #tpu.memory_space<hbm>>
    %dma_start3A_226 = arith.constant 7168 : i32
    %dma_start3A_227 = tpu.memref_slice %arg6[%dma_start3A_226] : memref<16384xf32, #tpu.memory_space<vmem>> -> memref<1024xf32, #tpu.memory_space<vmem>>
    %dma_start3A_228 = tpu.memref_slice %arg2[%dma_start3A_221, %mul3A_157] : memref<16x2600000xf32, #tpu.memory_space<hbm>> -> memref<1x1024xf32, #tpu.memory_space<hbm>>
    %dma_start3A_229 = tpu.memref_squeeze %dma_start3A_228 : memref<1x1024xf32, #tpu.memory_space<hbm>> -> memref<1024xf32, #tpu.memory_space<hbm>>
    tpu.enqueue_dma source(%dma_start3A_229 : memref<1024xf32, #tpu.memory_space<hbm>>) target(%dma_start3A_227 : memref<1024xf32, #tpu.memory_space<vmem>>) target_semaphore(%arg11 : memref<!tpu.dma_semaphore, #tpu.memory_space<semaphore_mem>>)
    %dma_start3A_230 = arith.constant 8 : i32
    %dma_start3A_231 = arith.constant 8192 : i32
    %dma_start3A_232 = tpu.memref_slice %arg6[%dma_start3A_231] : memref<16384xf32, #tpu.memory_space<vmem>> -> memref<1024xf32, #tpu.memory_space<vmem>>
    %dma_start3A_233 = tpu.memref_slice %arg2[%dma_start3A_230, %mul3A_157] : memref<16x2600000xf32, #tpu.memory_space<hbm>> -> memref<1x1024xf32, #tpu.memory_space<hbm>>
    %dma_start3A_234 = tpu.memref_squeeze %dma_start3A_233 : memref<1x1024xf32, #tpu.memory_space<hbm>> -> memref<1024xf32, #tpu.memory_space<hbm>>
    %dma_start3A_235 = arith.constant 8192 : i32
    %dma_start3A_236 = tpu.memref_slice %arg6[%dma_start3A_235] : memref<16384xf32, #tpu.memory_space<vmem>> -> memref<1024xf32, #tpu.memory_space<vmem>>
    %dma_start3A_237 = tpu.memref_slice %arg2[%dma_start3A_230, %mul3A_157] : memref<16x2600000xf32, #tpu.memory_space<hbm>> -> memref<1x1024xf32, #tpu.memory_space<hbm>>
    %dma_start3A_238 = tpu.memref_squeeze %dma_start3A_237 : memref<1x1024xf32, #tpu.memory_space<hbm>> -> memref<1024xf32, #tpu.memory_space<hbm>>
    tpu.enqueue_dma source(%dma_start3A_238 : memref<1024xf32, #tpu.memory_space<hbm>>) target(%dma_start3A_236 : memref<1024xf32, #tpu.memory_space<vmem>>) target_semaphore(%arg11 : memref<!tpu.dma_semaphore, #tpu.memory_space<semaphore_mem>>)
    %dma_start3A_239 = arith.constant 9 : i32
    %dma_start3A_240 = arith.constant 9216 : i32
    %dma_start3A_241 = tpu.memref_slice %arg6[%dma_start3A_240] : memref<16384xf32, #tpu.memory_space<vmem>> -> memref<1024xf32, #tpu.memory_space<vmem>>
    %dma_start3A_242 = tpu.memref_slice %arg2[%dma_start3A_239, %mul3A_157] : memref<16x2600000xf32, #tpu.memory_space<hbm>> -> memref<1x1024xf32, #tpu.memory_space<hbm>>
    %dma_start3A_243 = tpu.memref_squeeze %dma_start3A_242 : memref<1x1024xf32, #tpu.memory_space<hbm>> -> memref<1024xf32, #tpu.memory_space<hbm>>
    %dma_start3A_244 = arith.constant 9216 : i32
    %dma_start3A_245 = tpu.memref_slice %arg6[%dma_start3A_244] : memref<16384xf32, #tpu.memory_space<vmem>> -> memref<1024xf32, #tpu.memory_space<vmem>>
    %dma_start3A_246 = tpu.memref_slice %arg2[%dma_start3A_239, %mul3A_157] : memref<16x2600000xf32, #tpu.memory_space<hbm>> -> memref<1x1024xf32, #tpu.memory_space<hbm>>
    %dma_start3A_247 = tpu.memref_squeeze %dma_start3A_246 : memref<1x1024xf32, #tpu.memory_space<hbm>> -> memref<1024xf32, #tpu.memory_space<hbm>>
    tpu.enqueue_dma source(%dma_start3A_247 : memref<1024xf32, #tpu.memory_space<hbm>>) target(%dma_start3A_245 : memref<1024xf32, #tpu.memory_space<vmem>>) target_semaphore(%arg11 : memref<!tpu.dma_semaphore, #tpu.memory_space<semaphore_mem>>)
    %dma_start3A_248 = arith.constant 10 : i32
    %dma_start3A_249 = arith.constant 10240 : i32
    %dma_start3A_250 = tpu.memref_slice %arg6[%dma_start3A_249] : memref<16384xf32, #tpu.memory_space<vmem>> -> memref<1024xf32, #tpu.memory_space<vmem>>
    %dma_start3A_251 = tpu.memref_slice %arg2[%dma_start3A_248, %mul3A_157] : memref<16x2600000xf32, #tpu.memory_space<hbm>> -> memref<1x1024xf32, #tpu.memory_space<hbm>>
    %dma_start3A_252 = tpu.memref_squeeze %dma_start3A_251 : memref<1x1024xf32, #tpu.memory_space<hbm>> -> memref<1024xf32, #tpu.memory_space<hbm>>
    %dma_start3A_253 = arith.constant 10240 : i32
    %dma_start3A_254 = tpu.memref_slice %arg6[%dma_start3A_253] : memref<16384xf32, #tpu.memory_space<vmem>> -> memref<1024xf32, #tpu.memory_space<vmem>>
    %dma_start3A_255 = tpu.memref_slice %arg2[%dma_start3A_248, %mul3A_157] : memref<16x2600000xf32, #tpu.memory_space<hbm>> -> memref<1x1024xf32, #tpu.memory_space<hbm>>
    %dma_start3A_256 = tpu.memref_squeeze %dma_start3A_255 : memref<1x1024xf32, #tpu.memory_space<hbm>> -> memref<1024xf32, #tpu.memory_space<hbm>>
    tpu.enqueue_dma source(%dma_start3A_256 : memref<1024xf32, #tpu.memory_space<hbm>>) target(%dma_start3A_254 : memref<1024xf32, #tpu.memory_space<vmem>>) target_semaphore(%arg11 : memref<!tpu.dma_semaphore, #tpu.memory_space<semaphore_mem>>)
    %dma_start3A_257 = arith.constant 11 : i32
    %dma_start3A_258 = arith.constant 11264 : i32
    %dma_start3A_259 = tpu.memref_slice %arg6[%dma_start3A_258] : memref<16384xf32, #tpu.memory_space<vmem>> -> memref<1024xf32, #tpu.memory_space<vmem>>
    %dma_start3A_260 = tpu.memref_slice %arg2[%dma_start3A_257, %mul3A_157] : memref<16x2600000xf32, #tpu.memory_space<hbm>> -> memref<1x1024xf32, #tpu.memory_space<hbm>>
    %dma_start3A_261 = tpu.memref_squeeze %dma_start3A_260 : memref<1x1024xf32, #tpu.memory_space<hbm>> -> memref<1024xf32, #tpu.memory_space<hbm>>
    %dma_start3A_262 = arith.constant 11264 : i32
    %dma_start3A_263 = tpu.memref_slice %arg6[%dma_start3A_262] : memref<16384xf32, #tpu.memory_space<vmem>> -> memref<1024xf32, #tpu.memory_space<vmem>>
    %dma_start3A_264 = tpu.memref_slice %arg2[%dma_start3A_257, %mul3A_157] : memref<16x2600000xf32, #tpu.memory_space<hbm>> -> memref<1x1024xf32, #tpu.memory_space<hbm>>
    %dma_start3A_265 = tpu.memref_squeeze %dma_start3A_264 : memref<1x1024xf32, #tpu.memory_space<hbm>> -> memref<1024xf32, #tpu.memory_space<hbm>>
    tpu.enqueue_dma source(%dma_start3A_265 : memref<1024xf32, #tpu.memory_space<hbm>>) target(%dma_start3A_263 : memref<1024xf32, #tpu.memory_space<vmem>>) target_semaphore(%arg11 : memref<!tpu.dma_semaphore, #tpu.memory_space<semaphore_mem>>)
    %dma_start3A_266 = arith.constant 12 : i32
    %dma_start3A_267 = arith.constant 12288 : i32
    %dma_start3A_268 = tpu.memref_slice %arg6[%dma_start3A_267] : memref<16384xf32, #tpu.memory_space<vmem>> -> memref<1024xf32, #tpu.memory_space<vmem>>
    %dma_start3A_269 = tpu.memref_slice %arg2[%dma_start3A_266, %mul3A_157] : memref<16x2600000xf32, #tpu.memory_space<hbm>> -> memref<1x1024xf32, #tpu.memory_space<hbm>>
    %dma_start3A_270 = tpu.memref_squeeze %dma_start3A_269 : memref<1x1024xf32, #tpu.memory_space<hbm>> -> memref<1024xf32, #tpu.memory_space<hbm>>
    %dma_start3A_271 = arith.constant 12288 : i32
    %dma_start3A_272 = tpu.memref_slice %arg6[%dma_start3A_271] : memref<16384xf32, #tpu.memory_space<vmem>> -> memref<1024xf32, #tpu.memory_space<vmem>>
    %dma_start3A_273 = tpu.memref_slice %arg2[%dma_start3A_266, %mul3A_157] : memref<16x2600000xf32, #tpu.memory_space<hbm>> -> memref<1x1024xf32, #tpu.memory_space<hbm>>
    %dma_start3A_274 = tpu.memref_squeeze %dma_start3A_273 : memref<1x1024xf32, #tpu.memory_space<hbm>> -> memref<1024xf32, #tpu.memory_space<hbm>>
    tpu.enqueue_dma source(%dma_start3A_274 : memref<1024xf32, #tpu.memory_space<hbm>>) target(%dma_start3A_272 : memref<1024xf32, #tpu.memory_space<vmem>>) target_semaphore(%arg11 : memref<!tpu.dma_semaphore, #tpu.memory_space<semaphore_mem>>)
    %dma_start3A_275 = arith.constant 13 : i32
    %dma_start3A_276 = arith.constant 13312 : i32
    %dma_start3A_277 = tpu.memref_slice %arg6[%dma_start3A_276] : memref<16384xf32, #tpu.memory_space<vmem>> -> memref<1024xf32, #tpu.memory_space<vmem>>
    %dma_start3A_278 = tpu.memref_slice %arg2[%dma_start3A_275, %mul3A_157] : memref<16x2600000xf32, #tpu.memory_space<hbm>> -> memref<1x1024xf32, #tpu.memory_space<hbm>>
    %dma_start3A_279 = tpu.memref_squeeze %dma_start3A_278 : memref<1x1024xf32, #tpu.memory_space<hbm>> -> memref<1024xf32, #tpu.memory_space<hbm>>
    %dma_start3A_280 = arith.constant 13312 : i32
    %dma_start3A_281 = tpu.memref_slice %arg6[%dma_start3A_280] : memref<16384xf32, #tpu.memory_space<vmem>> -> memref<1024xf32, #tpu.memory_space<vmem>>
    %dma_start3A_282 = tpu.memref_slice %arg2[%dma_start3A_275, %mul3A_157] : memref<16x2600000xf32, #tpu.memory_space<hbm>> -> memref<1x1024xf32, #tpu.memory_space<hbm>>
    %dma_start3A_283 = tpu.memref_squeeze %dma_start3A_282 : memref<1x1024xf32, #tpu.memory_space<hbm>> -> memref<1024xf32, #tpu.memory_space<hbm>>
    tpu.enqueue_dma source(%dma_start3A_283 : memref<1024xf32, #tpu.memory_space<hbm>>) target(%dma_start3A_281 : memref<1024xf32, #tpu.memory_space<vmem>>) target_semaphore(%arg11 : memref<!tpu.dma_semaphore, #tpu.memory_space<semaphore_mem>>)
    %dma_start3A_284 = arith.constant 14 : i32
    %dma_start3A_285 = arith.constant 14336 : i32
    %dma_start3A_286 = tpu.memref_slice %arg6[%dma_start3A_285] : memref<16384xf32, #tpu.memory_space<vmem>> -> memref<1024xf32, #tpu.memory_space<vmem>>
    %dma_start3A_287 = tpu.memref_slice %arg2[%dma_start3A_284, %mul3A_157] : memref<16x2600000xf32, #tpu.memory_space<hbm>> -> memref<1x1024xf32, #tpu.memory_space<hbm>>
    %dma_start3A_288 = tpu.memref_squeeze %dma_start3A_287 : memref<1x1024xf32, #tpu.memory_space<hbm>> -> memref<1024xf32, #tpu.memory_space<hbm>>
    %dma_start3A_289 = arith.constant 14336 : i32
    %dma_start3A_290 = tpu.memref_slice %arg6[%dma_start3A_289] : memref<16384xf32, #tpu.memory_space<vmem>> -> memref<1024xf32, #tpu.memory_space<vmem>>
    %dma_start3A_291 = tpu.memref_slice %arg2[%dma_start3A_284, %mul3A_157] : memref<16x2600000xf32, #tpu.memory_space<hbm>> -> memref<1x1024xf32, #tpu.memory_space<hbm>>
    %dma_start3A_292 = tpu.memref_squeeze %dma_start3A_291 : memref<1x1024xf32, #tpu.memory_space<hbm>> -> memref<1024xf32, #tpu.memory_space<hbm>>
    tpu.enqueue_dma source(%dma_start3A_292 : memref<1024xf32, #tpu.memory_space<hbm>>) target(%dma_start3A_290 : memref<1024xf32, #tpu.memory_space<vmem>>) target_semaphore(%arg11 : memref<!tpu.dma_semaphore, #tpu.memory_space<semaphore_mem>>)
    %dma_start3A_293 = arith.constant 15 : i32
    %dma_start3A_294 = arith.constant 15360 : i32
    %dma_start3A_295 = tpu.memref_slice %arg6[%dma_start3A_294] : memref<16384xf32, #tpu.memory_space<vmem>> -> memref<1024xf32, #tpu.memory_space<vmem>>
    %dma_start3A_296 = tpu.memref_slice %arg2[%dma_start3A_293, %mul3A_157] : memref<16x2600000xf32, #tpu.memory_space<hbm>> -> memref<1x1024xf32, #tpu.memory_space<hbm>>
    %dma_start3A_297 = tpu.memref_squeeze %dma_start3A_296 : memref<1x1024xf32, #tpu.memory_space<hbm>> -> memref<1024xf32, #tpu.memory_space<hbm>>
    %dma_start3A_298 = arith.constant 15360 : i32
    %dma_start3A_299 = tpu.memref_slice %arg6[%dma_start3A_298] : memref<16384xf32, #tpu.memory_space<vmem>> -> memref<1024xf32, #tpu.memory_space<vmem>>
    %dma_start3A_300 = tpu.memref_slice %arg2[%dma_start3A_293, %mul3A_157] : memref<16x2600000xf32, #tpu.memory_space<hbm>> -> memref<1x1024xf32, #tpu.memory_space<hbm>>
    %dma_start3A_301 = tpu.memref_squeeze %dma_start3A_300 : memref<1x1024xf32, #tpu.memory_space<hbm>> -> memref<1024xf32, #tpu.memory_space<hbm>>
    tpu.enqueue_dma source(%dma_start3A_301 : memref<1024xf32, #tpu.memory_space<hbm>>) target(%dma_start3A_299 : memref<1024xf32, #tpu.memory_space<vmem>>) target_semaphore(%arg11 : memref<!tpu.dma_semaphore, #tpu.memory_space<semaphore_mem>>)
    %scan3A = arith.constant 0 : i32
    %scan3A_302 = arith.constant 0 : i32
    %scan3A_303 = arith.constant 27 : i32
    %scan3A_304 = arith.addi %scan3A_302, %scan3A_303 : i32
    %scan3A_305 = arith.constant 1 : i32
    scf.for %scan3A_668 = %scan3A_302 to %scan3A_304 step %scan3A_305  : i32 {
      %mul3A_669 = arith.constant 3 : i32
      %mul3A_670 = arith.muli %scan3A_668, %mul3A_669 : i32
      %dma_wait3A_671 = arith.constant 0 : i32
      %dma_wait3A_672 = arith.constant 0 : i32
      %dma_wait3A_673 = tpu.memref_slice %arg5[%dma_wait3A_672] : memref<16384xf32, #tpu.memory_space<vmem>> -> memref<1024xf32, #tpu.memory_space<vmem>>
      %dma_wait3A_674 = arith.constant 0 : i32
      %dma_wait3A_675 = tpu.memref_slice %arg2[%dma_wait3A_671, %dma_wait3A_674] : memref<16x2600000xf32, #tpu.memory_space<hbm>> -> memref<1x1024xf32, #tpu.memory_space<hbm>>
      %dma_wait3A_676 = tpu.memref_squeeze %dma_wait3A_675 : memref<1x1024xf32, #tpu.memory_space<hbm>> -> memref<1024xf32, #tpu.memory_space<hbm>>
      %dma_wait3A_677 = arith.constant 0 : i32
      %dma_wait3A_678 = tpu.memref_slice %arg5[%dma_wait3A_677] : memref<16384xf32, #tpu.memory_space<vmem>> -> memref<1024xf32, #tpu.memory_space<vmem>>
      %dma_wait3A_679 = arith.constant 0 : i32
      %dma_wait3A_680 = tpu.memref_slice %arg2[%dma_wait3A_671, %dma_wait3A_679] : memref<16x2600000xf32, #tpu.memory_space<hbm>> -> memref<1x1024xf32, #tpu.memory_space<hbm>>
      %dma_wait3A_681 = tpu.memref_squeeze %dma_wait3A_680 : memref<1x1024xf32, #tpu.memory_space<hbm>> -> memref<1024xf32, #tpu.memory_space<hbm>>
      tpu.wait_dma2 semaphore(%arg10 : memref<!tpu.dma_semaphore, #tpu.memory_space<semaphore_mem>>) src(%dma_wait3A_681 : memref<1024xf32, #tpu.memory_space<hbm>>) dst(%dma_wait3A_678 : memref<1024xf32, #tpu.memory_space<vmem>>)
      %dma_wait3A_682 = arith.constant 0 : i32
      %dma_wait3A_683 = arith.constant 1024 : i32
      %dma_wait3A_684 = tpu.memref_slice %arg5[%dma_wait3A_683] : memref<16384xf32, #tpu.memory_space<vmem>> -> memref<1024xf32, #tpu.memory_space<vmem>>
      %dma_wait3A_685 = arith.constant 0 : i32
      %dma_wait3A_686 = tpu.memref_slice %arg2[%dma_wait3A_682, %dma_wait3A_685] : memref<16x2600000xf32, #tpu.memory_space<hbm>> -> memref<1x1024xf32, #tpu.memory_space<hbm>>
      %dma_wait3A_687 = tpu.memref_squeeze %dma_wait3A_686 : memref<1x1024xf32, #tpu.memory_space<hbm>> -> memref<1024xf32, #tpu.memory_space<hbm>>
      %dma_wait3A_688 = arith.constant 1024 : i32
      %dma_wait3A_689 = tpu.memref_slice %arg5[%dma_wait3A_688] : memref<16384xf32, #tpu.memory_space<vmem>> -> memref<1024xf32, #tpu.memory_space<vmem>>
      %dma_wait3A_690 = arith.constant 0 : i32
      %dma_wait3A_691 = tpu.memref_slice %arg2[%dma_wait3A_682, %dma_wait3A_690] : memref<16x2600000xf32, #tpu.memory_space<hbm>> -> memref<1x1024xf32, #tpu.memory_space<hbm>>
      %dma_wait3A_692 = tpu.memref_squeeze %dma_wait3A_691 : memref<1x1024xf32, #tpu.memory_space<hbm>> -> memref<1024xf32, #tpu.memory_space<hbm>>
      tpu.wait_dma2 semaphore(%arg10 : memref<!tpu.dma_semaphore, #tpu.memory_space<semaphore_mem>>) src(%dma_wait3A_692 : memref<1024xf32, #tpu.memory_space<hbm>>) dst(%dma_wait3A_689 : memref<1024xf32, #tpu.memory_space<vmem>>)
      %dma_wait3A_693 = arith.constant 0 : i32
      %dma_wait3A_694 = arith.constant 2048 : i32
      %dma_wait3A_695 = tpu.memref_slice %arg5[%dma_wait3A_694] : memref<16384xf32, #tpu.memory_space<vmem>> -> memref<1024xf32, #tpu.memory_space<vmem>>
      %dma_wait3A_696 = arith.constant 0 : i32
      %dma_wait3A_697 = tpu.memref_slice %arg2[%dma_wait3A_693, %dma_wait3A_696] : memref<16x2600000xf32, #tpu.memory_space<hbm>> -> memref<1x1024xf32, #tpu.memory_space<hbm>>
      %dma_wait3A_698 = tpu.memref_squeeze %dma_wait3A_697 : memref<1x1024xf32, #tpu.memory_space<hbm>> -> memref<1024xf32, #tpu.memory_space<hbm>>
      %dma_wait3A_699 = arith.constant 2048 : i32
      %dma_wait3A_700 = tpu.memref_slice %arg5[%dma_wait3A_699] : memref<16384xf32, #tpu.memory_space<vmem>> -> memref<1024xf32, #tpu.memory_space<vmem>>
      %dma_wait3A_701 = arith.constant 0 : i32
      %dma_wait3A_702 = tpu.memref_slice %arg2[%dma_wait3A_693, %dma_wait3A_701] : memref<16x2600000xf32, #tpu.memory_space<hbm>> -> memref<1x1024xf32, #tpu.memory_space<hbm>>
      %dma_wait3A_703 = tpu.memref_squeeze %dma_wait3A_702 : memref<1x1024xf32, #tpu.memory_space<hbm>> -> memref<1024xf32, #tpu.memory_space<hbm>>
      tpu.wait_dma2 semaphore(%arg10 : memref<!tpu.dma_semaphore, #tpu.memory_space<semaphore_mem>>) src(%dma_wait3A_703 : memref<1024xf32, #tpu.memory_space<hbm>>) dst(%dma_wait3A_700 : memref<1024xf32, #tpu.memory_space<vmem>>)
      %dma_wait3A_704 = arith.constant 0 : i32
      %dma_wait3A_705 = arith.constant 3072 : i32
      %dma_wait3A_706 = tpu.memref_slice %arg5[%dma_wait3A_705] : memref<16384xf32, #tpu.memory_space<vmem>> -> memref<1024xf32, #tpu.memory_space<vmem>>
      %dma_wait3A_707 = arith.constant 0 : i32
      %dma_wait3A_708 = tpu.memref_slice %arg2[%dma_wait3A_704, %dma_wait3A_707] : memref<16x2600000xf32, #tpu.memory_space<hbm>> -> memref<1x1024xf32, #tpu.memory_space<hbm>>
      %dma_wait3A_709 = tpu.memref_squeeze %dma_wait3A_708 : memref<1x1024xf32, #tpu.memory_space<hbm>> -> memref<1024xf32, #tpu.memory_space<hbm>>
      %dma_wait3A_710 = arith.constant 3072 : i32
      %dma_wait3A_711 = tpu.memref_slice %arg5[%dma_wait3A_710] : memref<16384xf32, #tpu.memory_space<vmem>> -> memref<1024xf32, #tpu.memory_space<vmem>>
      %dma_wait3A_712 = arith.constant 0 : i32
      %dma_wait3A_713 = tpu.memref_slice %arg2[%dma_wait3A_704, %dma_wait3A_712] : memref<16x2600000xf32, #tpu.memory_space<hbm>> -> memref<1x1024xf32, #tpu.memory_space<hbm>>
      %dma_wait3A_714 = tpu.memref_squeeze %dma_wait3A_713 : memref<1x1024xf32, #tpu.memory_space<hbm>> -> memref<1024xf32, #tpu.memory_space<hbm>>
      tpu.wait_dma2 semaphore(%arg10 : memref<!tpu.dma_semaphore, #tpu.memory_space<semaphore_mem>>) src(%dma_wait3A_714 : memref<1024xf32, #tpu.memory_space<hbm>>) dst(%dma_wait3A_711 : memref<1024xf32, #tpu.memory_space<vmem>>)
      %dma_wait3A_715 = arith.constant 0 : i32
      %dma_wait3A_716 = arith.constant 4096 : i32
      %dma_wait3A_717 = tpu.memref_slice %arg5[%dma_wait3A_716] : memref<16384xf32, #tpu.memory_space<vmem>> -> memref<1024xf32, #tpu.memory_space<vmem>>
      %dma_wait3A_718 = arith.constant 0 : i32
      %dma_wait3A_719 = tpu.memref_slice %arg2[%dma_wait3A_715, %dma_wait3A_718] : memref<16x2600000xf32, #tpu.memory_space<hbm>> -> memref<1x1024xf32, #tpu.memory_space<hbm>>
      %dma_wait3A_720 = tpu.memref_squeeze %dma_wait3A_719 : memref<1x1024xf32, #tpu.memory_space<hbm>> -> memref<1024xf32, #tpu.memory_space<hbm>>
      %dma_wait3A_721 = arith.constant 4096 : i32
      %dma_wait3A_722 = tpu.memref_slice %arg5[%dma_wait3A_721] : memref<16384xf32, #tpu.memory_space<vmem>> -> memref<1024xf32, #tpu.memory_space<vmem>>
      %dma_wait3A_723 = arith.constant 0 : i32
      %dma_wait3A_724 = tpu.memref_slice %arg2[%dma_wait3A_715, %dma_wait3A_723] : memref<16x2600000xf32, #tpu.memory_space<hbm>> -> memref<1x1024xf32, #tpu.memory_space<hbm>>
      %dma_wait3A_725 = tpu.memref_squeeze %dma_wait3A_724 : memref<1x1024xf32, #tpu.memory_space<hbm>> -> memref<1024xf32, #tpu.memory_space<hbm>>
      tpu.wait_dma2 semaphore(%arg10 : memref<!tpu.dma_semaphore, #tpu.memory_space<semaphore_mem>>) src(%dma_wait3A_725 : memref<1024xf32, #tpu.memory_space<hbm>>) dst(%dma_wait3A_722 : memref<1024xf32, #tpu.memory_space<vmem>>)
      %dma_wait3A_726 = arith.constant 0 : i32
      %dma_wait3A_727 = arith.constant 5120 : i32
      %dma_wait3A_728 = tpu.memref_slice %arg5[%dma_wait3A_727] : memref<16384xf32, #tpu.memory_space<vmem>> -> memref<1024xf32, #tpu.memory_space<vmem>>
      %dma_wait3A_729 = arith.constant 0 : i32
      %dma_wait3A_730 = tpu.memref_slice %arg2[%dma_wait3A_726, %dma_wait3A_729] : memref<16x2600000xf32, #tpu.memory_space<hbm>> -> memref<1x1024xf32, #tpu.memory_space<hbm>>
      %dma_wait3A_731 = tpu.memref_squeeze %dma_wait3A_730 : memref<1x1024xf32, #tpu.memory_space<hbm>> -> memref<1024xf32, #tpu.memory_space<hbm>>
      %dma_wait3A_732 = arith.constant 5120 : i32
      %dma_wait3A_733 = tpu.memref_slice %arg5[%dma_wait3A_732] : memref<16384xf32, #tpu.memory_space<vmem>> -> memref<1024xf32, #tpu.memory_space<vmem>>
      %dma_wait3A_734 = arith.constant 0 : i32
      %dma_wait3A_735 = tpu.memref_slice %arg2[%dma_wait3A_726, %dma_wait3A_734] : memref<16x2600000xf32, #tpu.memory_space<hbm>> -> memref<1x1024xf32, #tpu.memory_space<hbm>>
      %dma_wait3A_736 = tpu.memref_squeeze %dma_wait3A_735 : memref<1x1024xf32, #tpu.memory_space<hbm>> -> memref<1024xf32, #tpu.memory_space<hbm>>
      tpu.wait_dma2 semaphore(%arg10 : memref<!tpu.dma_semaphore, #tpu.memory_space<semaphore_mem>>) src(%dma_wait3A_736 : memref<1024xf32, #tpu.memory_space<hbm>>) dst(%dma_wait3A_733 : memref<1024xf32, #tpu.memory_space<vmem>>)
      %dma_wait3A_737 = arith.constant 0 : i32
      %dma_wait3A_738 = arith.constant 6144 : i32
      %dma_wait3A_739 = tpu.memref_slice %arg5[%dma_wait3A_738] : memref<16384xf32, #tpu.memory_space<vmem>> -> memref<1024xf32, #tpu.memory_space<vmem>>
      %dma_wait3A_740 = arith.constant 0 : i32
      %dma_wait3A_741 = tpu.memref_slice %arg2[%dma_wait3A_737, %dma_wait3A_740] : memref<16x2600000xf32, #tpu.memory_space<hbm>> -> memref<1x1024xf32, #tpu.memory_space<hbm>>
      %dma_wait3A_742 = tpu.memref_squeeze %dma_wait3A_741 : memref<1x1024xf32, #tpu.memory_space<hbm>> -> memref<1024xf32, #tpu.memory_space<hbm>>
      %dma_wait3A_743 = arith.constant 6144 : i32
      %dma_wait3A_744 = tpu.memref_slice %arg5[%dma_wait3A_743] : memref<16384xf32, #tpu.memory_space<vmem>> -> memref<1024xf32, #tpu.memory_space<vmem>>
      %dma_wait3A_745 = arith.constant 0 : i32
      %dma_wait3A_746 = tpu.memref_slice %arg2[%dma_wait3A_737, %dma_wait3A_745] : memref<16x2600000xf32, #tpu.memory_space<hbm>> -> memref<1x1024xf32, #tpu.memory_space<hbm>>
      %dma_wait3A_747 = tpu.memref_squeeze %dma_wait3A_746 : memref<1x1024xf32, #tpu.memory_space<hbm>> -> memref<1024xf32, #tpu.memory_space<hbm>>
      tpu.wait_dma2 semaphore(%arg10 : memref<!tpu.dma_semaphore, #tpu.memory_space<semaphore_mem>>) src(%dma_wait3A_747 : memref<1024xf32, #tpu.memory_space<hbm>>) dst(%dma_wait3A_744 : memref<1024xf32, #tpu.memory_space<vmem>>)
      %dma_wait3A_748 = arith.constant 0 : i32
      %dma_wait3A_749 = arith.constant 7168 : i32
      %dma_wait3A_750 = tpu.memref_slice %arg5[%dma_wait3A_749] : memref<16384xf32, #tpu.memory_space<vmem>> -> memref<1024xf32, #tpu.memory_space<vmem>>
      %dma_wait3A_751 = arith.constant 0 : i32
      %dma_wait3A_752 = tpu.memref_slice %arg2[%dma_wait3A_748, %dma_wait3A_751] : memref<16x2600000xf32, #tpu.memory_space<hbm>> -> memref<1x1024xf32, #tpu.memory_space<hbm>>
      %dma_wait3A_753 = tpu.memref_squeeze %dma_wait3A_752 : memref<1x1024xf32, #tpu.memory_space<hbm>> -> memref<1024xf32, #tpu.memory_space<hbm>>
      %dma_wait3A_754 = arith.constant 7168 : i32
      %dma_wait3A_755 = tpu.memref_slice %arg5[%dma_wait3A_754] : memref<16384xf32, #tpu.memory_space<vmem>> -> memref<1024xf32, #tpu.memory_space<vmem>>
      %dma_wait3A_756 = arith.constant 0 : i32
      %dma_wait3A_757 = tpu.memref_slice %arg2[%dma_wait3A_748, %dma_wait3A_756] : memref<16x2600000xf32, #tpu.memory_space<hbm>> -> memref<1x1024xf32, #tpu.memory_space<hbm>>
      %dma_wait3A_758 = tpu.memref_squeeze %dma_wait3A_757 : memref<1x1024xf32, #tpu.memory_space<hbm>> -> memref<1024xf32, #tpu.memory_space<hbm>>
      tpu.wait_dma2 semaphore(%arg10 : memref<!tpu.dma_semaphore, #tpu.memory_space<semaphore_mem>>) src(%dma_wait3A_758 : memref<1024xf32, #tpu.memory_space<hbm>>) dst(%dma_wait3A_755 : memref<1024xf32, #tpu.memory_space<vmem>>)
      %dma_wait3A_759 = arith.constant 0 : i32
      %dma_wait3A_760 = arith.constant 8192 : i32
      %dma_wait3A_761 = tpu.memref_slice %arg5[%dma_wait3A_760] : memref<16384xf32, #tpu.memory_space<vmem>> -> memref<1024xf32, #tpu.memory_space<vmem>>
      %dma_wait3A_762 = arith.constant 0 : i32
      %dma_wait3A_763 = tpu.memref_slice %arg2[%dma_wait3A_759, %dma_wait3A_762] : memref<16x2600000xf32, #tpu.memory_space<hbm>> -> memref<1x1024xf32, #tpu.memory_space<hbm>>
      %dma_wait3A_764 = tpu.memref_squeeze %dma_wait3A_763 : memref<1x1024xf32, #tpu.memory_space<hbm>> -> memref<1024xf32, #tpu.memory_space<hbm>>
      %dma_wait3A_765 = arith.constant 8192 : i32
      %dma_wait3A_766 = tpu.memref_slice %arg5[%dma_wait3A_765] : memref<16384xf32, #tpu.memory_space<vmem>> -> memref<1024xf32, #tpu.memory_space<vmem>>
      %dma_wait3A_767 = arith.constant 0 : i32
      %dma_wait3A_768 = tpu.memref_slice %arg2[%dma_wait3A_759, %dma_wait3A_767] : memref<16x2600000xf32, #tpu.memory_space<hbm>> -> memref<1x1024xf32, #tpu.memory_space<hbm>>
      %dma_wait3A_769 = tpu.memref_squeeze %dma_wait3A_768 : memref<1x1024xf32, #tpu.memory_space<hbm>> -> memref<1024xf32, #tpu.memory_space<hbm>>
      tpu.wait_dma2 semaphore(%arg10 : memref<!tpu.dma_semaphore, #tpu.memory_space<semaphore_mem>>) src(%dma_wait3A_769 : memref<1024xf32, #tpu.memory_space<hbm>>) dst(%dma_wait3A_766 : memref<1024xf32, #tpu.memory_space<vmem>>)
      %dma_wait3A_770 = arith.constant 0 : i32
      %dma_wait3A_771 = arith.constant 9216 : i32
      %dma_wait3A_772 = tpu.memref_slice %arg5[%dma_wait3A_771] : memref<16384xf32, #tpu.memory_space<vmem>> -> memref<1024xf32, #tpu.memory_space<vmem>>
      %dma_wait3A_773 = arith.constant 0 : i32
      %dma_wait3A_774 = tpu.memref_slice %arg2[%dma_wait3A_770, %dma_wait3A_773] : memref<16x2600000xf32, #tpu.memory_space<hbm>> -> memref<1x1024xf32, #tpu.memory_space<hbm>>
      %dma_wait3A_775 = tpu.memref_squeeze %dma_wait3A_774 : memref<1x1024xf32, #tpu.memory_space<hbm>> -> memref<1024xf32, #tpu.memory_space<hbm>>
      %dma_wait3A_776 = arith.constant 9216 : i32
      %dma_wait3A_777 = tpu.memref_slice %arg5[%dma_wait3A_776] : memref<16384xf32, #tpu.memory_space<vmem>> -> memref<1024xf32, #tpu.memory_space<vmem>>
      %dma_wait3A_778 = arith.constant 0 : i32
      %dma_wait3A_779 = tpu.memref_slice %arg2[%dma_wait3A_770, %dma_wait3A_778] : memref<16x2600000xf32, #tpu.memory_space<hbm>> -> memref<1x1024xf32, #tpu.memory_space<hbm>>
      %dma_wait3A_780 = tpu.memref_squeeze %dma_wait3A_779 : memref<1x1024xf32, #tpu.memory_space<hbm>> -> memref<1024xf32, #tpu.memory_space<hbm>>
      tpu.wait_dma2 semaphore(%arg10 : memref<!tpu.dma_semaphore, #tpu.memory_space<semaphore_mem>>) src(%dma_wait3A_780 : memref<1024xf32, #tpu.memory_space<hbm>>) dst(%dma_wait3A_777 : memref<1024xf32, #tpu.memory_space<vmem>>)
      %dma_wait3A_781 = arith.constant 0 : i32
      %dma_wait3A_782 = arith.constant 10240 : i32
      %dma_wait3A_783 = tpu.memref_slice %arg5[%dma_wait3A_782] : memref<16384xf32, #tpu.memory_space<vmem>> -> memref<1024xf32, #tpu.memory_space<vmem>>
      %dma_wait3A_784 = arith.constant 0 : i32
      %dma_wait3A_785 = tpu.memref_slice %arg2[%dma_wait3A_781, %dma_wait3A_784] : memref<16x2600000xf32, #tpu.memory_space<hbm>> -> memref<1x1024xf32, #tpu.memory_space<hbm>>
      %dma_wait3A_786 = tpu.memref_squeeze %dma_wait3A_785 : memref<1x1024xf32, #tpu.memory_space<hbm>> -> memref<1024xf32, #tpu.memory_space<hbm>>
      %dma_wait3A_787 = arith.constant 10240 : i32
      %dma_wait3A_788 = tpu.memref_slice %arg5[%dma_wait3A_787] : memref<16384xf32, #tpu.memory_space<vmem>> -> memref<1024xf32, #tpu.memory_space<vmem>>
      %dma_wait3A_789 = arith.constant 0 : i32
      %dma_wait3A_790 = tpu.memref_slice %arg2[%dma_wait3A_781, %dma_wait3A_789] : memref<16x2600000xf32, #tpu.memory_space<hbm>> -> memref<1x1024xf32, #tpu.memory_space<hbm>>
      %dma_wait3A_791 = tpu.memref_squeeze %dma_wait3A_790 : memref<1x1024xf32, #tpu.memory_space<hbm>> -> memref<1024xf32, #tpu.memory_space<hbm>>
      tpu.wait_dma2 semaphore(%arg10 : memref<!tpu.dma_semaphore, #tpu.memory_space<semaphore_mem>>) src(%dma_wait3A_791 : memref<1024xf32, #tpu.memory_space<hbm>>) dst(%dma_wait3A_788 : memref<1024xf32, #tpu.memory_space<vmem>>)
      %dma_wait3A_792 = arith.constant 0 : i32
      %dma_wait3A_793 = arith.constant 11264 : i32
      %dma_wait3A_794 = tpu.memref_slice %arg5[%dma_wait3A_793] : memref<16384xf32, #tpu.memory_space<vmem>> -> memref<1024xf32, #tpu.memory_space<vmem>>
      %dma_wait3A_795 = arith.constant 0 : i32
      %dma_wait3A_796 = tpu.memref_slice %arg2[%dma_wait3A_792, %dma_wait3A_795] : memref<16x2600000xf32, #tpu.memory_space<hbm>> -> memref<1x1024xf32, #tpu.memory_space<hbm>>
      %dma_wait3A_797 = tpu.memref_squeeze %dma_wait3A_796 : memref<1x1024xf32, #tpu.memory_space<hbm>> -> memref<1024xf32, #tpu.memory_space<hbm>>
      %dma_wait3A_798 = arith.constant 11264 : i32
      %dma_wait3A_799 = tpu.memref_slice %arg5[%dma_wait3A_798] : memref<16384xf32, #tpu.memory_space<vmem>> -> memref<1024xf32, #tpu.memory_space<vmem>>
      %dma_wait3A_800 = arith.constant 0 : i32
      %dma_wait3A_801 = tpu.memref_slice %arg2[%dma_wait3A_792, %dma_wait3A_800] : memref<16x2600000xf32, #tpu.memory_space<hbm>> -> memref<1x1024xf32, #tpu.memory_space<hbm>>
      %dma_wait3A_802 = tpu.memref_squeeze %dma_wait3A_801 : memref<1x1024xf32, #tpu.memory_space<hbm>> -> memref<1024xf32, #tpu.memory_space<hbm>>
      tpu.wait_dma2 semaphore(%arg10 : memref<!tpu.dma_semaphore, #tpu.memory_space<semaphore_mem>>) src(%dma_wait3A_802 : memref<1024xf32, #tpu.memory_space<hbm>>) dst(%dma_wait3A_799 : memref<1024xf32, #tpu.memory_space<vmem>>)
      %dma_wait3A_803 = arith.constant 0 : i32
      %dma_wait3A_804 = arith.constant 12288 : i32
      %dma_wait3A_805 = tpu.memref_slice %arg5[%dma_wait3A_804] : memref<16384xf32, #tpu.memory_space<vmem>> -> memref<1024xf32, #tpu.memory_space<vmem>>
      %dma_wait3A_806 = arith.constant 0 : i32
      %dma_wait3A_807 = tpu.memref_slice %arg2[%dma_wait3A_803, %dma_wait3A_806] : memref<16x2600000xf32, #tpu.memory_space<hbm>> -> memref<1x1024xf32, #tpu.memory_space<hbm>>
      %dma_wait3A_808 = tpu.memref_squeeze %dma_wait3A_807 : memref<1x1024xf32, #tpu.memory_space<hbm>> -> memref<1024xf32, #tpu.memory_space<hbm>>
      %dma_wait3A_809 = arith.constant 12288 : i32
      %dma_wait3A_810 = tpu.memref_slice %arg5[%dma_wait3A_809] : memref<16384xf32, #tpu.memory_space<vmem>> -> memref<1024xf32, #tpu.memory_space<vmem>>
      %dma_wait3A_811 = arith.constant 0 : i32
      %dma_wait3A_812 = tpu.memref_slice %arg2[%dma_wait3A_803, %dma_wait3A_811] : memref<16x2600000xf32, #tpu.memory_space<hbm>> -> memref<1x1024xf32, #tpu.memory_space<hbm>>
      %dma_wait3A_813 = tpu.memref_squeeze %dma_wait3A_812 : memref<1x1024xf32, #tpu.memory_space<hbm>> -> memref<1024xf32, #tpu.memory_space<hbm>>
      tpu.wait_dma2 semaphore(%arg10 : memref<!tpu.dma_semaphore, #tpu.memory_space<semaphore_mem>>) src(%dma_wait3A_813 : memref<1024xf32, #tpu.memory_space<hbm>>) dst(%dma_wait3A_810 : memref<1024xf32, #tpu.memory_space<vmem>>)
      %dma_wait3A_814 = arith.constant 0 : i32
      %dma_wait3A_815 = arith.constant 13312 : i32
      %dma_wait3A_816 = tpu.memref_slice %arg5[%dma_wait3A_815] : memref<16384xf32, #tpu.memory_space<vmem>> -> memref<1024xf32, #tpu.memory_space<vmem>>
      %dma_wait3A_817 = arith.constant 0 : i32
      %dma_wait3A_818 = tpu.memref_slice %arg2[%dma_wait3A_814, %dma_wait3A_817] : memref<16x2600000xf32, #tpu.memory_space<hbm>> -> memref<1x1024xf32, #tpu.memory_space<hbm>>
      %dma_wait3A_819 = tpu.memref_squeeze %dma_wait3A_818 : memref<1x1024xf32, #tpu.memory_space<hbm>> -> memref<1024xf32, #tpu.memory_space<hbm>>
      %dma_wait3A_820 = arith.constant 13312 : i32
      %dma_wait3A_821 = tpu.memref_slice %arg5[%dma_wait3A_820] : memref<16384xf32, #tpu.memory_space<vmem>> -> memref<1024xf32, #tpu.memory_space<vmem>>
      %dma_wait3A_822 = arith.constant 0 : i32
      %dma_wait3A_823 = tpu.memref_slice %arg2[%dma_wait3A_814, %dma_wait3A_822] : memref<16x2600000xf32, #tpu.memory_space<hbm>> -> memref<1x1024xf32, #tpu.memory_space<hbm>>
      %dma_wait3A_824 = tpu.memref_squeeze %dma_wait3A_823 : memref<1x1024xf32, #tpu.memory_space<hbm>> -> memref<1024xf32, #tpu.memory_space<hbm>>
      tpu.wait_dma2 semaphore(%arg10 : memref<!tpu.dma_semaphore, #tpu.memory_space<semaphore_mem>>) src(%dma_wait3A_824 : memref<1024xf32, #tpu.memory_space<hbm>>) dst(%dma_wait3A_821 : memref<1024xf32, #tpu.memory_space<vmem>>)
      %dma_wait3A_825 = arith.constant 0 : i32
      %dma_wait3A_826 = arith.constant 14336 : i32
      %dma_wait3A_827 = tpu.memref_slice %arg5[%dma_wait3A_826] : memref<16384xf32, #tpu.memory_space<vmem>> -> memref<1024xf32, #tpu.memory_space<vmem>>
      %dma_wait3A_828 = arith.constant 0 : i32
      %dma_wait3A_829 = tpu.memref_slice %arg2[%dma_wait3A_825, %dma_wait3A_828] : memref<16x2600000xf32, #tpu.memory_space<hbm>> -> memref<1x1024xf32, #tpu.memory_space<hbm>>
      %dma_wait3A_830 = tpu.memref_squeeze %dma_wait3A_829 : memref<1x1024xf32, #tpu.memory_space<hbm>> -> memref<1024xf32, #tpu.memory_space<hbm>>
      %dma_wait3A_831 = arith.constant 14336 : i32
      %dma_wait3A_832 = tpu.memref_slice %arg5[%dma_wait3A_831] : memref<16384xf32, #tpu.memory_space<vmem>> -> memref<1024xf32, #tpu.memory_space<vmem>>
      %dma_wait3A_833 = arith.constant 0 : i32
      %dma_wait3A_834 = tpu.memref_slice %arg2[%dma_wait3A_825, %dma_wait3A_833] : memref<16x2600000xf32, #tpu.memory_space<hbm>> -> memref<1x1024xf32, #tpu.memory_space<hbm>>
      %dma_wait3A_835 = tpu.memref_squeeze %dma_wait3A_834 : memref<1x1024xf32, #tpu.memory_space<hbm>> -> memref<1024xf32, #tpu.memory_space<hbm>>
      tpu.wait_dma2 semaphore(%arg10 : memref<!tpu.dma_semaphore, #tpu.memory_space<semaphore_mem>>) src(%dma_wait3A_835 : memref<1024xf32, #tpu.memory_space<hbm>>) dst(%dma_wait3A_832 : memref<1024xf32, #tpu.memory_space<vmem>>)
      %dma_wait3A_836 = arith.constant 0 : i32
      %dma_wait3A_837 = arith.constant 15360 : i32
      %dma_wait3A_838 = tpu.memref_slice %arg5[%dma_wait3A_837] : memref<16384xf32, #tpu.memory_space<vmem>> -> memref<1024xf32, #tpu.memory_space<vmem>>
      %dma_wait3A_839 = arith.constant 0 : i32
      %dma_wait3A_840 = tpu.memref_slice %arg2[%dma_wait3A_836, %dma_wait3A_839] : memref<16x2600000xf32, #tpu.memory_space<hbm>> -> memref<1x1024xf32, #tpu.memory_space<hbm>>
      %dma_wait3A_841 = tpu.memref_squeeze %dma_wait3A_840 : memref<1x1024xf32, #tpu.memory_space<hbm>> -> memref<1024xf32, #tpu.memory_space<hbm>>
      %dma_wait3A_842 = arith.constant 15360 : i32
      %dma_wait3A_843 = tpu.memref_slice %arg5[%dma_wait3A_842] : memref<16384xf32, #tpu.memory_space<vmem>> -> memref<1024xf32, #tpu.memory_space<vmem>>
      %dma_wait3A_844 = arith.constant 0 : i32
      %dma_wait3A_845 = tpu.memref_slice %arg2[%dma_wait3A_836, %dma_wait3A_844] : memref<16x2600000xf32, #tpu.memory_space<hbm>> -> memref<1x1024xf32, #tpu.memory_space<hbm>>
      %dma_wait3A_846 = tpu.memref_squeeze %dma_wait3A_845 : memref<1x1024xf32, #tpu.memory_space<hbm>> -> memref<1024xf32, #tpu.memory_space<hbm>>
      tpu.wait_dma2 semaphore(%arg10 : memref<!tpu.dma_semaphore, #tpu.memory_space<semaphore_mem>>) src(%dma_wait3A_846 : memref<1024xf32, #tpu.memory_space<hbm>>) dst(%dma_wait3A_843 : memref<1024xf32, #tpu.memory_space<vmem>>)
      %add3A_847 = arith.constant 2 : i32
      %add3A_848 = arith.addi %mul3A_670, %add3A_847 : i32
      %mul3A_849 = arith.constant 32 : i32
      %mul3A_850 = arith.muli %add3A_848, %mul3A_849 : i32
      %add3A_851 = arith.addi %add3A, %mul3A_850 : i32
      %min3A_852 = arith.constant 2538 : i32
      %min3A_853 = arith.minsi %add3A_851, %min3A_852 : i32
      %mul3A_854 = arith.constant 1024 : i32
      %mul3A_855 = arith.muli %min3A_853, %mul3A_854 : i32
      %dma_start3A_856 = arith.constant 0 : i32
      %dma_start3A_857 = arith.constant 0 : i32
      %dma_start3A_858 = tpu.memref_slice %arg7[%dma_start3A_857] : memref<16384xf32, #tpu.memory_space<vmem>> -> memref<1024xf32, #tpu.memory_space<vmem>>
      %dma_start3A_859 = tpu.memref_slice %arg2[%dma_start3A_856, %mul3A_855] : memref<16x2600000xf32, #tpu.memory_space<hbm>> -> memref<1x1024xf32, #tpu.memory_space<hbm>>
      %dma_start3A_860 = tpu.memref_squeeze %dma_start3A_859 : memref<1x1024xf32, #tpu.memory_space<hbm>> -> memref<1024xf32, #tpu.memory_space<hbm>>
      %dma_start3A_861 = arith.constant 0 : i32
      %dma_start3A_862 = tpu.memref_slice %arg7[%dma_start3A_861] : memref<16384xf32, #tpu.memory_space<vmem>> -> memref<1024xf32, #tpu.memory_space<vmem>>
      %dma_start3A_863 = tpu.memref_slice %arg2[%dma_start3A_856, %mul3A_855] : memref<16x2600000xf32, #tpu.memory_space<hbm>> -> memref<1x1024xf32, #tpu.memory_space<hbm>>
      %dma_start3A_864 = tpu.memref_squeeze %dma_start3A_863 : memref<1x1024xf32, #tpu.memory_space<hbm>> -> memref<1024xf32, #tpu.memory_space<hbm>>
      tpu.enqueue_dma source(%dma_start3A_864 : memref<1024xf32, #tpu.memory_space<hbm>>) target(%dma_start3A_862 : memref<1024xf32, #tpu.memory_space<vmem>>) target_semaphore(%arg12 : memref<!tpu.dma_semaphore, #tpu.memory_space<semaphore_mem>>)
      %dma_start3A_865 = arith.constant 1 : i32
      %dma_start3A_866 = arith.constant 1024 : i32
      %dma_start3A_867 = tpu.memref_slice %arg7[%dma_start3A_866] : memref<16384xf32, #tpu.memory_space<vmem>> -> memref<1024xf32, #tpu.memory_space<vmem>>
      %dma_start3A_868 = tpu.memref_slice %arg2[%dma_start3A_865, %mul3A_855] : memref<16x2600000xf32, #tpu.memory_space<hbm>> -> memref<1x1024xf32, #tpu.memory_space<hbm>>
      %dma_start3A_869 = tpu.memref_squeeze %dma_start3A_868 : memref<1x1024xf32, #tpu.memory_space<hbm>> -> memref<1024xf32, #tpu.memory_space<hbm>>
      %dma_start3A_870 = arith.constant 1024 : i32
      %dma_start3A_871 = tpu.memref_slice %arg7[%dma_start3A_870] : memref<16384xf32, #tpu.memory_space<vmem>> -> memref<1024xf32, #tpu.memory_space<vmem>>
      %dma_start3A_872 = tpu.memref_slice %arg2[%dma_start3A_865, %mul3A_855] : memref<16x2600000xf32, #tpu.memory_space<hbm>> -> memref<1x1024xf32, #tpu.memory_space<hbm>>
      %dma_start3A_873 = tpu.memref_squeeze %dma_start3A_872 : memref<1x1024xf32, #tpu.memory_space<hbm>> -> memref<1024xf32, #tpu.memory_space<hbm>>
      tpu.enqueue_dma source(%dma_start3A_873 : memref<1024xf32, #tpu.memory_space<hbm>>) target(%dma_start3A_871 : memref<1024xf32, #tpu.memory_space<vmem>>) target_semaphore(%arg12 : memref<!tpu.dma_semaphore, #tpu.memory_space<semaphore_mem>>)
      %dma_start3A_874 = arith.constant 2 : i32
      %dma_start3A_875 = arith.constant 2048 : i32
      %dma_start3A_876 = tpu.memref_slice %arg7[%dma_start3A_875] : memref<16384xf32, #tpu.memory_space<vmem>> -> memref<1024xf32, #tpu.memory_space<vmem>>
      %dma_start3A_877 = tpu.memref_slice %arg2[%dma_start3A_874, %mul3A_855] : memref<16x2600000xf32, #tpu.memory_space<hbm>> -> memref<1x1024xf32, #tpu.memory_space<hbm>>
      %dma_start3A_878 = tpu.memref_squeeze %dma_start3A_877 : memref<1x1024xf32, #tpu.memory_space<hbm>> -> memref<1024xf32, #tpu.memory_space<hbm>>
      %dma_start3A_879 = arith.constant 2048 : i32
      %dma_start3A_880 = tpu.memref_slice %arg7[%dma_start3A_879] : memref<16384xf32, #tpu.memory_space<vmem>> -> memref<1024xf32, #tpu.memory_space<vmem>>
      %dma_start3A_881 = tpu.memref_slice %arg2[%dma_start3A_874, %mul3A_855] : memref<16x2600000xf32, #tpu.memory_space<hbm>> -> memref<1x1024xf32, #tpu.memory_space<hbm>>
      %dma_start3A_882 = tpu.memref_squeeze %dma_start3A_881 : memref<1x1024xf32, #tpu.memory_space<hbm>> -> memref<1024xf32, #tpu.memory_space<hbm>>
      tpu.enqueue_dma source(%dma_start3A_882 : memref<1024xf32, #tpu.memory_space<hbm>>) target(%dma_start3A_880 : memref<1024xf32, #tpu.memory_space<vmem>>) target_semaphore(%arg12 : memref<!tpu.dma_semaphore, #tpu.memory_space<semaphore_mem>>)
      %dma_start3A_883 = arith.constant 3 : i32
      %dma_start3A_884 = arith.constant 3072 : i32
      %dma_start3A_885 = tpu.memref_slice %arg7[%dma_start3A_884] : memref<16384xf32, #tpu.memory_space<vmem>> -> memref<1024xf32, #tpu.memory_space<vmem>>
      %dma_start3A_886 = tpu.memref_slice %arg2[%dma_start3A_883, %mul3A_855] : memref<16x2600000xf32, #tpu.memory_space<hbm>> -> memref<1x1024xf32, #tpu.memory_space<hbm>>
      %dma_start3A_887 = tpu.memref_squeeze %dma_start3A_886 : memref<1x1024xf32, #tpu.memory_space<hbm>> -> memref<1024xf32, #tpu.memory_space<hbm>>
      %dma_start3A_888 = arith.constant 3072 : i32
      %dma_start3A_889 = tpu.memref_slice %arg7[%dma_start3A_888] : memref<16384xf32, #tpu.memory_space<vmem>> -> memref<1024xf32, #tpu.memory_space<vmem>>
      %dma_start3A_890 = tpu.memref_slice %arg2[%dma_start3A_883, %mul3A_855] : memref<16x2600000xf32, #tpu.memory_space<hbm>> -> memref<1x1024xf32, #tpu.memory_space<hbm>>
      %dma_start3A_891 = tpu.memref_squeeze %dma_start3A_890 : memref<1x1024xf32, #tpu.memory_space<hbm>> -> memref<1024xf32, #tpu.memory_space<hbm>>
      tpu.enqueue_dma source(%dma_start3A_891 : memref<1024xf32, #tpu.memory_space<hbm>>) target(%dma_start3A_889 : memref<1024xf32, #tpu.memory_space<vmem>>) target_semaphore(%arg12 : memref<!tpu.dma_semaphore, #tpu.memory_space<semaphore_mem>>)
      %dma_start3A_892 = arith.constant 4 : i32
      %dma_start3A_893 = arith.constant 4096 : i32
      %dma_start3A_894 = tpu.memref_slice %arg7[%dma_start3A_893] : memref<16384xf32, #tpu.memory_space<vmem>> -> memref<1024xf32, #tpu.memory_space<vmem>>
      %dma_start3A_895 = tpu.memref_slice %arg2[%dma_start3A_892, %mul3A_855] : memref<16x2600000xf32, #tpu.memory_space<hbm>> -> memref<1x1024xf32, #tpu.memory_space<hbm>>
      %dma_start3A_896 = tpu.memref_squeeze %dma_start3A_895 : memref<1x1024xf32, #tpu.memory_space<hbm>> -> memref<1024xf32, #tpu.memory_space<hbm>>
      %dma_start3A_897 = arith.constant 4096 : i32
      %dma_start3A_898 = tpu.memref_slice %arg7[%dma_start3A_897] : memref<16384xf32, #tpu.memory_space<vmem>> -> memref<1024xf32, #tpu.memory_space<vmem>>
      %dma_start3A_899 = tpu.memref_slice %arg2[%dma_start3A_892, %mul3A_855] : memref<16x2600000xf32, #tpu.memory_space<hbm>> -> memref<1x1024xf32, #tpu.memory_space<hbm>>
      %dma_start3A_900 = tpu.memref_squeeze %dma_start3A_899 : memref<1x1024xf32, #tpu.memory_space<hbm>> -> memref<1024xf32, #tpu.memory_space<hbm>>
      tpu.enqueue_dma source(%dma_start3A_900 : memref<1024xf32, #tpu.memory_space<hbm>>) target(%dma_start3A_898 : memref<1024xf32, #tpu.memory_space<vmem>>) target_semaphore(%arg12 : memref<!tpu.dma_semaphore, #tpu.memory_space<semaphore_mem>>)
      %dma_start3A_901 = arith.constant 5 : i32
      %dma_start3A_902 = arith.constant 5120 : i32
      %dma_start3A_903 = tpu.memref_slice %arg7[%dma_start3A_902] : memref<16384xf32, #tpu.memory_space<vmem>> -> memref<1024xf32, #tpu.memory_space<vmem>>
      %dma_start3A_904 = tpu.memref_slice %arg2[%dma_start3A_901, %mul3A_855] : memref<16x2600000xf32, #tpu.memory_space<hbm>> -> memref<1x1024xf32, #tpu.memory_space<hbm>>
      %dma_start3A_905 = tpu.memref_squeeze %dma_start3A_904 : memref<1x1024xf32, #tpu.memory_space<hbm>> -> memref<1024xf32, #tpu.memory_space<hbm>>
      %dma_start3A_906 = arith.constant 5120 : i32
      %dma_start3A_907 = tpu.memref_slice %arg7[%dma_start3A_906] : memref<16384xf32, #tpu.memory_space<vmem>> -> memref<1024xf32, #tpu.memory_space<vmem>>
      %dma_start3A_908 = tpu.memref_slice %arg2[%dma_start3A_901, %mul3A_855] : memref<16x2600000xf32, #tpu.memory_space<hbm>> -> memref<1x1024xf32, #tpu.memory_space<hbm>>
      %dma_start3A_909 = tpu.memref_squeeze %dma_start3A_908 : memref<1x1024xf32, #tpu.memory_space<hbm>> -> memref<1024xf32, #tpu.memory_space<hbm>>
      tpu.enqueue_dma source(%dma_start3A_909 : memref<1024xf32, #tpu.memory_space<hbm>>) target(%dma_start3A_907 : memref<1024xf32, #tpu.memory_space<vmem>>) target_semaphore(%arg12 : memref<!tpu.dma_semaphore, #tpu.memory_space<semaphore_mem>>)
      %dma_start3A_910 = arith.constant 6 : i32
      %dma_start3A_911 = arith.constant 6144 : i32
      %dma_start3A_912 = tpu.memref_slice %arg7[%dma_start3A_911] : memref<16384xf32, #tpu.memory_space<vmem>> -> memref<1024xf32, #tpu.memory_space<vmem>>
      %dma_start3A_913 = tpu.memref_slice %arg2[%dma_start3A_910, %mul3A_855] : memref<16x2600000xf32, #tpu.memory_space<hbm>> -> memref<1x1024xf32, #tpu.memory_space<hbm>>
      %dma_start3A_914 = tpu.memref_squeeze %dma_start3A_913 : memref<1x1024xf32, #tpu.memory_space<hbm>> -> memref<1024xf32, #tpu.memory_space<hbm>>
      %dma_start3A_915 = arith.constant 6144 : i32
      %dma_start3A_916 = tpu.memref_slice %arg7[%dma_start3A_915] : memref<16384xf32, #tpu.memory_space<vmem>> -> memref<1024xf32, #tpu.memory_space<vmem>>
      %dma_start3A_917 = tpu.memref_slice %arg2[%dma_start3A_910, %mul3A_855] : memref<16x2600000xf32, #tpu.memory_space<hbm>> -> memref<1x1024xf32, #tpu.memory_space<hbm>>
      %dma_start3A_918 = tpu.memref_squeeze %dma_start3A_917 : memref<1x1024xf32, #tpu.memory_space<hbm>> -> memref<1024xf32, #tpu.memory_space<hbm>>
      tpu.enqueue_dma source(%dma_start3A_918 : memref<1024xf32, #tpu.memory_space<hbm>>) target(%dma_start3A_916 : memref<1024xf32, #tpu.memory_space<vmem>>) target_semaphore(%arg12 : memref<!tpu.dma_semaphore, #tpu.memory_space<semaphore_mem>>)
      %dma_start3A_919 = arith.constant 7 : i32
      %dma_start3A_920 = arith.constant 7168 : i32
      %dma_start3A_921 = tpu.memref_slice %arg7[%dma_start3A_920] : memref<16384xf32, #tpu.memory_space<vmem>> -> memref<1024xf32, #tpu.memory_space<vmem>>
      %dma_start3A_922 = tpu.memref_slice %arg2[%dma_start3A_919, %mul3A_855] : memref<16x2600000xf32, #tpu.memory_space<hbm>> -> memref<1x1024xf32, #tpu.memory_space<hbm>>
      %dma_start3A_923 = tpu.memref_squeeze %dma_start3A_922 : memref<1x1024xf32, #tpu.memory_space<hbm>> -> memref<1024xf32, #tpu.memory_space<hbm>>
      %dma_start3A_924 = arith.constant 7168 : i32
      %dma_start3A_925 = tpu.memref_slice %arg7[%dma_start3A_924] : memref<16384xf32, #tpu.memory_space<vmem>> -> memref<1024xf32, #tpu.memory_space<vmem>>
      %dma_start3A_926 = tpu.memref_slice %arg2[%dma_start3A_919, %mul3A_855] : memref<16x2600000xf32, #tpu.memory_space<hbm>> -> memref<1x1024xf32, #tpu.memory_space<hbm>>
      %dma_start3A_927 = tpu.memref_squeeze %dma_start3A_926 : memref<1x1024xf32, #tpu.memory_space<hbm>> -> memref<1024xf32, #tpu.memory_space<hbm>>
      tpu.enqueue_dma source(%dma_start3A_927 : memref<1024xf32, #tpu.memory_space<hbm>>) target(%dma_start3A_925 : memref<1024xf32, #tpu.memory_space<vmem>>) target_semaphore(%arg12 : memref<!tpu.dma_semaphore, #tpu.memory_space<semaphore_mem>>)
      %dma_start3A_928 = arith.constant 8 : i32
      %dma_start3A_929 = arith.constant 8192 : i32
      %dma_start3A_930 = tpu.memref_slice %arg7[%dma_start3A_929] : memref<16384xf32, #tpu.memory_space<vmem>> -> memref<1024xf32, #tpu.memory_space<vmem>>
      %dma_start3A_931 = tpu.memref_slice %arg2[%dma_start3A_928, %mul3A_855] : memref<16x2600000xf32, #tpu.memory_space<hbm>> -> memref<1x1024xf32, #tpu.memory_space<hbm>>
      %dma_start3A_932 = tpu.memref_squeeze %dma_start3A_931 : memref<1x1024xf32, #tpu.memory_space<hbm>> -> memref<1024xf32, #tpu.memory_space<hbm>>
      %dma_start3A_933 = arith.constant 8192 : i32
      %dma_start3A_934 = tpu.memref_slice %arg7[%dma_start3A_933] : memref<16384xf32, #tpu.memory_space<vmem>> -> memref<1024xf32, #tpu.memory_space<vmem>>
      %dma_start3A_935 = tpu.memref_slice %arg2[%dma_start3A_928, %mul3A_855] : memref<16x2600000xf32, #tpu.memory_space<hbm>> -> memref<1x1024xf32, #tpu.memory_space<hbm>>
      %dma_start3A_936 = tpu.memref_squeeze %dma_start3A_935 : memref<1x1024xf32, #tpu.memory_space<hbm>> -> memref<1024xf32, #tpu.memory_space<hbm>>
      tpu.enqueue_dma source(%dma_start3A_936 : memref<1024xf32, #tpu.memory_space<hbm>>) target(%dma_start3A_934 : memref<1024xf32, #tpu.memory_space<vmem>>) target_semaphore(%arg12 : memref<!tpu.dma_semaphore, #tpu.memory_space<semaphore_mem>>)
      %dma_start3A_937 = arith.constant 9 : i32
      %dma_start3A_938 = arith.constant 9216 : i32
      %dma_start3A_939 = tpu.memref_slice %arg7[%dma_start3A_938] : memref<16384xf32, #tpu.memory_space<vmem>> -> memref<1024xf32, #tpu.memory_space<vmem>>
      %dma_start3A_940 = tpu.memref_slice %arg2[%dma_start3A_937, %mul3A_855] : memref<16x2600000xf32, #tpu.memory_space<hbm>> -> memref<1x1024xf32, #tpu.memory_space<hbm>>
      %dma_start3A_941 = tpu.memref_squeeze %dma_start3A_940 : memref<1x1024xf32, #tpu.memory_space<hbm>> -> memref<1024xf32, #tpu.memory_space<hbm>>
      %dma_start3A_942 = arith.constant 9216 : i32
      %dma_start3A_943 = tpu.memref_slice %arg7[%dma_start3A_942] : memref<16384xf32, #tpu.memory_space<vmem>> -> memref<1024xf32, #tpu.memory_space<vmem>>
      %dma_start3A_944 = tpu.memref_slice %arg2[%dma_start3A_937, %mul3A_855] : memref<16x2600000xf32, #tpu.memory_space<hbm>> -> memref<1x1024xf32, #tpu.memory_space<hbm>>
      %dma_start3A_945 = tpu.memref_squeeze %dma_start3A_944 : memref<1x1024xf32, #tpu.memory_space<hbm>> -> memref<1024xf32, #tpu.memory_space<hbm>>
      tpu.enqueue_dma source(%dma_start3A_945 : memref<1024xf32, #tpu.memory_space<hbm>>) target(%dma_start3A_943 : memref<1024xf32, #tpu.memory_space<vmem>>) target_semaphore(%arg12 : memref<!tpu.dma_semaphore, #tpu.memory_space<semaphore_mem>>)
      %dma_start3A_946 = arith.constant 10 : i32
      %dma_start3A_947 = arith.constant 10240 : i32
      %dma_start3A_948 = tpu.memref_slice %arg7[%dma_start3A_947] : memref<16384xf32, #tpu.memory_space<vmem>> -> memref<1024xf32, #tpu.memory_space<vmem>>
      %dma_start3A_949 = tpu.memref_slice %arg2[%dma_start3A_946, %mul3A_855] : memref<16x2600000xf32, #tpu.memory_space<hbm>> -> memref<1x1024xf32, #tpu.memory_space<hbm>>
      %dma_start3A_950 = tpu.memref_squeeze %dma_start3A_949 : memref<1x1024xf32, #tpu.memory_space<hbm>> -> memref<1024xf32, #tpu.memory_space<hbm>>
      %dma_start3A_951 = arith.constant 10240 : i32
      %dma_start3A_952 = tpu.memref_slice %arg7[%dma_start3A_951] : memref<16384xf32, #tpu.memory_space<vmem>> -> memref<1024xf32, #tpu.memory_space<vmem>>
      %dma_start3A_953 = tpu.memref_slice %arg2[%dma_start3A_946, %mul3A_855] : memref<16x2600000xf32, #tpu.memory_space<hbm>> -> memref<1x1024xf32, #tpu.memory_space<hbm>>
      %dma_start3A_954 = tpu.memref_squeeze %dma_start3A_953 : memref<1x1024xf32, #tpu.memory_space<hbm>> -> memref<1024xf32, #tpu.memory_space<hbm>>
      tpu.enqueue_dma source(%dma_start3A_954 : memref<1024xf32, #tpu.memory_space<hbm>>) target(%dma_start3A_952 : memref<1024xf32, #tpu.memory_space<vmem>>) target_semaphore(%arg12 : memref<!tpu.dma_semaphore, #tpu.memory_space<semaphore_mem>>)
      %dma_start3A_955 = arith.constant 11 : i32
      %dma_start3A_956 = arith.constant 11264 : i32
      %dma_start3A_957 = tpu.memref_slice %arg7[%dma_start3A_956] : memref<16384xf32, #tpu.memory_space<vmem>> -> memref<1024xf32, #tpu.memory_space<vmem>>
      %dma_start3A_958 = tpu.memref_slice %arg2[%dma_start3A_955, %mul3A_855] : memref<16x2600000xf32, #tpu.memory_space<hbm>> -> memref<1x1024xf32, #tpu.memory_space<hbm>>
      %dma_start3A_959 = tpu.memref_squeeze %dma_start3A_958 : memref<1x1024xf32, #tpu.memory_space<hbm>> -> memref<1024xf32, #tpu.memory_space<hbm>>
      %dma_start3A_960 = arith.constant 11264 : i32
      %dma_start3A_961 = tpu.memref_slice %arg7[%dma_start3A_960] : memref<16384xf32, #tpu.memory_space<vmem>> -> memref<1024xf32, #tpu.memory_space<vmem>>
      %dma_start3A_962 = tpu.memref_slice %arg2[%dma_start3A_955, %mul3A_855] : memref<16x2600000xf32, #tpu.memory_space<hbm>> -> memref<1x1024xf32, #tpu.memory_space<hbm>>
      %dma_start3A_963 = tpu.memref_squeeze %dma_start3A_962 : memref<1x1024xf32, #tpu.memory_space<hbm>> -> memref<1024xf32, #tpu.memory_space<hbm>>
      tpu.enqueue_dma source(%dma_start3A_963 : memref<1024xf32, #tpu.memory_space<hbm>>) target(%dma_start3A_961 : memref<1024xf32, #tpu.memory_space<vmem>>) target_semaphore(%arg12 : memref<!tpu.dma_semaphore, #tpu.memory_space<semaphore_mem>>)
      %dma_start3A_964 = arith.constant 12 : i32
      %dma_start3A_965 = arith.constant 12288 : i32
      %dma_start3A_966 = tpu.memref_slice %arg7[%dma_start3A_965] : memref<16384xf32, #tpu.memory_space<vmem>> -> memref<1024xf32, #tpu.memory_space<vmem>>
      %dma_start3A_967 = tpu.memref_slice %arg2[%dma_start3A_964, %mul3A_855] : memref<16x2600000xf32, #tpu.memory_space<hbm>> -> memref<1x1024xf32, #tpu.memory_space<hbm>>
      %dma_start3A_968 = tpu.memref_squeeze %dma_start3A_967 : memref<1x1024xf32, #tpu.memory_space<hbm>> -> memref<1024xf32, #tpu.memory_space<hbm>>
      %dma_start3A_969 = arith.constant 12288 : i32
      %dma_start3A_970 = tpu.memref_slice %arg7[%dma_start3A_969] : memref<16384xf32, #tpu.memory_space<vmem>> -> memref<1024xf32, #tpu.memory_space<vmem>>
      %dma_start3A_971 = tpu.memref_slice %arg2[%dma_start3A_964, %mul3A_855] : memref<16x2600000xf32, #tpu.memory_space<hbm>> -> memref<1x1024xf32, #tpu.memory_space<hbm>>
      %dma_start3A_972 = tpu.memref_squeeze %dma_start3A_971 : memref<1x1024xf32, #tpu.memory_space<hbm>> -> memref<1024xf32, #tpu.memory_space<hbm>>
      tpu.enqueue_dma source(%dma_start3A_972 : memref<1024xf32, #tpu.memory_space<hbm>>) target(%dma_start3A_970 : memref<1024xf32, #tpu.memory_space<vmem>>) target_semaphore(%arg12 : memref<!tpu.dma_semaphore, #tpu.memory_space<semaphore_mem>>)
      %dma_start3A_973 = arith.constant 13 : i32
      %dma_start3A_974 = arith.constant 13312 : i32
      %dma_start3A_975 = tpu.memref_slice %arg7[%dma_start3A_974] : memref<16384xf32, #tpu.memory_space<vmem>> -> memref<1024xf32, #tpu.memory_space<vmem>>
      %dma_start3A_976 = tpu.memref_slice %arg2[%dma_start3A_973, %mul3A_855] : memref<16x2600000xf32, #tpu.memory_space<hbm>> -> memref<1x1024xf32, #tpu.memory_space<hbm>>
      %dma_start3A_977 = tpu.memref_squeeze %dma_start3A_976 : memref<1x1024xf32, #tpu.memory_space<hbm>> -> memref<1024xf32, #tpu.memory_space<hbm>>
      %dma_start3A_978 = arith.constant 13312 : i32
      %dma_start3A_979 = tpu.memref_slice %arg7[%dma_start3A_978] : memref<16384xf32, #tpu.memory_space<vmem>> -> memref<1024xf32, #tpu.memory_space<vmem>>
      %dma_start3A_980 = tpu.memref_slice %arg2[%dma_start3A_973, %mul3A_855] : memref<16x2600000xf32, #tpu.memory_space<hbm>> -> memref<1x1024xf32, #tpu.memory_space<hbm>>
      %dma_start3A_981 = tpu.memref_squeeze %dma_start3A_980 : memref<1x1024xf32, #tpu.memory_space<hbm>> -> memref<1024xf32, #tpu.memory_space<hbm>>
      tpu.enqueue_dma source(%dma_start3A_981 : memref<1024xf32, #tpu.memory_space<hbm>>) target(%dma_start3A_979 : memref<1024xf32, #tpu.memory_space<vmem>>) target_semaphore(%arg12 : memref<!tpu.dma_semaphore, #tpu.memory_space<semaphore_mem>>)
      %dma_start3A_982 = arith.constant 14 : i32
      %dma_start3A_983 = arith.constant 14336 : i32
      %dma_start3A_984 = tpu.memref_slice %arg7[%dma_start3A_983] : memref<16384xf32, #tpu.memory_space<vmem>> -> memref<1024xf32, #tpu.memory_space<vmem>>
      %dma_start3A_985 = tpu.memref_slice %arg2[%dma_start3A_982, %mul3A_855] : memref<16x2600000xf32, #tpu.memory_space<hbm>> -> memref<1x1024xf32, #tpu.memory_space<hbm>>
      %dma_start3A_986 = tpu.memref_squeeze %dma_start3A_985 : memref<1x1024xf32, #tpu.memory_space<hbm>> -> memref<1024xf32, #tpu.memory_space<hbm>>
      %dma_start3A_987 = arith.constant 14336 : i32
      %dma_start3A_988 = tpu.memref_slice %arg7[%dma_start3A_987] : memref<16384xf32, #tpu.memory_space<vmem>> -> memref<1024xf32, #tpu.memory_space<vmem>>
      %dma_start3A_989 = tpu.memref_slice %arg2[%dma_start3A_982, %mul3A_855] : memref<16x2600000xf32, #tpu.memory_space<hbm>> -> memref<1x1024xf32, #tpu.memory_space<hbm>>
      %dma_start3A_990 = tpu.memref_squeeze %dma_start3A_989 : memref<1x1024xf32, #tpu.memory_space<hbm>> -> memref<1024xf32, #tpu.memory_space<hbm>>
      tpu.enqueue_dma source(%dma_start3A_990 : memref<1024xf32, #tpu.memory_space<hbm>>) target(%dma_start3A_988 : memref<1024xf32, #tpu.memory_space<vmem>>) target_semaphore(%arg12 : memref<!tpu.dma_semaphore, #tpu.memory_space<semaphore_mem>>)
      %dma_start3A_991 = arith.constant 15 : i32
      %dma_start3A_992 = arith.constant 15360 : i32
      %dma_start3A_993 = tpu.memref_slice %arg7[%dma_start3A_992] : memref<16384xf32, #tpu.memory_space<vmem>> -> memref<1024xf32, #tpu.memory_space<vmem>>
      %dma_start3A_994 = tpu.memref_slice %arg2[%dma_start3A_991, %mul3A_855] : memref<16x2600000xf32, #tpu.memory_space<hbm>> -> memref<1x1024xf32, #tpu.memory_space<hbm>>
      %dma_start3A_995 = tpu.memref_squeeze %dma_start3A_994 : memref<1x1024xf32, #tpu.memory_space<hbm>> -> memref<1024xf32, #tpu.memory_space<hbm>>
      %dma_start3A_996 = arith.constant 15360 : i32
      %dma_start3A_997 = tpu.memref_slice %arg7[%dma_start3A_996] : memref<16384xf32, #tpu.memory_space<vmem>> -> memref<1024xf32, #tpu.memory_space<vmem>>
      %dma_start3A_998 = tpu.memref_slice %arg2[%dma_start3A_991, %mul3A_855] : memref<16x2600000xf32, #tpu.memory_space<hbm>> -> memref<1x1024xf32, #tpu.memory_space<hbm>>
      %dma_start3A_999 = tpu.memref_squeeze %dma_start3A_998 : memref<1x1024xf32, #tpu.memory_space<hbm>> -> memref<1024xf32, #tpu.memory_space<hbm>>
      tpu.enqueue_dma source(%dma_start3A_999 : memref<1024xf32, #tpu.memory_space<hbm>>) target(%dma_start3A_997 : memref<1024xf32, #tpu.memory_space<vmem>>) target_semaphore(%arg12 : memref<!tpu.dma_semaphore, #tpu.memory_space<semaphore_mem>>)
      %gt3A = arith.constant 0 : i32
      %gt3A_1000 = arith.cmpi sgt, %scan3A_668, %gt3A : i32
      %convert_element_type3A_1001 = arith.extui %gt3A_1000 : i1 to i32
      %cond3A_1002 = arith.constant 0 : i32
      %cond3A_1003 = arith.cmpi ne, %convert_element_type3A_1001, %cond3A_1002 : i32
      scf.if %cond3A_1003 {
        %dma_wait3A_1713 = arith.constant 0 : i32
        %dma_wait3A_1714 = tpu.memref_slice %arg4[%dma_wait3A_1713] : memref<41600000xf32, #tpu.memory_space<hbm>> -> memref<16384xf32, #tpu.memory_space<hbm>>
        %dma_wait3A_1715 = arith.constant 0 : i32
        %dma_wait3A_1716 = tpu.memref_slice %arg4[%dma_wait3A_1715] : memref<41600000xf32, #tpu.memory_space<hbm>> -> memref<16384xf32, #tpu.memory_space<hbm>>
        tpu.wait_dma2 semaphore(%arg13 : memref<!tpu.dma_semaphore, #tpu.memory_space<semaphore_mem>>) src(%dma_wait3A_1716 : memref<16384xf32, #tpu.memory_space<hbm>>) dst(%arg8 : memref<16384xf32, #tpu.memory_space<vmem>>)
      } else {
      }
      %parallel_loop3A = arith.constant 0 : i32
      %parallel_loop3A_1004 = arith.constant 1024 : i32
      %parallel_loop3A_1005 = arith.constant 1 : i32
      scf.for %parallel_loop3A_1713 = %parallel_loop3A to %parallel_loop3A_1004 step %parallel_loop3A_1005  : i32 {
        %parallel_loop3A_1714 = vector.broadcast %parallel_loop3A_1713 : i32 to vector<16xi32>
        %parallel_loop3A_1715 = arith.addi %mul3A_3, %parallel_loop3A_1714 : vector<16xi32>
        %parallel_loop3A_1716 = tpu.vector_load_idx %arg5[%parallel_loop3A_1715] : memref<16384xf32, #tpu.memory_space<vmem>>[vector<16xi32>], vector<16xf32>,
        %parallel_loop3A_1717 = arith.constant 16 : i32
        %parallel_loop3A_1718 = arith.muli %parallel_loop3A_1713, %parallel_loop3A_1717 : i32
        %parallel_loop3A_1719 = arith.index_cast %parallel_loop3A_1718 : i32 to index
        %parallel_loop3A_1720 = tpu.vector_load %arg8[%parallel_loop3A_1719] {strides = array<i32>} : memref<16384xf32, #tpu.memory_space<vmem>>, vector<16xf32>,
        tpu.vector_store %arg8[%parallel_loop3A_1719], %parallel_loop3A_1716 {strides = array<i32>} : memref<16384xf32, #tpu.memory_space<vmem>>, vector<16xf32>,
      } {sc.loop_unroll_factor = 8 : i64, sc.parallel_access}
      %mul3A_1006 = arith.constant 32 : i32
      %mul3A_1007 = arith.muli %mul3A_670, %mul3A_1006 : i32
      %add3A_1008 = arith.addi %add3A, %mul3A_1007 : i32
      %min3A_1009 = arith.constant 2538 : i32
      %min3A_1010 = arith.minsi %add3A_1008, %min3A_1009 : i32
      %mul3A_1011 = arith.constant 16384 : i32
      %mul3A_1012 = arith.muli %min3A_1010, %mul3A_1011 : i32
      %dma_start3A_1013 = tpu.memref_slice %arg4[%mul3A_1012] : memref<41600000xf32, #tpu.memory_space<hbm>> -> memref<16384xf32, #tpu.memory_space<hbm>>
      %dma_start3A_1014 = tpu.memref_slice %arg4[%mul3A_1012] : memref<41600000xf32, #tpu.memory_space<hbm>> -> memref<16384xf32, #tpu.memory_space<hbm>>
      tpu.enqueue_dma source(%arg8 : memref<16384xf32, #tpu.memory_space<vmem>>) target(%dma_start3A_1014 : memref<16384xf32, #tpu.memory_space<hbm>>) target_semaphore(%arg13 : memref<!tpu.dma_semaphore, #tpu.memory_space<semaphore_mem>>)
      %dma_wait3A_1015 = arith.constant 0 : i32
      %dma_wait3A_1016 = arith.constant 0 : i32
      %dma_wait3A_1017 = tpu.memref_slice %arg6[%dma_wait3A_1016] : memref<16384xf32, #tpu.memory_space<vmem>> -> memref<1024xf32, #tpu.memory_space<vmem>>
      %dma_wait3A_1018 = arith.constant 0 : i32
      %dma_wait3A_1019 = tpu.memref_slice %arg2[%dma_wait3A_1015, %dma_wait3A_1018] : memref<16x2600000xf32, #tpu.memory_space<hbm>> -> memref<1x1024xf32, #tpu.memory_space<hbm>>
      %dma_wait3A_1020 = tpu.memref_squeeze %dma_wait3A_1019 : memref<1x1024xf32, #tpu.memory_space<hbm>> -> memref<1024xf32, #tpu.memory_space<hbm>>
      %dma_wait3A_1021 = arith.constant 0 : i32
      %dma_wait3A_1022 = tpu.memref_slice %arg6[%dma_wait3A_1021] : memref<16384xf32, #tpu.memory_space<vmem>> -> memref<1024xf32, #tpu.memory_space<vmem>>
      %dma_wait3A_1023 = arith.constant 0 : i32
      %dma_wait3A_1024 = tpu.memref_slice %arg2[%dma_wait3A_1015, %dma_wait3A_1023] : memref<16x2600000xf32, #tpu.memory_space<hbm>> -> memref<1x1024xf32, #tpu.memory_space<hbm>>
      %dma_wait3A_1025 = tpu.memref_squeeze %dma_wait3A_1024 : memref<1x1024xf32, #tpu.memory_space<hbm>> -> memref<1024xf32, #tpu.memory_space<hbm>>
      tpu.wait_dma2 semaphore(%arg11 : memref<!tpu.dma_semaphore, #tpu.memory_space<semaphore_mem>>) src(%dma_wait3A_1025 : memref<1024xf32, #tpu.memory_space<hbm>>) dst(%dma_wait3A_1022 : memref<1024xf32, #tpu.memory_space<vmem>>)
      %dma_wait3A_1026 = arith.constant 0 : i32
      %dma_wait3A_1027 = arith.constant 1024 : i32
      %dma_wait3A_1028 = tpu.memref_slice %arg6[%dma_wait3A_1027] : memref<16384xf32, #tpu.memory_space<vmem>> -> memref<1024xf32, #tpu.memory_space<vmem>>
      %dma_wait3A_1029 = arith.constant 0 : i32
      %dma_wait3A_1030 = tpu.memref_slice %arg2[%dma_wait3A_1026, %dma_wait3A_1029] : memref<16x2600000xf32, #tpu.memory_space<hbm>> -> memref<1x1024xf32, #tpu.memory_space<hbm>>
      %dma_wait3A_1031 = tpu.memref_squeeze %dma_wait3A_1030 : memref<1x1024xf32, #tpu.memory_space<hbm>> -> memref<1024xf32, #tpu.memory_space<hbm>>
      %dma_wait3A_1032 = arith.constant 1024 : i32
      %dma_wait3A_1033 = tpu.memref_slice %arg6[%dma_wait3A_1032] : memref<16384xf32, #tpu.memory_space<vmem>> -> memref<1024xf32, #tpu.memory_space<vmem>>
      %dma_wait3A_1034 = arith.constant 0 : i32
      %dma_wait3A_1035 = tpu.memref_slice %arg2[%dma_wait3A_1026, %dma_wait3A_1034] : memref<16x2600000xf32, #tpu.memory_space<hbm>> -> memref<1x1024xf32, #tpu.memory_space<hbm>>
      %dma_wait3A_1036 = tpu.memref_squeeze %dma_wait3A_1035 : memref<1x1024xf32, #tpu.memory_space<hbm>> -> memref<1024xf32, #tpu.memory_space<hbm>>
      tpu.wait_dma2 semaphore(%arg11 : memref<!tpu.dma_semaphore, #tpu.memory_space<semaphore_mem>>) src(%dma_wait3A_1036 : memref<1024xf32, #tpu.memory_space<hbm>>) dst(%dma_wait3A_1033 : memref<1024xf32, #tpu.memory_space<vmem>>)
      %dma_wait3A_1037 = arith.constant 0 : i32
      %dma_wait3A_1038 = arith.constant 2048 : i32
      %dma_wait3A_1039 = tpu.memref_slice %arg6[%dma_wait3A_1038] : memref<16384xf32, #tpu.memory_space<vmem>> -> memref<1024xf32, #tpu.memory_space<vmem>>
      %dma_wait3A_1040 = arith.constant 0 : i32
      %dma_wait3A_1041 = tpu.memref_slice %arg2[%dma_wait3A_1037, %dma_wait3A_1040] : memref<16x2600000xf32, #tpu.memory_space<hbm>> -> memref<1x1024xf32, #tpu.memory_space<hbm>>
      %dma_wait3A_1042 = tpu.memref_squeeze %dma_wait3A_1041 : memref<1x1024xf32, #tpu.memory_space<hbm>> -> memref<1024xf32, #tpu.memory_space<hbm>>
      %dma_wait3A_1043 = arith.constant 2048 : i32
      %dma_wait3A_1044 = tpu.memref_slice %arg6[%dma_wait3A_1043] : memref<16384xf32, #tpu.memory_space<vmem>> -> memref<1024xf32, #tpu.memory_space<vmem>>
      %dma_wait3A_1045 = arith.constant 0 : i32
      %dma_wait3A_1046 = tpu.memref_slice %arg2[%dma_wait3A_1037, %dma_wait3A_1045] : memref<16x2600000xf32, #tpu.memory_space<hbm>> -> memref<1x1024xf32, #tpu.memory_space<hbm>>
      %dma_wait3A_1047 = tpu.memref_squeeze %dma_wait3A_1046 : memref<1x1024xf32, #tpu.memory_space<hbm>> -> memref<1024xf32, #tpu.memory_space<hbm>>
      tpu.wait_dma2 semaphore(%arg11 : memref<!tpu.dma_semaphore, #tpu.memory_space<semaphore_mem>>) src(%dma_wait3A_1047 : memref<1024xf32, #tpu.memory_space<hbm>>) dst(%dma_wait3A_1044 : memref<1024xf32, #tpu.memory_space<vmem>>)
      %dma_wait3A_1048 = arith.constant 0 : i32
      %dma_wait3A_1049 = arith.constant 3072 : i32
      %dma_wait3A_1050 = tpu.memref_slice %arg6[%dma_wait3A_1049] : memref<16384xf32, #tpu.memory_space<vmem>> -> memref<1024xf32, #tpu.memory_space<vmem>>
      %dma_wait3A_1051 = arith.constant 0 : i32
      %dma_wait3A_1052 = tpu.memref_slice %arg2[%dma_wait3A_1048, %dma_wait3A_1051] : memref<16x2600000xf32, #tpu.memory_space<hbm>> -> memref<1x1024xf32, #tpu.memory_space<hbm>>
      %dma_wait3A_1053 = tpu.memref_squeeze %dma_wait3A_1052 : memref<1x1024xf32, #tpu.memory_space<hbm>> -> memref<1024xf32, #tpu.memory_space<hbm>>
      %dma_wait3A_1054 = arith.constant 3072 : i32
      %dma_wait3A_1055 = tpu.memref_slice %arg6[%dma_wait3A_1054] : memref<16384xf32, #tpu.memory_space<vmem>> -> memref<1024xf32, #tpu.memory_space<vmem>>
      %dma_wait3A_1056 = arith.constant 0 : i32
      %dma_wait3A_1057 = tpu.memref_slice %arg2[%dma_wait3A_1048, %dma_wait3A_1056] : memref<16x2600000xf32, #tpu.memory_space<hbm>> -> memref<1x1024xf32, #tpu.memory_space<hbm>>
      %dma_wait3A_1058 = tpu.memref_squeeze %dma_wait3A_1057 : memref<1x1024xf32, #tpu.memory_space<hbm>> -> memref<1024xf32, #tpu.memory_space<hbm>>
      tpu.wait_dma2 semaphore(%arg11 : memref<!tpu.dma_semaphore, #tpu.memory_space<semaphore_mem>>) src(%dma_wait3A_1058 : memref<1024xf32, #tpu.memory_space<hbm>>) dst(%dma_wait3A_1055 : memref<1024xf32, #tpu.memory_space<vmem>>)
      %dma_wait3A_1059 = arith.constant 0 : i32
      %dma_wait3A_1060 = arith.constant 4096 : i32
      %dma_wait3A_1061 = tpu.memref_slice %arg6[%dma_wait3A_1060] : memref<16384xf32, #tpu.memory_space<vmem>> -> memref<1024xf32, #tpu.memory_space<vmem>>
      %dma_wait3A_1062 = arith.constant 0 : i32
      %dma_wait3A_1063 = tpu.memref_slice %arg2[%dma_wait3A_1059, %dma_wait3A_1062] : memref<16x2600000xf32, #tpu.memory_space<hbm>> -> memref<1x1024xf32, #tpu.memory_space<hbm>>
      %dma_wait3A_1064 = tpu.memref_squeeze %dma_wait3A_1063 : memref<1x1024xf32, #tpu.memory_space<hbm>> -> memref<1024xf32, #tpu.memory_space<hbm>>
      %dma_wait3A_1065 = arith.constant 4096 : i32
      %dma_wait3A_1066 = tpu.memref_slice %arg6[%dma_wait3A_1065] : memref<16384xf32, #tpu.memory_space<vmem>> -> memref<1024xf32, #tpu.memory_space<vmem>>
      %dma_wait3A_1067 = arith.constant 0 : i32
      %dma_wait3A_1068 = tpu.memref_slice %arg2[%dma_wait3A_1059, %dma_wait3A_1067] : memref<16x2600000xf32, #tpu.memory_space<hbm>> -> memref<1x1024xf32, #tpu.memory_space<hbm>>
      %dma_wait3A_1069 = tpu.memref_squeeze %dma_wait3A_1068 : memref<1x1024xf32, #tpu.memory_space<hbm>> -> memref<1024xf32, #tpu.memory_space<hbm>>
      tpu.wait_dma2 semaphore(%arg11 : memref<!tpu.dma_semaphore, #tpu.memory_space<semaphore_mem>>) src(%dma_wait3A_1069 : memref<1024xf32, #tpu.memory_space<hbm>>) dst(%dma_wait3A_1066 : memref<1024xf32, #tpu.memory_space<vmem>>)
      %dma_wait3A_1070 = arith.constant 0 : i32
      %dma_wait3A_1071 = arith.constant 5120 : i32
      %dma_wait3A_1072 = tpu.memref_slice %arg6[%dma_wait3A_1071] : memref<16384xf32, #tpu.memory_space<vmem>> -> memref<1024xf32, #tpu.memory_space<vmem>>
      %dma_wait3A_1073 = arith.constant 0 : i32
      %dma_wait3A_1074 = tpu.memref_slice %arg2[%dma_wait3A_1070, %dma_wait3A_1073] : memref<16x2600000xf32, #tpu.memory_space<hbm>> -> memref<1x1024xf32, #tpu.memory_space<hbm>>
      %dma_wait3A_1075 = tpu.memref_squeeze %dma_wait3A_1074 : memref<1x1024xf32, #tpu.memory_space<hbm>> -> memref<1024xf32, #tpu.memory_space<hbm>>
      %dma_wait3A_1076 = arith.constant 5120 : i32
      %dma_wait3A_1077 = tpu.memref_slice %arg6[%dma_wait3A_1076] : memref<16384xf32, #tpu.memory_space<vmem>> -> memref<1024xf32, #tpu.memory_space<vmem>>
      %dma_wait3A_1078 = arith.constant 0 : i32
      %dma_wait3A_1079 = tpu.memref_slice %arg2[%dma_wait3A_1070, %dma_wait3A_1078] : memref<16x2600000xf32, #tpu.memory_space<hbm>> -> memref<1x1024xf32, #tpu.memory_space<hbm>>
      %dma_wait3A_1080 = tpu.memref_squeeze %dma_wait3A_1079 : memref<1x1024xf32, #tpu.memory_space<hbm>> -> memref<1024xf32, #tpu.memory_space<hbm>>
      tpu.wait_dma2 semaphore(%arg11 : memref<!tpu.dma_semaphore, #tpu.memory_space<semaphore_mem>>) src(%dma_wait3A_1080 : memref<1024xf32, #tpu.memory_space<hbm>>) dst(%dma_wait3A_1077 : memref<1024xf32, #tpu.memory_space<vmem>>)
      %dma_wait3A_1081 = arith.constant 0 : i32
      %dma_wait3A_1082 = arith.constant 6144 : i32
      %dma_wait3A_1083 = tpu.memref_slice %arg6[%dma_wait3A_1082] : memref<16384xf32, #tpu.memory_space<vmem>> -> memref<1024xf32, #tpu.memory_space<vmem>>
      %dma_wait3A_1084 = arith.constant 0 : i32
      %dma_wait3A_1085 = tpu.memref_slice %arg2[%dma_wait3A_1081, %dma_wait3A_1084] : memref<16x2600000xf32, #tpu.memory_space<hbm>> -> memref<1x1024xf32, #tpu.memory_space<hbm>>
      %dma_wait3A_1086 = tpu.memref_squeeze %dma_wait3A_1085 : memref<1x1024xf32, #tpu.memory_space<hbm>> -> memref<1024xf32, #tpu.memory_space<hbm>>
      %dma_wait3A_1087 = arith.constant 6144 : i32
      %dma_wait3A_1088 = tpu.memref_slice %arg6[%dma_wait3A_1087] : memref<16384xf32, #tpu.memory_space<vmem>> -> memref<1024xf32, #tpu.memory_space<vmem>>
      %dma_wait3A_1089 = arith.constant 0 : i32
      %dma_wait3A_1090 = tpu.memref_slice %arg2[%dma_wait3A_1081, %dma_wait3A_1089] : memref<16x2600000xf32, #tpu.memory_space<hbm>> -> memref<1x1024xf32, #tpu.memory_space<hbm>>
      %dma_wait3A_1091 = tpu.memref_squeeze %dma_wait3A_1090 : memref<1x1024xf32, #tpu.memory_space<hbm>> -> memref<1024xf32, #tpu.memory_space<hbm>>
      tpu.wait_dma2 semaphore(%arg11 : memref<!tpu.dma_semaphore, #tpu.memory_space<semaphore_mem>>) src(%dma_wait3A_1091 : memref<1024xf32, #tpu.memory_space<hbm>>) dst(%dma_wait3A_1088 : memref<1024xf32, #tpu.memory_space<vmem>>)
      %dma_wait3A_1092 = arith.constant 0 : i32
      %dma_wait3A_1093 = arith.constant 7168 : i32
      %dma_wait3A_1094 = tpu.memref_slice %arg6[%dma_wait3A_1093] : memref<16384xf32, #tpu.memory_space<vmem>> -> memref<1024xf32, #tpu.memory_space<vmem>>
      %dma_wait3A_1095 = arith.constant 0 : i32
      %dma_wait3A_1096 = tpu.memref_slice %arg2[%dma_wait3A_1092, %dma_wait3A_1095] : memref<16x2600000xf32, #tpu.memory_space<hbm>> -> memref<1x1024xf32, #tpu.memory_space<hbm>>
      %dma_wait3A_1097 = tpu.memref_squeeze %dma_wait3A_1096 : memref<1x1024xf32, #tpu.memory_space<hbm>> -> memref<1024xf32, #tpu.memory_space<hbm>>
      %dma_wait3A_1098 = arith.constant 7168 : i32
      %dma_wait3A_1099 = tpu.memref_slice %arg6[%dma_wait3A_1098] : memref<16384xf32, #tpu.memory_space<vmem>> -> memref<1024xf32, #tpu.memory_space<vmem>>
      %dma_wait3A_1100 = arith.constant 0 : i32
      %dma_wait3A_1101 = tpu.memref_slice %arg2[%dma_wait3A_1092, %dma_wait3A_1100] : memref<16x2600000xf32, #tpu.memory_space<hbm>> -> memref<1x1024xf32, #tpu.memory_space<hbm>>
      %dma_wait3A_1102 = tpu.memref_squeeze %dma_wait3A_1101 : memref<1x1024xf32, #tpu.memory_space<hbm>> -> memref<1024xf32, #tpu.memory_space<hbm>>
      tpu.wait_dma2 semaphore(%arg11 : memref<!tpu.dma_semaphore, #tpu.memory_space<semaphore_mem>>) src(%dma_wait3A_1102 : memref<1024xf32, #tpu.memory_space<hbm>>) dst(%dma_wait3A_1099 : memref<1024xf32, #tpu.memory_space<vmem>>)
      %dma_wait3A_1103 = arith.constant 0 : i32
      %dma_wait3A_1104 = arith.constant 8192 : i32
      %dma_wait3A_1105 = tpu.memref_slice %arg6[%dma_wait3A_1104] : memref<16384xf32, #tpu.memory_space<vmem>> -> memref<1024xf32, #tpu.memory_space<vmem>>
      %dma_wait3A_1106 = arith.constant 0 : i32
      %dma_wait3A_1107 = tpu.memref_slice %arg2[%dma_wait3A_1103, %dma_wait3A_1106] : memref<16x2600000xf32, #tpu.memory_space<hbm>> -> memref<1x1024xf32, #tpu.memory_space<hbm>>
      %dma_wait3A_1108 = tpu.memref_squeeze %dma_wait3A_1107 : memref<1x1024xf32, #tpu.memory_space<hbm>> -> memref<1024xf32, #tpu.memory_space<hbm>>
      %dma_wait3A_1109 = arith.constant 8192 : i32
      %dma_wait3A_1110 = tpu.memref_slice %arg6[%dma_wait3A_1109] : memref<16384xf32, #tpu.memory_space<vmem>> -> memref<1024xf32, #tpu.memory_space<vmem>>
      %dma_wait3A_1111 = arith.constant 0 : i32
      %dma_wait3A_1112 = tpu.memref_slice %arg2[%dma_wait3A_1103, %dma_wait3A_1111] : memref<16x2600000xf32, #tpu.memory_space<hbm>> -> memref<1x1024xf32, #tpu.memory_space<hbm>>
      %dma_wait3A_1113 = tpu.memref_squeeze %dma_wait3A_1112 : memref<1x1024xf32, #tpu.memory_space<hbm>> -> memref<1024xf32, #tpu.memory_space<hbm>>
      tpu.wait_dma2 semaphore(%arg11 : memref<!tpu.dma_semaphore, #tpu.memory_space<semaphore_mem>>) src(%dma_wait3A_1113 : memref<1024xf32, #tpu.memory_space<hbm>>) dst(%dma_wait3A_1110 : memref<1024xf32, #tpu.memory_space<vmem>>)
      %dma_wait3A_1114 = arith.constant 0 : i32
      %dma_wait3A_1115 = arith.constant 9216 : i32
      %dma_wait3A_1116 = tpu.memref_slice %arg6[%dma_wait3A_1115] : memref<16384xf32, #tpu.memory_space<vmem>> -> memref<1024xf32, #tpu.memory_space<vmem>>
      %dma_wait3A_1117 = arith.constant 0 : i32
      %dma_wait3A_1118 = tpu.memref_slice %arg2[%dma_wait3A_1114, %dma_wait3A_1117] : memref<16x2600000xf32, #tpu.memory_space<hbm>> -> memref<1x1024xf32, #tpu.memory_space<hbm>>
      %dma_wait3A_1119 = tpu.memref_squeeze %dma_wait3A_1118 : memref<1x1024xf32, #tpu.memory_space<hbm>> -> memref<1024xf32, #tpu.memory_space<hbm>>
      %dma_wait3A_1120 = arith.constant 9216 : i32
      %dma_wait3A_1121 = tpu.memref_slice %arg6[%dma_wait3A_1120] : memref<16384xf32, #tpu.memory_space<vmem>> -> memref<1024xf32, #tpu.memory_space<vmem>>
      %dma_wait3A_1122 = arith.constant 0 : i32
      %dma_wait3A_1123 = tpu.memref_slice %arg2[%dma_wait3A_1114, %dma_wait3A_1122] : memref<16x2600000xf32, #tpu.memory_space<hbm>> -> memref<1x1024xf32, #tpu.memory_space<hbm>>
      %dma_wait3A_1124 = tpu.memref_squeeze %dma_wait3A_1123 : memref<1x1024xf32, #tpu.memory_space<hbm>> -> memref<1024xf32, #tpu.memory_space<hbm>>
      tpu.wait_dma2 semaphore(%arg11 : memref<!tpu.dma_semaphore, #tpu.memory_space<semaphore_mem>>) src(%dma_wait3A_1124 : memref<1024xf32, #tpu.memory_space<hbm>>) dst(%dma_wait3A_1121 : memref<1024xf32, #tpu.memory_space<vmem>>)
      %dma_wait3A_1125 = arith.constant 0 : i32
      %dma_wait3A_1126 = arith.constant 10240 : i32
      %dma_wait3A_1127 = tpu.memref_slice %arg6[%dma_wait3A_1126] : memref<16384xf32, #tpu.memory_space<vmem>> -> memref<1024xf32, #tpu.memory_space<vmem>>
      %dma_wait3A_1128 = arith.constant 0 : i32
      %dma_wait3A_1129 = tpu.memref_slice %arg2[%dma_wait3A_1125, %dma_wait3A_1128] : memref<16x2600000xf32, #tpu.memory_space<hbm>> -> memref<1x1024xf32, #tpu.memory_space<hbm>>
      %dma_wait3A_1130 = tpu.memref_squeeze %dma_wait3A_1129 : memref<1x1024xf32, #tpu.memory_space<hbm>> -> memref<1024xf32, #tpu.memory_space<hbm>>
      %dma_wait3A_1131 = arith.constant 10240 : i32
      %dma_wait3A_1132 = tpu.memref_slice %arg6[%dma_wait3A_1131] : memref<16384xf32, #tpu.memory_space<vmem>> -> memref<1024xf32, #tpu.memory_space<vmem>>
      %dma_wait3A_1133 = arith.constant 0 : i32
      %dma_wait3A_1134 = tpu.memref_slice %arg2[%dma_wait3A_1125, %dma_wait3A_1133] : memref<16x2600000xf32, #tpu.memory_space<hbm>> -> memref<1x1024xf32, #tpu.memory_space<hbm>>
      %dma_wait3A_1135 = tpu.memref_squeeze %dma_wait3A_1134 : memref<1x1024xf32, #tpu.memory_space<hbm>> -> memref<1024xf32, #tpu.memory_space<hbm>>
      tpu.wait_dma2 semaphore(%arg11 : memref<!tpu.dma_semaphore, #tpu.memory_space<semaphore_mem>>) src(%dma_wait3A_1135 : memref<1024xf32, #tpu.memory_space<hbm>>) dst(%dma_wait3A_1132 : memref<1024xf32, #tpu.memory_space<vmem>>)
      %dma_wait3A_1136 = arith.constant 0 : i32
      %dma_wait3A_1137 = arith.constant 11264 : i32
      %dma_wait3A_1138 = tpu.memref_slice %arg6[%dma_wait3A_1137] : memref<16384xf32, #tpu.memory_space<vmem>> -> memref<1024xf32, #tpu.memory_space<vmem>>
      %dma_wait3A_1139 = arith.constant 0 : i32
      %dma_wait3A_1140 = tpu.memref_slice %arg2[%dma_wait3A_1136, %dma_wait3A_1139] : memref<16x2600000xf32, #tpu.memory_space<hbm>> -> memref<1x1024xf32, #tpu.memory_space<hbm>>
      %dma_wait3A_1141 = tpu.memref_squeeze %dma_wait3A_1140 : memref<1x1024xf32, #tpu.memory_space<hbm>> -> memref<1024xf32, #tpu.memory_space<hbm>>
      %dma_wait3A_1142 = arith.constant 11264 : i32
      %dma_wait3A_1143 = tpu.memref_slice %arg6[%dma_wait3A_1142] : memref<16384xf32, #tpu.memory_space<vmem>> -> memref<1024xf32, #tpu.memory_space<vmem>>
      %dma_wait3A_1144 = arith.constant 0 : i32
      %dma_wait3A_1145 = tpu.memref_slice %arg2[%dma_wait3A_1136, %dma_wait3A_1144] : memref<16x2600000xf32, #tpu.memory_space<hbm>> -> memref<1x1024xf32, #tpu.memory_space<hbm>>
      %dma_wait3A_1146 = tpu.memref_squeeze %dma_wait3A_1145 : memref<1x1024xf32, #tpu.memory_space<hbm>> -> memref<1024xf32, #tpu.memory_space<hbm>>
      tpu.wait_dma2 semaphore(%arg11 : memref<!tpu.dma_semaphore, #tpu.memory_space<semaphore_mem>>) src(%dma_wait3A_1146 : memref<1024xf32, #tpu.memory_space<hbm>>) dst(%dma_wait3A_1143 : memref<1024xf32, #tpu.memory_space<vmem>>)
      %dma_wait3A_1147 = arith.constant 0 : i32
      %dma_wait3A_1148 = arith.constant 12288 : i32
      %dma_wait3A_1149 = tpu.memref_slice %arg6[%dma_wait3A_1148] : memref<16384xf32, #tpu.memory_space<vmem>> -> memref<1024xf32, #tpu.memory_space<vmem>>
      %dma_wait3A_1150 = arith.constant 0 : i32
      %dma_wait3A_1151 = tpu.memref_slice %arg2[%dma_wait3A_1147, %dma_wait3A_1150] : memref<16x2600000xf32, #tpu.memory_space<hbm>> -> memref<1x1024xf32, #tpu.memory_space<hbm>>
      %dma_wait3A_1152 = tpu.memref_squeeze %dma_wait3A_1151 : memref<1x1024xf32, #tpu.memory_space<hbm>> -> memref<1024xf32, #tpu.memory_space<hbm>>
      %dma_wait3A_1153 = arith.constant 12288 : i32
      %dma_wait3A_1154 = tpu.memref_slice %arg6[%dma_wait3A_1153] : memref<16384xf32, #tpu.memory_space<vmem>> -> memref<1024xf32, #tpu.memory_space<vmem>>
      %dma_wait3A_1155 = arith.constant 0 : i32
      %dma_wait3A_1156 = tpu.memref_slice %arg2[%dma_wait3A_1147, %dma_wait3A_1155] : memref<16x2600000xf32, #tpu.memory_space<hbm>> -> memref<1x1024xf32, #tpu.memory_space<hbm>>
      %dma_wait3A_1157 = tpu.memref_squeeze %dma_wait3A_1156 : memref<1x1024xf32, #tpu.memory_space<hbm>> -> memref<1024xf32, #tpu.memory_space<hbm>>
      tpu.wait_dma2 semaphore(%arg11 : memref<!tpu.dma_semaphore, #tpu.memory_space<semaphore_mem>>) src(%dma_wait3A_1157 : memref<1024xf32, #tpu.memory_space<hbm>>) dst(%dma_wait3A_1154 : memref<1024xf32, #tpu.memory_space<vmem>>)
      %dma_wait3A_1158 = arith.constant 0 : i32
      %dma_wait3A_1159 = arith.constant 13312 : i32
      %dma_wait3A_1160 = tpu.memref_slice %arg6[%dma_wait3A_1159] : memref<16384xf32, #tpu.memory_space<vmem>> -> memref<1024xf32, #tpu.memory_space<vmem>>
      %dma_wait3A_1161 = arith.constant 0 : i32
      %dma_wait3A_1162 = tpu.memref_slice %arg2[%dma_wait3A_1158, %dma_wait3A_1161] : memref<16x2600000xf32, #tpu.memory_space<hbm>> -> memref<1x1024xf32, #tpu.memory_space<hbm>>
      %dma_wait3A_1163 = tpu.memref_squeeze %dma_wait3A_1162 : memref<1x1024xf32, #tpu.memory_space<hbm>> -> memref<1024xf32, #tpu.memory_space<hbm>>
      %dma_wait3A_1164 = arith.constant 13312 : i32
      %dma_wait3A_1165 = tpu.memref_slice %arg6[%dma_wait3A_1164] : memref<16384xf32, #tpu.memory_space<vmem>> -> memref<1024xf32, #tpu.memory_space<vmem>>
      %dma_wait3A_1166 = arith.constant 0 : i32
      %dma_wait3A_1167 = tpu.memref_slice %arg2[%dma_wait3A_1158, %dma_wait3A_1166] : memref<16x2600000xf32, #tpu.memory_space<hbm>> -> memref<1x1024xf32, #tpu.memory_space<hbm>>
      %dma_wait3A_1168 = tpu.memref_squeeze %dma_wait3A_1167 : memref<1x1024xf32, #tpu.memory_space<hbm>> -> memref<1024xf32, #tpu.memory_space<hbm>>
      tpu.wait_dma2 semaphore(%arg11 : memref<!tpu.dma_semaphore, #tpu.memory_space<semaphore_mem>>) src(%dma_wait3A_1168 : memref<1024xf32, #tpu.memory_space<hbm>>) dst(%dma_wait3A_1165 : memref<1024xf32, #tpu.memory_space<vmem>>)
      %dma_wait3A_1169 = arith.constant 0 : i32
      %dma_wait3A_1170 = arith.constant 14336 : i32
      %dma_wait3A_1171 = tpu.memref_slice %arg6[%dma_wait3A_1170] : memref<16384xf32, #tpu.memory_space<vmem>> -> memref<1024xf32, #tpu.memory_space<vmem>>
      %dma_wait3A_1172 = arith.constant 0 : i32
      %dma_wait3A_1173 = tpu.memref_slice %arg2[%dma_wait3A_1169, %dma_wait3A_1172] : memref<16x2600000xf32, #tpu.memory_space<hbm>> -> memref<1x1024xf32, #tpu.memory_space<hbm>>
      %dma_wait3A_1174 = tpu.memref_squeeze %dma_wait3A_1173 : memref<1x1024xf32, #tpu.memory_space<hbm>> -> memref<1024xf32, #tpu.memory_space<hbm>>
      %dma_wait3A_1175 = arith.constant 14336 : i32
      %dma_wait3A_1176 = tpu.memref_slice %arg6[%dma_wait3A_1175] : memref<16384xf32, #tpu.memory_space<vmem>> -> memref<1024xf32, #tpu.memory_space<vmem>>
      %dma_wait3A_1177 = arith.constant 0 : i32
      %dma_wait3A_1178 = tpu.memref_slice %arg2[%dma_wait3A_1169, %dma_wait3A_1177] : memref<16x2600000xf32, #tpu.memory_space<hbm>> -> memref<1x1024xf32, #tpu.memory_space<hbm>>
      %dma_wait3A_1179 = tpu.memref_squeeze %dma_wait3A_1178 : memref<1x1024xf32, #tpu.memory_space<hbm>> -> memref<1024xf32, #tpu.memory_space<hbm>>
      tpu.wait_dma2 semaphore(%arg11 : memref<!tpu.dma_semaphore, #tpu.memory_space<semaphore_mem>>) src(%dma_wait3A_1179 : memref<1024xf32, #tpu.memory_space<hbm>>) dst(%dma_wait3A_1176 : memref<1024xf32, #tpu.memory_space<vmem>>)
      %dma_wait3A_1180 = arith.constant 0 : i32
      %dma_wait3A_1181 = arith.constant 15360 : i32
      %dma_wait3A_1182 = tpu.memref_slice %arg6[%dma_wait3A_1181] : memref<16384xf32, #tpu.memory_space<vmem>> -> memref<1024xf32, #tpu.memory_space<vmem>>
      %dma_wait3A_1183 = arith.constant 0 : i32
      %dma_wait3A_1184 = tpu.memref_slice %arg2[%dma_wait3A_1180, %dma_wait3A_1183] : memref<16x2600000xf32, #tpu.memory_space<hbm>> -> memref<1x1024xf32, #tpu.memory_space<hbm>>
      %dma_wait3A_1185 = tpu.memref_squeeze %dma_wait3A_1184 : memref<1x1024xf32, #tpu.memory_space<hbm>> -> memref<1024xf32, #tpu.memory_space<hbm>>
      %dma_wait3A_1186 = arith.constant 15360 : i32
      %dma_wait3A_1187 = tpu.memref_slice %arg6[%dma_wait3A_1186] : memref<16384xf32, #tpu.memory_space<vmem>> -> memref<1024xf32, #tpu.memory_space<vmem>>
      %dma_wait3A_1188 = arith.constant 0 : i32
      %dma_wait3A_1189 = tpu.memref_slice %arg2[%dma_wait3A_1180, %dma_wait3A_1188] : memref<16x2600000xf32, #tpu.memory_space<hbm>> -> memref<1x1024xf32, #tpu.memory_space<hbm>>
      %dma_wait3A_1190 = tpu.memref_squeeze %dma_wait3A_1189 : memref<1x1024xf32, #tpu.memory_space<hbm>> -> memref<1024xf32, #tpu.memory_space<hbm>>
      tpu.wait_dma2 semaphore(%arg11 : memref<!tpu.dma_semaphore, #tpu.memory_space<semaphore_mem>>) src(%dma_wait3A_1190 : memref<1024xf32, #tpu.memory_space<hbm>>) dst(%dma_wait3A_1187 : memref<1024xf32, #tpu.memory_space<vmem>>)
      %add3A_1191 = arith.constant 3 : i32
      %add3A_1192 = arith.addi %mul3A_670, %add3A_1191 : i32
      %mul3A_1193 = arith.constant 32 : i32
      %mul3A_1194 = arith.muli %add3A_1192, %mul3A_1193 : i32
      %add3A_1195 = arith.addi %add3A, %mul3A_1194 : i32
      %min3A_1196 = arith.constant 2538 : i32
      %min3A_1197 = arith.minsi %add3A_1195, %min3A_1196 : i32
      %mul3A_1198 = arith.constant 1024 : i32
      %mul3A_1199 = arith.muli %min3A_1197, %mul3A_1198 : i32
      %dma_start3A_1200 = arith.constant 0 : i32
      %dma_start3A_1201 = arith.constant 0 : i32
      %dma_start3A_1202 = tpu.memref_slice %arg5[%dma_start3A_1201] : memref<16384xf32, #tpu.memory_space<vmem>> -> memref<1024xf32, #tpu.memory_space<vmem>>
      %dma_start3A_1203 = tpu.memref_slice %arg2[%dma_start3A_1200, %mul3A_1199] : memref<16x2600000xf32, #tpu.memory_space<hbm>> -> memref<1x1024xf32, #tpu.memory_space<hbm>>
      %dma_start3A_1204 = tpu.memref_squeeze %dma_start3A_1203 : memref<1x1024xf32, #tpu.memory_space<hbm>> -> memref<1024xf32, #tpu.memory_space<hbm>>
      %dma_start3A_1205 = arith.constant 0 : i32
      %dma_start3A_1206 = tpu.memref_slice %arg5[%dma_start3A_1205] : memref<16384xf32, #tpu.memory_space<vmem>> -> memref<1024xf32, #tpu.memory_space<vmem>>
      %dma_start3A_1207 = tpu.memref_slice %arg2[%dma_start3A_1200, %mul3A_1199] : memref<16x2600000xf32, #tpu.memory_space<hbm>> -> memref<1x1024xf32, #tpu.memory_space<hbm>>
      %dma_start3A_1208 = tpu.memref_squeeze %dma_start3A_1207 : memref<1x1024xf32, #tpu.memory_space<hbm>> -> memref<1024xf32, #tpu.memory_space<hbm>>
      tpu.enqueue_dma source(%dma_start3A_1208 : memref<1024xf32, #tpu.memory_space<hbm>>) target(%dma_start3A_1206 : memref<1024xf32, #tpu.memory_space<vmem>>) target_semaphore(%arg10 : memref<!tpu.dma_semaphore, #tpu.memory_space<semaphore_mem>>)
      %dma_start3A_1209 = arith.constant 1 : i32
      %dma_start3A_1210 = arith.constant 1024 : i32
      %dma_start3A_1211 = tpu.memref_slice %arg5[%dma_start3A_1210] : memref<16384xf32, #tpu.memory_space<vmem>> -> memref<1024xf32, #tpu.memory_space<vmem>>
      %dma_start3A_1212 = tpu.memref_slice %arg2[%dma_start3A_1209, %mul3A_1199] : memref<16x2600000xf32, #tpu.memory_space<hbm>> -> memref<1x1024xf32, #tpu.memory_space<hbm>>
      %dma_start3A_1213 = tpu.memref_squeeze %dma_start3A_1212 : memref<1x1024xf32, #tpu.memory_space<hbm>> -> memref<1024xf32, #tpu.memory_space<hbm>>
      %dma_start3A_1214 = arith.constant 1024 : i32
      %dma_start3A_1215 = tpu.memref_slice %arg5[%dma_start3A_1214] : memref<16384xf32, #tpu.memory_space<vmem>> -> memref<1024xf32, #tpu.memory_space<vmem>>
      %dma_start3A_1216 = tpu.memref_slice %arg2[%dma_start3A_1209, %mul3A_1199] : memref<16x2600000xf32, #tpu.memory_space<hbm>> -> memref<1x1024xf32, #tpu.memory_space<hbm>>
      %dma_start3A_1217 = tpu.memref_squeeze %dma_start3A_1216 : memref<1x1024xf32, #tpu.memory_space<hbm>> -> memref<1024xf32, #tpu.memory_space<hbm>>
      tpu.enqueue_dma source(%dma_start3A_1217 : memref<1024xf32, #tpu.memory_space<hbm>>) target(%dma_start3A_1215 : memref<1024xf32, #tpu.memory_space<vmem>>) target_semaphore(%arg10 : memref<!tpu.dma_semaphore, #tpu.memory_space<semaphore_mem>>)
      %dma_start3A_1218 = arith.constant 2 : i32
      %dma_start3A_1219 = arith.constant 2048 : i32
      %dma_start3A_1220 = tpu.memref_slice %arg5[%dma_start3A_1219] : memref<16384xf32, #tpu.memory_space<vmem>> -> memref<1024xf32, #tpu.memory_space<vmem>>
      %dma_start3A_1221 = tpu.memref_slice %arg2[%dma_start3A_1218, %mul3A_1199] : memref<16x2600000xf32, #tpu.memory_space<hbm>> -> memref<1x1024xf32, #tpu.memory_space<hbm>>
      %dma_start3A_1222 = tpu.memref_squeeze %dma_start3A_1221 : memref<1x1024xf32, #tpu.memory_space<hbm>> -> memref<1024xf32, #tpu.memory_space<hbm>>
      %dma_start3A_1223 = arith.constant 2048 : i32
      %dma_start3A_1224 = tpu.memref_slice %arg5[%dma_start3A_1223] : memref<16384xf32, #tpu.memory_space<vmem>> -> memref<1024xf32, #tpu.memory_space<vmem>>
      %dma_start3A_1225 = tpu.memref_slice %arg2[%dma_start3A_1218, %mul3A_1199] : memref<16x2600000xf32, #tpu.memory_space<hbm>> -> memref<1x1024xf32, #tpu.memory_space<hbm>>
      %dma_start3A_1226 = tpu.memref_squeeze %dma_start3A_1225 : memref<1x1024xf32, #tpu.memory_space<hbm>> -> memref<1024xf32, #tpu.memory_space<hbm>>
      tpu.enqueue_dma source(%dma_start3A_1226 : memref<1024xf32, #tpu.memory_space<hbm>>) target(%dma_start3A_1224 : memref<1024xf32, #tpu.memory_space<vmem>>) target_semaphore(%arg10 : memref<!tpu.dma_semaphore, #tpu.memory_space<semaphore_mem>>)
      %dma_start3A_1227 = arith.constant 3 : i32
      %dma_start3A_1228 = arith.constant 3072 : i32
      %dma_start3A_1229 = tpu.memref_slice %arg5[%dma_start3A_1228] : memref<16384xf32, #tpu.memory_space<vmem>> -> memref<1024xf32, #tpu.memory_space<vmem>>
      %dma_start3A_1230 = tpu.memref_slice %arg2[%dma_start3A_1227, %mul3A_1199] : memref<16x2600000xf32, #tpu.memory_space<hbm>> -> memref<1x1024xf32, #tpu.memory_space<hbm>>
      %dma_start3A_1231 = tpu.memref_squeeze %dma_start3A_1230 : memref<1x1024xf32, #tpu.memory_space<hbm>> -> memref<1024xf32, #tpu.memory_space<hbm>>
      %dma_start3A_1232 = arith.constant 3072 : i32
      %dma_start3A_1233 = tpu.memref_slice %arg5[%dma_start3A_1232] : memref<16384xf32, #tpu.memory_space<vmem>> -> memref<1024xf32, #tpu.memory_space<vmem>>
      %dma_start3A_1234 = tpu.memref_slice %arg2[%dma_start3A_1227, %mul3A_1199] : memref<16x2600000xf32, #tpu.memory_space<hbm>> -> memref<1x1024xf32, #tpu.memory_space<hbm>>
      %dma_start3A_1235 = tpu.memref_squeeze %dma_start3A_1234 : memref<1x1024xf32, #tpu.memory_space<hbm>> -> memref<1024xf32, #tpu.memory_space<hbm>>
      tpu.enqueue_dma source(%dma_start3A_1235 : memref<1024xf32, #tpu.memory_space<hbm>>) target(%dma_start3A_1233 : memref<1024xf32, #tpu.memory_space<vmem>>) target_semaphore(%arg10 : memref<!tpu.dma_semaphore, #tpu.memory_space<semaphore_mem>>)
      %dma_start3A_1236 = arith.constant 4 : i32
      %dma_start3A_1237 = arith.constant 4096 : i32
      %dma_start3A_1238 = tpu.memref_slice %arg5[%dma_start3A_1237] : memref<16384xf32, #tpu.memory_space<vmem>> -> memref<1024xf32, #tpu.memory_space<vmem>>
      %dma_start3A_1239 = tpu.memref_slice %arg2[%dma_start3A_1236, %mul3A_1199] : memref<16x2600000xf32, #tpu.memory_space<hbm>> -> memref<1x1024xf32, #tpu.memory_space<hbm>>
      %dma_start3A_1240 = tpu.memref_squeeze %dma_start3A_1239 : memref<1x1024xf32, #tpu.memory_space<hbm>> -> memref<1024xf32, #tpu.memory_space<hbm>>
      %dma_start3A_1241 = arith.constant 4096 : i32
      %dma_start3A_1242 = tpu.memref_slice %arg5[%dma_start3A_1241] : memref<16384xf32, #tpu.memory_space<vmem>> -> memref<1024xf32, #tpu.memory_space<vmem>>
      %dma_start3A_1243 = tpu.memref_slice %arg2[%dma_start3A_1236, %mul3A_1199] : memref<16x2600000xf32, #tpu.memory_space<hbm>> -> memref<1x1024xf32, #tpu.memory_space<hbm>>
      %dma_start3A_1244 = tpu.memref_squeeze %dma_start3A_1243 : memref<1x1024xf32, #tpu.memory_space<hbm>> -> memref<1024xf32, #tpu.memory_space<hbm>>
      tpu.enqueue_dma source(%dma_start3A_1244 : memref<1024xf32, #tpu.memory_space<hbm>>) target(%dma_start3A_1242 : memref<1024xf32, #tpu.memory_space<vmem>>) target_semaphore(%arg10 : memref<!tpu.dma_semaphore, #tpu.memory_space<semaphore_mem>>)
      %dma_start3A_1245 = arith.constant 5 : i32
      %dma_start3A_1246 = arith.constant 5120 : i32
      %dma_start3A_1247 = tpu.memref_slice %arg5[%dma_start3A_1246] : memref<16384xf32, #tpu.memory_space<vmem>> -> memref<1024xf32, #tpu.memory_space<vmem>>
      %dma_start3A_1248 = tpu.memref_slice %arg2[%dma_start3A_1245, %mul3A_1199] : memref<16x2600000xf32, #tpu.memory_space<hbm>> -> memref<1x1024xf32, #tpu.memory_space<hbm>>
      %dma_start3A_1249 = tpu.memref_squeeze %dma_start3A_1248 : memref<1x1024xf32, #tpu.memory_space<hbm>> -> memref<1024xf32, #tpu.memory_space<hbm>>
      %dma_start3A_1250 = arith.constant 5120 : i32
      %dma_start3A_1251 = tpu.memref_slice %arg5[%dma_start3A_1250] : memref<16384xf32, #tpu.memory_space<vmem>> -> memref<1024xf32, #tpu.memory_space<vmem>>
      %dma_start3A_1252 = tpu.memref_slice %arg2[%dma_start3A_1245, %mul3A_1199] : memref<16x2600000xf32, #tpu.memory_space<hbm>> -> memref<1x1024xf32, #tpu.memory_space<hbm>>
      %dma_start3A_1253 = tpu.memref_squeeze %dma_start3A_1252 : memref<1x1024xf32, #tpu.memory_space<hbm>> -> memref<1024xf32, #tpu.memory_space<hbm>>
      tpu.enqueue_dma source(%dma_start3A_1253 : memref<1024xf32, #tpu.memory_space<hbm>>) target(%dma_start3A_1251 : memref<1024xf32, #tpu.memory_space<vmem>>) target_semaphore(%arg10 : memref<!tpu.dma_semaphore, #tpu.memory_space<semaphore_mem>>)
      %dma_start3A_1254 = arith.constant 6 : i32
      %dma_start3A_1255 = arith.constant 6144 : i32
      %dma_start3A_1256 = tpu.memref_slice %arg5[%dma_start3A_1255] : memref<16384xf32, #tpu.memory_space<vmem>> -> memref<1024xf32, #tpu.memory_space<vmem>>
      %dma_start3A_1257 = tpu.memref_slice %arg2[%dma_start3A_1254, %mul3A_1199] : memref<16x2600000xf32, #tpu.memory_space<hbm>> -> memref<1x1024xf32, #tpu.memory_space<hbm>>
      %dma_start3A_1258 = tpu.memref_squeeze %dma_start3A_1257 : memref<1x1024xf32, #tpu.memory_space<hbm>> -> memref<1024xf32, #tpu.memory_space<hbm>>
      %dma_start3A_1259 = arith.constant 6144 : i32
      %dma_start3A_1260 = tpu.memref_slice %arg5[%dma_start3A_1259] : memref<16384xf32, #tpu.memory_space<vmem>> -> memref<1024xf32, #tpu.memory_space<vmem>>
      %dma_start3A_1261 = tpu.memref_slice %arg2[%dma_start3A_1254, %mul3A_1199] : memref<16x2600000xf32, #tpu.memory_space<hbm>> -> memref<1x1024xf32, #tpu.memory_space<hbm>>
      %dma_start3A_1262 = tpu.memref_squeeze %dma_start3A_1261 : memref<1x1024xf32, #tpu.memory_space<hbm>> -> memref<1024xf32, #tpu.memory_space<hbm>>
      tpu.enqueue_dma source(%dma_start3A_1262 : memref<1024xf32, #tpu.memory_space<hbm>>) target(%dma_start3A_1260 : memref<1024xf32, #tpu.memory_space<vmem>>) target_semaphore(%arg10 : memref<!tpu.dma_semaphore, #tpu.memory_space<semaphore_mem>>)
      %dma_start3A_1263 = arith.constant 7 : i32
      %dma_start3A_1264 = arith.constant 7168 : i32
      %dma_start3A_1265 = tpu.memref_slice %arg5[%dma_start3A_1264] : memref<16384xf32, #tpu.memory_space<vmem>> -> memref<1024xf32, #tpu.memory_space<vmem>>
      %dma_start3A_1266 = tpu.memref_slice %arg2[%dma_start3A_1263, %mul3A_1199] : memref<16x2600000xf32, #tpu.memory_space<hbm>> -> memref<1x1024xf32, #tpu.memory_space<hbm>>
      %dma_start3A_1267 = tpu.memref_squeeze %dma_start3A_1266 : memref<1x1024xf32, #tpu.memory_space<hbm>> -> memref<1024xf32, #tpu.memory_space<hbm>>
      %dma_start3A_1268 = arith.constant 7168 : i32
      %dma_start3A_1269 = tpu.memref_slice %arg5[%dma_start3A_1268] : memref<16384xf32, #tpu.memory_space<vmem>> -> memref<1024xf32, #tpu.memory_space<vmem>>
      %dma_start3A_1270 = tpu.memref_slice %arg2[%dma_start3A_1263, %mul3A_1199] : memref<16x2600000xf32, #tpu.memory_space<hbm>> -> memref<1x1024xf32, #tpu.memory_space<hbm>>
      %dma_start3A_1271 = tpu.memref_squeeze %dma_start3A_1270 : memref<1x1024xf32, #tpu.memory_space<hbm>> -> memref<1024xf32, #tpu.memory_space<hbm>>
      tpu.enqueue_dma source(%dma_start3A_1271 : memref<1024xf32, #tpu.memory_space<hbm>>) target(%dma_start3A_1269 : memref<1024xf32, #tpu.memory_space<vmem>>) target_semaphore(%arg10 : memref<!tpu.dma_semaphore, #tpu.memory_space<semaphore_mem>>)
      %dma_start3A_1272 = arith.constant 8 : i32
      %dma_start3A_1273 = arith.constant 8192 : i32
      %dma_start3A_1274 = tpu.memref_slice %arg5[%dma_start3A_1273] : memref<16384xf32, #tpu.memory_space<vmem>> -> memref<1024xf32, #tpu.memory_space<vmem>>
      %dma_start3A_1275 = tpu.memref_slice %arg2[%dma_start3A_1272, %mul3A_1199] : memref<16x2600000xf32, #tpu.memory_space<hbm>> -> memref<1x1024xf32, #tpu.memory_space<hbm>>
      %dma_start3A_1276 = tpu.memref_squeeze %dma_start3A_1275 : memref<1x1024xf32, #tpu.memory_space<hbm>> -> memref<1024xf32, #tpu.memory_space<hbm>>
      %dma_start3A_1277 = arith.constant 8192 : i32
      %dma_start3A_1278 = tpu.memref_slice %arg5[%dma_start3A_1277] : memref<16384xf32, #tpu.memory_space<vmem>> -> memref<1024xf32, #tpu.memory_space<vmem>>
      %dma_start3A_1279 = tpu.memref_slice %arg2[%dma_start3A_1272, %mul3A_1199] : memref<16x2600000xf32, #tpu.memory_space<hbm>> -> memref<1x1024xf32, #tpu.memory_space<hbm>>
      %dma_start3A_1280 = tpu.memref_squeeze %dma_start3A_1279 : memref<1x1024xf32, #tpu.memory_space<hbm>> -> memref<1024xf32, #tpu.memory_space<hbm>>
      tpu.enqueue_dma source(%dma_start3A_1280 : memref<1024xf32, #tpu.memory_space<hbm>>) target(%dma_start3A_1278 : memref<1024xf32, #tpu.memory_space<vmem>>) target_semaphore(%arg10 : memref<!tpu.dma_semaphore, #tpu.memory_space<semaphore_mem>>)
      %dma_start3A_1281 = arith.constant 9 : i32
      %dma_start3A_1282 = arith.constant 9216 : i32
      %dma_start3A_1283 = tpu.memref_slice %arg5[%dma_start3A_1282] : memref<16384xf32, #tpu.memory_space<vmem>> -> memref<1024xf32, #tpu.memory_space<vmem>>
      %dma_start3A_1284 = tpu.memref_slice %arg2[%dma_start3A_1281, %mul3A_1199] : memref<16x2600000xf32, #tpu.memory_space<hbm>> -> memref<1x1024xf32, #tpu.memory_space<hbm>>
      %dma_start3A_1285 = tpu.memref_squeeze %dma_start3A_1284 : memref<1x1024xf32, #tpu.memory_space<hbm>> -> memref<1024xf32, #tpu.memory_space<hbm>>
      %dma_start3A_1286 = arith.constant 9216 : i32
      %dma_start3A_1287 = tpu.memref_slice %arg5[%dma_start3A_1286] : memref<16384xf32, #tpu.memory_space<vmem>> -> memref<1024xf32, #tpu.memory_space<vmem>>
      %dma_start3A_1288 = tpu.memref_slice %arg2[%dma_start3A_1281, %mul3A_1199] : memref<16x2600000xf32, #tpu.memory_space<hbm>> -> memref<1x1024xf32, #tpu.memory_space<hbm>>
      %dma_start3A_1289 = tpu.memref_squeeze %dma_start3A_1288 : memref<1x1024xf32, #tpu.memory_space<hbm>> -> memref<1024xf32, #tpu.memory_space<hbm>>
      tpu.enqueue_dma source(%dma_start3A_1289 : memref<1024xf32, #tpu.memory_space<hbm>>) target(%dma_start3A_1287 : memref<1024xf32, #tpu.memory_space<vmem>>) target_semaphore(%arg10 : memref<!tpu.dma_semaphore, #tpu.memory_space<semaphore_mem>>)
      %dma_start3A_1290 = arith.constant 10 : i32
      %dma_start3A_1291 = arith.constant 10240 : i32
      %dma_start3A_1292 = tpu.memref_slice %arg5[%dma_start3A_1291] : memref<16384xf32, #tpu.memory_space<vmem>> -> memref<1024xf32, #tpu.memory_space<vmem>>
      %dma_start3A_1293 = tpu.memref_slice %arg2[%dma_start3A_1290, %mul3A_1199] : memref<16x2600000xf32, #tpu.memory_space<hbm>> -> memref<1x1024xf32, #tpu.memory_space<hbm>>
      %dma_start3A_1294 = tpu.memref_squeeze %dma_start3A_1293 : memref<1x1024xf32, #tpu.memory_space<hbm>> -> memref<1024xf32, #tpu.memory_space<hbm>>
      %dma_start3A_1295 = arith.constant 10240 : i32
      %dma_start3A_1296 = tpu.memref_slice %arg5[%dma_start3A_1295] : memref<16384xf32, #tpu.memory_space<vmem>> -> memref<1024xf32, #tpu.memory_space<vmem>>
      %dma_start3A_1297 = tpu.memref_slice %arg2[%dma_start3A_1290, %mul3A_1199] : memref<16x2600000xf32, #tpu.memory_space<hbm>> -> memref<1x1024xf32, #tpu.memory_space<hbm>>
      %dma_start3A_1298 = tpu.memref_squeeze %dma_start3A_1297 : memref<1x1024xf32, #tpu.memory_space<hbm>> -> memref<1024xf32, #tpu.memory_space<hbm>>
      tpu.enqueue_dma source(%dma_start3A_1298 : memref<1024xf32, #tpu.memory_space<hbm>>) target(%dma_start3A_1296 : memref<1024xf32, #tpu.memory_space<vmem>>) target_semaphore(%arg10 : memref<!tpu.dma_semaphore, #tpu.memory_space<semaphore_mem>>)
      %dma_start3A_1299 = arith.constant 11 : i32
      %dma_start3A_1300 = arith.constant 11264 : i32
      %dma_start3A_1301 = tpu.memref_slice %arg5[%dma_start3A_1300] : memref<16384xf32, #tpu.memory_space<vmem>> -> memref<1024xf32, #tpu.memory_space<vmem>>
      %dma_start3A_1302 = tpu.memref_slice %arg2[%dma_start3A_1299, %mul3A_1199] : memref<16x2600000xf32, #tpu.memory_space<hbm>> -> memref<1x1024xf32, #tpu.memory_space<hbm>>
      %dma_start3A_1303 = tpu.memref_squeeze %dma_start3A_1302 : memref<1x1024xf32, #tpu.memory_space<hbm>> -> memref<1024xf32, #tpu.memory_space<hbm>>
      %dma_start3A_1304 = arith.constant 11264 : i32
      %dma_start3A_1305 = tpu.memref_slice %arg5[%dma_start3A_1304] : memref<16384xf32, #tpu.memory_space<vmem>> -> memref<1024xf32, #tpu.memory_space<vmem>>
      %dma_start3A_1306 = tpu.memref_slice %arg2[%dma_start3A_1299, %mul3A_1199] : memref<16x2600000xf32, #tpu.memory_space<hbm>> -> memref<1x1024xf32, #tpu.memory_space<hbm>>
      %dma_start3A_1307 = tpu.memref_squeeze %dma_start3A_1306 : memref<1x1024xf32, #tpu.memory_space<hbm>> -> memref<1024xf32, #tpu.memory_space<hbm>>
      tpu.enqueue_dma source(%dma_start3A_1307 : memref<1024xf32, #tpu.memory_space<hbm>>) target(%dma_start3A_1305 : memref<1024xf32, #tpu.memory_space<vmem>>) target_semaphore(%arg10 : memref<!tpu.dma_semaphore, #tpu.memory_space<semaphore_mem>>)
      %dma_start3A_1308 = arith.constant 12 : i32
      %dma_start3A_1309 = arith.constant 12288 : i32
      %dma_start3A_1310 = tpu.memref_slice %arg5[%dma_start3A_1309] : memref<16384xf32, #tpu.memory_space<vmem>> -> memref<1024xf32, #tpu.memory_space<vmem>>
      %dma_start3A_1311 = tpu.memref_slice %arg2[%dma_start3A_1308, %mul3A_1199] : memref<16x2600000xf32, #tpu.memory_space<hbm>> -> memref<1x1024xf32, #tpu.memory_space<hbm>>
      %dma_start3A_1312 = tpu.memref_squeeze %dma_start3A_1311 : memref<1x1024xf32, #tpu.memory_space<hbm>> -> memref<1024xf32, #tpu.memory_space<hbm>>
      %dma_start3A_1313 = arith.constant 12288 : i32
      %dma_start3A_1314 = tpu.memref_slice %arg5[%dma_start3A_1313] : memref<16384xf32, #tpu.memory_space<vmem>> -> memref<1024xf32, #tpu.memory_space<vmem>>
      %dma_start3A_1315 = tpu.memref_slice %arg2[%dma_start3A_1308, %mul3A_1199] : memref<16x2600000xf32, #tpu.memory_space<hbm>> -> memref<1x1024xf32, #tpu.memory_space<hbm>>
      %dma_start3A_1316 = tpu.memref_squeeze %dma_start3A_1315 : memref<1x1024xf32, #tpu.memory_space<hbm>> -> memref<1024xf32, #tpu.memory_space<hbm>>
      tpu.enqueue_dma source(%dma_start3A_1316 : memref<1024xf32, #tpu.memory_space<hbm>>) target(%dma_start3A_1314 : memref<1024xf32, #tpu.memory_space<vmem>>) target_semaphore(%arg10 : memref<!tpu.dma_semaphore, #tpu.memory_space<semaphore_mem>>)
      %dma_start3A_1317 = arith.constant 13 : i32
      %dma_start3A_1318 = arith.constant 13312 : i32
      %dma_start3A_1319 = tpu.memref_slice %arg5[%dma_start3A_1318] : memref<16384xf32, #tpu.memory_space<vmem>> -> memref<1024xf32, #tpu.memory_space<vmem>>
      %dma_start3A_1320 = tpu.memref_slice %arg2[%dma_start3A_1317, %mul3A_1199] : memref<16x2600000xf32, #tpu.memory_space<hbm>> -> memref<1x1024xf32, #tpu.memory_space<hbm>>
      %dma_start3A_1321 = tpu.memref_squeeze %dma_start3A_1320 : memref<1x1024xf32, #tpu.memory_space<hbm>> -> memref<1024xf32, #tpu.memory_space<hbm>>
      %dma_start3A_1322 = arith.constant 13312 : i32
      %dma_start3A_1323 = tpu.memref_slice %arg5[%dma_start3A_1322] : memref<16384xf32, #tpu.memory_space<vmem>> -> memref<1024xf32, #tpu.memory_space<vmem>>
      %dma_start3A_1324 = tpu.memref_slice %arg2[%dma_start3A_1317, %mul3A_1199] : memref<16x2600000xf32, #tpu.memory_space<hbm>> -> memref<1x1024xf32, #tpu.memory_space<hbm>>
      %dma_start3A_1325 = tpu.memref_squeeze %dma_start3A_1324 : memref<1x1024xf32, #tpu.memory_space<hbm>> -> memref<1024xf32, #tpu.memory_space<hbm>>
      tpu.enqueue_dma source(%dma_start3A_1325 : memref<1024xf32, #tpu.memory_space<hbm>>) target(%dma_start3A_1323 : memref<1024xf32, #tpu.memory_space<vmem>>) target_semaphore(%arg10 : memref<!tpu.dma_semaphore, #tpu.memory_space<semaphore_mem>>)
      %dma_start3A_1326 = arith.constant 14 : i32
      %dma_start3A_1327 = arith.constant 14336 : i32
      %dma_start3A_1328 = tpu.memref_slice %arg5[%dma_start3A_1327] : memref<16384xf32, #tpu.memory_space<vmem>> -> memref<1024xf32, #tpu.memory_space<vmem>>
      %dma_start3A_1329 = tpu.memref_slice %arg2[%dma_start3A_1326, %mul3A_1199] : memref<16x2600000xf32, #tpu.memory_space<hbm>> -> memref<1x1024xf32, #tpu.memory_space<hbm>>
      %dma_start3A_1330 = tpu.memref_squeeze %dma_start3A_1329 : memref<1x1024xf32, #tpu.memory_space<hbm>> -> memref<1024xf32, #tpu.memory_space<hbm>>
      %dma_start3A_1331 = arith.constant 14336 : i32
      %dma_start3A_1332 = tpu.memref_slice %arg5[%dma_start3A_1331] : memref<16384xf32, #tpu.memory_space<vmem>> -> memref<1024xf32, #tpu.memory_space<vmem>>
      %dma_start3A_1333 = tpu.memref_slice %arg2[%dma_start3A_1326, %mul3A_1199] : memref<16x2600000xf32, #tpu.memory_space<hbm>> -> memref<1x1024xf32, #tpu.memory_space<hbm>>
      %dma_start3A_1334 = tpu.memref_squeeze %dma_start3A_1333 : memref<1x1024xf32, #tpu.memory_space<hbm>> -> memref<1024xf32, #tpu.memory_space<hbm>>
      tpu.enqueue_dma source(%dma_start3A_1334 : memref<1024xf32, #tpu.memory_space<hbm>>) target(%dma_start3A_1332 : memref<1024xf32, #tpu.memory_space<vmem>>) target_semaphore(%arg10 : memref<!tpu.dma_semaphore, #tpu.memory_space<semaphore_mem>>)
      %dma_start3A_1335 = arith.constant 15 : i32
      %dma_start3A_1336 = arith.constant 15360 : i32
      %dma_start3A_1337 = tpu.memref_slice %arg5[%dma_start3A_1336] : memref<16384xf32, #tpu.memory_space<vmem>> -> memref<1024xf32, #tpu.memory_space<vmem>>
      %dma_start3A_1338 = tpu.memref_slice %arg2[%dma_start3A_1335, %mul3A_1199] : memref<16x2600000xf32, #tpu.memory_space<hbm>> -> memref<1x1024xf32, #tpu.memory_space<hbm>>
      %dma_start3A_1339 = tpu.memref_squeeze %dma_start3A_1338 : memref<1x1024xf32, #tpu.memory_space<hbm>> -> memref<1024xf32, #tpu.memory_space<hbm>>
      %dma_start3A_1340 = arith.constant 15360 : i32
      %dma_start3A_1341 = tpu.memref_slice %arg5[%dma_start3A_1340] : memref<16384xf32, #tpu.memory_space<vmem>> -> memref<1024xf32, #tpu.memory_space<vmem>>
      %dma_start3A_1342 = tpu.memref_slice %arg2[%dma_start3A_1335, %mul3A_1199] : memref<16x2600000xf32, #tpu.memory_space<hbm>> -> memref<1x1024xf32, #tpu.memory_space<hbm>>
      %dma_start3A_1343 = tpu.memref_squeeze %dma_start3A_1342 : memref<1x1024xf32, #tpu.memory_space<hbm>> -> memref<1024xf32, #tpu.memory_space<hbm>>
      tpu.enqueue_dma source(%dma_start3A_1343 : memref<1024xf32, #tpu.memory_space<hbm>>) target(%dma_start3A_1341 : memref<1024xf32, #tpu.memory_space<vmem>>) target_semaphore(%arg10 : memref<!tpu.dma_semaphore, #tpu.memory_space<semaphore_mem>>)
      %add3A_1344 = arith.constant 1 : i32
      %add3A_1345 = arith.addi %mul3A_670, %add3A_1344 : i32
      %gt3A_1346 = arith.constant 0 : i32
      %gt3A_1347 = arith.cmpi sgt, %scan3A_668, %gt3A_1346 : i32
      %convert_element_type3A_1348 = arith.extui %gt3A_1347 : i1 to i32
      %cond3A_1349 = arith.constant 0 : i32
      %cond3A_1350 = arith.cmpi ne, %convert_element_type3A_1348, %cond3A_1349 : i32
      scf.if %cond3A_1350 {
        %dma_wait3A_1713 = arith.constant 0 : i32
        %dma_wait3A_1714 = tpu.memref_slice %arg4[%dma_wait3A_1713] : memref<41600000xf32, #tpu.memory_space<hbm>> -> memref<16384xf32, #tpu.memory_space<hbm>>
        %dma_wait3A_1715 = arith.constant 0 : i32
        %dma_wait3A_1716 = tpu.memref_slice %arg4[%dma_wait3A_1715] : memref<41600000xf32, #tpu.memory_space<hbm>> -> memref<16384xf32, #tpu.memory_space<hbm>>
        tpu.wait_dma2 semaphore(%arg14 : memref<!tpu.dma_semaphore, #tpu.memory_space<semaphore_mem>>) src(%dma_wait3A_1716 : memref<16384xf32, #tpu.memory_space<hbm>>) dst(%arg9 : memref<16384xf32, #tpu.memory_space<vmem>>)
      } else {
      }
      %parallel_loop3A_1351 = arith.constant 0 : i32
      %parallel_loop3A_1352 = arith.constant 1024 : i32
      %parallel_loop3A_1353 = arith.constant 1 : i32
      scf.for %parallel_loop3A_1713 = %parallel_loop3A_1351 to %parallel_loop3A_1352 step %parallel_loop3A_1353  : i32 {
        %parallel_loop3A_1714 = vector.broadcast %parallel_loop3A_1713 : i32 to vector<16xi32>
        %parallel_loop3A_1715 = arith.addi %mul3A_3, %parallel_loop3A_1714 : vector<16xi32>
        %parallel_loop3A_1716 = tpu.vector_load_idx %arg6[%parallel_loop3A_1715] : memref<16384xf32, #tpu.memory_space<vmem>>[vector<16xi32>], vector<16xf32>,
        %parallel_loop3A_1717 = arith.constant 16 : i32
        %parallel_loop3A_1718 = arith.muli %parallel_loop3A_1713, %parallel_loop3A_1717 : i32
        %parallel_loop3A_1719 = arith.index_cast %parallel_loop3A_1718 : i32 to index
        %parallel_loop3A_1720 = tpu.vector_load %arg9[%parallel_loop3A_1719] {strides = array<i32>} : memref<16384xf32, #tpu.memory_space<vmem>>, vector<16xf32>,
        tpu.vector_store %arg9[%parallel_loop3A_1719], %parallel_loop3A_1716 {strides = array<i32>} : memref<16384xf32, #tpu.memory_space<vmem>>, vector<16xf32>,
      } {sc.loop_unroll_factor = 8 : i64, sc.parallel_access}
      %mul3A_1354 = arith.constant 32 : i32
      %mul3A_1355 = arith.muli %add3A_1345, %mul3A_1354 : i32
      %add3A_1356 = arith.addi %add3A, %mul3A_1355 : i32
      %min3A_1357 = arith.constant 2538 : i32
      %min3A_1358 = arith.minsi %add3A_1356, %min3A_1357 : i32
      %mul3A_1359 = arith.constant 16384 : i32
      %mul3A_1360 = arith.muli %min3A_1358, %mul3A_1359 : i32
      %dma_start3A_1361 = tpu.memref_slice %arg4[%mul3A_1360] : memref<41600000xf32, #tpu.memory_space<hbm>> -> memref<16384xf32, #tpu.memory_space<hbm>>
      %dma_start3A_1362 = tpu.memref_slice %arg4[%mul3A_1360] : memref<41600000xf32, #tpu.memory_space<hbm>> -> memref<16384xf32, #tpu.memory_space<hbm>>
      tpu.enqueue_dma source(%arg9 : memref<16384xf32, #tpu.memory_space<vmem>>) target(%dma_start3A_1362 : memref<16384xf32, #tpu.memory_space<hbm>>) target_semaphore(%arg14 : memref<!tpu.dma_semaphore, #tpu.memory_space<semaphore_mem>>)
      %dma_wait3A_1363 = arith.constant 0 : i32
      %dma_wait3A_1364 = arith.constant 0 : i32
      %dma_wait3A_1365 = tpu.memref_slice %arg7[%dma_wait3A_1364] : memref<16384xf32, #tpu.memory_space<vmem>> -> memref<1024xf32, #tpu.memory_space<vmem>>
      %dma_wait3A_1366 = arith.constant 0 : i32
      %dma_wait3A_1367 = tpu.memref_slice %arg2[%dma_wait3A_1363, %dma_wait3A_1366] : memref<16x2600000xf32, #tpu.memory_space<hbm>> -> memref<1x1024xf32, #tpu.memory_space<hbm>>
      %dma_wait3A_1368 = tpu.memref_squeeze %dma_wait3A_1367 : memref<1x1024xf32, #tpu.memory_space<hbm>> -> memref<1024xf32, #tpu.memory_space<hbm>>
      %dma_wait3A_1369 = arith.constant 0 : i32
      %dma_wait3A_1370 = tpu.memref_slice %arg7[%dma_wait3A_1369] : memref<16384xf32, #tpu.memory_space<vmem>> -> memref<1024xf32, #tpu.memory_space<vmem>>
      %dma_wait3A_1371 = arith.constant 0 : i32
      %dma_wait3A_1372 = tpu.memref_slice %arg2[%dma_wait3A_1363, %dma_wait3A_1371] : memref<16x2600000xf32, #tpu.memory_space<hbm>> -> memref<1x1024xf32, #tpu.memory_space<hbm>>
      %dma_wait3A_1373 = tpu.memref_squeeze %dma_wait3A_1372 : memref<1x1024xf32, #tpu.memory_space<hbm>> -> memref<1024xf32, #tpu.memory_space<hbm>>
      tpu.wait_dma2 semaphore(%arg12 : memref<!tpu.dma_semaphore, #tpu.memory_space<semaphore_mem>>) src(%dma_wait3A_1373 : memref<1024xf32, #tpu.memory_space<hbm>>) dst(%dma_wait3A_1370 : memref<1024xf32, #tpu.memory_space<vmem>>)
      %dma_wait3A_1374 = arith.constant 0 : i32
      %dma_wait3A_1375 = arith.constant 1024 : i32
      %dma_wait3A_1376 = tpu.memref_slice %arg7[%dma_wait3A_1375] : memref<16384xf32, #tpu.memory_space<vmem>> -> memref<1024xf32, #tpu.memory_space<vmem>>
      %dma_wait3A_1377 = arith.constant 0 : i32
      %dma_wait3A_1378 = tpu.memref_slice %arg2[%dma_wait3A_1374, %dma_wait3A_1377] : memref<16x2600000xf32, #tpu.memory_space<hbm>> -> memref<1x1024xf32, #tpu.memory_space<hbm>>
      %dma_wait3A_1379 = tpu.memref_squeeze %dma_wait3A_1378 : memref<1x1024xf32, #tpu.memory_space<hbm>> -> memref<1024xf32, #tpu.memory_space<hbm>>
      %dma_wait3A_1380 = arith.constant 1024 : i32
      %dma_wait3A_1381 = tpu.memref_slice %arg7[%dma_wait3A_1380] : memref<16384xf32, #tpu.memory_space<vmem>> -> memref<1024xf32, #tpu.memory_space<vmem>>
      %dma_wait3A_1382 = arith.constant 0 : i32
      %dma_wait3A_1383 = tpu.memref_slice %arg2[%dma_wait3A_1374, %dma_wait3A_1382] : memref<16x2600000xf32, #tpu.memory_space<hbm>> -> memref<1x1024xf32, #tpu.memory_space<hbm>>
      %dma_wait3A_1384 = tpu.memref_squeeze %dma_wait3A_1383 : memref<1x1024xf32, #tpu.memory_space<hbm>> -> memref<1024xf32, #tpu.memory_space<hbm>>
      tpu.wait_dma2 semaphore(%arg12 : memref<!tpu.dma_semaphore, #tpu.memory_space<semaphore_mem>>) src(%dma_wait3A_1384 : memref<1024xf32, #tpu.memory_space<hbm>>) dst(%dma_wait3A_1381 : memref<1024xf32, #tpu.memory_space<vmem>>)
      %dma_wait3A_1385 = arith.constant 0 : i32
      %dma_wait3A_1386 = arith.constant 2048 : i32
      %dma_wait3A_1387 = tpu.memref_slice %arg7[%dma_wait3A_1386] : memref<16384xf32, #tpu.memory_space<vmem>> -> memref<1024xf32, #tpu.memory_space<vmem>>
      %dma_wait3A_1388 = arith.constant 0 : i32
      %dma_wait3A_1389 = tpu.memref_slice %arg2[%dma_wait3A_1385, %dma_wait3A_1388] : memref<16x2600000xf32, #tpu.memory_space<hbm>> -> memref<1x1024xf32, #tpu.memory_space<hbm>>
      %dma_wait3A_1390 = tpu.memref_squeeze %dma_wait3A_1389 : memref<1x1024xf32, #tpu.memory_space<hbm>> -> memref<1024xf32, #tpu.memory_space<hbm>>
      %dma_wait3A_1391 = arith.constant 2048 : i32
      %dma_wait3A_1392 = tpu.memref_slice %arg7[%dma_wait3A_1391] : memref<16384xf32, #tpu.memory_space<vmem>> -> memref<1024xf32, #tpu.memory_space<vmem>>
      %dma_wait3A_1393 = arith.constant 0 : i32
      %dma_wait3A_1394 = tpu.memref_slice %arg2[%dma_wait3A_1385, %dma_wait3A_1393] : memref<16x2600000xf32, #tpu.memory_space<hbm>> -> memref<1x1024xf32, #tpu.memory_space<hbm>>
      %dma_wait3A_1395 = tpu.memref_squeeze %dma_wait3A_1394 : memref<1x1024xf32, #tpu.memory_space<hbm>> -> memref<1024xf32, #tpu.memory_space<hbm>>
      tpu.wait_dma2 semaphore(%arg12 : memref<!tpu.dma_semaphore, #tpu.memory_space<semaphore_mem>>) src(%dma_wait3A_1395 : memref<1024xf32, #tpu.memory_space<hbm>>) dst(%dma_wait3A_1392 : memref<1024xf32, #tpu.memory_space<vmem>>)
      %dma_wait3A_1396 = arith.constant 0 : i32
      %dma_wait3A_1397 = arith.constant 3072 : i32
      %dma_wait3A_1398 = tpu.memref_slice %arg7[%dma_wait3A_1397] : memref<16384xf32, #tpu.memory_space<vmem>> -> memref<1024xf32, #tpu.memory_space<vmem>>
      %dma_wait3A_1399 = arith.constant 0 : i32
      %dma_wait3A_1400 = tpu.memref_slice %arg2[%dma_wait3A_1396, %dma_wait3A_1399] : memref<16x2600000xf32, #tpu.memory_space<hbm>> -> memref<1x1024xf32, #tpu.memory_space<hbm>>
      %dma_wait3A_1401 = tpu.memref_squeeze %dma_wait3A_1400 : memref<1x1024xf32, #tpu.memory_space<hbm>> -> memref<1024xf32, #tpu.memory_space<hbm>>
      %dma_wait3A_1402 = arith.constant 3072 : i32
      %dma_wait3A_1403 = tpu.memref_slice %arg7[%dma_wait3A_1402] : memref<16384xf32, #tpu.memory_space<vmem>> -> memref<1024xf32, #tpu.memory_space<vmem>>
      %dma_wait3A_1404 = arith.constant 0 : i32
      %dma_wait3A_1405 = tpu.memref_slice %arg2[%dma_wait3A_1396, %dma_wait3A_1404] : memref<16x2600000xf32, #tpu.memory_space<hbm>> -> memref<1x1024xf32, #tpu.memory_space<hbm>>
      %dma_wait3A_1406 = tpu.memref_squeeze %dma_wait3A_1405 : memref<1x1024xf32, #tpu.memory_space<hbm>> -> memref<1024xf32, #tpu.memory_space<hbm>>
      tpu.wait_dma2 semaphore(%arg12 : memref<!tpu.dma_semaphore, #tpu.memory_space<semaphore_mem>>) src(%dma_wait3A_1406 : memref<1024xf32, #tpu.memory_space<hbm>>) dst(%dma_wait3A_1403 : memref<1024xf32, #tpu.memory_space<vmem>>)
      %dma_wait3A_1407 = arith.constant 0 : i32
      %dma_wait3A_1408 = arith.constant 4096 : i32
      %dma_wait3A_1409 = tpu.memref_slice %arg7[%dma_wait3A_1408] : memref<16384xf32, #tpu.memory_space<vmem>> -> memref<1024xf32, #tpu.memory_space<vmem>>
      %dma_wait3A_1410 = arith.constant 0 : i32
      %dma_wait3A_1411 = tpu.memref_slice %arg2[%dma_wait3A_1407, %dma_wait3A_1410] : memref<16x2600000xf32, #tpu.memory_space<hbm>> -> memref<1x1024xf32, #tpu.memory_space<hbm>>
      %dma_wait3A_1412 = tpu.memref_squeeze %dma_wait3A_1411 : memref<1x1024xf32, #tpu.memory_space<hbm>> -> memref<1024xf32, #tpu.memory_space<hbm>>
      %dma_wait3A_1413 = arith.constant 4096 : i32
      %dma_wait3A_1414 = tpu.memref_slice %arg7[%dma_wait3A_1413] : memref<16384xf32, #tpu.memory_space<vmem>> -> memref<1024xf32, #tpu.memory_space<vmem>>
      %dma_wait3A_1415 = arith.constant 0 : i32
      %dma_wait3A_1416 = tpu.memref_slice %arg2[%dma_wait3A_1407, %dma_wait3A_1415] : memref<16x2600000xf32, #tpu.memory_space<hbm>> -> memref<1x1024xf32, #tpu.memory_space<hbm>>
      %dma_wait3A_1417 = tpu.memref_squeeze %dma_wait3A_1416 : memref<1x1024xf32, #tpu.memory_space<hbm>> -> memref<1024xf32, #tpu.memory_space<hbm>>
      tpu.wait_dma2 semaphore(%arg12 : memref<!tpu.dma_semaphore, #tpu.memory_space<semaphore_mem>>) src(%dma_wait3A_1417 : memref<1024xf32, #tpu.memory_space<hbm>>) dst(%dma_wait3A_1414 : memref<1024xf32, #tpu.memory_space<vmem>>)
      %dma_wait3A_1418 = arith.constant 0 : i32
      %dma_wait3A_1419 = arith.constant 5120 : i32
      %dma_wait3A_1420 = tpu.memref_slice %arg7[%dma_wait3A_1419] : memref<16384xf32, #tpu.memory_space<vmem>> -> memref<1024xf32, #tpu.memory_space<vmem>>
      %dma_wait3A_1421 = arith.constant 0 : i32
      %dma_wait3A_1422 = tpu.memref_slice %arg2[%dma_wait3A_1418, %dma_wait3A_1421] : memref<16x2600000xf32, #tpu.memory_space<hbm>> -> memref<1x1024xf32, #tpu.memory_space<hbm>>
      %dma_wait3A_1423 = tpu.memref_squeeze %dma_wait3A_1422 : memref<1x1024xf32, #tpu.memory_space<hbm>> -> memref<1024xf32, #tpu.memory_space<hbm>>
      %dma_wait3A_1424 = arith.constant 5120 : i32
      %dma_wait3A_1425 = tpu.memref_slice %arg7[%dma_wait3A_1424] : memref<16384xf32, #tpu.memory_space<vmem>> -> memref<1024xf32, #tpu.memory_space<vmem>>
      %dma_wait3A_1426 = arith.constant 0 : i32
      %dma_wait3A_1427 = tpu.memref_slice %arg2[%dma_wait3A_1418, %dma_wait3A_1426] : memref<16x2600000xf32, #tpu.memory_space<hbm>> -> memref<1x1024xf32, #tpu.memory_space<hbm>>
      %dma_wait3A_1428 = tpu.memref_squeeze %dma_wait3A_1427 : memref<1x1024xf32, #tpu.memory_space<hbm>> -> memref<1024xf32, #tpu.memory_space<hbm>>
      tpu.wait_dma2 semaphore(%arg12 : memref<!tpu.dma_semaphore, #tpu.memory_space<semaphore_mem>>) src(%dma_wait3A_1428 : memref<1024xf32, #tpu.memory_space<hbm>>) dst(%dma_wait3A_1425 : memref<1024xf32, #tpu.memory_space<vmem>>)
      %dma_wait3A_1429 = arith.constant 0 : i32
      %dma_wait3A_1430 = arith.constant 6144 : i32
      %dma_wait3A_1431 = tpu.memref_slice %arg7[%dma_wait3A_1430] : memref<16384xf32, #tpu.memory_space<vmem>> -> memref<1024xf32, #tpu.memory_space<vmem>>
      %dma_wait3A_1432 = arith.constant 0 : i32
      %dma_wait3A_1433 = tpu.memref_slice %arg2[%dma_wait3A_1429, %dma_wait3A_1432] : memref<16x2600000xf32, #tpu.memory_space<hbm>> -> memref<1x1024xf32, #tpu.memory_space<hbm>>
      %dma_wait3A_1434 = tpu.memref_squeeze %dma_wait3A_1433 : memref<1x1024xf32, #tpu.memory_space<hbm>> -> memref<1024xf32, #tpu.memory_space<hbm>>
      %dma_wait3A_1435 = arith.constant 6144 : i32
      %dma_wait3A_1436 = tpu.memref_slice %arg7[%dma_wait3A_1435] : memref<16384xf32, #tpu.memory_space<vmem>> -> memref<1024xf32, #tpu.memory_space<vmem>>
      %dma_wait3A_1437 = arith.constant 0 : i32
      %dma_wait3A_1438 = tpu.memref_slice %arg2[%dma_wait3A_1429, %dma_wait3A_1437] : memref<16x2600000xf32, #tpu.memory_space<hbm>> -> memref<1x1024xf32, #tpu.memory_space<hbm>>
      %dma_wait3A_1439 = tpu.memref_squeeze %dma_wait3A_1438 : memref<1x1024xf32, #tpu.memory_space<hbm>> -> memref<1024xf32, #tpu.memory_space<hbm>>
      tpu.wait_dma2 semaphore(%arg12 : memref<!tpu.dma_semaphore, #tpu.memory_space<semaphore_mem>>) src(%dma_wait3A_1439 : memref<1024xf32, #tpu.memory_space<hbm>>) dst(%dma_wait3A_1436 : memref<1024xf32, #tpu.memory_space<vmem>>)
      %dma_wait3A_1440 = arith.constant 0 : i32
      %dma_wait3A_1441 = arith.constant 7168 : i32
      %dma_wait3A_1442 = tpu.memref_slice %arg7[%dma_wait3A_1441] : memref<16384xf32, #tpu.memory_space<vmem>> -> memref<1024xf32, #tpu.memory_space<vmem>>
      %dma_wait3A_1443 = arith.constant 0 : i32
      %dma_wait3A_1444 = tpu.memref_slice %arg2[%dma_wait3A_1440, %dma_wait3A_1443] : memref<16x2600000xf32, #tpu.memory_space<hbm>> -> memref<1x1024xf32, #tpu.memory_space<hbm>>
      %dma_wait3A_1445 = tpu.memref_squeeze %dma_wait3A_1444 : memref<1x1024xf32, #tpu.memory_space<hbm>> -> memref<1024xf32, #tpu.memory_space<hbm>>
      %dma_wait3A_1446 = arith.constant 7168 : i32
      %dma_wait3A_1447 = tpu.memref_slice %arg7[%dma_wait3A_1446] : memref<16384xf32, #tpu.memory_space<vmem>> -> memref<1024xf32, #tpu.memory_space<vmem>>
      %dma_wait3A_1448 = arith.constant 0 : i32
      %dma_wait3A_1449 = tpu.memref_slice %arg2[%dma_wait3A_1440, %dma_wait3A_1448] : memref<16x2600000xf32, #tpu.memory_space<hbm>> -> memref<1x1024xf32, #tpu.memory_space<hbm>>
      %dma_wait3A_1450 = tpu.memref_squeeze %dma_wait3A_1449 : memref<1x1024xf32, #tpu.memory_space<hbm>> -> memref<1024xf32, #tpu.memory_space<hbm>>
      tpu.wait_dma2 semaphore(%arg12 : memref<!tpu.dma_semaphore, #tpu.memory_space<semaphore_mem>>) src(%dma_wait3A_1450 : memref<1024xf32, #tpu.memory_space<hbm>>) dst(%dma_wait3A_1447 : memref<1024xf32, #tpu.memory_space<vmem>>)
      %dma_wait3A_1451 = arith.constant 0 : i32
      %dma_wait3A_1452 = arith.constant 8192 : i32
      %dma_wait3A_1453 = tpu.memref_slice %arg7[%dma_wait3A_1452] : memref<16384xf32, #tpu.memory_space<vmem>> -> memref<1024xf32, #tpu.memory_space<vmem>>
      %dma_wait3A_1454 = arith.constant 0 : i32
      %dma_wait3A_1455 = tpu.memref_slice %arg2[%dma_wait3A_1451, %dma_wait3A_1454] : memref<16x2600000xf32, #tpu.memory_space<hbm>> -> memref<1x1024xf32, #tpu.memory_space<hbm>>
      %dma_wait3A_1456 = tpu.memref_squeeze %dma_wait3A_1455 : memref<1x1024xf32, #tpu.memory_space<hbm>> -> memref<1024xf32, #tpu.memory_space<hbm>>
      %dma_wait3A_1457 = arith.constant 8192 : i32
      %dma_wait3A_1458 = tpu.memref_slice %arg7[%dma_wait3A_1457] : memref<16384xf32, #tpu.memory_space<vmem>> -> memref<1024xf32, #tpu.memory_space<vmem>>
      %dma_wait3A_1459 = arith.constant 0 : i32
      %dma_wait3A_1460 = tpu.memref_slice %arg2[%dma_wait3A_1451, %dma_wait3A_1459] : memref<16x2600000xf32, #tpu.memory_space<hbm>> -> memref<1x1024xf32, #tpu.memory_space<hbm>>
      %dma_wait3A_1461 = tpu.memref_squeeze %dma_wait3A_1460 : memref<1x1024xf32, #tpu.memory_space<hbm>> -> memref<1024xf32, #tpu.memory_space<hbm>>
      tpu.wait_dma2 semaphore(%arg12 : memref<!tpu.dma_semaphore, #tpu.memory_space<semaphore_mem>>) src(%dma_wait3A_1461 : memref<1024xf32, #tpu.memory_space<hbm>>) dst(%dma_wait3A_1458 : memref<1024xf32, #tpu.memory_space<vmem>>)
      %dma_wait3A_1462 = arith.constant 0 : i32
      %dma_wait3A_1463 = arith.constant 9216 : i32
      %dma_wait3A_1464 = tpu.memref_slice %arg7[%dma_wait3A_1463] : memref<16384xf32, #tpu.memory_space<vmem>> -> memref<1024xf32, #tpu.memory_space<vmem>>
      %dma_wait3A_1465 = arith.constant 0 : i32
      %dma_wait3A_1466 = tpu.memref_slice %arg2[%dma_wait3A_1462, %dma_wait3A_1465] : memref<16x2600000xf32, #tpu.memory_space<hbm>> -> memref<1x1024xf32, #tpu.memory_space<hbm>>
      %dma_wait3A_1467 = tpu.memref_squeeze %dma_wait3A_1466 : memref<1x1024xf32, #tpu.memory_space<hbm>> -> memref<1024xf32, #tpu.memory_space<hbm>>
      %dma_wait3A_1468 = arith.constant 9216 : i32
      %dma_wait3A_1469 = tpu.memref_slice %arg7[%dma_wait3A_1468] : memref<16384xf32, #tpu.memory_space<vmem>> -> memref<1024xf32, #tpu.memory_space<vmem>>
      %dma_wait3A_1470 = arith.constant 0 : i32
      %dma_wait3A_1471 = tpu.memref_slice %arg2[%dma_wait3A_1462, %dma_wait3A_1470] : memref<16x2600000xf32, #tpu.memory_space<hbm>> -> memref<1x1024xf32, #tpu.memory_space<hbm>>
      %dma_wait3A_1472 = tpu.memref_squeeze %dma_wait3A_1471 : memref<1x1024xf32, #tpu.memory_space<hbm>> -> memref<1024xf32, #tpu.memory_space<hbm>>
      tpu.wait_dma2 semaphore(%arg12 : memref<!tpu.dma_semaphore, #tpu.memory_space<semaphore_mem>>) src(%dma_wait3A_1472 : memref<1024xf32, #tpu.memory_space<hbm>>) dst(%dma_wait3A_1469 : memref<1024xf32, #tpu.memory_space<vmem>>)
      %dma_wait3A_1473 = arith.constant 0 : i32
      %dma_wait3A_1474 = arith.constant 10240 : i32
      %dma_wait3A_1475 = tpu.memref_slice %arg7[%dma_wait3A_1474] : memref<16384xf32, #tpu.memory_space<vmem>> -> memref<1024xf32, #tpu.memory_space<vmem>>
      %dma_wait3A_1476 = arith.constant 0 : i32
      %dma_wait3A_1477 = tpu.memref_slice %arg2[%dma_wait3A_1473, %dma_wait3A_1476] : memref<16x2600000xf32, #tpu.memory_space<hbm>> -> memref<1x1024xf32, #tpu.memory_space<hbm>>
      %dma_wait3A_1478 = tpu.memref_squeeze %dma_wait3A_1477 : memref<1x1024xf32, #tpu.memory_space<hbm>> -> memref<1024xf32, #tpu.memory_space<hbm>>
      %dma_wait3A_1479 = arith.constant 10240 : i32
      %dma_wait3A_1480 = tpu.memref_slice %arg7[%dma_wait3A_1479] : memref<16384xf32, #tpu.memory_space<vmem>> -> memref<1024xf32, #tpu.memory_space<vmem>>
      %dma_wait3A_1481 = arith.constant 0 : i32
      %dma_wait3A_1482 = tpu.memref_slice %arg2[%dma_wait3A_1473, %dma_wait3A_1481] : memref<16x2600000xf32, #tpu.memory_space<hbm>> -> memref<1x1024xf32, #tpu.memory_space<hbm>>
      %dma_wait3A_1483 = tpu.memref_squeeze %dma_wait3A_1482 : memref<1x1024xf32, #tpu.memory_space<hbm>> -> memref<1024xf32, #tpu.memory_space<hbm>>
      tpu.wait_dma2 semaphore(%arg12 : memref<!tpu.dma_semaphore, #tpu.memory_space<semaphore_mem>>) src(%dma_wait3A_1483 : memref<1024xf32, #tpu.memory_space<hbm>>) dst(%dma_wait3A_1480 : memref<1024xf32, #tpu.memory_space<vmem>>)
      %dma_wait3A_1484 = arith.constant 0 : i32
      %dma_wait3A_1485 = arith.constant 11264 : i32
      %dma_wait3A_1486 = tpu.memref_slice %arg7[%dma_wait3A_1485] : memref<16384xf32, #tpu.memory_space<vmem>> -> memref<1024xf32, #tpu.memory_space<vmem>>
      %dma_wait3A_1487 = arith.constant 0 : i32
      %dma_wait3A_1488 = tpu.memref_slice %arg2[%dma_wait3A_1484, %dma_wait3A_1487] : memref<16x2600000xf32, #tpu.memory_space<hbm>> -> memref<1x1024xf32, #tpu.memory_space<hbm>>
      %dma_wait3A_1489 = tpu.memref_squeeze %dma_wait3A_1488 : memref<1x1024xf32, #tpu.memory_space<hbm>> -> memref<1024xf32, #tpu.memory_space<hbm>>
      %dma_wait3A_1490 = arith.constant 11264 : i32
      %dma_wait3A_1491 = tpu.memref_slice %arg7[%dma_wait3A_1490] : memref<16384xf32, #tpu.memory_space<vmem>> -> memref<1024xf32, #tpu.memory_space<vmem>>
      %dma_wait3A_1492 = arith.constant 0 : i32
      %dma_wait3A_1493 = tpu.memref_slice %arg2[%dma_wait3A_1484, %dma_wait3A_1492] : memref<16x2600000xf32, #tpu.memory_space<hbm>> -> memref<1x1024xf32, #tpu.memory_space<hbm>>
      %dma_wait3A_1494 = tpu.memref_squeeze %dma_wait3A_1493 : memref<1x1024xf32, #tpu.memory_space<hbm>> -> memref<1024xf32, #tpu.memory_space<hbm>>
      tpu.wait_dma2 semaphore(%arg12 : memref<!tpu.dma_semaphore, #tpu.memory_space<semaphore_mem>>) src(%dma_wait3A_1494 : memref<1024xf32, #tpu.memory_space<hbm>>) dst(%dma_wait3A_1491 : memref<1024xf32, #tpu.memory_space<vmem>>)
      %dma_wait3A_1495 = arith.constant 0 : i32
      %dma_wait3A_1496 = arith.constant 12288 : i32
      %dma_wait3A_1497 = tpu.memref_slice %arg7[%dma_wait3A_1496] : memref<16384xf32, #tpu.memory_space<vmem>> -> memref<1024xf32, #tpu.memory_space<vmem>>
      %dma_wait3A_1498 = arith.constant 0 : i32
      %dma_wait3A_1499 = tpu.memref_slice %arg2[%dma_wait3A_1495, %dma_wait3A_1498] : memref<16x2600000xf32, #tpu.memory_space<hbm>> -> memref<1x1024xf32, #tpu.memory_space<hbm>>
      %dma_wait3A_1500 = tpu.memref_squeeze %dma_wait3A_1499 : memref<1x1024xf32, #tpu.memory_space<hbm>> -> memref<1024xf32, #tpu.memory_space<hbm>>
      %dma_wait3A_1501 = arith.constant 12288 : i32
      %dma_wait3A_1502 = tpu.memref_slice %arg7[%dma_wait3A_1501] : memref<16384xf32, #tpu.memory_space<vmem>> -> memref<1024xf32, #tpu.memory_space<vmem>>
      %dma_wait3A_1503 = arith.constant 0 : i32
      %dma_wait3A_1504 = tpu.memref_slice %arg2[%dma_wait3A_1495, %dma_wait3A_1503] : memref<16x2600000xf32, #tpu.memory_space<hbm>> -> memref<1x1024xf32, #tpu.memory_space<hbm>>
      %dma_wait3A_1505 = tpu.memref_squeeze %dma_wait3A_1504 : memref<1x1024xf32, #tpu.memory_space<hbm>> -> memref<1024xf32, #tpu.memory_space<hbm>>
      tpu.wait_dma2 semaphore(%arg12 : memref<!tpu.dma_semaphore, #tpu.memory_space<semaphore_mem>>) src(%dma_wait3A_1505 : memref<1024xf32, #tpu.memory_space<hbm>>) dst(%dma_wait3A_1502 : memref<1024xf32, #tpu.memory_space<vmem>>)
      %dma_wait3A_1506 = arith.constant 0 : i32
      %dma_wait3A_1507 = arith.constant 13312 : i32
      %dma_wait3A_1508 = tpu.memref_slice %arg7[%dma_wait3A_1507] : memref<16384xf32, #tpu.memory_space<vmem>> -> memref<1024xf32, #tpu.memory_space<vmem>>
      %dma_wait3A_1509 = arith.constant 0 : i32
      %dma_wait3A_1510 = tpu.memref_slice %arg2[%dma_wait3A_1506, %dma_wait3A_1509] : memref<16x2600000xf32, #tpu.memory_space<hbm>> -> memref<1x1024xf32, #tpu.memory_space<hbm>>
      %dma_wait3A_1511 = tpu.memref_squeeze %dma_wait3A_1510 : memref<1x1024xf32, #tpu.memory_space<hbm>> -> memref<1024xf32, #tpu.memory_space<hbm>>
      %dma_wait3A_1512 = arith.constant 13312 : i32
      %dma_wait3A_1513 = tpu.memref_slice %arg7[%dma_wait3A_1512] : memref<16384xf32, #tpu.memory_space<vmem>> -> memref<1024xf32, #tpu.memory_space<vmem>>
      %dma_wait3A_1514 = arith.constant 0 : i32
      %dma_wait3A_1515 = tpu.memref_slice %arg2[%dma_wait3A_1506, %dma_wait3A_1514] : memref<16x2600000xf32, #tpu.memory_space<hbm>> -> memref<1x1024xf32, #tpu.memory_space<hbm>>
      %dma_wait3A_1516 = tpu.memref_squeeze %dma_wait3A_1515 : memref<1x1024xf32, #tpu.memory_space<hbm>> -> memref<1024xf32, #tpu.memory_space<hbm>>
      tpu.wait_dma2 semaphore(%arg12 : memref<!tpu.dma_semaphore, #tpu.memory_space<semaphore_mem>>) src(%dma_wait3A_1516 : memref<1024xf32, #tpu.memory_space<hbm>>) dst(%dma_wait3A_1513 : memref<1024xf32, #tpu.memory_space<vmem>>)
      %dma_wait3A_1517 = arith.constant 0 : i32
      %dma_wait3A_1518 = arith.constant 14336 : i32
      %dma_wait3A_1519 = tpu.memref_slice %arg7[%dma_wait3A_1518] : memref<16384xf32, #tpu.memory_space<vmem>> -> memref<1024xf32, #tpu.memory_space<vmem>>
      %dma_wait3A_1520 = arith.constant 0 : i32
      %dma_wait3A_1521 = tpu.memref_slice %arg2[%dma_wait3A_1517, %dma_wait3A_1520] : memref<16x2600000xf32, #tpu.memory_space<hbm>> -> memref<1x1024xf32, #tpu.memory_space<hbm>>
      %dma_wait3A_1522 = tpu.memref_squeeze %dma_wait3A_1521 : memref<1x1024xf32, #tpu.memory_space<hbm>> -> memref<1024xf32, #tpu.memory_space<hbm>>
      %dma_wait3A_1523 = arith.constant 14336 : i32
      %dma_wait3A_1524 = tpu.memref_slice %arg7[%dma_wait3A_1523] : memref<16384xf32, #tpu.memory_space<vmem>> -> memref<1024xf32, #tpu.memory_space<vmem>>
      %dma_wait3A_1525 = arith.constant 0 : i32
      %dma_wait3A_1526 = tpu.memref_slice %arg2[%dma_wait3A_1517, %dma_wait3A_1525] : memref<16x2600000xf32, #tpu.memory_space<hbm>> -> memref<1x1024xf32, #tpu.memory_space<hbm>>
      %dma_wait3A_1527 = tpu.memref_squeeze %dma_wait3A_1526 : memref<1x1024xf32, #tpu.memory_space<hbm>> -> memref<1024xf32, #tpu.memory_space<hbm>>
      tpu.wait_dma2 semaphore(%arg12 : memref<!tpu.dma_semaphore, #tpu.memory_space<semaphore_mem>>) src(%dma_wait3A_1527 : memref<1024xf32, #tpu.memory_space<hbm>>) dst(%dma_wait3A_1524 : memref<1024xf32, #tpu.memory_space<vmem>>)
      %dma_wait3A_1528 = arith.constant 0 : i32
      %dma_wait3A_1529 = arith.constant 15360 : i32
      %dma_wait3A_1530 = tpu.memref_slice %arg7[%dma_wait3A_1529] : memref<16384xf32, #tpu.memory_space<vmem>> -> memref<1024xf32, #tpu.memory_space<vmem>>
      %dma_wait3A_1531 = arith.constant 0 : i32
      %dma_wait3A_1532 = tpu.memref_slice %arg2[%dma_wait3A_1528, %dma_wait3A_1531] : memref<16x2600000xf32, #tpu.memory_space<hbm>> -> memref<1x1024xf32, #tpu.memory_space<hbm>>
      %dma_wait3A_1533 = tpu.memref_squeeze %dma_wait3A_1532 : memref<1x1024xf32, #tpu.memory_space<hbm>> -> memref<1024xf32, #tpu.memory_space<hbm>>
      %dma_wait3A_1534 = arith.constant 15360 : i32
      %dma_wait3A_1535 = tpu.memref_slice %arg7[%dma_wait3A_1534] : memref<16384xf32, #tpu.memory_space<vmem>> -> memref<1024xf32, #tpu.memory_space<vmem>>
      %dma_wait3A_1536 = arith.constant 0 : i32
      %dma_wait3A_1537 = tpu.memref_slice %arg2[%dma_wait3A_1528, %dma_wait3A_1536] : memref<16x2600000xf32, #tpu.memory_space<hbm>> -> memref<1x1024xf32, #tpu.memory_space<hbm>>
      %dma_wait3A_1538 = tpu.memref_squeeze %dma_wait3A_1537 : memref<1x1024xf32, #tpu.memory_space<hbm>> -> memref<1024xf32, #tpu.memory_space<hbm>>
      tpu.wait_dma2 semaphore(%arg12 : memref<!tpu.dma_semaphore, #tpu.memory_space<semaphore_mem>>) src(%dma_wait3A_1538 : memref<1024xf32, #tpu.memory_space<hbm>>) dst(%dma_wait3A_1535 : memref<1024xf32, #tpu.memory_space<vmem>>)
      %add3A_1539 = arith.constant 4 : i32
      %add3A_1540 = arith.addi %mul3A_670, %add3A_1539 : i32
      %mul3A_1541 = arith.constant 32 : i32
      %mul3A_1542 = arith.muli %add3A_1540, %mul3A_1541 : i32
      %add3A_1543 = arith.addi %add3A, %mul3A_1542 : i32
      %min3A_1544 = arith.constant 2538 : i32
      %min3A_1545 = arith.minsi %add3A_1543, %min3A_1544 : i32
      %mul3A_1546 = arith.constant 1024 : i32
      %mul3A_1547 = arith.muli %min3A_1545, %mul3A_1546 : i32
      %dma_start3A_1548 = arith.constant 0 : i32
      %dma_start3A_1549 = arith.constant 0 : i32
      %dma_start3A_1550 = tpu.memref_slice %arg6[%dma_start3A_1549] : memref<16384xf32, #tpu.memory_space<vmem>> -> memref<1024xf32, #tpu.memory_space<vmem>>
      %dma_start3A_1551 = tpu.memref_slice %arg2[%dma_start3A_1548, %mul3A_1547] : memref<16x2600000xf32, #tpu.memory_space<hbm>> -> memref<1x1024xf32, #tpu.memory_space<hbm>>
      %dma_start3A_1552 = tpu.memref_squeeze %dma_start3A_1551 : memref<1x1024xf32, #tpu.memory_space<hbm>> -> memref<1024xf32, #tpu.memory_space<hbm>>
      %dma_start3A_1553 = arith.constant 0 : i32
      %dma_start3A_1554 = tpu.memref_slice %arg6[%dma_start3A_1553] : memref<16384xf32, #tpu.memory_space<vmem>> -> memref<1024xf32, #tpu.memory_space<vmem>>
      %dma_start3A_1555 = tpu.memref_slice %arg2[%dma_start3A_1548, %mul3A_1547] : memref<16x2600000xf32, #tpu.memory_space<hbm>> -> memref<1x1024xf32, #tpu.memory_space<hbm>>
      %dma_start3A_1556 = tpu.memref_squeeze %dma_start3A_1555 : memref<1x1024xf32, #tpu.memory_space<hbm>> -> memref<1024xf32, #tpu.memory_space<hbm>>
      tpu.enqueue_dma source(%dma_start3A_1556 : memref<1024xf32, #tpu.memory_space<hbm>>) target(%dma_start3A_1554 : memref<1024xf32, #tpu.memory_space<vmem>>) target_semaphore(%arg11 : memref<!tpu.dma_semaphore, #tpu.memory_space<semaphore_mem>>)
      %dma_start3A_1557 = arith.constant 1 : i32
      %dma_start3A_1558 = arith.constant 1024 : i32
      %dma_start3A_1559 = tpu.memref_slice %arg6[%dma_start3A_1558] : memref<16384xf32, #tpu.memory_space<vmem>> -> memref<1024xf32, #tpu.memory_space<vmem>>
      %dma_start3A_1560 = tpu.memref_slice %arg2[%dma_start3A_1557, %mul3A_1547] : memref<16x2600000xf32, #tpu.memory_space<hbm>> -> memref<1x1024xf32, #tpu.memory_space<hbm>>
      %dma_start3A_1561 = tpu.memref_squeeze %dma_start3A_1560 : memref<1x1024xf32, #tpu.memory_space<hbm>> -> memref<1024xf32, #tpu.memory_space<hbm>>
      %dma_start3A_1562 = arith.constant 1024 : i32
      %dma_start3A_1563 = tpu.memref_slice %arg6[%dma_start3A_1562] : memref<16384xf32, #tpu.memory_space<vmem>> -> memref<1024xf32, #tpu.memory_space<vmem>>
      %dma_start3A_1564 = tpu.memref_slice %arg2[%dma_start3A_1557, %mul3A_1547] : memref<16x2600000xf32, #tpu.memory_space<hbm>> -> memref<1x1024xf32, #tpu.memory_space<hbm>>
      %dma_start3A_1565 = tpu.memref_squeeze %dma_start3A_1564 : memref<1x1024xf32, #tpu.memory_space<hbm>> -> memref<1024xf32, #tpu.memory_space<hbm>>
      tpu.enqueue_dma source(%dma_start3A_1565 : memref<1024xf32, #tpu.memory_space<hbm>>) target(%dma_start3A_1563 : memref<1024xf32, #tpu.memory_space<vmem>>) target_semaphore(%arg11 : memref<!tpu.dma_semaphore, #tpu.memory_space<semaphore_mem>>)
      %dma_start3A_1566 = arith.constant 2 : i32
      %dma_start3A_1567 = arith.constant 2048 : i32
      %dma_start3A_1568 = tpu.memref_slice %arg6[%dma_start3A_1567] : memref<16384xf32, #tpu.memory_space<vmem>> -> memref<1024xf32, #tpu.memory_space<vmem>>
      %dma_start3A_1569 = tpu.memref_slice %arg2[%dma_start3A_1566, %mul3A_1547] : memref<16x2600000xf32, #tpu.memory_space<hbm>> -> memref<1x1024xf32, #tpu.memory_space<hbm>>
      %dma_start3A_1570 = tpu.memref_squeeze %dma_start3A_1569 : memref<1x1024xf32, #tpu.memory_space<hbm>> -> memref<1024xf32, #tpu.memory_space<hbm>>
      %dma_start3A_1571 = arith.constant 2048 : i32
      %dma_start3A_1572 = tpu.memref_slice %arg6[%dma_start3A_1571] : memref<16384xf32, #tpu.memory_space<vmem>> -> memref<1024xf32, #tpu.memory_space<vmem>>
      %dma_start3A_1573 = tpu.memref_slice %arg2[%dma_start3A_1566, %mul3A_1547] : memref<16x2600000xf32, #tpu.memory_space<hbm>> -> memref<1x1024xf32, #tpu.memory_space<hbm>>
      %dma_start3A_1574 = tpu.memref_squeeze %dma_start3A_1573 : memref<1x1024xf32, #tpu.memory_space<hbm>> -> memref<1024xf32, #tpu.memory_space<hbm>>
      tpu.enqueue_dma source(%dma_start3A_1574 : memref<1024xf32, #tpu.memory_space<hbm>>) target(%dma_start3A_1572 : memref<1024xf32, #tpu.memory_space<vmem>>) target_semaphore(%arg11 : memref<!tpu.dma_semaphore, #tpu.memory_space<semaphore_mem>>)
      %dma_start3A_1575 = arith.constant 3 : i32
      %dma_start3A_1576 = arith.constant 3072 : i32
      %dma_start3A_1577 = tpu.memref_slice %arg6[%dma_start3A_1576] : memref<16384xf32, #tpu.memory_space<vmem>> -> memref<1024xf32, #tpu.memory_space<vmem>>
      %dma_start3A_1578 = tpu.memref_slice %arg2[%dma_start3A_1575, %mul3A_1547] : memref<16x2600000xf32, #tpu.memory_space<hbm>> -> memref<1x1024xf32, #tpu.memory_space<hbm>>
      %dma_start3A_1579 = tpu.memref_squeeze %dma_start3A_1578 : memref<1x1024xf32, #tpu.memory_space<hbm>> -> memref<1024xf32, #tpu.memory_space<hbm>>
      %dma_start3A_1580 = arith.constant 3072 : i32
      %dma_start3A_1581 = tpu.memref_slice %arg6[%dma_start3A_1580] : memref<16384xf32, #tpu.memory_space<vmem>> -> memref<1024xf32, #tpu.memory_space<vmem>>
      %dma_start3A_1582 = tpu.memref_slice %arg2[%dma_start3A_1575, %mul3A_1547] : memref<16x2600000xf32, #tpu.memory_space<hbm>> -> memref<1x1024xf32, #tpu.memory_space<hbm>>
      %dma_start3A_1583 = tpu.memref_squeeze %dma_start3A_1582 : memref<1x1024xf32, #tpu.memory_space<hbm>> -> memref<1024xf32, #tpu.memory_space<hbm>>
      tpu.enqueue_dma source(%dma_start3A_1583 : memref<1024xf32, #tpu.memory_space<hbm>>) target(%dma_start3A_1581 : memref<1024xf32, #tpu.memory_space<vmem>>) target_semaphore(%arg11 : memref<!tpu.dma_semaphore, #tpu.memory_space<semaphore_mem>>)
      %dma_start3A_1584 = arith.constant 4 : i32
      %dma_start3A_1585 = arith.constant 4096 : i32
      %dma_start3A_1586 = tpu.memref_slice %arg6[%dma_start3A_1585] : memref<16384xf32, #tpu.memory_space<vmem>> -> memref<1024xf32, #tpu.memory_space<vmem>>
      %dma_start3A_1587 = tpu.memref_slice %arg2[%dma_start3A_1584, %mul3A_1547] : memref<16x2600000xf32, #tpu.memory_space<hbm>> -> memref<1x1024xf32, #tpu.memory_space<hbm>>
      %dma_start3A_1588 = tpu.memref_squeeze %dma_start3A_1587 : memref<1x1024xf32, #tpu.memory_space<hbm>> -> memref<1024xf32, #tpu.memory_space<hbm>>
      %dma_start3A_1589 = arith.constant 4096 : i32
      %dma_start3A_1590 = tpu.memref_slice %arg6[%dma_start3A_1589] : memref<16384xf32, #tpu.memory_space<vmem>> -> memref<1024xf32, #tpu.memory_space<vmem>>
      %dma_start3A_1591 = tpu.memref_slice %arg2[%dma_start3A_1584, %mul3A_1547] : memref<16x2600000xf32, #tpu.memory_space<hbm>> -> memref<1x1024xf32, #tpu.memory_space<hbm>>
      %dma_start3A_1592 = tpu.memref_squeeze %dma_start3A_1591 : memref<1x1024xf32, #tpu.memory_space<hbm>> -> memref<1024xf32, #tpu.memory_space<hbm>>
      tpu.enqueue_dma source(%dma_start3A_1592 : memref<1024xf32, #tpu.memory_space<hbm>>) target(%dma_start3A_1590 : memref<1024xf32, #tpu.memory_space<vmem>>) target_semaphore(%arg11 : memref<!tpu.dma_semaphore, #tpu.memory_space<semaphore_mem>>)
      %dma_start3A_1593 = arith.constant 5 : i32
      %dma_start3A_1594 = arith.constant 5120 : i32
      %dma_start3A_1595 = tpu.memref_slice %arg6[%dma_start3A_1594] : memref<16384xf32, #tpu.memory_space<vmem>> -> memref<1024xf32, #tpu.memory_space<vmem>>
      %dma_start3A_1596 = tpu.memref_slice %arg2[%dma_start3A_1593, %mul3A_1547] : memref<16x2600000xf32, #tpu.memory_space<hbm>> -> memref<1x1024xf32, #tpu.memory_space<hbm>>
      %dma_start3A_1597 = tpu.memref_squeeze %dma_start3A_1596 : memref<1x1024xf32, #tpu.memory_space<hbm>> -> memref<1024xf32, #tpu.memory_space<hbm>>
      %dma_start3A_1598 = arith.constant 5120 : i32
      %dma_start3A_1599 = tpu.memref_slice %arg6[%dma_start3A_1598] : memref<16384xf32, #tpu.memory_space<vmem>> -> memref<1024xf32, #tpu.memory_space<vmem>>
      %dma_start3A_1600 = tpu.memref_slice %arg2[%dma_start3A_1593, %mul3A_1547] : memref<16x2600000xf32, #tpu.memory_space<hbm>> -> memref<1x1024xf32, #tpu.memory_space<hbm>>
      %dma_start3A_1601 = tpu.memref_squeeze %dma_start3A_1600 : memref<1x1024xf32, #tpu.memory_space<hbm>> -> memref<1024xf32, #tpu.memory_space<hbm>>
      tpu.enqueue_dma source(%dma_start3A_1601 : memref<1024xf32, #tpu.memory_space<hbm>>) target(%dma_start3A_1599 : memref<1024xf32, #tpu.memory_space<vmem>>) target_semaphore(%arg11 : memref<!tpu.dma_semaphore, #tpu.memory_space<semaphore_mem>>)
      %dma_start3A_1602 = arith.constant 6 : i32
      %dma_start3A_1603 = arith.constant 6144 : i32
      %dma_start3A_1604 = tpu.memref_slice %arg6[%dma_start3A_1603] : memref<16384xf32, #tpu.memory_space<vmem>> -> memref<1024xf32, #tpu.memory_space<vmem>>
      %dma_start3A_1605 = tpu.memref_slice %arg2[%dma_start3A_1602, %mul3A_1547] : memref<16x2600000xf32, #tpu.memory_space<hbm>> -> memref<1x1024xf32, #tpu.memory_space<hbm>>
      %dma_start3A_1606 = tpu.memref_squeeze %dma_start3A_1605 : memref<1x1024xf32, #tpu.memory_space<hbm>> -> memref<1024xf32, #tpu.memory_space<hbm>>
      %dma_start3A_1607 = arith.constant 6144 : i32
      %dma_start3A_1608 = tpu.memref_slice %arg6[%dma_start3A_1607] : memref<16384xf32, #tpu.memory_space<vmem>> -> memref<1024xf32, #tpu.memory_space<vmem>>
      %dma_start3A_1609 = tpu.memref_slice %arg2[%dma_start3A_1602, %mul3A_1547] : memref<16x2600000xf32, #tpu.memory_space<hbm>> -> memref<1x1024xf32, #tpu.memory_space<hbm>>
      %dma_start3A_1610 = tpu.memref_squeeze %dma_start3A_1609 : memref<1x1024xf32, #tpu.memory_space<hbm>> -> memref<1024xf32, #tpu.memory_space<hbm>>
      tpu.enqueue_dma source(%dma_start3A_1610 : memref<1024xf32, #tpu.memory_space<hbm>>) target(%dma_start3A_1608 : memref<1024xf32, #tpu.memory_space<vmem>>) target_semaphore(%arg11 : memref<!tpu.dma_semaphore, #tpu.memory_space<semaphore_mem>>)
      %dma_start3A_1611 = arith.constant 7 : i32
      %dma_start3A_1612 = arith.constant 7168 : i32
      %dma_start3A_1613 = tpu.memref_slice %arg6[%dma_start3A_1612] : memref<16384xf32, #tpu.memory_space<vmem>> -> memref<1024xf32, #tpu.memory_space<vmem>>
      %dma_start3A_1614 = tpu.memref_slice %arg2[%dma_start3A_1611, %mul3A_1547] : memref<16x2600000xf32, #tpu.memory_space<hbm>> -> memref<1x1024xf32, #tpu.memory_space<hbm>>
      %dma_start3A_1615 = tpu.memref_squeeze %dma_start3A_1614 : memref<1x1024xf32, #tpu.memory_space<hbm>> -> memref<1024xf32, #tpu.memory_space<hbm>>
      %dma_start3A_1616 = arith.constant 7168 : i32
      %dma_start3A_1617 = tpu.memref_slice %arg6[%dma_start3A_1616] : memref<16384xf32, #tpu.memory_space<vmem>> -> memref<1024xf32, #tpu.memory_space<vmem>>
      %dma_start3A_1618 = tpu.memref_slice %arg2[%dma_start3A_1611, %mul3A_1547] : memref<16x2600000xf32, #tpu.memory_space<hbm>> -> memref<1x1024xf32, #tpu.memory_space<hbm>>
      %dma_start3A_1619 = tpu.memref_squeeze %dma_start3A_1618 : memref<1x1024xf32, #tpu.memory_space<hbm>> -> memref<1024xf32, #tpu.memory_space<hbm>>
      tpu.enqueue_dma source(%dma_start3A_1619 : memref<1024xf32, #tpu.memory_space<hbm>>) target(%dma_start3A_1617 : memref<1024xf32, #tpu.memory_space<vmem>>) target_semaphore(%arg11 : memref<!tpu.dma_semaphore, #tpu.memory_space<semaphore_mem>>)
      %dma_start3A_1620 = arith.constant 8 : i32
      %dma_start3A_1621 = arith.constant 8192 : i32
      %dma_start3A_1622 = tpu.memref_slice %arg6[%dma_start3A_1621] : memref<16384xf32, #tpu.memory_space<vmem>> -> memref<1024xf32, #tpu.memory_space<vmem>>
      %dma_start3A_1623 = tpu.memref_slice %arg2[%dma_start3A_1620, %mul3A_1547] : memref<16x2600000xf32, #tpu.memory_space<hbm>> -> memref<1x1024xf32, #tpu.memory_space<hbm>>
      %dma_start3A_1624 = tpu.memref_squeeze %dma_start3A_1623 : memref<1x1024xf32, #tpu.memory_space<hbm>> -> memref<1024xf32, #tpu.memory_space<hbm>>
      %dma_start3A_1625 = arith.constant 8192 : i32
      %dma_start3A_1626 = tpu.memref_slice %arg6[%dma_start3A_1625] : memref<16384xf32, #tpu.memory_space<vmem>> -> memref<1024xf32, #tpu.memory_space<vmem>>
      %dma_start3A_1627 = tpu.memref_slice %arg2[%dma_start3A_1620, %mul3A_1547] : memref<16x2600000xf32, #tpu.memory_space<hbm>> -> memref<1x1024xf32, #tpu.memory_space<hbm>>
      %dma_start3A_1628 = tpu.memref_squeeze %dma_start3A_1627 : memref<1x1024xf32, #tpu.memory_space<hbm>> -> memref<1024xf32, #tpu.memory_space<hbm>>
      tpu.enqueue_dma source(%dma_start3A_1628 : memref<1024xf32, #tpu.memory_space<hbm>>) target(%dma_start3A_1626 : memref<1024xf32, #tpu.memory_space<vmem>>) target_semaphore(%arg11 : memref<!tpu.dma_semaphore, #tpu.memory_space<semaphore_mem>>)
      %dma_start3A_1629 = arith.constant 9 : i32
      %dma_start3A_1630 = arith.constant 9216 : i32
      %dma_start3A_1631 = tpu.memref_slice %arg6[%dma_start3A_1630] : memref<16384xf32, #tpu.memory_space<vmem>> -> memref<1024xf32, #tpu.memory_space<vmem>>
      %dma_start3A_1632 = tpu.memref_slice %arg2[%dma_start3A_1629, %mul3A_1547] : memref<16x2600000xf32, #tpu.memory_space<hbm>> -> memref<1x1024xf32, #tpu.memory_space<hbm>>
      %dma_start3A_1633 = tpu.memref_squeeze %dma_start3A_1632 : memref<1x1024xf32, #tpu.memory_space<hbm>> -> memref<1024xf32, #tpu.memory_space<hbm>>
      %dma_start3A_1634 = arith.constant 9216 : i32
      %dma_start3A_1635 = tpu.memref_slice %arg6[%dma_start3A_1634] : memref<16384xf32, #tpu.memory_space<vmem>> -> memref<1024xf32, #tpu.memory_space<vmem>>
      %dma_start3A_1636 = tpu.memref_slice %arg2[%dma_start3A_1629, %mul3A_1547] : memref<16x2600000xf32, #tpu.memory_space<hbm>> -> memref<1x1024xf32, #tpu.memory_space<hbm>>
      %dma_start3A_1637 = tpu.memref_squeeze %dma_start3A_1636 : memref<1x1024xf32, #tpu.memory_space<hbm>> -> memref<1024xf32, #tpu.memory_space<hbm>>
      tpu.enqueue_dma source(%dma_start3A_1637 : memref<1024xf32, #tpu.memory_space<hbm>>) target(%dma_start3A_1635 : memref<1024xf32, #tpu.memory_space<vmem>>) target_semaphore(%arg11 : memref<!tpu.dma_semaphore, #tpu.memory_space<semaphore_mem>>)
      %dma_start3A_1638 = arith.constant 10 : i32
      %dma_start3A_1639 = arith.constant 10240 : i32
      %dma_start3A_1640 = tpu.memref_slice %arg6[%dma_start3A_1639] : memref<16384xf32, #tpu.memory_space<vmem>> -> memref<1024xf32, #tpu.memory_space<vmem>>
      %dma_start3A_1641 = tpu.memref_slice %arg2[%dma_start3A_1638, %mul3A_1547] : memref<16x2600000xf32, #tpu.memory_space<hbm>> -> memref<1x1024xf32, #tpu.memory_space<hbm>>
      %dma_start3A_1642 = tpu.memref_squeeze %dma_start3A_1641 : memref<1x1024xf32, #tpu.memory_space<hbm>> -> memref<1024xf32, #tpu.memory_space<hbm>>
      %dma_start3A_1643 = arith.constant 10240 : i32
      %dma_start3A_1644 = tpu.memref_slice %arg6[%dma_start3A_1643] : memref<16384xf32, #tpu.memory_space<vmem>> -> memref<1024xf32, #tpu.memory_space<vmem>>
      %dma_start3A_1645 = tpu.memref_slice %arg2[%dma_start3A_1638, %mul3A_1547] : memref<16x2600000xf32, #tpu.memory_space<hbm>> -> memref<1x1024xf32, #tpu.memory_space<hbm>>
      %dma_start3A_1646 = tpu.memref_squeeze %dma_start3A_1645 : memref<1x1024xf32, #tpu.memory_space<hbm>> -> memref<1024xf32, #tpu.memory_space<hbm>>
      tpu.enqueue_dma source(%dma_start3A_1646 : memref<1024xf32, #tpu.memory_space<hbm>>) target(%dma_start3A_1644 : memref<1024xf32, #tpu.memory_space<vmem>>) target_semaphore(%arg11 : memref<!tpu.dma_semaphore, #tpu.memory_space<semaphore_mem>>)
      %dma_start3A_1647 = arith.constant 11 : i32
      %dma_start3A_1648 = arith.constant 11264 : i32
      %dma_start3A_1649 = tpu.memref_slice %arg6[%dma_start3A_1648] : memref<16384xf32, #tpu.memory_space<vmem>> -> memref<1024xf32, #tpu.memory_space<vmem>>
      %dma_start3A_1650 = tpu.memref_slice %arg2[%dma_start3A_1647, %mul3A_1547] : memref<16x2600000xf32, #tpu.memory_space<hbm>> -> memref<1x1024xf32, #tpu.memory_space<hbm>>
      %dma_start3A_1651 = tpu.memref_squeeze %dma_start3A_1650 : memref<1x1024xf32, #tpu.memory_space<hbm>> -> memref<1024xf32, #tpu.memory_space<hbm>>
      %dma_start3A_1652 = arith.constant 11264 : i32
      %dma_start3A_1653 = tpu.memref_slice %arg6[%dma_start3A_1652] : memref<16384xf32, #tpu.memory_space<vmem>> -> memref<1024xf32, #tpu.memory_space<vmem>>
      %dma_start3A_1654 = tpu.memref_slice %arg2[%dma_start3A_1647, %mul3A_1547] : memref<16x2600000xf32, #tpu.memory_space<hbm>> -> memref<1x1024xf32, #tpu.memory_space<hbm>>
      %dma_start3A_1655 = tpu.memref_squeeze %dma_start3A_1654 : memref<1x1024xf32, #tpu.memory_space<hbm>> -> memref<1024xf32, #tpu.memory_space<hbm>>
      tpu.enqueue_dma source(%dma_start3A_1655 : memref<1024xf32, #tpu.memory_space<hbm>>) target(%dma_start3A_1653 : memref<1024xf32, #tpu.memory_space<vmem>>) target_semaphore(%arg11 : memref<!tpu.dma_semaphore, #tpu.memory_space<semaphore_mem>>)
      %dma_start3A_1656 = arith.constant 12 : i32
      %dma_start3A_1657 = arith.constant 12288 : i32
      %dma_start3A_1658 = tpu.memref_slice %arg6[%dma_start3A_1657] : memref<16384xf32, #tpu.memory_space<vmem>> -> memref<1024xf32, #tpu.memory_space<vmem>>
      %dma_start3A_1659 = tpu.memref_slice %arg2[%dma_start3A_1656, %mul3A_1547] : memref<16x2600000xf32, #tpu.memory_space<hbm>> -> memref<1x1024xf32, #tpu.memory_space<hbm>>
      %dma_start3A_1660 = tpu.memref_squeeze %dma_start3A_1659 : memref<1x1024xf32, #tpu.memory_space<hbm>> -> memref<1024xf32, #tpu.memory_space<hbm>>
      %dma_start3A_1661 = arith.constant 12288 : i32
      %dma_start3A_1662 = tpu.memref_slice %arg6[%dma_start3A_1661] : memref<16384xf32, #tpu.memory_space<vmem>> -> memref<1024xf32, #tpu.memory_space<vmem>>
      %dma_start3A_1663 = tpu.memref_slice %arg2[%dma_start3A_1656, %mul3A_1547] : memref<16x2600000xf32, #tpu.memory_space<hbm>> -> memref<1x1024xf32, #tpu.memory_space<hbm>>
      %dma_start3A_1664 = tpu.memref_squeeze %dma_start3A_1663 : memref<1x1024xf32, #tpu.memory_space<hbm>> -> memref<1024xf32, #tpu.memory_space<hbm>>
      tpu.enqueue_dma source(%dma_start3A_1664 : memref<1024xf32, #tpu.memory_space<hbm>>) target(%dma_start3A_1662 : memref<1024xf32, #tpu.memory_space<vmem>>) target_semaphore(%arg11 : memref<!tpu.dma_semaphore, #tpu.memory_space<semaphore_mem>>)
      %dma_start3A_1665 = arith.constant 13 : i32
      %dma_start3A_1666 = arith.constant 13312 : i32
      %dma_start3A_1667 = tpu.memref_slice %arg6[%dma_start3A_1666] : memref<16384xf32, #tpu.memory_space<vmem>> -> memref<1024xf32, #tpu.memory_space<vmem>>
      %dma_start3A_1668 = tpu.memref_slice %arg2[%dma_start3A_1665, %mul3A_1547] : memref<16x2600000xf32, #tpu.memory_space<hbm>> -> memref<1x1024xf32, #tpu.memory_space<hbm>>
      %dma_start3A_1669 = tpu.memref_squeeze %dma_start3A_1668 : memref<1x1024xf32, #tpu.memory_space<hbm>> -> memref<1024xf32, #tpu.memory_space<hbm>>
      %dma_start3A_1670 = arith.constant 13312 : i32
      %dma_start3A_1671 = tpu.memref_slice %arg6[%dma_start3A_1670] : memref<16384xf32, #tpu.memory_space<vmem>> -> memref<1024xf32, #tpu.memory_space<vmem>>
      %dma_start3A_1672 = tpu.memref_slice %arg2[%dma_start3A_1665, %mul3A_1547] : memref<16x2600000xf32, #tpu.memory_space<hbm>> -> memref<1x1024xf32, #tpu.memory_space<hbm>>
      %dma_start3A_1673 = tpu.memref_squeeze %dma_start3A_1672 : memref<1x1024xf32, #tpu.memory_space<hbm>> -> memref<1024xf32, #tpu.memory_space<hbm>>
      tpu.enqueue_dma source(%dma_start3A_1673 : memref<1024xf32, #tpu.memory_space<hbm>>) target(%dma_start3A_1671 : memref<1024xf32, #tpu.memory_space<vmem>>) target_semaphore(%arg11 : memref<!tpu.dma_semaphore, #tpu.memory_space<semaphore_mem>>)
      %dma_start3A_1674 = arith.constant 14 : i32
      %dma_start3A_1675 = arith.constant 14336 : i32
      %dma_start3A_1676 = tpu.memref_slice %arg6[%dma_start3A_1675] : memref<16384xf32, #tpu.memory_space<vmem>> -> memref<1024xf32, #tpu.memory_space<vmem>>
      %dma_start3A_1677 = tpu.memref_slice %arg2[%dma_start3A_1674, %mul3A_1547] : memref<16x2600000xf32, #tpu.memory_space<hbm>> -> memref<1x1024xf32, #tpu.memory_space<hbm>>
      %dma_start3A_1678 = tpu.memref_squeeze %dma_start3A_1677 : memref<1x1024xf32, #tpu.memory_space<hbm>> -> memref<1024xf32, #tpu.memory_space<hbm>>
      %dma_start3A_1679 = arith.constant 14336 : i32
      %dma_start3A_1680 = tpu.memref_slice %arg6[%dma_start3A_1679] : memref<16384xf32, #tpu.memory_space<vmem>> -> memref<1024xf32, #tpu.memory_space<vmem>>
      %dma_start3A_1681 = tpu.memref_slice %arg2[%dma_start3A_1674, %mul3A_1547] : memref<16x2600000xf32, #tpu.memory_space<hbm>> -> memref<1x1024xf32, #tpu.memory_space<hbm>>
      %dma_start3A_1682 = tpu.memref_squeeze %dma_start3A_1681 : memref<1x1024xf32, #tpu.memory_space<hbm>> -> memref<1024xf32, #tpu.memory_space<hbm>>
      tpu.enqueue_dma source(%dma_start3A_1682 : memref<1024xf32, #tpu.memory_space<hbm>>) target(%dma_start3A_1680 : memref<1024xf32, #tpu.memory_space<vmem>>) target_semaphore(%arg11 : memref<!tpu.dma_semaphore, #tpu.memory_space<semaphore_mem>>)
      %dma_start3A_1683 = arith.constant 15 : i32
      %dma_start3A_1684 = arith.constant 15360 : i32
      %dma_start3A_1685 = tpu.memref_slice %arg6[%dma_start3A_1684] : memref<16384xf32, #tpu.memory_space<vmem>> -> memref<1024xf32, #tpu.memory_space<vmem>>
      %dma_start3A_1686 = tpu.memref_slice %arg2[%dma_start3A_1683, %mul3A_1547] : memref<16x2600000xf32, #tpu.memory_space<hbm>> -> memref<1x1024xf32, #tpu.memory_space<hbm>>
      %dma_start3A_1687 = tpu.memref_squeeze %dma_start3A_1686 : memref<1x1024xf32, #tpu.memory_space<hbm>> -> memref<1024xf32, #tpu.memory_space<hbm>>
      %dma_start3A_1688 = arith.constant 15360 : i32
      %dma_start3A_1689 = tpu.memref_slice %arg6[%dma_start3A_1688] : memref<16384xf32, #tpu.memory_space<vmem>> -> memref<1024xf32, #tpu.memory_space<vmem>>
      %dma_start3A_1690 = tpu.memref_slice %arg2[%dma_start3A_1683, %mul3A_1547] : memref<16x2600000xf32, #tpu.memory_space<hbm>> -> memref<1x1024xf32, #tpu.memory_space<hbm>>
      %dma_start3A_1691 = tpu.memref_squeeze %dma_start3A_1690 : memref<1x1024xf32, #tpu.memory_space<hbm>> -> memref<1024xf32, #tpu.memory_space<hbm>>
      tpu.enqueue_dma source(%dma_start3A_1691 : memref<1024xf32, #tpu.memory_space<hbm>>) target(%dma_start3A_1689 : memref<1024xf32, #tpu.memory_space<vmem>>) target_semaphore(%arg11 : memref<!tpu.dma_semaphore, #tpu.memory_space<semaphore_mem>>)
      %add3A_1692 = arith.constant 2 : i32
      %add3A_1693 = arith.addi %mul3A_670, %add3A_1692 : i32
      %add3A_1694 = arith.constant 1 : i32
      %add3A_1695 = arith.addi %scan3A_668, %add3A_1694 : i32
      %gt3A_1696 = arith.constant 0 : i32
      %gt3A_1697 = arith.cmpi sgt, %add3A_1695, %gt3A_1696 : i32
      %convert_element_type3A_1698 = arith.extui %gt3A_1697 : i1 to i32
      %cond3A_1699 = arith.constant 0 : i32
      %cond3A_1700 = arith.cmpi ne, %convert_element_type3A_1698, %cond3A_1699 : i32
      scf.if %cond3A_1700 {
        %dma_wait3A_1713 = arith.constant 0 : i32
        %dma_wait3A_1714 = tpu.memref_slice %arg4[%dma_wait3A_1713] : memref<41600000xf32, #tpu.memory_space<hbm>> -> memref<16384xf32, #tpu.memory_space<hbm>>
        %dma_wait3A_1715 = arith.constant 0 : i32
        %dma_wait3A_1716 = tpu.memref_slice %arg4[%dma_wait3A_1715] : memref<41600000xf32, #tpu.memory_space<hbm>> -> memref<16384xf32, #tpu.memory_space<hbm>>
        tpu.wait_dma2 semaphore(%arg13 : memref<!tpu.dma_semaphore, #tpu.memory_space<semaphore_mem>>) src(%dma_wait3A_1716 : memref<16384xf32, #tpu.memory_space<hbm>>) dst(%arg8 : memref<16384xf32, #tpu.memory_space<vmem>>)
      } else {
      }
      %parallel_loop3A_1701 = arith.constant 0 : i32
      %parallel_loop3A_1702 = arith.constant 1024 : i32
      %parallel_loop3A_1703 = arith.constant 1 : i32
      scf.for %parallel_loop3A_1713 = %parallel_loop3A_1701 to %parallel_loop3A_1702 step %parallel_loop3A_1703  : i32 {
        %parallel_loop3A_1714 = vector.broadcast %parallel_loop3A_1713 : i32 to vector<16xi32>
        %parallel_loop3A_1715 = arith.addi %mul3A_3, %parallel_loop3A_1714 : vector<16xi32>
        %parallel_loop3A_1716 = tpu.vector_load_idx %arg7[%parallel_loop3A_1715] : memref<16384xf32, #tpu.memory_space<vmem>>[vector<16xi32>], vector<16xf32>,
        %parallel_loop3A_1717 = arith.constant 16 : i32
        %parallel_loop3A_1718 = arith.muli %parallel_loop3A_1713, %parallel_loop3A_1717 : i32
        %parallel_loop3A_1719 = arith.index_cast %parallel_loop3A_1718 : i32 to index
        %parallel_loop3A_1720 = tpu.vector_load %arg8[%parallel_loop3A_1719] {strides = array<i32>} : memref<16384xf32, #tpu.memory_space<vmem>>, vector<16xf32>,
        tpu.vector_store %arg8[%parallel_loop3A_1719], %parallel_loop3A_1716 {strides = array<i32>} : memref<16384xf32, #tpu.memory_space<vmem>>, vector<16xf32>,
      } {sc.loop_unroll_factor = 8 : i64, sc.parallel_access}
      %mul3A_1704 = arith.constant 32 : i32
      %mul3A_1705 = arith.muli %add3A_1693, %mul3A_1704 : i32
      %add3A_1706 = arith.addi %add3A, %mul3A_1705 : i32
      %min3A_1707 = arith.constant 2538 : i32
      %min3A_1708 = arith.minsi %add3A_1706, %min3A_1707 : i32
      %mul3A_1709 = arith.constant 16384 : i32
      %mul3A_1710 = arith.muli %min3A_1708, %mul3A_1709 : i32
      %dma_start3A_1711 = tpu.memref_slice %arg4[%mul3A_1710] : memref<41600000xf32, #tpu.memory_space<hbm>> -> memref<16384xf32, #tpu.memory_space<hbm>>
      %dma_start3A_1712 = tpu.memref_slice %arg4[%mul3A_1710] : memref<41600000xf32, #tpu.memory_space<hbm>> -> memref<16384xf32, #tpu.memory_space<hbm>>
      tpu.enqueue_dma source(%arg8 : memref<16384xf32, #tpu.memory_space<vmem>>) target(%dma_start3A_1712 : memref<16384xf32, #tpu.memory_space<hbm>>) target_semaphore(%arg13 : memref<!tpu.dma_semaphore, #tpu.memory_space<semaphore_mem>>)
    }
    %scan3A_306 = arith.constant 27 : i32
    %dma_wait3A = arith.constant 0 : i32
    %dma_wait3A_307 = arith.constant 0 : i32
    %dma_wait3A_308 = tpu.memref_slice %arg5[%dma_wait3A_307] : memref<16384xf32, #tpu.memory_space<vmem>> -> memref<1024xf32, #tpu.memory_space<vmem>>
    %dma_wait3A_309 = arith.constant 0 : i32
    %dma_wait3A_310 = tpu.memref_slice %arg2[%dma_wait3A, %dma_wait3A_309] : memref<16x2600000xf32, #tpu.memory_space<hbm>> -> memref<1x1024xf32, #tpu.memory_space<hbm>>
    %dma_wait3A_311 = tpu.memref_squeeze %dma_wait3A_310 : memref<1x1024xf32, #tpu.memory_space<hbm>> -> memref<1024xf32, #tpu.memory_space<hbm>>
    %dma_wait3A_312 = arith.constant 0 : i32
    %dma_wait3A_313 = tpu.memref_slice %arg5[%dma_wait3A_312] : memref<16384xf32, #tpu.memory_space<vmem>> -> memref<1024xf32, #tpu.memory_space<vmem>>
    %dma_wait3A_314 = arith.constant 0 : i32
    %dma_wait3A_315 = tpu.memref_slice %arg2[%dma_wait3A, %dma_wait3A_314] : memref<16x2600000xf32, #tpu.memory_space<hbm>> -> memref<1x1024xf32, #tpu.memory_space<hbm>>
    %dma_wait3A_316 = tpu.memref_squeeze %dma_wait3A_315 : memref<1x1024xf32, #tpu.memory_space<hbm>> -> memref<1024xf32, #tpu.memory_space<hbm>>
    tpu.wait_dma2 semaphore(%arg10 : memref<!tpu.dma_semaphore, #tpu.memory_space<semaphore_mem>>) src(%dma_wait3A_316 : memref<1024xf32, #tpu.memory_space<hbm>>) dst(%dma_wait3A_313 : memref<1024xf32, #tpu.memory_space<vmem>>)
    %dma_wait3A_317 = arith.constant 0 : i32
    %dma_wait3A_318 = arith.constant 1024 : i32
    %dma_wait3A_319 = tpu.memref_slice %arg5[%dma_wait3A_318] : memref<16384xf32, #tpu.memory_space<vmem>> -> memref<1024xf32, #tpu.memory_space<vmem>>
    %dma_wait3A_320 = arith.constant 0 : i32
    %dma_wait3A_321 = tpu.memref_slice %arg2[%dma_wait3A_317, %dma_wait3A_320] : memref<16x2600000xf32, #tpu.memory_space<hbm>> -> memref<1x1024xf32, #tpu.memory_space<hbm>>
    %dma_wait3A_322 = tpu.memref_squeeze %dma_wait3A_321 : memref<1x1024xf32, #tpu.memory_space<hbm>> -> memref<1024xf32, #tpu.memory_space<hbm>>
    %dma_wait3A_323 = arith.constant 1024 : i32
    %dma_wait3A_324 = tpu.memref_slice %arg5[%dma_wait3A_323] : memref<16384xf32, #tpu.memory_space<vmem>> -> memref<1024xf32, #tpu.memory_space<vmem>>
    %dma_wait3A_325 = arith.constant 0 : i32
    %dma_wait3A_326 = tpu.memref_slice %arg2[%dma_wait3A_317, %dma_wait3A_325] : memref<16x2600000xf32, #tpu.memory_space<hbm>> -> memref<1x1024xf32, #tpu.memory_space<hbm>>
    %dma_wait3A_327 = tpu.memref_squeeze %dma_wait3A_326 : memref<1x1024xf32, #tpu.memory_space<hbm>> -> memref<1024xf32, #tpu.memory_space<hbm>>
    tpu.wait_dma2 semaphore(%arg10 : memref<!tpu.dma_semaphore, #tpu.memory_space<semaphore_mem>>) src(%dma_wait3A_327 : memref<1024xf32, #tpu.memory_space<hbm>>) dst(%dma_wait3A_324 : memref<1024xf32, #tpu.memory_space<vmem>>)
    %dma_wait3A_328 = arith.constant 0 : i32
    %dma_wait3A_329 = arith.constant 2048 : i32
    %dma_wait3A_330 = tpu.memref_slice %arg5[%dma_wait3A_329] : memref<16384xf32, #tpu.memory_space<vmem>> -> memref<1024xf32, #tpu.memory_space<vmem>>
    %dma_wait3A_331 = arith.constant 0 : i32
    %dma_wait3A_332 = tpu.memref_slice %arg2[%dma_wait3A_328, %dma_wait3A_331] : memref<16x2600000xf32, #tpu.memory_space<hbm>> -> memref<1x1024xf32, #tpu.memory_space<hbm>>
    %dma_wait3A_333 = tpu.memref_squeeze %dma_wait3A_332 : memref<1x1024xf32, #tpu.memory_space<hbm>> -> memref<1024xf32, #tpu.memory_space<hbm>>
    %dma_wait3A_334 = arith.constant 2048 : i32
    %dma_wait3A_335 = tpu.memref_slice %arg5[%dma_wait3A_334] : memref<16384xf32, #tpu.memory_space<vmem>> -> memref<1024xf32, #tpu.memory_space<vmem>>
    %dma_wait3A_336 = arith.constant 0 : i32
    %dma_wait3A_337 = tpu.memref_slice %arg2[%dma_wait3A_328, %dma_wait3A_336] : memref<16x2600000xf32, #tpu.memory_space<hbm>> -> memref<1x1024xf32, #tpu.memory_space<hbm>>
    %dma_wait3A_338 = tpu.memref_squeeze %dma_wait3A_337 : memref<1x1024xf32, #tpu.memory_space<hbm>> -> memref<1024xf32, #tpu.memory_space<hbm>>
    tpu.wait_dma2 semaphore(%arg10 : memref<!tpu.dma_semaphore, #tpu.memory_space<semaphore_mem>>) src(%dma_wait3A_338 : memref<1024xf32, #tpu.memory_space<hbm>>) dst(%dma_wait3A_335 : memref<1024xf32, #tpu.memory_space<vmem>>)
    %dma_wait3A_339 = arith.constant 0 : i32
    %dma_wait3A_340 = arith.constant 3072 : i32
    %dma_wait3A_341 = tpu.memref_slice %arg5[%dma_wait3A_340] : memref<16384xf32, #tpu.memory_space<vmem>> -> memref<1024xf32, #tpu.memory_space<vmem>>
    %dma_wait3A_342 = arith.constant 0 : i32
    %dma_wait3A_343 = tpu.memref_slice %arg2[%dma_wait3A_339, %dma_wait3A_342] : memref<16x2600000xf32, #tpu.memory_space<hbm>> -> memref<1x1024xf32, #tpu.memory_space<hbm>>
    %dma_wait3A_344 = tpu.memref_squeeze %dma_wait3A_343 : memref<1x1024xf32, #tpu.memory_space<hbm>> -> memref<1024xf32, #tpu.memory_space<hbm>>
    %dma_wait3A_345 = arith.constant 3072 : i32
    %dma_wait3A_346 = tpu.memref_slice %arg5[%dma_wait3A_345] : memref<16384xf32, #tpu.memory_space<vmem>> -> memref<1024xf32, #tpu.memory_space<vmem>>
    %dma_wait3A_347 = arith.constant 0 : i32
    %dma_wait3A_348 = tpu.memref_slice %arg2[%dma_wait3A_339, %dma_wait3A_347] : memref<16x2600000xf32, #tpu.memory_space<hbm>> -> memref<1x1024xf32, #tpu.memory_space<hbm>>
    %dma_wait3A_349 = tpu.memref_squeeze %dma_wait3A_348 : memref<1x1024xf32, #tpu.memory_space<hbm>> -> memref<1024xf32, #tpu.memory_space<hbm>>
    tpu.wait_dma2 semaphore(%arg10 : memref<!tpu.dma_semaphore, #tpu.memory_space<semaphore_mem>>) src(%dma_wait3A_349 : memref<1024xf32, #tpu.memory_space<hbm>>) dst(%dma_wait3A_346 : memref<1024xf32, #tpu.memory_space<vmem>>)
    %dma_wait3A_350 = arith.constant 0 : i32
    %dma_wait3A_351 = arith.constant 4096 : i32
    %dma_wait3A_352 = tpu.memref_slice %arg5[%dma_wait3A_351] : memref<16384xf32, #tpu.memory_space<vmem>> -> memref<1024xf32, #tpu.memory_space<vmem>>
    %dma_wait3A_353 = arith.constant 0 : i32
    %dma_wait3A_354 = tpu.memref_slice %arg2[%dma_wait3A_350, %dma_wait3A_353] : memref<16x2600000xf32, #tpu.memory_space<hbm>> -> memref<1x1024xf32, #tpu.memory_space<hbm>>
    %dma_wait3A_355 = tpu.memref_squeeze %dma_wait3A_354 : memref<1x1024xf32, #tpu.memory_space<hbm>> -> memref<1024xf32, #tpu.memory_space<hbm>>
    %dma_wait3A_356 = arith.constant 4096 : i32
    %dma_wait3A_357 = tpu.memref_slice %arg5[%dma_wait3A_356] : memref<16384xf32, #tpu.memory_space<vmem>> -> memref<1024xf32, #tpu.memory_space<vmem>>
    %dma_wait3A_358 = arith.constant 0 : i32
    %dma_wait3A_359 = tpu.memref_slice %arg2[%dma_wait3A_350, %dma_wait3A_358] : memref<16x2600000xf32, #tpu.memory_space<hbm>> -> memref<1x1024xf32, #tpu.memory_space<hbm>>
    %dma_wait3A_360 = tpu.memref_squeeze %dma_wait3A_359 : memref<1x1024xf32, #tpu.memory_space<hbm>> -> memref<1024xf32, #tpu.memory_space<hbm>>
    tpu.wait_dma2 semaphore(%arg10 : memref<!tpu.dma_semaphore, #tpu.memory_space<semaphore_mem>>) src(%dma_wait3A_360 : memref<1024xf32, #tpu.memory_space<hbm>>) dst(%dma_wait3A_357 : memref<1024xf32, #tpu.memory_space<vmem>>)
    %dma_wait3A_361 = arith.constant 0 : i32
    %dma_wait3A_362 = arith.constant 5120 : i32
    %dma_wait3A_363 = tpu.memref_slice %arg5[%dma_wait3A_362] : memref<16384xf32, #tpu.memory_space<vmem>> -> memref<1024xf32, #tpu.memory_space<vmem>>
    %dma_wait3A_364 = arith.constant 0 : i32
    %dma_wait3A_365 = tpu.memref_slice %arg2[%dma_wait3A_361, %dma_wait3A_364] : memref<16x2600000xf32, #tpu.memory_space<hbm>> -> memref<1x1024xf32, #tpu.memory_space<hbm>>
    %dma_wait3A_366 = tpu.memref_squeeze %dma_wait3A_365 : memref<1x1024xf32, #tpu.memory_space<hbm>> -> memref<1024xf32, #tpu.memory_space<hbm>>
    %dma_wait3A_367 = arith.constant 5120 : i32
    %dma_wait3A_368 = tpu.memref_slice %arg5[%dma_wait3A_367] : memref<16384xf32, #tpu.memory_space<vmem>> -> memref<1024xf32, #tpu.memory_space<vmem>>
    %dma_wait3A_369 = arith.constant 0 : i32
    %dma_wait3A_370 = tpu.memref_slice %arg2[%dma_wait3A_361, %dma_wait3A_369] : memref<16x2600000xf32, #tpu.memory_space<hbm>> -> memref<1x1024xf32, #tpu.memory_space<hbm>>
    %dma_wait3A_371 = tpu.memref_squeeze %dma_wait3A_370 : memref<1x1024xf32, #tpu.memory_space<hbm>> -> memref<1024xf32, #tpu.memory_space<hbm>>
    tpu.wait_dma2 semaphore(%arg10 : memref<!tpu.dma_semaphore, #tpu.memory_space<semaphore_mem>>) src(%dma_wait3A_371 : memref<1024xf32, #tpu.memory_space<hbm>>) dst(%dma_wait3A_368 : memref<1024xf32, #tpu.memory_space<vmem>>)
    %dma_wait3A_372 = arith.constant 0 : i32
    %dma_wait3A_373 = arith.constant 6144 : i32
    %dma_wait3A_374 = tpu.memref_slice %arg5[%dma_wait3A_373] : memref<16384xf32, #tpu.memory_space<vmem>> -> memref<1024xf32, #tpu.memory_space<vmem>>
    %dma_wait3A_375 = arith.constant 0 : i32
    %dma_wait3A_376 = tpu.memref_slice %arg2[%dma_wait3A_372, %dma_wait3A_375] : memref<16x2600000xf32, #tpu.memory_space<hbm>> -> memref<1x1024xf32, #tpu.memory_space<hbm>>
    %dma_wait3A_377 = tpu.memref_squeeze %dma_wait3A_376 : memref<1x1024xf32, #tpu.memory_space<hbm>> -> memref<1024xf32, #tpu.memory_space<hbm>>
    %dma_wait3A_378 = arith.constant 6144 : i32
    %dma_wait3A_379 = tpu.memref_slice %arg5[%dma_wait3A_378] : memref<16384xf32, #tpu.memory_space<vmem>> -> memref<1024xf32, #tpu.memory_space<vmem>>
    %dma_wait3A_380 = arith.constant 0 : i32
    %dma_wait3A_381 = tpu.memref_slice %arg2[%dma_wait3A_372, %dma_wait3A_380] : memref<16x2600000xf32, #tpu.memory_space<hbm>> -> memref<1x1024xf32, #tpu.memory_space<hbm>>
    %dma_wait3A_382 = tpu.memref_squeeze %dma_wait3A_381 : memref<1x1024xf32, #tpu.memory_space<hbm>> -> memref<1024xf32, #tpu.memory_space<hbm>>
    tpu.wait_dma2 semaphore(%arg10 : memref<!tpu.dma_semaphore, #tpu.memory_space<semaphore_mem>>) src(%dma_wait3A_382 : memref<1024xf32, #tpu.memory_space<hbm>>) dst(%dma_wait3A_379 : memref<1024xf32, #tpu.memory_space<vmem>>)
    %dma_wait3A_383 = arith.constant 0 : i32
    %dma_wait3A_384 = arith.constant 7168 : i32
    %dma_wait3A_385 = tpu.memref_slice %arg5[%dma_wait3A_384] : memref<16384xf32, #tpu.memory_space<vmem>> -> memref<1024xf32, #tpu.memory_space<vmem>>
    %dma_wait3A_386 = arith.constant 0 : i32
    %dma_wait3A_387 = tpu.memref_slice %arg2[%dma_wait3A_383, %dma_wait3A_386] : memref<16x2600000xf32, #tpu.memory_space<hbm>> -> memref<1x1024xf32, #tpu.memory_space<hbm>>
    %dma_wait3A_388 = tpu.memref_squeeze %dma_wait3A_387 : memref<1x1024xf32, #tpu.memory_space<hbm>> -> memref<1024xf32, #tpu.memory_space<hbm>>
    %dma_wait3A_389 = arith.constant 7168 : i32
    %dma_wait3A_390 = tpu.memref_slice %arg5[%dma_wait3A_389] : memref<16384xf32, #tpu.memory_space<vmem>> -> memref<1024xf32, #tpu.memory_space<vmem>>
    %dma_wait3A_391 = arith.constant 0 : i32
    %dma_wait3A_392 = tpu.memref_slice %arg2[%dma_wait3A_383, %dma_wait3A_391] : memref<16x2600000xf32, #tpu.memory_space<hbm>> -> memref<1x1024xf32, #tpu.memory_space<hbm>>
    %dma_wait3A_393 = tpu.memref_squeeze %dma_wait3A_392 : memref<1x1024xf32, #tpu.memory_space<hbm>> -> memref<1024xf32, #tpu.memory_space<hbm>>
    tpu.wait_dma2 semaphore(%arg10 : memref<!tpu.dma_semaphore, #tpu.memory_space<semaphore_mem>>) src(%dma_wait3A_393 : memref<1024xf32, #tpu.memory_space<hbm>>) dst(%dma_wait3A_390 : memref<1024xf32, #tpu.memory_space<vmem>>)
    %dma_wait3A_394 = arith.constant 0 : i32
    %dma_wait3A_395 = arith.constant 8192 : i32
    %dma_wait3A_396 = tpu.memref_slice %arg5[%dma_wait3A_395] : memref<16384xf32, #tpu.memory_space<vmem>> -> memref<1024xf32, #tpu.memory_space<vmem>>
    %dma_wait3A_397 = arith.constant 0 : i32
    %dma_wait3A_398 = tpu.memref_slice %arg2[%dma_wait3A_394, %dma_wait3A_397] : memref<16x2600000xf32, #tpu.memory_space<hbm>> -> memref<1x1024xf32, #tpu.memory_space<hbm>>
    %dma_wait3A_399 = tpu.memref_squeeze %dma_wait3A_398 : memref<1x1024xf32, #tpu.memory_space<hbm>> -> memref<1024xf32, #tpu.memory_space<hbm>>
    %dma_wait3A_400 = arith.constant 8192 : i32
    %dma_wait3A_401 = tpu.memref_slice %arg5[%dma_wait3A_400] : memref<16384xf32, #tpu.memory_space<vmem>> -> memref<1024xf32, #tpu.memory_space<vmem>>
    %dma_wait3A_402 = arith.constant 0 : i32
    %dma_wait3A_403 = tpu.memref_slice %arg2[%dma_wait3A_394, %dma_wait3A_402] : memref<16x2600000xf32, #tpu.memory_space<hbm>> -> memref<1x1024xf32, #tpu.memory_space<hbm>>
    %dma_wait3A_404 = tpu.memref_squeeze %dma_wait3A_403 : memref<1x1024xf32, #tpu.memory_space<hbm>> -> memref<1024xf32, #tpu.memory_space<hbm>>
    tpu.wait_dma2 semaphore(%arg10 : memref<!tpu.dma_semaphore, #tpu.memory_space<semaphore_mem>>) src(%dma_wait3A_404 : memref<1024xf32, #tpu.memory_space<hbm>>) dst(%dma_wait3A_401 : memref<1024xf32, #tpu.memory_space<vmem>>)
    %dma_wait3A_405 = arith.constant 0 : i32
    %dma_wait3A_406 = arith.constant 9216 : i32
    %dma_wait3A_407 = tpu.memref_slice %arg5[%dma_wait3A_406] : memref<16384xf32, #tpu.memory_space<vmem>> -> memref<1024xf32, #tpu.memory_space<vmem>>
    %dma_wait3A_408 = arith.constant 0 : i32
    %dma_wait3A_409 = tpu.memref_slice %arg2[%dma_wait3A_405, %dma_wait3A_408] : memref<16x2600000xf32, #tpu.memory_space<hbm>> -> memref<1x1024xf32, #tpu.memory_space<hbm>>
    %dma_wait3A_410 = tpu.memref_squeeze %dma_wait3A_409 : memref<1x1024xf32, #tpu.memory_space<hbm>> -> memref<1024xf32, #tpu.memory_space<hbm>>
    %dma_wait3A_411 = arith.constant 9216 : i32
    %dma_wait3A_412 = tpu.memref_slice %arg5[%dma_wait3A_411] : memref<16384xf32, #tpu.memory_space<vmem>> -> memref<1024xf32, #tpu.memory_space<vmem>>
    %dma_wait3A_413 = arith.constant 0 : i32
    %dma_wait3A_414 = tpu.memref_slice %arg2[%dma_wait3A_405, %dma_wait3A_413] : memref<16x2600000xf32, #tpu.memory_space<hbm>> -> memref<1x1024xf32, #tpu.memory_space<hbm>>
    %dma_wait3A_415 = tpu.memref_squeeze %dma_wait3A_414 : memref<1x1024xf32, #tpu.memory_space<hbm>> -> memref<1024xf32, #tpu.memory_space<hbm>>
    tpu.wait_dma2 semaphore(%arg10 : memref<!tpu.dma_semaphore, #tpu.memory_space<semaphore_mem>>) src(%dma_wait3A_415 : memref<1024xf32, #tpu.memory_space<hbm>>) dst(%dma_wait3A_412 : memref<1024xf32, #tpu.memory_space<vmem>>)
    %dma_wait3A_416 = arith.constant 0 : i32
    %dma_wait3A_417 = arith.constant 10240 : i32
    %dma_wait3A_418 = tpu.memref_slice %arg5[%dma_wait3A_417] : memref<16384xf32, #tpu.memory_space<vmem>> -> memref<1024xf32, #tpu.memory_space<vmem>>
    %dma_wait3A_419 = arith.constant 0 : i32
    %dma_wait3A_420 = tpu.memref_slice %arg2[%dma_wait3A_416, %dma_wait3A_419] : memref<16x2600000xf32, #tpu.memory_space<hbm>> -> memref<1x1024xf32, #tpu.memory_space<hbm>>
    %dma_wait3A_421 = tpu.memref_squeeze %dma_wait3A_420 : memref<1x1024xf32, #tpu.memory_space<hbm>> -> memref<1024xf32, #tpu.memory_space<hbm>>
    %dma_wait3A_422 = arith.constant 10240 : i32
    %dma_wait3A_423 = tpu.memref_slice %arg5[%dma_wait3A_422] : memref<16384xf32, #tpu.memory_space<vmem>> -> memref<1024xf32, #tpu.memory_space<vmem>>
    %dma_wait3A_424 = arith.constant 0 : i32
    %dma_wait3A_425 = tpu.memref_slice %arg2[%dma_wait3A_416, %dma_wait3A_424] : memref<16x2600000xf32, #tpu.memory_space<hbm>> -> memref<1x1024xf32, #tpu.memory_space<hbm>>
    %dma_wait3A_426 = tpu.memref_squeeze %dma_wait3A_425 : memref<1x1024xf32, #tpu.memory_space<hbm>> -> memref<1024xf32, #tpu.memory_space<hbm>>
    tpu.wait_dma2 semaphore(%arg10 : memref<!tpu.dma_semaphore, #tpu.memory_space<semaphore_mem>>) src(%dma_wait3A_426 : memref<1024xf32, #tpu.memory_space<hbm>>) dst(%dma_wait3A_423 : memref<1024xf32, #tpu.memory_space<vmem>>)
    %dma_wait3A_427 = arith.constant 0 : i32
    %dma_wait3A_428 = arith.constant 11264 : i32
    %dma_wait3A_429 = tpu.memref_slice %arg5[%dma_wait3A_428] : memref<16384xf32, #tpu.memory_space<vmem>> -> memref<1024xf32, #tpu.memory_space<vmem>>
    %dma_wait3A_430 = arith.constant 0 : i32
    %dma_wait3A_431 = tpu.memref_slice %arg2[%dma_wait3A_427, %dma_wait3A_430] : memref<16x2600000xf32, #tpu.memory_space<hbm>> -> memref<1x1024xf32, #tpu.memory_space<hbm>>
    %dma_wait3A_432 = tpu.memref_squeeze %dma_wait3A_431 : memref<1x1024xf32, #tpu.memory_space<hbm>> -> memref<1024xf32, #tpu.memory_space<hbm>>
    %dma_wait3A_433 = arith.constant 11264 : i32
    %dma_wait3A_434 = tpu.memref_slice %arg5[%dma_wait3A_433] : memref<16384xf32, #tpu.memory_space<vmem>> -> memref<1024xf32, #tpu.memory_space<vmem>>
    %dma_wait3A_435 = arith.constant 0 : i32
    %dma_wait3A_436 = tpu.memref_slice %arg2[%dma_wait3A_427, %dma_wait3A_435] : memref<16x2600000xf32, #tpu.memory_space<hbm>> -> memref<1x1024xf32, #tpu.memory_space<hbm>>
    %dma_wait3A_437 = tpu.memref_squeeze %dma_wait3A_436 : memref<1x1024xf32, #tpu.memory_space<hbm>> -> memref<1024xf32, #tpu.memory_space<hbm>>
    tpu.wait_dma2 semaphore(%arg10 : memref<!tpu.dma_semaphore, #tpu.memory_space<semaphore_mem>>) src(%dma_wait3A_437 : memref<1024xf32, #tpu.memory_space<hbm>>) dst(%dma_wait3A_434 : memref<1024xf32, #tpu.memory_space<vmem>>)
    %dma_wait3A_438 = arith.constant 0 : i32
    %dma_wait3A_439 = arith.constant 12288 : i32
    %dma_wait3A_440 = tpu.memref_slice %arg5[%dma_wait3A_439] : memref<16384xf32, #tpu.memory_space<vmem>> -> memref<1024xf32, #tpu.memory_space<vmem>>
    %dma_wait3A_441 = arith.constant 0 : i32
    %dma_wait3A_442 = tpu.memref_slice %arg2[%dma_wait3A_438, %dma_wait3A_441] : memref<16x2600000xf32, #tpu.memory_space<hbm>> -> memref<1x1024xf32, #tpu.memory_space<hbm>>
    %dma_wait3A_443 = tpu.memref_squeeze %dma_wait3A_442 : memref<1x1024xf32, #tpu.memory_space<hbm>> -> memref<1024xf32, #tpu.memory_space<hbm>>
    %dma_wait3A_444 = arith.constant 12288 : i32
    %dma_wait3A_445 = tpu.memref_slice %arg5[%dma_wait3A_444] : memref<16384xf32, #tpu.memory_space<vmem>> -> memref<1024xf32, #tpu.memory_space<vmem>>
    %dma_wait3A_446 = arith.constant 0 : i32
    %dma_wait3A_447 = tpu.memref_slice %arg2[%dma_wait3A_438, %dma_wait3A_446] : memref<16x2600000xf32, #tpu.memory_space<hbm>> -> memref<1x1024xf32, #tpu.memory_space<hbm>>
    %dma_wait3A_448 = tpu.memref_squeeze %dma_wait3A_447 : memref<1x1024xf32, #tpu.memory_space<hbm>> -> memref<1024xf32, #tpu.memory_space<hbm>>
    tpu.wait_dma2 semaphore(%arg10 : memref<!tpu.dma_semaphore, #tpu.memory_space<semaphore_mem>>) src(%dma_wait3A_448 : memref<1024xf32, #tpu.memory_space<hbm>>) dst(%dma_wait3A_445 : memref<1024xf32, #tpu.memory_space<vmem>>)
    %dma_wait3A_449 = arith.constant 0 : i32
    %dma_wait3A_450 = arith.constant 13312 : i32
    %dma_wait3A_451 = tpu.memref_slice %arg5[%dma_wait3A_450] : memref<16384xf32, #tpu.memory_space<vmem>> -> memref<1024xf32, #tpu.memory_space<vmem>>
    %dma_wait3A_452 = arith.constant 0 : i32
    %dma_wait3A_453 = tpu.memref_slice %arg2[%dma_wait3A_449, %dma_wait3A_452] : memref<16x2600000xf32, #tpu.memory_space<hbm>> -> memref<1x1024xf32, #tpu.memory_space<hbm>>
    %dma_wait3A_454 = tpu.memref_squeeze %dma_wait3A_453 : memref<1x1024xf32, #tpu.memory_space<hbm>> -> memref<1024xf32, #tpu.memory_space<hbm>>
    %dma_wait3A_455 = arith.constant 13312 : i32
    %dma_wait3A_456 = tpu.memref_slice %arg5[%dma_wait3A_455] : memref<16384xf32, #tpu.memory_space<vmem>> -> memref<1024xf32, #tpu.memory_space<vmem>>
    %dma_wait3A_457 = arith.constant 0 : i32
    %dma_wait3A_458 = tpu.memref_slice %arg2[%dma_wait3A_449, %dma_wait3A_457] : memref<16x2600000xf32, #tpu.memory_space<hbm>> -> memref<1x1024xf32, #tpu.memory_space<hbm>>
    %dma_wait3A_459 = tpu.memref_squeeze %dma_wait3A_458 : memref<1x1024xf32, #tpu.memory_space<hbm>> -> memref<1024xf32, #tpu.memory_space<hbm>>
    tpu.wait_dma2 semaphore(%arg10 : memref<!tpu.dma_semaphore, #tpu.memory_space<semaphore_mem>>) src(%dma_wait3A_459 : memref<1024xf32, #tpu.memory_space<hbm>>) dst(%dma_wait3A_456 : memref<1024xf32, #tpu.memory_space<vmem>>)
    %dma_wait3A_460 = arith.constant 0 : i32
    %dma_wait3A_461 = arith.constant 14336 : i32
    %dma_wait3A_462 = tpu.memref_slice %arg5[%dma_wait3A_461] : memref<16384xf32, #tpu.memory_space<vmem>> -> memref<1024xf32, #tpu.memory_space<vmem>>
    %dma_wait3A_463 = arith.constant 0 : i32
    %dma_wait3A_464 = tpu.memref_slice %arg2[%dma_wait3A_460, %dma_wait3A_463] : memref<16x2600000xf32, #tpu.memory_space<hbm>> -> memref<1x1024xf32, #tpu.memory_space<hbm>>
    %dma_wait3A_465 = tpu.memref_squeeze %dma_wait3A_464 : memref<1x1024xf32, #tpu.memory_space<hbm>> -> memref<1024xf32, #tpu.memory_space<hbm>>
    %dma_wait3A_466 = arith.constant 14336 : i32
    %dma_wait3A_467 = tpu.memref_slice %arg5[%dma_wait3A_466] : memref<16384xf32, #tpu.memory_space<vmem>> -> memref<1024xf32, #tpu.memory_space<vmem>>
    %dma_wait3A_468 = arith.constant 0 : i32
    %dma_wait3A_469 = tpu.memref_slice %arg2[%dma_wait3A_460, %dma_wait3A_468] : memref<16x2600000xf32, #tpu.memory_space<hbm>> -> memref<1x1024xf32, #tpu.memory_space<hbm>>
    %dma_wait3A_470 = tpu.memref_squeeze %dma_wait3A_469 : memref<1x1024xf32, #tpu.memory_space<hbm>> -> memref<1024xf32, #tpu.memory_space<hbm>>
    tpu.wait_dma2 semaphore(%arg10 : memref<!tpu.dma_semaphore, #tpu.memory_space<semaphore_mem>>) src(%dma_wait3A_470 : memref<1024xf32, #tpu.memory_space<hbm>>) dst(%dma_wait3A_467 : memref<1024xf32, #tpu.memory_space<vmem>>)
    %dma_wait3A_471 = arith.constant 0 : i32
    %dma_wait3A_472 = arith.constant 15360 : i32
    %dma_wait3A_473 = tpu.memref_slice %arg5[%dma_wait3A_472] : memref<16384xf32, #tpu.memory_space<vmem>> -> memref<1024xf32, #tpu.memory_space<vmem>>
    %dma_wait3A_474 = arith.constant 0 : i32
    %dma_wait3A_475 = tpu.memref_slice %arg2[%dma_wait3A_471, %dma_wait3A_474] : memref<16x2600000xf32, #tpu.memory_space<hbm>> -> memref<1x1024xf32, #tpu.memory_space<hbm>>
    %dma_wait3A_476 = tpu.memref_squeeze %dma_wait3A_475 : memref<1x1024xf32, #tpu.memory_space<hbm>> -> memref<1024xf32, #tpu.memory_space<hbm>>
    %dma_wait3A_477 = arith.constant 15360 : i32
    %dma_wait3A_478 = tpu.memref_slice %arg5[%dma_wait3A_477] : memref<16384xf32, #tpu.memory_space<vmem>> -> memref<1024xf32, #tpu.memory_space<vmem>>
    %dma_wait3A_479 = arith.constant 0 : i32
    %dma_wait3A_480 = tpu.memref_slice %arg2[%dma_wait3A_471, %dma_wait3A_479] : memref<16x2600000xf32, #tpu.memory_space<hbm>> -> memref<1x1024xf32, #tpu.memory_space<hbm>>
    %dma_wait3A_481 = tpu.memref_squeeze %dma_wait3A_480 : memref<1x1024xf32, #tpu.memory_space<hbm>> -> memref<1024xf32, #tpu.memory_space<hbm>>
    tpu.wait_dma2 semaphore(%arg10 : memref<!tpu.dma_semaphore, #tpu.memory_space<semaphore_mem>>) src(%dma_wait3A_481 : memref<1024xf32, #tpu.memory_space<hbm>>) dst(%dma_wait3A_478 : memref<1024xf32, #tpu.memory_space<vmem>>)
    %dma_wait3A_482 = arith.constant 0 : i32
    %dma_wait3A_483 = arith.constant 0 : i32
    %dma_wait3A_484 = tpu.memref_slice %arg6[%dma_wait3A_483] : memref<16384xf32, #tpu.memory_space<vmem>> -> memref<1024xf32, #tpu.memory_space<vmem>>
    %dma_wait3A_485 = arith.constant 0 : i32
    %dma_wait3A_486 = tpu.memref_slice %arg2[%dma_wait3A_482, %dma_wait3A_485] : memref<16x2600000xf32, #tpu.memory_space<hbm>> -> memref<1x1024xf32, #tpu.memory_space<hbm>>
    %dma_wait3A_487 = tpu.memref_squeeze %dma_wait3A_486 : memref<1x1024xf32, #tpu.memory_space<hbm>> -> memref<1024xf32, #tpu.memory_space<hbm>>
    %dma_wait3A_488 = arith.constant 0 : i32
    %dma_wait3A_489 = tpu.memref_slice %arg6[%dma_wait3A_488] : memref<16384xf32, #tpu.memory_space<vmem>> -> memref<1024xf32, #tpu.memory_space<vmem>>
    %dma_wait3A_490 = arith.constant 0 : i32
    %dma_wait3A_491 = tpu.memref_slice %arg2[%dma_wait3A_482, %dma_wait3A_490] : memref<16x2600000xf32, #tpu.memory_space<hbm>> -> memref<1x1024xf32, #tpu.memory_space<hbm>>
    %dma_wait3A_492 = tpu.memref_squeeze %dma_wait3A_491 : memref<1x1024xf32, #tpu.memory_space<hbm>> -> memref<1024xf32, #tpu.memory_space<hbm>>
    tpu.wait_dma2 semaphore(%arg11 : memref<!tpu.dma_semaphore, #tpu.memory_space<semaphore_mem>>) src(%dma_wait3A_492 : memref<1024xf32, #tpu.memory_space<hbm>>) dst(%dma_wait3A_489 : memref<1024xf32, #tpu.memory_space<vmem>>)
    %dma_wait3A_493 = arith.constant 0 : i32
    %dma_wait3A_494 = arith.constant 1024 : i32
    %dma_wait3A_495 = tpu.memref_slice %arg6[%dma_wait3A_494] : memref<16384xf32, #tpu.memory_space<vmem>> -> memref<1024xf32, #tpu.memory_space<vmem>>
    %dma_wait3A_496 = arith.constant 0 : i32
    %dma_wait3A_497 = tpu.memref_slice %arg2[%dma_wait3A_493, %dma_wait3A_496] : memref<16x2600000xf32, #tpu.memory_space<hbm>> -> memref<1x1024xf32, #tpu.memory_space<hbm>>
    %dma_wait3A_498 = tpu.memref_squeeze %dma_wait3A_497 : memref<1x1024xf32, #tpu.memory_space<hbm>> -> memref<1024xf32, #tpu.memory_space<hbm>>
    %dma_wait3A_499 = arith.constant 1024 : i32
    %dma_wait3A_500 = tpu.memref_slice %arg6[%dma_wait3A_499] : memref<16384xf32, #tpu.memory_space<vmem>> -> memref<1024xf32, #tpu.memory_space<vmem>>
    %dma_wait3A_501 = arith.constant 0 : i32
    %dma_wait3A_502 = tpu.memref_slice %arg2[%dma_wait3A_493, %dma_wait3A_501] : memref<16x2600000xf32, #tpu.memory_space<hbm>> -> memref<1x1024xf32, #tpu.memory_space<hbm>>
    %dma_wait3A_503 = tpu.memref_squeeze %dma_wait3A_502 : memref<1x1024xf32, #tpu.memory_space<hbm>> -> memref<1024xf32, #tpu.memory_space<hbm>>
    tpu.wait_dma2 semaphore(%arg11 : memref<!tpu.dma_semaphore, #tpu.memory_space<semaphore_mem>>) src(%dma_wait3A_503 : memref<1024xf32, #tpu.memory_space<hbm>>) dst(%dma_wait3A_500 : memref<1024xf32, #tpu.memory_space<vmem>>)
    %dma_wait3A_504 = arith.constant 0 : i32
    %dma_wait3A_505 = arith.constant 2048 : i32
    %dma_wait3A_506 = tpu.memref_slice %arg6[%dma_wait3A_505] : memref<16384xf32, #tpu.memory_space<vmem>> -> memref<1024xf32, #tpu.memory_space<vmem>>
    %dma_wait3A_507 = arith.constant 0 : i32
    %dma_wait3A_508 = tpu.memref_slice %arg2[%dma_wait3A_504, %dma_wait3A_507] : memref<16x2600000xf32, #tpu.memory_space<hbm>> -> memref<1x1024xf32, #tpu.memory_space<hbm>>
    %dma_wait3A_509 = tpu.memref_squeeze %dma_wait3A_508 : memref<1x1024xf32, #tpu.memory_space<hbm>> -> memref<1024xf32, #tpu.memory_space<hbm>>
    %dma_wait3A_510 = arith.constant 2048 : i32
    %dma_wait3A_511 = tpu.memref_slice %arg6[%dma_wait3A_510] : memref<16384xf32, #tpu.memory_space<vmem>> -> memref<1024xf32, #tpu.memory_space<vmem>>
    %dma_wait3A_512 = arith.constant 0 : i32
    %dma_wait3A_513 = tpu.memref_slice %arg2[%dma_wait3A_504, %dma_wait3A_512] : memref<16x2600000xf32, #tpu.memory_space<hbm>> -> memref<1x1024xf32, #tpu.memory_space<hbm>>
    %dma_wait3A_514 = tpu.memref_squeeze %dma_wait3A_513 : memref<1x1024xf32, #tpu.memory_space<hbm>> -> memref<1024xf32, #tpu.memory_space<hbm>>
    tpu.wait_dma2 semaphore(%arg11 : memref<!tpu.dma_semaphore, #tpu.memory_space<semaphore_mem>>) src(%dma_wait3A_514 : memref<1024xf32, #tpu.memory_space<hbm>>) dst(%dma_wait3A_511 : memref<1024xf32, #tpu.memory_space<vmem>>)
    %dma_wait3A_515 = arith.constant 0 : i32
    %dma_wait3A_516 = arith.constant 3072 : i32
    %dma_wait3A_517 = tpu.memref_slice %arg6[%dma_wait3A_516] : memref<16384xf32, #tpu.memory_space<vmem>> -> memref<1024xf32, #tpu.memory_space<vmem>>
    %dma_wait3A_518 = arith.constant 0 : i32
    %dma_wait3A_519 = tpu.memref_slice %arg2[%dma_wait3A_515, %dma_wait3A_518] : memref<16x2600000xf32, #tpu.memory_space<hbm>> -> memref<1x1024xf32, #tpu.memory_space<hbm>>
    %dma_wait3A_520 = tpu.memref_squeeze %dma_wait3A_519 : memref<1x1024xf32, #tpu.memory_space<hbm>> -> memref<1024xf32, #tpu.memory_space<hbm>>
    %dma_wait3A_521 = arith.constant 3072 : i32
    %dma_wait3A_522 = tpu.memref_slice %arg6[%dma_wait3A_521] : memref<16384xf32, #tpu.memory_space<vmem>> -> memref<1024xf32, #tpu.memory_space<vmem>>
    %dma_wait3A_523 = arith.constant 0 : i32
    %dma_wait3A_524 = tpu.memref_slice %arg2[%dma_wait3A_515, %dma_wait3A_523] : memref<16x2600000xf32, #tpu.memory_space<hbm>> -> memref<1x1024xf32, #tpu.memory_space<hbm>>
    %dma_wait3A_525 = tpu.memref_squeeze %dma_wait3A_524 : memref<1x1024xf32, #tpu.memory_space<hbm>> -> memref<1024xf32, #tpu.memory_space<hbm>>
    tpu.wait_dma2 semaphore(%arg11 : memref<!tpu.dma_semaphore, #tpu.memory_space<semaphore_mem>>) src(%dma_wait3A_525 : memref<1024xf32, #tpu.memory_space<hbm>>) dst(%dma_wait3A_522 : memref<1024xf32, #tpu.memory_space<vmem>>)
    %dma_wait3A_526 = arith.constant 0 : i32
    %dma_wait3A_527 = arith.constant 4096 : i32
    %dma_wait3A_528 = tpu.memref_slice %arg6[%dma_wait3A_527] : memref<16384xf32, #tpu.memory_space<vmem>> -> memref<1024xf32, #tpu.memory_space<vmem>>
    %dma_wait3A_529 = arith.constant 0 : i32
    %dma_wait3A_530 = tpu.memref_slice %arg2[%dma_wait3A_526, %dma_wait3A_529] : memref<16x2600000xf32, #tpu.memory_space<hbm>> -> memref<1x1024xf32, #tpu.memory_space<hbm>>
    %dma_wait3A_531 = tpu.memref_squeeze %dma_wait3A_530 : memref<1x1024xf32, #tpu.memory_space<hbm>> -> memref<1024xf32, #tpu.memory_space<hbm>>
    %dma_wait3A_532 = arith.constant 4096 : i32
    %dma_wait3A_533 = tpu.memref_slice %arg6[%dma_wait3A_532] : memref<16384xf32, #tpu.memory_space<vmem>> -> memref<1024xf32, #tpu.memory_space<vmem>>
    %dma_wait3A_534 = arith.constant 0 : i32
    %dma_wait3A_535 = tpu.memref_slice %arg2[%dma_wait3A_526, %dma_wait3A_534] : memref<16x2600000xf32, #tpu.memory_space<hbm>> -> memref<1x1024xf32, #tpu.memory_space<hbm>>
    %dma_wait3A_536 = tpu.memref_squeeze %dma_wait3A_535 : memref<1x1024xf32, #tpu.memory_space<hbm>> -> memref<1024xf32, #tpu.memory_space<hbm>>
    tpu.wait_dma2 semaphore(%arg11 : memref<!tpu.dma_semaphore, #tpu.memory_space<semaphore_mem>>) src(%dma_wait3A_536 : memref<1024xf32, #tpu.memory_space<hbm>>) dst(%dma_wait3A_533 : memref<1024xf32, #tpu.memory_space<vmem>>)
    %dma_wait3A_537 = arith.constant 0 : i32
    %dma_wait3A_538 = arith.constant 5120 : i32
    %dma_wait3A_539 = tpu.memref_slice %arg6[%dma_wait3A_538] : memref<16384xf32, #tpu.memory_space<vmem>> -> memref<1024xf32, #tpu.memory_space<vmem>>
    %dma_wait3A_540 = arith.constant 0 : i32
    %dma_wait3A_541 = tpu.memref_slice %arg2[%dma_wait3A_537, %dma_wait3A_540] : memref<16x2600000xf32, #tpu.memory_space<hbm>> -> memref<1x1024xf32, #tpu.memory_space<hbm>>
    %dma_wait3A_542 = tpu.memref_squeeze %dma_wait3A_541 : memref<1x1024xf32, #tpu.memory_space<hbm>> -> memref<1024xf32, #tpu.memory_space<hbm>>
    %dma_wait3A_543 = arith.constant 5120 : i32
    %dma_wait3A_544 = tpu.memref_slice %arg6[%dma_wait3A_543] : memref<16384xf32, #tpu.memory_space<vmem>> -> memref<1024xf32, #tpu.memory_space<vmem>>
    %dma_wait3A_545 = arith.constant 0 : i32
    %dma_wait3A_546 = tpu.memref_slice %arg2[%dma_wait3A_537, %dma_wait3A_545] : memref<16x2600000xf32, #tpu.memory_space<hbm>> -> memref<1x1024xf32, #tpu.memory_space<hbm>>
    %dma_wait3A_547 = tpu.memref_squeeze %dma_wait3A_546 : memref<1x1024xf32, #tpu.memory_space<hbm>> -> memref<1024xf32, #tpu.memory_space<hbm>>
    tpu.wait_dma2 semaphore(%arg11 : memref<!tpu.dma_semaphore, #tpu.memory_space<semaphore_mem>>) src(%dma_wait3A_547 : memref<1024xf32, #tpu.memory_space<hbm>>) dst(%dma_wait3A_544 : memref<1024xf32, #tpu.memory_space<vmem>>)
    %dma_wait3A_548 = arith.constant 0 : i32
    %dma_wait3A_549 = arith.constant 6144 : i32
    %dma_wait3A_550 = tpu.memref_slice %arg6[%dma_wait3A_549] : memref<16384xf32, #tpu.memory_space<vmem>> -> memref<1024xf32, #tpu.memory_space<vmem>>
    %dma_wait3A_551 = arith.constant 0 : i32
    %dma_wait3A_552 = tpu.memref_slice %arg2[%dma_wait3A_548, %dma_wait3A_551] : memref<16x2600000xf32, #tpu.memory_space<hbm>> -> memref<1x1024xf32, #tpu.memory_space<hbm>>
    %dma_wait3A_553 = tpu.memref_squeeze %dma_wait3A_552 : memref<1x1024xf32, #tpu.memory_space<hbm>> -> memref<1024xf32, #tpu.memory_space<hbm>>
    %dma_wait3A_554 = arith.constant 6144 : i32
    %dma_wait3A_555 = tpu.memref_slice %arg6[%dma_wait3A_554] : memref<16384xf32, #tpu.memory_space<vmem>> -> memref<1024xf32, #tpu.memory_space<vmem>>
    %dma_wait3A_556 = arith.constant 0 : i32
    %dma_wait3A_557 = tpu.memref_slice %arg2[%dma_wait3A_548, %dma_wait3A_556] : memref<16x2600000xf32, #tpu.memory_space<hbm>> -> memref<1x1024xf32, #tpu.memory_space<hbm>>
    %dma_wait3A_558 = tpu.memref_squeeze %dma_wait3A_557 : memref<1x1024xf32, #tpu.memory_space<hbm>> -> memref<1024xf32, #tpu.memory_space<hbm>>
    tpu.wait_dma2 semaphore(%arg11 : memref<!tpu.dma_semaphore, #tpu.memory_space<semaphore_mem>>) src(%dma_wait3A_558 : memref<1024xf32, #tpu.memory_space<hbm>>) dst(%dma_wait3A_555 : memref<1024xf32, #tpu.memory_space<vmem>>)
    %dma_wait3A_559 = arith.constant 0 : i32
    %dma_wait3A_560 = arith.constant 7168 : i32
    %dma_wait3A_561 = tpu.memref_slice %arg6[%dma_wait3A_560] : memref<16384xf32, #tpu.memory_space<vmem>> -> memref<1024xf32, #tpu.memory_space<vmem>>
    %dma_wait3A_562 = arith.constant 0 : i32
    %dma_wait3A_563 = tpu.memref_slice %arg2[%dma_wait3A_559, %dma_wait3A_562] : memref<16x2600000xf32, #tpu.memory_space<hbm>> -> memref<1x1024xf32, #tpu.memory_space<hbm>>
    %dma_wait3A_564 = tpu.memref_squeeze %dma_wait3A_563 : memref<1x1024xf32, #tpu.memory_space<hbm>> -> memref<1024xf32, #tpu.memory_space<hbm>>
    %dma_wait3A_565 = arith.constant 7168 : i32
    %dma_wait3A_566 = tpu.memref_slice %arg6[%dma_wait3A_565] : memref<16384xf32, #tpu.memory_space<vmem>> -> memref<1024xf32, #tpu.memory_space<vmem>>
    %dma_wait3A_567 = arith.constant 0 : i32
    %dma_wait3A_568 = tpu.memref_slice %arg2[%dma_wait3A_559, %dma_wait3A_567] : memref<16x2600000xf32, #tpu.memory_space<hbm>> -> memref<1x1024xf32, #tpu.memory_space<hbm>>
    %dma_wait3A_569 = tpu.memref_squeeze %dma_wait3A_568 : memref<1x1024xf32, #tpu.memory_space<hbm>> -> memref<1024xf32, #tpu.memory_space<hbm>>
    tpu.wait_dma2 semaphore(%arg11 : memref<!tpu.dma_semaphore, #tpu.memory_space<semaphore_mem>>) src(%dma_wait3A_569 : memref<1024xf32, #tpu.memory_space<hbm>>) dst(%dma_wait3A_566 : memref<1024xf32, #tpu.memory_space<vmem>>)
    %dma_wait3A_570 = arith.constant 0 : i32
    %dma_wait3A_571 = arith.constant 8192 : i32
    %dma_wait3A_572 = tpu.memref_slice %arg6[%dma_wait3A_571] : memref<16384xf32, #tpu.memory_space<vmem>> -> memref<1024xf32, #tpu.memory_space<vmem>>
    %dma_wait3A_573 = arith.constant 0 : i32
    %dma_wait3A_574 = tpu.memref_slice %arg2[%dma_wait3A_570, %dma_wait3A_573] : memref<16x2600000xf32, #tpu.memory_space<hbm>> -> memref<1x1024xf32, #tpu.memory_space<hbm>>
    %dma_wait3A_575 = tpu.memref_squeeze %dma_wait3A_574 : memref<1x1024xf32, #tpu.memory_space<hbm>> -> memref<1024xf32, #tpu.memory_space<hbm>>
    %dma_wait3A_576 = arith.constant 8192 : i32
    %dma_wait3A_577 = tpu.memref_slice %arg6[%dma_wait3A_576] : memref<16384xf32, #tpu.memory_space<vmem>> -> memref<1024xf32, #tpu.memory_space<vmem>>
    %dma_wait3A_578 = arith.constant 0 : i32
    %dma_wait3A_579 = tpu.memref_slice %arg2[%dma_wait3A_570, %dma_wait3A_578] : memref<16x2600000xf32, #tpu.memory_space<hbm>> -> memref<1x1024xf32, #tpu.memory_space<hbm>>
    %dma_wait3A_580 = tpu.memref_squeeze %dma_wait3A_579 : memref<1x1024xf32, #tpu.memory_space<hbm>> -> memref<1024xf32, #tpu.memory_space<hbm>>
    tpu.wait_dma2 semaphore(%arg11 : memref<!tpu.dma_semaphore, #tpu.memory_space<semaphore_mem>>) src(%dma_wait3A_580 : memref<1024xf32, #tpu.memory_space<hbm>>) dst(%dma_wait3A_577 : memref<1024xf32, #tpu.memory_space<vmem>>)
    %dma_wait3A_581 = arith.constant 0 : i32
    %dma_wait3A_582 = arith.constant 9216 : i32
    %dma_wait3A_583 = tpu.memref_slice %arg6[%dma_wait3A_582] : memref<16384xf32, #tpu.memory_space<vmem>> -> memref<1024xf32, #tpu.memory_space<vmem>>
    %dma_wait3A_584 = arith.constant 0 : i32
    %dma_wait3A_585 = tpu.memref_slice %arg2[%dma_wait3A_581, %dma_wait3A_584] : memref<16x2600000xf32, #tpu.memory_space<hbm>> -> memref<1x1024xf32, #tpu.memory_space<hbm>>
    %dma_wait3A_586 = tpu.memref_squeeze %dma_wait3A_585 : memref<1x1024xf32, #tpu.memory_space<hbm>> -> memref<1024xf32, #tpu.memory_space<hbm>>
    %dma_wait3A_587 = arith.constant 9216 : i32
    %dma_wait3A_588 = tpu.memref_slice %arg6[%dma_wait3A_587] : memref<16384xf32, #tpu.memory_space<vmem>> -> memref<1024xf32, #tpu.memory_space<vmem>>
    %dma_wait3A_589 = arith.constant 0 : i32
    %dma_wait3A_590 = tpu.memref_slice %arg2[%dma_wait3A_581, %dma_wait3A_589] : memref<16x2600000xf32, #tpu.memory_space<hbm>> -> memref<1x1024xf32, #tpu.memory_space<hbm>>
    %dma_wait3A_591 = tpu.memref_squeeze %dma_wait3A_590 : memref<1x1024xf32, #tpu.memory_space<hbm>> -> memref<1024xf32, #tpu.memory_space<hbm>>
    tpu.wait_dma2 semaphore(%arg11 : memref<!tpu.dma_semaphore, #tpu.memory_space<semaphore_mem>>) src(%dma_wait3A_591 : memref<1024xf32, #tpu.memory_space<hbm>>) dst(%dma_wait3A_588 : memref<1024xf32, #tpu.memory_space<vmem>>)
    %dma_wait3A_592 = arith.constant 0 : i32
    %dma_wait3A_593 = arith.constant 10240 : i32
    %dma_wait3A_594 = tpu.memref_slice %arg6[%dma_wait3A_593] : memref<16384xf32, #tpu.memory_space<vmem>> -> memref<1024xf32, #tpu.memory_space<vmem>>
    %dma_wait3A_595 = arith.constant 0 : i32
    %dma_wait3A_596 = tpu.memref_slice %arg2[%dma_wait3A_592, %dma_wait3A_595] : memref<16x2600000xf32, #tpu.memory_space<hbm>> -> memref<1x1024xf32, #tpu.memory_space<hbm>>
    %dma_wait3A_597 = tpu.memref_squeeze %dma_wait3A_596 : memref<1x1024xf32, #tpu.memory_space<hbm>> -> memref<1024xf32, #tpu.memory_space<hbm>>
    %dma_wait3A_598 = arith.constant 10240 : i32
    %dma_wait3A_599 = tpu.memref_slice %arg6[%dma_wait3A_598] : memref<16384xf32, #tpu.memory_space<vmem>> -> memref<1024xf32, #tpu.memory_space<vmem>>
    %dma_wait3A_600 = arith.constant 0 : i32
    %dma_wait3A_601 = tpu.memref_slice %arg2[%dma_wait3A_592, %dma_wait3A_600] : memref<16x2600000xf32, #tpu.memory_space<hbm>> -> memref<1x1024xf32, #tpu.memory_space<hbm>>
    %dma_wait3A_602 = tpu.memref_squeeze %dma_wait3A_601 : memref<1x1024xf32, #tpu.memory_space<hbm>> -> memref<1024xf32, #tpu.memory_space<hbm>>
    tpu.wait_dma2 semaphore(%arg11 : memref<!tpu.dma_semaphore, #tpu.memory_space<semaphore_mem>>) src(%dma_wait3A_602 : memref<1024xf32, #tpu.memory_space<hbm>>) dst(%dma_wait3A_599 : memref<1024xf32, #tpu.memory_space<vmem>>)
    %dma_wait3A_603 = arith.constant 0 : i32
    %dma_wait3A_604 = arith.constant 11264 : i32
    %dma_wait3A_605 = tpu.memref_slice %arg6[%dma_wait3A_604] : memref<16384xf32, #tpu.memory_space<vmem>> -> memref<1024xf32, #tpu.memory_space<vmem>>
    %dma_wait3A_606 = arith.constant 0 : i32
    %dma_wait3A_607 = tpu.memref_slice %arg2[%dma_wait3A_603, %dma_wait3A_606] : memref<16x2600000xf32, #tpu.memory_space<hbm>> -> memref<1x1024xf32, #tpu.memory_space<hbm>>
    %dma_wait3A_608 = tpu.memref_squeeze %dma_wait3A_607 : memref<1x1024xf32, #tpu.memory_space<hbm>> -> memref<1024xf32, #tpu.memory_space<hbm>>
    %dma_wait3A_609 = arith.constant 11264 : i32
    %dma_wait3A_610 = tpu.memref_slice %arg6[%dma_wait3A_609] : memref<16384xf32, #tpu.memory_space<vmem>> -> memref<1024xf32, #tpu.memory_space<vmem>>
    %dma_wait3A_611 = arith.constant 0 : i32
    %dma_wait3A_612 = tpu.memref_slice %arg2[%dma_wait3A_603, %dma_wait3A_611] : memref<16x2600000xf32, #tpu.memory_space<hbm>> -> memref<1x1024xf32, #tpu.memory_space<hbm>>
    %dma_wait3A_613 = tpu.memref_squeeze %dma_wait3A_612 : memref<1x1024xf32, #tpu.memory_space<hbm>> -> memref<1024xf32, #tpu.memory_space<hbm>>
    tpu.wait_dma2 semaphore(%arg11 : memref<!tpu.dma_semaphore, #tpu.memory_space<semaphore_mem>>) src(%dma_wait3A_613 : memref<1024xf32, #tpu.memory_space<hbm>>) dst(%dma_wait3A_610 : memref<1024xf32, #tpu.memory_space<vmem>>)
    %dma_wait3A_614 = arith.constant 0 : i32
    %dma_wait3A_615 = arith.constant 12288 : i32
    %dma_wait3A_616 = tpu.memref_slice %arg6[%dma_wait3A_615] : memref<16384xf32, #tpu.memory_space<vmem>> -> memref<1024xf32, #tpu.memory_space<vmem>>
    %dma_wait3A_617 = arith.constant 0 : i32
    %dma_wait3A_618 = tpu.memref_slice %arg2[%dma_wait3A_614, %dma_wait3A_617] : memref<16x2600000xf32, #tpu.memory_space<hbm>> -> memref<1x1024xf32, #tpu.memory_space<hbm>>
    %dma_wait3A_619 = tpu.memref_squeeze %dma_wait3A_618 : memref<1x1024xf32, #tpu.memory_space<hbm>> -> memref<1024xf32, #tpu.memory_space<hbm>>
    %dma_wait3A_620 = arith.constant 12288 : i32
    %dma_wait3A_621 = tpu.memref_slice %arg6[%dma_wait3A_620] : memref<16384xf32, #tpu.memory_space<vmem>> -> memref<1024xf32, #tpu.memory_space<vmem>>
    %dma_wait3A_622 = arith.constant 0 : i32
    %dma_wait3A_623 = tpu.memref_slice %arg2[%dma_wait3A_614, %dma_wait3A_622] : memref<16x2600000xf32, #tpu.memory_space<hbm>> -> memref<1x1024xf32, #tpu.memory_space<hbm>>
    %dma_wait3A_624 = tpu.memref_squeeze %dma_wait3A_623 : memref<1x1024xf32, #tpu.memory_space<hbm>> -> memref<1024xf32, #tpu.memory_space<hbm>>
    tpu.wait_dma2 semaphore(%arg11 : memref<!tpu.dma_semaphore, #tpu.memory_space<semaphore_mem>>) src(%dma_wait3A_624 : memref<1024xf32, #tpu.memory_space<hbm>>) dst(%dma_wait3A_621 : memref<1024xf32, #tpu.memory_space<vmem>>)
    %dma_wait3A_625 = arith.constant 0 : i32
    %dma_wait3A_626 = arith.constant 13312 : i32
    %dma_wait3A_627 = tpu.memref_slice %arg6[%dma_wait3A_626] : memref<16384xf32, #tpu.memory_space<vmem>> -> memref<1024xf32, #tpu.memory_space<vmem>>
    %dma_wait3A_628 = arith.constant 0 : i32
    %dma_wait3A_629 = tpu.memref_slice %arg2[%dma_wait3A_625, %dma_wait3A_628] : memref<16x2600000xf32, #tpu.memory_space<hbm>> -> memref<1x1024xf32, #tpu.memory_space<hbm>>
    %dma_wait3A_630 = tpu.memref_squeeze %dma_wait3A_629 : memref<1x1024xf32, #tpu.memory_space<hbm>> -> memref<1024xf32, #tpu.memory_space<hbm>>
    %dma_wait3A_631 = arith.constant 13312 : i32
    %dma_wait3A_632 = tpu.memref_slice %arg6[%dma_wait3A_631] : memref<16384xf32, #tpu.memory_space<vmem>> -> memref<1024xf32, #tpu.memory_space<vmem>>
    %dma_wait3A_633 = arith.constant 0 : i32
    %dma_wait3A_634 = tpu.memref_slice %arg2[%dma_wait3A_625, %dma_wait3A_633] : memref<16x2600000xf32, #tpu.memory_space<hbm>> -> memref<1x1024xf32, #tpu.memory_space<hbm>>
    %dma_wait3A_635 = tpu.memref_squeeze %dma_wait3A_634 : memref<1x1024xf32, #tpu.memory_space<hbm>> -> memref<1024xf32, #tpu.memory_space<hbm>>
    tpu.wait_dma2 semaphore(%arg11 : memref<!tpu.dma_semaphore, #tpu.memory_space<semaphore_mem>>) src(%dma_wait3A_635 : memref<1024xf32, #tpu.memory_space<hbm>>) dst(%dma_wait3A_632 : memref<1024xf32, #tpu.memory_space<vmem>>)
    %dma_wait3A_636 = arith.constant 0 : i32
    %dma_wait3A_637 = arith.constant 14336 : i32
    %dma_wait3A_638 = tpu.memref_slice %arg6[%dma_wait3A_637] : memref<16384xf32, #tpu.memory_space<vmem>> -> memref<1024xf32, #tpu.memory_space<vmem>>
    %dma_wait3A_639 = arith.constant 0 : i32
    %dma_wait3A_640 = tpu.memref_slice %arg2[%dma_wait3A_636, %dma_wait3A_639] : memref<16x2600000xf32, #tpu.memory_space<hbm>> -> memref<1x1024xf32, #tpu.memory_space<hbm>>
    %dma_wait3A_641 = tpu.memref_squeeze %dma_wait3A_640 : memref<1x1024xf32, #tpu.memory_space<hbm>> -> memref<1024xf32, #tpu.memory_space<hbm>>
    %dma_wait3A_642 = arith.constant 14336 : i32
    %dma_wait3A_643 = tpu.memref_slice %arg6[%dma_wait3A_642] : memref<16384xf32, #tpu.memory_space<vmem>> -> memref<1024xf32, #tpu.memory_space<vmem>>
    %dma_wait3A_644 = arith.constant 0 : i32
    %dma_wait3A_645 = tpu.memref_slice %arg2[%dma_wait3A_636, %dma_wait3A_644] : memref<16x2600000xf32, #tpu.memory_space<hbm>> -> memref<1x1024xf32, #tpu.memory_space<hbm>>
    %dma_wait3A_646 = tpu.memref_squeeze %dma_wait3A_645 : memref<1x1024xf32, #tpu.memory_space<hbm>> -> memref<1024xf32, #tpu.memory_space<hbm>>
    tpu.wait_dma2 semaphore(%arg11 : memref<!tpu.dma_semaphore, #tpu.memory_space<semaphore_mem>>) src(%dma_wait3A_646 : memref<1024xf32, #tpu.memory_space<hbm>>) dst(%dma_wait3A_643 : memref<1024xf32, #tpu.memory_space<vmem>>)
    %dma_wait3A_647 = arith.constant 0 : i32
    %dma_wait3A_648 = arith.constant 15360 : i32
    %dma_wait3A_649 = tpu.memref_slice %arg6[%dma_wait3A_648] : memref<16384xf32, #tpu.memory_space<vmem>> -> memref<1024xf32, #tpu.memory_space<vmem>>
    %dma_wait3A_650 = arith.constant 0 : i32
    %dma_wait3A_651 = tpu.memref_slice %arg2[%dma_wait3A_647, %dma_wait3A_650] : memref<16x2600000xf32, #tpu.memory_space<hbm>> -> memref<1x1024xf32, #tpu.memory_space<hbm>>
    %dma_wait3A_652 = tpu.memref_squeeze %dma_wait3A_651 : memref<1x1024xf32, #tpu.memory_space<hbm>> -> memref<1024xf32, #tpu.memory_space<hbm>>
    %dma_wait3A_653 = arith.constant 15360 : i32
    %dma_wait3A_654 = tpu.memref_slice %arg6[%dma_wait3A_653] : memref<16384xf32, #tpu.memory_space<vmem>> -> memref<1024xf32, #tpu.memory_space<vmem>>
    %dma_wait3A_655 = arith.constant 0 : i32
    %dma_wait3A_656 = tpu.memref_slice %arg2[%dma_wait3A_647, %dma_wait3A_655] : memref<16x2600000xf32, #tpu.memory_space<hbm>> -> memref<1x1024xf32, #tpu.memory_space<hbm>>
    %dma_wait3A_657 = tpu.memref_squeeze %dma_wait3A_656 : memref<1x1024xf32, #tpu.memory_space<hbm>> -> memref<1024xf32, #tpu.memory_space<hbm>>
    tpu.wait_dma2 semaphore(%arg11 : memref<!tpu.dma_semaphore, #tpu.memory_space<semaphore_mem>>) src(%dma_wait3A_657 : memref<1024xf32, #tpu.memory_space<hbm>>) dst(%dma_wait3A_654 : memref<1024xf32, #tpu.memory_space<vmem>>)
    %dma_wait3A_658 = arith.constant 0 : i32
    %dma_wait3A_659 = tpu.memref_slice %arg4[%dma_wait3A_658] : memref<41600000xf32, #tpu.memory_space<hbm>> -> memref<16384xf32, #tpu.memory_space<hbm>>
    %dma_wait3A_660 = arith.constant 0 : i32
    %dma_wait3A_661 = tpu.memref_slice %arg4[%dma_wait3A_660] : memref<41600000xf32, #tpu.memory_space<hbm>> -> memref<16384xf32, #tpu.memory_space<hbm>>
    tpu.wait_dma2 semaphore(%arg13 : memref<!tpu.dma_semaphore, #tpu.memory_space<semaphore_mem>>) src(%dma_wait3A_661 : memref<16384xf32, #tpu.memory_space<hbm>>) dst(%arg8 : memref<16384xf32, #tpu.memory_space<vmem>>)
    %dma_wait3A_662 = arith.constant 0 : i32
    %dma_wait3A_663 = tpu.memref_slice %arg4[%dma_wait3A_662] : memref<41600000xf32, #tpu.memory_space<hbm>> -> memref<16384xf32, #tpu.memory_space<hbm>>
    %dma_wait3A_664 = arith.constant 0 : i32
    %dma_wait3A_665 = tpu.memref_slice %arg4[%dma_wait3A_664] : memref<41600000xf32, #tpu.memory_space<hbm>> -> memref<16384xf32, #tpu.memory_space<hbm>>
    tpu.wait_dma2 semaphore(%arg14 : memref<!tpu.dma_semaphore, #tpu.memory_space<semaphore_mem>>) src(%dma_wait3A_665 : memref<16384xf32, #tpu.memory_space<hbm>>) dst(%arg9 : memref<16384xf32, #tpu.memory_space<vmem>>)
    %eq3A = arith.constant 0 : i32
    %eq3A_666 = arith.cmpi eq, %add3A, %eq3A : i32
    %convert_element_type3A = arith.extui %eq3A_666 : i1 to i32
    %cond3A = arith.constant 0 : i32
    %cond3A_667 = arith.cmpi ne, %convert_element_type3A, %cond3A : i32
    scf.if %cond3A_667 {
      "tpu.region"() ({
        %run_scoped3A = tpu.sem_alloc : memref<!tpu.dma_semaphore, #tpu.memory_space<semaphore_mem>>
        %dma_start3A_668 = arith.constant 41598976 : i32
        %dma_start3A_669 = tpu.memref_slice %arg4[%dma_start3A_668] : memref<41600000xf32, #tpu.memory_space<hbm>> -> memref<1024xf32, #tpu.memory_space<hbm>>
        tpu.enqueue_dma source(%arg3 : memref<1024xf32, #tpu.memory_space<hbm>>) target(%dma_start3A_669 : memref<1024xf32, #tpu.memory_space<hbm>>) target_semaphore(%run_scoped3A : memref<!tpu.dma_semaphore, #tpu.memory_space<semaphore_mem>>)
        %dma_wait3A_670 = arith.constant 41598976 : i32
        %dma_wait3A_671 = tpu.memref_slice %arg4[%dma_wait3A_670] : memref<41600000xf32, #tpu.memory_space<hbm>> -> memref<1024xf32, #tpu.memory_space<hbm>>
        tpu.wait_dma2 semaphore(%run_scoped3A : memref<!tpu.dma_semaphore, #tpu.memory_space<semaphore_mem>>) src(%arg3 : memref<1024xf32, #tpu.memory_space<hbm>>) dst(%dma_wait3A_671 : memref<1024xf32, #tpu.memory_space<hbm>>)
        tpu.yield
      }) : () -> ()
    } else {
    }
    return
  }
}

#map = affine_map<(d0, d1) -> (0)>
#map1 = affine_map<(d0, d1) -> (0, 0)>
module attributes {stable_mosaic.version = 14 : i64} {
  func.func @_sc_kernel(%arg0: i32, %arg1: i32, %arg2: memref<425984xi32, #tpu.memory_space<hbm>>, %arg3: memref<2600000x16xf32, #tpu.memory_space<hbm>>, %arg4: memref<16xf32, #tpu.memory_space<hbm>>, %arg5: memref<208xi32, #tpu.memory_space<hbm>>, %arg6: memref<16384x16xf32, #tpu.memory_space<hbm>>, %arg7: memref<13312xi32, #tpu.memory_space<vmem>>, %arg8: memref<1664x16xf32, #tpu.memory_space<vmem>>, %arg9: memref<1664x16xf32, #tpu.memory_space<vmem>>, %arg10: memref<512x16xf32, #tpu.memory_space<vmem>>, %arg11: memref<16xf32, #tpu.memory_space<vmem>>, %arg12: memref<208xi32, #tpu.memory_space<vmem>>, %arg13: memref<!tpu.dma_semaphore, #tpu.memory_space<semaphore_mem>>, %arg14: memref<!tpu.dma_semaphore, #tpu.memory_space<semaphore_mem>>) attributes {dimension_semantics = [#tpu.dimension_semantics<core_parallel>, #tpu.dimension_semantics<subcore_parallel>], iteration_bounds = array<i64: 2, 16>, scalar_prefetch = 0 : i64, scratch_operands = 8 : i64, tpu.core_type = #tpu.core_type<sc_vector_subcore>, window_params = [{transform_indices = #map}, {transform_indices = #map1}, {transform_indices = #map}, {transform_indices = #map}, {transform_indices = #map1}]} {
    %mul3A = arith.constant 2 : i32
    %mul3A_0 = arith.muli %arg1, %mul3A : i32
    %add3A = arith.addi %mul3A_0, %arg0 : i32
    %mul3A_1 = arith.constant 13312 : i32
    %mul3A_2 = arith.muli %add3A, %mul3A_1 : i32
    "tpu.region"() ({
      %run_scoped3A = tpu.sem_alloc : memref<!tpu.dma_semaphore, #tpu.memory_space<semaphore_mem>>
      %dma_start3A_109 = tpu.memref_slice %arg2[%mul3A_2] : memref<425984xi32, #tpu.memory_space<hbm>> -> memref<13312xi32, #tpu.memory_space<hbm>>
      %dma_start3A_110 = tpu.memref_slice %arg2[%mul3A_2] : memref<425984xi32, #tpu.memory_space<hbm>> -> memref<13312xi32, #tpu.memory_space<hbm>>
      tpu.enqueue_dma source(%dma_start3A_110 : memref<13312xi32, #tpu.memory_space<hbm>>) target(%arg7 : memref<13312xi32, #tpu.memory_space<vmem>>) target_semaphore(%run_scoped3A : memref<!tpu.dma_semaphore, #tpu.memory_space<semaphore_mem>>)
      %dma_wait3A_111 = tpu.memref_slice %arg2[%mul3A_2] : memref<425984xi32, #tpu.memory_space<hbm>> -> memref<13312xi32, #tpu.memory_space<hbm>>
      %dma_wait3A_112 = tpu.memref_slice %arg2[%mul3A_2] : memref<425984xi32, #tpu.memory_space<hbm>> -> memref<13312xi32, #tpu.memory_space<hbm>>
      tpu.wait_dma2 semaphore(%run_scoped3A : memref<!tpu.dma_semaphore, #tpu.memory_space<semaphore_mem>>) src(%dma_wait3A_112 : memref<13312xi32, #tpu.memory_space<hbm>>) dst(%arg7 : memref<13312xi32, #tpu.memory_space<vmem>>)
      tpu.yield
    }) : () -> ()
    "tpu.region"() ({
      %run_scoped3A = tpu.sem_alloc : memref<!tpu.dma_semaphore, #tpu.memory_space<semaphore_mem>>
      tpu.enqueue_dma source(%arg4 : memref<16xf32, #tpu.memory_space<hbm>>) target(%arg11 : memref<16xf32, #tpu.memory_space<vmem>>) target_semaphore(%run_scoped3A : memref<!tpu.dma_semaphore, #tpu.memory_space<semaphore_mem>>)
      tpu.wait_dma2 semaphore(%run_scoped3A : memref<!tpu.dma_semaphore, #tpu.memory_space<semaphore_mem>>) src(%arg4 : memref<16xf32, #tpu.memory_space<hbm>>) dst(%arg11 : memref<16xf32, #tpu.memory_space<vmem>>)
      tpu.yield
    }) : () -> ()
    "tpu.region"() ({
      %run_scoped3A = tpu.sem_alloc : memref<!tpu.dma_semaphore, #tpu.memory_space<semaphore_mem>>
      tpu.enqueue_dma source(%arg5 : memref<208xi32, #tpu.memory_space<hbm>>) target(%arg12 : memref<208xi32, #tpu.memory_space<vmem>>) target_semaphore(%run_scoped3A : memref<!tpu.dma_semaphore, #tpu.memory_space<semaphore_mem>>)
      tpu.wait_dma2 semaphore(%run_scoped3A : memref<!tpu.dma_semaphore, #tpu.memory_space<semaphore_mem>>) src(%arg5 : memref<208xi32, #tpu.memory_space<hbm>>) dst(%arg12 : memref<208xi32, #tpu.memory_space<vmem>>)
      tpu.yield
    }) : () -> ()
    %parallel_loop3A = arith.constant 0 : i32
    %parallel_loop3A_3 = arith.constant 832 : i32
    %parallel_loop3A_4 = arith.constant 1 : i32
    scf.for %parallel_loop3A_109 = %parallel_loop3A to %parallel_loop3A_3 step %parallel_loop3A_4  : i32 {
      %parallel_loop3A_110 = arith.constant 16 : i32
      %parallel_loop3A_111 = arith.muli %parallel_loop3A_109, %parallel_loop3A_110 : i32
      %parallel_loop3A_112 = arith.constant 13 : i32
      %parallel_loop3A_113 = arith.remsi %parallel_loop3A_109, %parallel_loop3A_112 : i32
      %parallel_loop3A_114 = arith.constant 16 : i32
      %parallel_loop3A_115 = arith.muli %parallel_loop3A_113, %parallel_loop3A_114 : i32
      %parallel_loop3A_116 = arith.index_cast %parallel_loop3A_111 : i32 to index
      %parallel_loop3A_117 = tpu.vector_load %arg7[%parallel_loop3A_116] {strides = array<i32>} : memref<13312xi32, #tpu.memory_space<vmem>>, vector<16xi32>,
      %parallel_loop3A_118 = vector.shape_cast %parallel_loop3A_117 : vector<16xi32> to vector<16xi32>
      %parallel_loop3A_119 = arith.index_cast %parallel_loop3A_115 : i32 to index
      %parallel_loop3A_120 = tpu.vector_load %arg12[%parallel_loop3A_119] {strides = array<i32>} : memref<208xi32, #tpu.memory_space<vmem>>, vector<16xi32>,
      %parallel_loop3A_121 = vector.shape_cast %parallel_loop3A_120 : vector<16xi32> to vector<16xi32>
      %parallel_loop3A_122 = arith.addi %parallel_loop3A_118, %parallel_loop3A_121 : vector<16xi32>
      %parallel_loop3A_123 = arith.index_cast %parallel_loop3A_111 : i32 to index
      %parallel_loop3A_124 = tpu.vector_load %arg7[%parallel_loop3A_123] {strides = array<i32>} : memref<13312xi32, #tpu.memory_space<vmem>>, vector<16xi32>,
      %parallel_loop3A_125 = vector.shape_cast %parallel_loop3A_124 : vector<16xi32> to vector<16xi32>
      %parallel_loop3A_126 = vector.shape_cast %parallel_loop3A_122 : vector<16xi32> to vector<16xi32>
      tpu.vector_store %arg7[%parallel_loop3A_123], %parallel_loop3A_126 {strides = array<i32>} : memref<13312xi32, #tpu.memory_space<vmem>>, vector<16xi32>,
    } {sc.loop_unroll_factor = 1 : i64, sc.parallel_access}
    %dma_start3A = arith.constant 0 : i32
    %dma_start3A_5 = tpu.memref_slice %arg7[%dma_start3A] : memref<13312xi32, #tpu.memory_space<vmem>> -> memref<1664xi32, #tpu.memory_space<vmem>>
    %dma_start3A_6 = arith.constant 0 : i32
    %dma_start3A_7 = arith.constant 0 : i32
    %dma_start3A_8 = tpu.memref_slice %arg3[%dma_start3A_6, %dma_start3A_7] : memref<2600000x16xf32, #tpu.memory_space<hbm>> -> memref<2600000x16xf32, #tpu.memory_space<hbm>>
    tpu.enqueue_indirect_dma source(%dma_start3A_8 : memref<2600000x16xf32, #tpu.memory_space<hbm>>) target(%arg8 : memref<1664x16xf32, #tpu.memory_space<vmem>>) offsets(%dma_start3A_5 : memref<1664xi32, #tpu.memory_space<vmem>>) semaphore(%arg13 : memref<!tpu.dma_semaphore, #tpu.memory_space<semaphore_mem>>)
    %dma_start3A_9 = arith.constant 1664 : i32
    %dma_start3A_10 = tpu.memref_slice %arg7[%dma_start3A_9] : memref<13312xi32, #tpu.memory_space<vmem>> -> memref<1664xi32, #tpu.memory_space<vmem>>
    %dma_start3A_11 = arith.constant 0 : i32
    %dma_start3A_12 = arith.constant 0 : i32
    %dma_start3A_13 = tpu.memref_slice %arg3[%dma_start3A_11, %dma_start3A_12] : memref<2600000x16xf32, #tpu.memory_space<hbm>> -> memref<2600000x16xf32, #tpu.memory_space<hbm>>
    tpu.enqueue_indirect_dma source(%dma_start3A_13 : memref<2600000x16xf32, #tpu.memory_space<hbm>>) target(%arg9 : memref<1664x16xf32, #tpu.memory_space<vmem>>) offsets(%dma_start3A_10 : memref<1664xi32, #tpu.memory_space<vmem>>) semaphore(%arg14 : memref<!tpu.dma_semaphore, #tpu.memory_space<semaphore_mem>>)
    %dma_wait3A = arith.constant 0 : i32
    %dma_wait3A_14 = tpu.memref_slice %arg7[%dma_wait3A] : memref<13312xi32, #tpu.memory_space<vmem>> -> memref<1664xi32, #tpu.memory_space<vmem>>
    %dma_wait3A_15 = arith.constant 0 : i32
    %dma_wait3A_16 = arith.constant 0 : i32
    %dma_wait3A_17 = tpu.memref_slice %arg3[%dma_wait3A_15, %dma_wait3A_16] : memref<2600000x16xf32, #tpu.memory_space<hbm>> -> memref<2600000x16xf32, #tpu.memory_space<hbm>>
    tpu.wait_indirect_dma semaphore(%arg13 : memref<!tpu.dma_semaphore, #tpu.memory_space<semaphore_mem>>) src(%dma_wait3A_17 : memref<2600000x16xf32, #tpu.memory_space<hbm>>) dst(%arg8 : memref<1664x16xf32, #tpu.memory_space<vmem>>)
    %parallel_loop3A_18 = arith.constant 0 : i32
    %parallel_loop3A_19 = arith.constant 64 : i32
    %parallel_loop3A_20 = arith.constant 1 : i32
    scf.for %parallel_loop3A_109 = %parallel_loop3A_18 to %parallel_loop3A_19 step %parallel_loop3A_20  : i32 {
      %parallel_loop3A_110 = arith.constant 26 : i32
      %parallel_loop3A_111 = arith.muli %parallel_loop3A_109, %parallel_loop3A_110 : i32
      %parallel_loop3A_112 = arith.constant 0 : i32
      %parallel_loop3A_113 = arith.addi %parallel_loop3A_111, %parallel_loop3A_112 : i32
      %parallel_loop3A_114 = arith.index_cast %parallel_loop3A_113 : i32 to index
      %parallel_loop3A_115 = arith.constant 0 : index
      %parallel_loop3A_116 = tpu.vector_load %arg8[%parallel_loop3A_114, %parallel_loop3A_115] {strides = array<i32>} : memref<1664x16xf32, #tpu.memory_space<vmem>>, vector<1x16xf32>,
      %parallel_loop3A_117 = vector.shape_cast %parallel_loop3A_116 : vector<1x16xf32> to vector<16xf32>
      %parallel_loop3A_118 = arith.constant 1 : i32
      %parallel_loop3A_119 = arith.addi %parallel_loop3A_111, %parallel_loop3A_118 : i32
      %parallel_loop3A_120 = arith.index_cast %parallel_loop3A_119 : i32 to index
      %parallel_loop3A_121 = arith.constant 0 : index
      %parallel_loop3A_122 = tpu.vector_load %arg8[%parallel_loop3A_120, %parallel_loop3A_121] {strides = array<i32>} : memref<1664x16xf32, #tpu.memory_space<vmem>>, vector<1x16xf32>,
      %parallel_loop3A_123 = vector.shape_cast %parallel_loop3A_122 : vector<1x16xf32> to vector<16xf32>
      %parallel_loop3A_124 = arith.constant 2 : i32
      %parallel_loop3A_125 = arith.addi %parallel_loop3A_111, %parallel_loop3A_124 : i32
      %parallel_loop3A_126 = arith.index_cast %parallel_loop3A_125 : i32 to index
      %parallel_loop3A_127 = arith.constant 0 : index
      %parallel_loop3A_128 = tpu.vector_load %arg8[%parallel_loop3A_126, %parallel_loop3A_127] {strides = array<i32>} : memref<1664x16xf32, #tpu.memory_space<vmem>>, vector<1x16xf32>,
      %parallel_loop3A_129 = vector.shape_cast %parallel_loop3A_128 : vector<1x16xf32> to vector<16xf32>
      %parallel_loop3A_130 = arith.constant 3 : i32
      %parallel_loop3A_131 = arith.addi %parallel_loop3A_111, %parallel_loop3A_130 : i32
      %parallel_loop3A_132 = arith.index_cast %parallel_loop3A_131 : i32 to index
      %parallel_loop3A_133 = arith.constant 0 : index
      %parallel_loop3A_134 = tpu.vector_load %arg8[%parallel_loop3A_132, %parallel_loop3A_133] {strides = array<i32>} : memref<1664x16xf32, #tpu.memory_space<vmem>>, vector<1x16xf32>,
      %parallel_loop3A_135 = vector.shape_cast %parallel_loop3A_134 : vector<1x16xf32> to vector<16xf32>
      %parallel_loop3A_136 = arith.constant 0 : index
      %parallel_loop3A_137 = tpu.vector_load %arg11[%parallel_loop3A_136] {strides = array<i32>} : memref<16xf32, #tpu.memory_space<vmem>>, vector<16xf32>,
      %parallel_loop3A_138 = vector.shape_cast %parallel_loop3A_137 : vector<16xf32> to vector<16xf32>
      %parallel_loop3A_139 = arith.addf %parallel_loop3A_117, %parallel_loop3A_138 : vector<16xf32>
      %parallel_loop3A_140 = arith.constant 4 : i32
      %parallel_loop3A_141 = arith.addi %parallel_loop3A_111, %parallel_loop3A_140 : i32
      %parallel_loop3A_142 = arith.index_cast %parallel_loop3A_141 : i32 to index
      %parallel_loop3A_143 = arith.constant 0 : index
      %parallel_loop3A_144 = tpu.vector_load %arg8[%parallel_loop3A_142, %parallel_loop3A_143] {strides = array<i32>} : memref<1664x16xf32, #tpu.memory_space<vmem>>, vector<1x16xf32>,
      %parallel_loop3A_145 = vector.shape_cast %parallel_loop3A_144 : vector<1x16xf32> to vector<16xf32>
      %parallel_loop3A_146 = arith.addf %parallel_loop3A_139, %parallel_loop3A_145 : vector<16xf32>
      %parallel_loop3A_147 = arith.constant 5 : i32
      %parallel_loop3A_148 = arith.addi %parallel_loop3A_111, %parallel_loop3A_147 : i32
      %parallel_loop3A_149 = arith.index_cast %parallel_loop3A_148 : i32 to index
      %parallel_loop3A_150 = arith.constant 0 : index
      %parallel_loop3A_151 = tpu.vector_load %arg8[%parallel_loop3A_149, %parallel_loop3A_150] {strides = array<i32>} : memref<1664x16xf32, #tpu.memory_space<vmem>>, vector<1x16xf32>,
      %parallel_loop3A_152 = vector.shape_cast %parallel_loop3A_151 : vector<1x16xf32> to vector<16xf32>
      %parallel_loop3A_153 = arith.addf %parallel_loop3A_123, %parallel_loop3A_152 : vector<16xf32>
      %parallel_loop3A_154 = arith.constant 6 : i32
      %parallel_loop3A_155 = arith.addi %parallel_loop3A_111, %parallel_loop3A_154 : i32
      %parallel_loop3A_156 = arith.index_cast %parallel_loop3A_155 : i32 to index
      %parallel_loop3A_157 = arith.constant 0 : index
      %parallel_loop3A_158 = tpu.vector_load %arg8[%parallel_loop3A_156, %parallel_loop3A_157] {strides = array<i32>} : memref<1664x16xf32, #tpu.memory_space<vmem>>, vector<1x16xf32>,
      %parallel_loop3A_159 = vector.shape_cast %parallel_loop3A_158 : vector<1x16xf32> to vector<16xf32>
      %parallel_loop3A_160 = arith.addf %parallel_loop3A_129, %parallel_loop3A_159 : vector<16xf32>
      %parallel_loop3A_161 = arith.constant 7 : i32
      %parallel_loop3A_162 = arith.addi %parallel_loop3A_111, %parallel_loop3A_161 : i32
      %parallel_loop3A_163 = arith.index_cast %parallel_loop3A_162 : i32 to index
      %parallel_loop3A_164 = arith.constant 0 : index
      %parallel_loop3A_165 = tpu.vector_load %arg8[%parallel_loop3A_163, %parallel_loop3A_164] {strides = array<i32>} : memref<1664x16xf32, #tpu.memory_space<vmem>>, vector<1x16xf32>,
      %parallel_loop3A_166 = vector.shape_cast %parallel_loop3A_165 : vector<1x16xf32> to vector<16xf32>
      %parallel_loop3A_167 = arith.addf %parallel_loop3A_135, %parallel_loop3A_166 : vector<16xf32>
      %parallel_loop3A_168 = arith.constant 8 : i32
      %parallel_loop3A_169 = arith.addi %parallel_loop3A_111, %parallel_loop3A_168 : i32
      %parallel_loop3A_170 = arith.index_cast %parallel_loop3A_169 : i32 to index
      %parallel_loop3A_171 = arith.constant 0 : index
      %parallel_loop3A_172 = tpu.vector_load %arg8[%parallel_loop3A_170, %parallel_loop3A_171] {strides = array<i32>} : memref<1664x16xf32, #tpu.memory_space<vmem>>, vector<1x16xf32>,
      %parallel_loop3A_173 = vector.shape_cast %parallel_loop3A_172 : vector<1x16xf32> to vector<16xf32>
      %parallel_loop3A_174 = arith.addf %parallel_loop3A_146, %parallel_loop3A_173 : vector<16xf32>
      %parallel_loop3A_175 = arith.constant 9 : i32
      %parallel_loop3A_176 = arith.addi %parallel_loop3A_111, %parallel_loop3A_175 : i32
      %parallel_loop3A_177 = arith.index_cast %parallel_loop3A_176 : i32 to index
      %parallel_loop3A_178 = arith.constant 0 : index
      %parallel_loop3A_179 = tpu.vector_load %arg8[%parallel_loop3A_177, %parallel_loop3A_178] {strides = array<i32>} : memref<1664x16xf32, #tpu.memory_space<vmem>>, vector<1x16xf32>,
      %parallel_loop3A_180 = vector.shape_cast %parallel_loop3A_179 : vector<1x16xf32> to vector<16xf32>
      %parallel_loop3A_181 = arith.addf %parallel_loop3A_153, %parallel_loop3A_180 : vector<16xf32>
      %parallel_loop3A_182 = arith.constant 10 : i32
      %parallel_loop3A_183 = arith.addi %parallel_loop3A_111, %parallel_loop3A_182 : i32
      %parallel_loop3A_184 = arith.index_cast %parallel_loop3A_183 : i32 to index
      %parallel_loop3A_185 = arith.constant 0 : index
      %parallel_loop3A_186 = tpu.vector_load %arg8[%parallel_loop3A_184, %parallel_loop3A_185] {strides = array<i32>} : memref<1664x16xf32, #tpu.memory_space<vmem>>, vector<1x16xf32>,
      %parallel_loop3A_187 = vector.shape_cast %parallel_loop3A_186 : vector<1x16xf32> to vector<16xf32>
      %parallel_loop3A_188 = arith.addf %parallel_loop3A_160, %parallel_loop3A_187 : vector<16xf32>
      %parallel_loop3A_189 = arith.constant 11 : i32
      %parallel_loop3A_190 = arith.addi %parallel_loop3A_111, %parallel_loop3A_189 : i32
      %parallel_loop3A_191 = arith.index_cast %parallel_loop3A_190 : i32 to index
      %parallel_loop3A_192 = arith.constant 0 : index
      %parallel_loop3A_193 = tpu.vector_load %arg8[%parallel_loop3A_191, %parallel_loop3A_192] {strides = array<i32>} : memref<1664x16xf32, #tpu.memory_space<vmem>>, vector<1x16xf32>,
      %parallel_loop3A_194 = vector.shape_cast %parallel_loop3A_193 : vector<1x16xf32> to vector<16xf32>
      %parallel_loop3A_195 = arith.addf %parallel_loop3A_167, %parallel_loop3A_194 : vector<16xf32>
      %parallel_loop3A_196 = arith.constant 12 : i32
      %parallel_loop3A_197 = arith.addi %parallel_loop3A_111, %parallel_loop3A_196 : i32
      %parallel_loop3A_198 = arith.index_cast %parallel_loop3A_197 : i32 to index
      %parallel_loop3A_199 = arith.constant 0 : index
      %parallel_loop3A_200 = tpu.vector_load %arg8[%parallel_loop3A_198, %parallel_loop3A_199] {strides = array<i32>} : memref<1664x16xf32, #tpu.memory_space<vmem>>, vector<1x16xf32>,
      %parallel_loop3A_201 = vector.shape_cast %parallel_loop3A_200 : vector<1x16xf32> to vector<16xf32>
      %parallel_loop3A_202 = arith.addf %parallel_loop3A_174, %parallel_loop3A_201 : vector<16xf32>
      %parallel_loop3A_203 = arith.constant 13 : i32
      %parallel_loop3A_204 = arith.addi %parallel_loop3A_111, %parallel_loop3A_203 : i32
      %parallel_loop3A_205 = arith.index_cast %parallel_loop3A_204 : i32 to index
      %parallel_loop3A_206 = arith.constant 0 : index
      %parallel_loop3A_207 = tpu.vector_load %arg8[%parallel_loop3A_205, %parallel_loop3A_206] {strides = array<i32>} : memref<1664x16xf32, #tpu.memory_space<vmem>>, vector<1x16xf32>,
      %parallel_loop3A_208 = vector.shape_cast %parallel_loop3A_207 : vector<1x16xf32> to vector<16xf32>
      %parallel_loop3A_209 = arith.addf %parallel_loop3A_181, %parallel_loop3A_208 : vector<16xf32>
      %parallel_loop3A_210 = arith.constant 14 : i32
      %parallel_loop3A_211 = arith.addi %parallel_loop3A_111, %parallel_loop3A_210 : i32
      %parallel_loop3A_212 = arith.index_cast %parallel_loop3A_211 : i32 to index
      %parallel_loop3A_213 = arith.constant 0 : index
      %parallel_loop3A_214 = tpu.vector_load %arg8[%parallel_loop3A_212, %parallel_loop3A_213] {strides = array<i32>} : memref<1664x16xf32, #tpu.memory_space<vmem>>, vector<1x16xf32>,
      %parallel_loop3A_215 = vector.shape_cast %parallel_loop3A_214 : vector<1x16xf32> to vector<16xf32>
      %parallel_loop3A_216 = arith.addf %parallel_loop3A_188, %parallel_loop3A_215 : vector<16xf32>
      %parallel_loop3A_217 = arith.constant 15 : i32
      %parallel_loop3A_218 = arith.addi %parallel_loop3A_111, %parallel_loop3A_217 : i32
      %parallel_loop3A_219 = arith.index_cast %parallel_loop3A_218 : i32 to index
      %parallel_loop3A_220 = arith.constant 0 : index
      %parallel_loop3A_221 = tpu.vector_load %arg8[%parallel_loop3A_219, %parallel_loop3A_220] {strides = array<i32>} : memref<1664x16xf32, #tpu.memory_space<vmem>>, vector<1x16xf32>,
      %parallel_loop3A_222 = vector.shape_cast %parallel_loop3A_221 : vector<1x16xf32> to vector<16xf32>
      %parallel_loop3A_223 = arith.addf %parallel_loop3A_195, %parallel_loop3A_222 : vector<16xf32>
      %parallel_loop3A_224 = arith.constant 16 : i32
      %parallel_loop3A_225 = arith.addi %parallel_loop3A_111, %parallel_loop3A_224 : i32
      %parallel_loop3A_226 = arith.index_cast %parallel_loop3A_225 : i32 to index
      %parallel_loop3A_227 = arith.constant 0 : index
      %parallel_loop3A_228 = tpu.vector_load %arg8[%parallel_loop3A_226, %parallel_loop3A_227] {strides = array<i32>} : memref<1664x16xf32, #tpu.memory_space<vmem>>, vector<1x16xf32>,
      %parallel_loop3A_229 = vector.shape_cast %parallel_loop3A_228 : vector<1x16xf32> to vector<16xf32>
      %parallel_loop3A_230 = arith.addf %parallel_loop3A_202, %parallel_loop3A_229 : vector<16xf32>
      %parallel_loop3A_231 = arith.constant 17 : i32
      %parallel_loop3A_232 = arith.addi %parallel_loop3A_111, %parallel_loop3A_231 : i32
      %parallel_loop3A_233 = arith.index_cast %parallel_loop3A_232 : i32 to index
      %parallel_loop3A_234 = arith.constant 0 : index
      %parallel_loop3A_235 = tpu.vector_load %arg8[%parallel_loop3A_233, %parallel_loop3A_234] {strides = array<i32>} : memref<1664x16xf32, #tpu.memory_space<vmem>>, vector<1x16xf32>,
      %parallel_loop3A_236 = vector.shape_cast %parallel_loop3A_235 : vector<1x16xf32> to vector<16xf32>
      %parallel_loop3A_237 = arith.addf %parallel_loop3A_209, %parallel_loop3A_236 : vector<16xf32>
      %parallel_loop3A_238 = arith.constant 18 : i32
      %parallel_loop3A_239 = arith.addi %parallel_loop3A_111, %parallel_loop3A_238 : i32
      %parallel_loop3A_240 = arith.index_cast %parallel_loop3A_239 : i32 to index
      %parallel_loop3A_241 = arith.constant 0 : index
      %parallel_loop3A_242 = tpu.vector_load %arg8[%parallel_loop3A_240, %parallel_loop3A_241] {strides = array<i32>} : memref<1664x16xf32, #tpu.memory_space<vmem>>, vector<1x16xf32>,
      %parallel_loop3A_243 = vector.shape_cast %parallel_loop3A_242 : vector<1x16xf32> to vector<16xf32>
      %parallel_loop3A_244 = arith.addf %parallel_loop3A_216, %parallel_loop3A_243 : vector<16xf32>
      %parallel_loop3A_245 = arith.constant 19 : i32
      %parallel_loop3A_246 = arith.addi %parallel_loop3A_111, %parallel_loop3A_245 : i32
      %parallel_loop3A_247 = arith.index_cast %parallel_loop3A_246 : i32 to index
      %parallel_loop3A_248 = arith.constant 0 : index
      %parallel_loop3A_249 = tpu.vector_load %arg8[%parallel_loop3A_247, %parallel_loop3A_248] {strides = array<i32>} : memref<1664x16xf32, #tpu.memory_space<vmem>>, vector<1x16xf32>,
      %parallel_loop3A_250 = vector.shape_cast %parallel_loop3A_249 : vector<1x16xf32> to vector<16xf32>
      %parallel_loop3A_251 = arith.addf %parallel_loop3A_223, %parallel_loop3A_250 : vector<16xf32>
      %parallel_loop3A_252 = arith.constant 20 : i32
      %parallel_loop3A_253 = arith.addi %parallel_loop3A_111, %parallel_loop3A_252 : i32
      %parallel_loop3A_254 = arith.index_cast %parallel_loop3A_253 : i32 to index
      %parallel_loop3A_255 = arith.constant 0 : index
      %parallel_loop3A_256 = tpu.vector_load %arg8[%parallel_loop3A_254, %parallel_loop3A_255] {strides = array<i32>} : memref<1664x16xf32, #tpu.memory_space<vmem>>, vector<1x16xf32>,
      %parallel_loop3A_257 = vector.shape_cast %parallel_loop3A_256 : vector<1x16xf32> to vector<16xf32>
      %parallel_loop3A_258 = arith.addf %parallel_loop3A_230, %parallel_loop3A_257 : vector<16xf32>
      %parallel_loop3A_259 = arith.constant 21 : i32
      %parallel_loop3A_260 = arith.addi %parallel_loop3A_111, %parallel_loop3A_259 : i32
      %parallel_loop3A_261 = arith.index_cast %parallel_loop3A_260 : i32 to index
      %parallel_loop3A_262 = arith.constant 0 : index
      %parallel_loop3A_263 = tpu.vector_load %arg8[%parallel_loop3A_261, %parallel_loop3A_262] {strides = array<i32>} : memref<1664x16xf32, #tpu.memory_space<vmem>>, vector<1x16xf32>,
      %parallel_loop3A_264 = vector.shape_cast %parallel_loop3A_263 : vector<1x16xf32> to vector<16xf32>
      %parallel_loop3A_265 = arith.addf %parallel_loop3A_237, %parallel_loop3A_264 : vector<16xf32>
      %parallel_loop3A_266 = arith.constant 22 : i32
      %parallel_loop3A_267 = arith.addi %parallel_loop3A_111, %parallel_loop3A_266 : i32
      %parallel_loop3A_268 = arith.index_cast %parallel_loop3A_267 : i32 to index
      %parallel_loop3A_269 = arith.constant 0 : index
      %parallel_loop3A_270 = tpu.vector_load %arg8[%parallel_loop3A_268, %parallel_loop3A_269] {strides = array<i32>} : memref<1664x16xf32, #tpu.memory_space<vmem>>, vector<1x16xf32>,
      %parallel_loop3A_271 = vector.shape_cast %parallel_loop3A_270 : vector<1x16xf32> to vector<16xf32>
      %parallel_loop3A_272 = arith.addf %parallel_loop3A_244, %parallel_loop3A_271 : vector<16xf32>
      %parallel_loop3A_273 = arith.constant 23 : i32
      %parallel_loop3A_274 = arith.addi %parallel_loop3A_111, %parallel_loop3A_273 : i32
      %parallel_loop3A_275 = arith.index_cast %parallel_loop3A_274 : i32 to index
      %parallel_loop3A_276 = arith.constant 0 : index
      %parallel_loop3A_277 = tpu.vector_load %arg8[%parallel_loop3A_275, %parallel_loop3A_276] {strides = array<i32>} : memref<1664x16xf32, #tpu.memory_space<vmem>>, vector<1x16xf32>,
      %parallel_loop3A_278 = vector.shape_cast %parallel_loop3A_277 : vector<1x16xf32> to vector<16xf32>
      %parallel_loop3A_279 = arith.addf %parallel_loop3A_251, %parallel_loop3A_278 : vector<16xf32>
      %parallel_loop3A_280 = arith.constant 24 : i32
      %parallel_loop3A_281 = arith.addi %parallel_loop3A_111, %parallel_loop3A_280 : i32
      %parallel_loop3A_282 = arith.index_cast %parallel_loop3A_281 : i32 to index
      %parallel_loop3A_283 = arith.constant 0 : index
      %parallel_loop3A_284 = tpu.vector_load %arg8[%parallel_loop3A_282, %parallel_loop3A_283] {strides = array<i32>} : memref<1664x16xf32, #tpu.memory_space<vmem>>, vector<1x16xf32>,
      %parallel_loop3A_285 = vector.shape_cast %parallel_loop3A_284 : vector<1x16xf32> to vector<16xf32>
      %parallel_loop3A_286 = arith.addf %parallel_loop3A_258, %parallel_loop3A_285 : vector<16xf32>
      %parallel_loop3A_287 = arith.constant 25 : i32
      %parallel_loop3A_288 = arith.addi %parallel_loop3A_111, %parallel_loop3A_287 : i32
      %parallel_loop3A_289 = arith.index_cast %parallel_loop3A_288 : i32 to index
      %parallel_loop3A_290 = arith.constant 0 : index
      %parallel_loop3A_291 = tpu.vector_load %arg8[%parallel_loop3A_289, %parallel_loop3A_290] {strides = array<i32>} : memref<1664x16xf32, #tpu.memory_space<vmem>>, vector<1x16xf32>,
      %parallel_loop3A_292 = vector.shape_cast %parallel_loop3A_291 : vector<1x16xf32> to vector<16xf32>
      %parallel_loop3A_293 = arith.addf %parallel_loop3A_265, %parallel_loop3A_292 : vector<16xf32>
      %parallel_loop3A_294 = arith.addf %parallel_loop3A_286, %parallel_loop3A_293 : vector<16xf32>
      %parallel_loop3A_295 = arith.addf %parallel_loop3A_272, %parallel_loop3A_279 : vector<16xf32>
      %parallel_loop3A_296 = arith.addf %parallel_loop3A_294, %parallel_loop3A_295 : vector<16xf32>
      %parallel_loop3A_297 = arith.constant 0 : i32
      %parallel_loop3A_298 = arith.addi %parallel_loop3A_297, %parallel_loop3A_109 : i32
      %parallel_loop3A_299 = arith.index_cast %parallel_loop3A_298 : i32 to index
      %parallel_loop3A_300 = arith.constant 0 : index
      %parallel_loop3A_301 = tpu.vector_load %arg10[%parallel_loop3A_299, %parallel_loop3A_300] {strides = array<i32>} : memref<512x16xf32, #tpu.memory_space<vmem>>, vector<1x16xf32>,
      %parallel_loop3A_302 = vector.shape_cast %parallel_loop3A_301 : vector<1x16xf32> to vector<16xf32>
      %parallel_loop3A_303 = vector.shape_cast %parallel_loop3A_296 : vector<16xf32> to vector<1x16xf32>
      tpu.vector_store %arg10[%parallel_loop3A_299, %parallel_loop3A_300], %parallel_loop3A_303 {strides = array<i32>} : memref<512x16xf32, #tpu.memory_space<vmem>>, vector<1x16xf32>,
    } {sc.loop_unroll_factor = 1 : i64, sc.parallel_access}
    %dma_start3A_21 = arith.constant 3328 : i32
    %dma_start3A_22 = tpu.memref_slice %arg7[%dma_start3A_21] : memref<13312xi32, #tpu.memory_space<vmem>> -> memref<1664xi32, #tpu.memory_space<vmem>>
    %dma_start3A_23 = arith.constant 0 : i32
    %dma_start3A_24 = arith.constant 0 : i32
    %dma_start3A_25 = tpu.memref_slice %arg3[%dma_start3A_23, %dma_start3A_24] : memref<2600000x16xf32, #tpu.memory_space<hbm>> -> memref<2600000x16xf32, #tpu.memory_space<hbm>>
    tpu.enqueue_indirect_dma source(%dma_start3A_25 : memref<2600000x16xf32, #tpu.memory_space<hbm>>) target(%arg8 : memref<1664x16xf32, #tpu.memory_space<vmem>>) offsets(%dma_start3A_22 : memref<1664xi32, #tpu.memory_space<vmem>>) semaphore(%arg13 : memref<!tpu.dma_semaphore, #tpu.memory_space<semaphore_mem>>)
    %dma_wait3A_26 = arith.constant 1664 : i32
    %dma_wait3A_27 = tpu.memref_slice %arg7[%dma_wait3A_26] : memref<13312xi32, #tpu.memory_space<vmem>> -> memref<1664xi32, #tpu.memory_space<vmem>>
    %dma_wait3A_28 = arith.constant 0 : i32
    %dma_wait3A_29 = arith.constant 0 : i32
    %dma_wait3A_30 = tpu.memref_slice %arg3[%dma_wait3A_28, %dma_wait3A_29] : memref<2600000x16xf32, #tpu.memory_space<hbm>> -> memref<2600000x16xf32, #tpu.memory_space<hbm>>
    tpu.wait_indirect_dma semaphore(%arg14 : memref<!tpu.dma_semaphore, #tpu.memory_space<semaphore_mem>>) src(%dma_wait3A_30 : memref<2600000x16xf32, #tpu.memory_space<hbm>>) dst(%arg9 : memref<1664x16xf32, #tpu.memory_space<vmem>>)
    %parallel_loop3A_31 = arith.constant 0 : i32
    %parallel_loop3A_32 = arith.constant 64 : i32
    %parallel_loop3A_33 = arith.constant 1 : i32
    scf.for %parallel_loop3A_109 = %parallel_loop3A_31 to %parallel_loop3A_32 step %parallel_loop3A_33  : i32 {
      %parallel_loop3A_110 = arith.constant 26 : i32
      %parallel_loop3A_111 = arith.muli %parallel_loop3A_109, %parallel_loop3A_110 : i32
      %parallel_loop3A_112 = arith.constant 0 : i32
      %parallel_loop3A_113 = arith.addi %parallel_loop3A_111, %parallel_loop3A_112 : i32
      %parallel_loop3A_114 = arith.index_cast %parallel_loop3A_113 : i32 to index
      %parallel_loop3A_115 = arith.constant 0 : index
      %parallel_loop3A_116 = tpu.vector_load %arg9[%parallel_loop3A_114, %parallel_loop3A_115] {strides = array<i32>} : memref<1664x16xf32, #tpu.memory_space<vmem>>, vector<1x16xf32>,
      %parallel_loop3A_117 = vector.shape_cast %parallel_loop3A_116 : vector<1x16xf32> to vector<16xf32>
      %parallel_loop3A_118 = arith.constant 1 : i32
      %parallel_loop3A_119 = arith.addi %parallel_loop3A_111, %parallel_loop3A_118 : i32
      %parallel_loop3A_120 = arith.index_cast %parallel_loop3A_119 : i32 to index
      %parallel_loop3A_121 = arith.constant 0 : index
      %parallel_loop3A_122 = tpu.vector_load %arg9[%parallel_loop3A_120, %parallel_loop3A_121] {strides = array<i32>} : memref<1664x16xf32, #tpu.memory_space<vmem>>, vector<1x16xf32>,
      %parallel_loop3A_123 = vector.shape_cast %parallel_loop3A_122 : vector<1x16xf32> to vector<16xf32>
      %parallel_loop3A_124 = arith.constant 2 : i32
      %parallel_loop3A_125 = arith.addi %parallel_loop3A_111, %parallel_loop3A_124 : i32
      %parallel_loop3A_126 = arith.index_cast %parallel_loop3A_125 : i32 to index
      %parallel_loop3A_127 = arith.constant 0 : index
      %parallel_loop3A_128 = tpu.vector_load %arg9[%parallel_loop3A_126, %parallel_loop3A_127] {strides = array<i32>} : memref<1664x16xf32, #tpu.memory_space<vmem>>, vector<1x16xf32>,
      %parallel_loop3A_129 = vector.shape_cast %parallel_loop3A_128 : vector<1x16xf32> to vector<16xf32>
      %parallel_loop3A_130 = arith.constant 3 : i32
      %parallel_loop3A_131 = arith.addi %parallel_loop3A_111, %parallel_loop3A_130 : i32
      %parallel_loop3A_132 = arith.index_cast %parallel_loop3A_131 : i32 to index
      %parallel_loop3A_133 = arith.constant 0 : index
      %parallel_loop3A_134 = tpu.vector_load %arg9[%parallel_loop3A_132, %parallel_loop3A_133] {strides = array<i32>} : memref<1664x16xf32, #tpu.memory_space<vmem>>, vector<1x16xf32>,
      %parallel_loop3A_135 = vector.shape_cast %parallel_loop3A_134 : vector<1x16xf32> to vector<16xf32>
      %parallel_loop3A_136 = arith.constant 0 : index
      %parallel_loop3A_137 = tpu.vector_load %arg11[%parallel_loop3A_136] {strides = array<i32>} : memref<16xf32, #tpu.memory_space<vmem>>, vector<16xf32>,
      %parallel_loop3A_138 = vector.shape_cast %parallel_loop3A_137 : vector<16xf32> to vector<16xf32>
      %parallel_loop3A_139 = arith.addf %parallel_loop3A_117, %parallel_loop3A_138 : vector<16xf32>
      %parallel_loop3A_140 = arith.constant 4 : i32
      %parallel_loop3A_141 = arith.addi %parallel_loop3A_111, %parallel_loop3A_140 : i32
      %parallel_loop3A_142 = arith.index_cast %parallel_loop3A_141 : i32 to index
      %parallel_loop3A_143 = arith.constant 0 : index
      %parallel_loop3A_144 = tpu.vector_load %arg9[%parallel_loop3A_142, %parallel_loop3A_143] {strides = array<i32>} : memref<1664x16xf32, #tpu.memory_space<vmem>>, vector<1x16xf32>,
      %parallel_loop3A_145 = vector.shape_cast %parallel_loop3A_144 : vector<1x16xf32> to vector<16xf32>
      %parallel_loop3A_146 = arith.addf %parallel_loop3A_139, %parallel_loop3A_145 : vector<16xf32>
      %parallel_loop3A_147 = arith.constant 5 : i32
      %parallel_loop3A_148 = arith.addi %parallel_loop3A_111, %parallel_loop3A_147 : i32
      %parallel_loop3A_149 = arith.index_cast %parallel_loop3A_148 : i32 to index
      %parallel_loop3A_150 = arith.constant 0 : index
      %parallel_loop3A_151 = tpu.vector_load %arg9[%parallel_loop3A_149, %parallel_loop3A_150] {strides = array<i32>} : memref<1664x16xf32, #tpu.memory_space<vmem>>, vector<1x16xf32>,
      %parallel_loop3A_152 = vector.shape_cast %parallel_loop3A_151 : vector<1x16xf32> to vector<16xf32>
      %parallel_loop3A_153 = arith.addf %parallel_loop3A_123, %parallel_loop3A_152 : vector<16xf32>
      %parallel_loop3A_154 = arith.constant 6 : i32
      %parallel_loop3A_155 = arith.addi %parallel_loop3A_111, %parallel_loop3A_154 : i32
      %parallel_loop3A_156 = arith.index_cast %parallel_loop3A_155 : i32 to index
      %parallel_loop3A_157 = arith.constant 0 : index
      %parallel_loop3A_158 = tpu.vector_load %arg9[%parallel_loop3A_156, %parallel_loop3A_157] {strides = array<i32>} : memref<1664x16xf32, #tpu.memory_space<vmem>>, vector<1x16xf32>,
      %parallel_loop3A_159 = vector.shape_cast %parallel_loop3A_158 : vector<1x16xf32> to vector<16xf32>
      %parallel_loop3A_160 = arith.addf %parallel_loop3A_129, %parallel_loop3A_159 : vector<16xf32>
      %parallel_loop3A_161 = arith.constant 7 : i32
      %parallel_loop3A_162 = arith.addi %parallel_loop3A_111, %parallel_loop3A_161 : i32
      %parallel_loop3A_163 = arith.index_cast %parallel_loop3A_162 : i32 to index
      %parallel_loop3A_164 = arith.constant 0 : index
      %parallel_loop3A_165 = tpu.vector_load %arg9[%parallel_loop3A_163, %parallel_loop3A_164] {strides = array<i32>} : memref<1664x16xf32, #tpu.memory_space<vmem>>, vector<1x16xf32>,
      %parallel_loop3A_166 = vector.shape_cast %parallel_loop3A_165 : vector<1x16xf32> to vector<16xf32>
      %parallel_loop3A_167 = arith.addf %parallel_loop3A_135, %parallel_loop3A_166 : vector<16xf32>
      %parallel_loop3A_168 = arith.constant 8 : i32
      %parallel_loop3A_169 = arith.addi %parallel_loop3A_111, %parallel_loop3A_168 : i32
      %parallel_loop3A_170 = arith.index_cast %parallel_loop3A_169 : i32 to index
      %parallel_loop3A_171 = arith.constant 0 : index
      %parallel_loop3A_172 = tpu.vector_load %arg9[%parallel_loop3A_170, %parallel_loop3A_171] {strides = array<i32>} : memref<1664x16xf32, #tpu.memory_space<vmem>>, vector<1x16xf32>,
      %parallel_loop3A_173 = vector.shape_cast %parallel_loop3A_172 : vector<1x16xf32> to vector<16xf32>
      %parallel_loop3A_174 = arith.addf %parallel_loop3A_146, %parallel_loop3A_173 : vector<16xf32>
      %parallel_loop3A_175 = arith.constant 9 : i32
      %parallel_loop3A_176 = arith.addi %parallel_loop3A_111, %parallel_loop3A_175 : i32
      %parallel_loop3A_177 = arith.index_cast %parallel_loop3A_176 : i32 to index
      %parallel_loop3A_178 = arith.constant 0 : index
      %parallel_loop3A_179 = tpu.vector_load %arg9[%parallel_loop3A_177, %parallel_loop3A_178] {strides = array<i32>} : memref<1664x16xf32, #tpu.memory_space<vmem>>, vector<1x16xf32>,
      %parallel_loop3A_180 = vector.shape_cast %parallel_loop3A_179 : vector<1x16xf32> to vector<16xf32>
      %parallel_loop3A_181 = arith.addf %parallel_loop3A_153, %parallel_loop3A_180 : vector<16xf32>
      %parallel_loop3A_182 = arith.constant 10 : i32
      %parallel_loop3A_183 = arith.addi %parallel_loop3A_111, %parallel_loop3A_182 : i32
      %parallel_loop3A_184 = arith.index_cast %parallel_loop3A_183 : i32 to index
      %parallel_loop3A_185 = arith.constant 0 : index
      %parallel_loop3A_186 = tpu.vector_load %arg9[%parallel_loop3A_184, %parallel_loop3A_185] {strides = array<i32>} : memref<1664x16xf32, #tpu.memory_space<vmem>>, vector<1x16xf32>,
      %parallel_loop3A_187 = vector.shape_cast %parallel_loop3A_186 : vector<1x16xf32> to vector<16xf32>
      %parallel_loop3A_188 = arith.addf %parallel_loop3A_160, %parallel_loop3A_187 : vector<16xf32>
      %parallel_loop3A_189 = arith.constant 11 : i32
      %parallel_loop3A_190 = arith.addi %parallel_loop3A_111, %parallel_loop3A_189 : i32
      %parallel_loop3A_191 = arith.index_cast %parallel_loop3A_190 : i32 to index
      %parallel_loop3A_192 = arith.constant 0 : index
      %parallel_loop3A_193 = tpu.vector_load %arg9[%parallel_loop3A_191, %parallel_loop3A_192] {strides = array<i32>} : memref<1664x16xf32, #tpu.memory_space<vmem>>, vector<1x16xf32>,
      %parallel_loop3A_194 = vector.shape_cast %parallel_loop3A_193 : vector<1x16xf32> to vector<16xf32>
      %parallel_loop3A_195 = arith.addf %parallel_loop3A_167, %parallel_loop3A_194 : vector<16xf32>
      %parallel_loop3A_196 = arith.constant 12 : i32
      %parallel_loop3A_197 = arith.addi %parallel_loop3A_111, %parallel_loop3A_196 : i32
      %parallel_loop3A_198 = arith.index_cast %parallel_loop3A_197 : i32 to index
      %parallel_loop3A_199 = arith.constant 0 : index
      %parallel_loop3A_200 = tpu.vector_load %arg9[%parallel_loop3A_198, %parallel_loop3A_199] {strides = array<i32>} : memref<1664x16xf32, #tpu.memory_space<vmem>>, vector<1x16xf32>,
      %parallel_loop3A_201 = vector.shape_cast %parallel_loop3A_200 : vector<1x16xf32> to vector<16xf32>
      %parallel_loop3A_202 = arith.addf %parallel_loop3A_174, %parallel_loop3A_201 : vector<16xf32>
      %parallel_loop3A_203 = arith.constant 13 : i32
      %parallel_loop3A_204 = arith.addi %parallel_loop3A_111, %parallel_loop3A_203 : i32
      %parallel_loop3A_205 = arith.index_cast %parallel_loop3A_204 : i32 to index
      %parallel_loop3A_206 = arith.constant 0 : index
      %parallel_loop3A_207 = tpu.vector_load %arg9[%parallel_loop3A_205, %parallel_loop3A_206] {strides = array<i32>} : memref<1664x16xf32, #tpu.memory_space<vmem>>, vector<1x16xf32>,
      %parallel_loop3A_208 = vector.shape_cast %parallel_loop3A_207 : vector<1x16xf32> to vector<16xf32>
      %parallel_loop3A_209 = arith.addf %parallel_loop3A_181, %parallel_loop3A_208 : vector<16xf32>
      %parallel_loop3A_210 = arith.constant 14 : i32
      %parallel_loop3A_211 = arith.addi %parallel_loop3A_111, %parallel_loop3A_210 : i32
      %parallel_loop3A_212 = arith.index_cast %parallel_loop3A_211 : i32 to index
      %parallel_loop3A_213 = arith.constant 0 : index
      %parallel_loop3A_214 = tpu.vector_load %arg9[%parallel_loop3A_212, %parallel_loop3A_213] {strides = array<i32>} : memref<1664x16xf32, #tpu.memory_space<vmem>>, vector<1x16xf32>,
      %parallel_loop3A_215 = vector.shape_cast %parallel_loop3A_214 : vector<1x16xf32> to vector<16xf32>
      %parallel_loop3A_216 = arith.addf %parallel_loop3A_188, %parallel_loop3A_215 : vector<16xf32>
      %parallel_loop3A_217 = arith.constant 15 : i32
      %parallel_loop3A_218 = arith.addi %parallel_loop3A_111, %parallel_loop3A_217 : i32
      %parallel_loop3A_219 = arith.index_cast %parallel_loop3A_218 : i32 to index
      %parallel_loop3A_220 = arith.constant 0 : index
      %parallel_loop3A_221 = tpu.vector_load %arg9[%parallel_loop3A_219, %parallel_loop3A_220] {strides = array<i32>} : memref<1664x16xf32, #tpu.memory_space<vmem>>, vector<1x16xf32>,
      %parallel_loop3A_222 = vector.shape_cast %parallel_loop3A_221 : vector<1x16xf32> to vector<16xf32>
      %parallel_loop3A_223 = arith.addf %parallel_loop3A_195, %parallel_loop3A_222 : vector<16xf32>
      %parallel_loop3A_224 = arith.constant 16 : i32
      %parallel_loop3A_225 = arith.addi %parallel_loop3A_111, %parallel_loop3A_224 : i32
      %parallel_loop3A_226 = arith.index_cast %parallel_loop3A_225 : i32 to index
      %parallel_loop3A_227 = arith.constant 0 : index
      %parallel_loop3A_228 = tpu.vector_load %arg9[%parallel_loop3A_226, %parallel_loop3A_227] {strides = array<i32>} : memref<1664x16xf32, #tpu.memory_space<vmem>>, vector<1x16xf32>,
      %parallel_loop3A_229 = vector.shape_cast %parallel_loop3A_228 : vector<1x16xf32> to vector<16xf32>
      %parallel_loop3A_230 = arith.addf %parallel_loop3A_202, %parallel_loop3A_229 : vector<16xf32>
      %parallel_loop3A_231 = arith.constant 17 : i32
      %parallel_loop3A_232 = arith.addi %parallel_loop3A_111, %parallel_loop3A_231 : i32
      %parallel_loop3A_233 = arith.index_cast %parallel_loop3A_232 : i32 to index
      %parallel_loop3A_234 = arith.constant 0 : index
      %parallel_loop3A_235 = tpu.vector_load %arg9[%parallel_loop3A_233, %parallel_loop3A_234] {strides = array<i32>} : memref<1664x16xf32, #tpu.memory_space<vmem>>, vector<1x16xf32>,
      %parallel_loop3A_236 = vector.shape_cast %parallel_loop3A_235 : vector<1x16xf32> to vector<16xf32>
      %parallel_loop3A_237 = arith.addf %parallel_loop3A_209, %parallel_loop3A_236 : vector<16xf32>
      %parallel_loop3A_238 = arith.constant 18 : i32
      %parallel_loop3A_239 = arith.addi %parallel_loop3A_111, %parallel_loop3A_238 : i32
      %parallel_loop3A_240 = arith.index_cast %parallel_loop3A_239 : i32 to index
      %parallel_loop3A_241 = arith.constant 0 : index
      %parallel_loop3A_242 = tpu.vector_load %arg9[%parallel_loop3A_240, %parallel_loop3A_241] {strides = array<i32>} : memref<1664x16xf32, #tpu.memory_space<vmem>>, vector<1x16xf32>,
      %parallel_loop3A_243 = vector.shape_cast %parallel_loop3A_242 : vector<1x16xf32> to vector<16xf32>
      %parallel_loop3A_244 = arith.addf %parallel_loop3A_216, %parallel_loop3A_243 : vector<16xf32>
      %parallel_loop3A_245 = arith.constant 19 : i32
      %parallel_loop3A_246 = arith.addi %parallel_loop3A_111, %parallel_loop3A_245 : i32
      %parallel_loop3A_247 = arith.index_cast %parallel_loop3A_246 : i32 to index
      %parallel_loop3A_248 = arith.constant 0 : index
      %parallel_loop3A_249 = tpu.vector_load %arg9[%parallel_loop3A_247, %parallel_loop3A_248] {strides = array<i32>} : memref<1664x16xf32, #tpu.memory_space<vmem>>, vector<1x16xf32>,
      %parallel_loop3A_250 = vector.shape_cast %parallel_loop3A_249 : vector<1x16xf32> to vector<16xf32>
      %parallel_loop3A_251 = arith.addf %parallel_loop3A_223, %parallel_loop3A_250 : vector<16xf32>
      %parallel_loop3A_252 = arith.constant 20 : i32
      %parallel_loop3A_253 = arith.addi %parallel_loop3A_111, %parallel_loop3A_252 : i32
      %parallel_loop3A_254 = arith.index_cast %parallel_loop3A_253 : i32 to index
      %parallel_loop3A_255 = arith.constant 0 : index
      %parallel_loop3A_256 = tpu.vector_load %arg9[%parallel_loop3A_254, %parallel_loop3A_255] {strides = array<i32>} : memref<1664x16xf32, #tpu.memory_space<vmem>>, vector<1x16xf32>,
      %parallel_loop3A_257 = vector.shape_cast %parallel_loop3A_256 : vector<1x16xf32> to vector<16xf32>
      %parallel_loop3A_258 = arith.addf %parallel_loop3A_230, %parallel_loop3A_257 : vector<16xf32>
      %parallel_loop3A_259 = arith.constant 21 : i32
      %parallel_loop3A_260 = arith.addi %parallel_loop3A_111, %parallel_loop3A_259 : i32
      %parallel_loop3A_261 = arith.index_cast %parallel_loop3A_260 : i32 to index
      %parallel_loop3A_262 = arith.constant 0 : index
      %parallel_loop3A_263 = tpu.vector_load %arg9[%parallel_loop3A_261, %parallel_loop3A_262] {strides = array<i32>} : memref<1664x16xf32, #tpu.memory_space<vmem>>, vector<1x16xf32>,
      %parallel_loop3A_264 = vector.shape_cast %parallel_loop3A_263 : vector<1x16xf32> to vector<16xf32>
      %parallel_loop3A_265 = arith.addf %parallel_loop3A_237, %parallel_loop3A_264 : vector<16xf32>
      %parallel_loop3A_266 = arith.constant 22 : i32
      %parallel_loop3A_267 = arith.addi %parallel_loop3A_111, %parallel_loop3A_266 : i32
      %parallel_loop3A_268 = arith.index_cast %parallel_loop3A_267 : i32 to index
      %parallel_loop3A_269 = arith.constant 0 : index
      %parallel_loop3A_270 = tpu.vector_load %arg9[%parallel_loop3A_268, %parallel_loop3A_269] {strides = array<i32>} : memref<1664x16xf32, #tpu.memory_space<vmem>>, vector<1x16xf32>,
      %parallel_loop3A_271 = vector.shape_cast %parallel_loop3A_270 : vector<1x16xf32> to vector<16xf32>
      %parallel_loop3A_272 = arith.addf %parallel_loop3A_244, %parallel_loop3A_271 : vector<16xf32>
      %parallel_loop3A_273 = arith.constant 23 : i32
      %parallel_loop3A_274 = arith.addi %parallel_loop3A_111, %parallel_loop3A_273 : i32
      %parallel_loop3A_275 = arith.index_cast %parallel_loop3A_274 : i32 to index
      %parallel_loop3A_276 = arith.constant 0 : index
      %parallel_loop3A_277 = tpu.vector_load %arg9[%parallel_loop3A_275, %parallel_loop3A_276] {strides = array<i32>} : memref<1664x16xf32, #tpu.memory_space<vmem>>, vector<1x16xf32>,
      %parallel_loop3A_278 = vector.shape_cast %parallel_loop3A_277 : vector<1x16xf32> to vector<16xf32>
      %parallel_loop3A_279 = arith.addf %parallel_loop3A_251, %parallel_loop3A_278 : vector<16xf32>
      %parallel_loop3A_280 = arith.constant 24 : i32
      %parallel_loop3A_281 = arith.addi %parallel_loop3A_111, %parallel_loop3A_280 : i32
      %parallel_loop3A_282 = arith.index_cast %parallel_loop3A_281 : i32 to index
      %parallel_loop3A_283 = arith.constant 0 : index
      %parallel_loop3A_284 = tpu.vector_load %arg9[%parallel_loop3A_282, %parallel_loop3A_283] {strides = array<i32>} : memref<1664x16xf32, #tpu.memory_space<vmem>>, vector<1x16xf32>,
      %parallel_loop3A_285 = vector.shape_cast %parallel_loop3A_284 : vector<1x16xf32> to vector<16xf32>
      %parallel_loop3A_286 = arith.addf %parallel_loop3A_258, %parallel_loop3A_285 : vector<16xf32>
      %parallel_loop3A_287 = arith.constant 25 : i32
      %parallel_loop3A_288 = arith.addi %parallel_loop3A_111, %parallel_loop3A_287 : i32
      %parallel_loop3A_289 = arith.index_cast %parallel_loop3A_288 : i32 to index
      %parallel_loop3A_290 = arith.constant 0 : index
      %parallel_loop3A_291 = tpu.vector_load %arg9[%parallel_loop3A_289, %parallel_loop3A_290] {strides = array<i32>} : memref<1664x16xf32, #tpu.memory_space<vmem>>, vector<1x16xf32>,
      %parallel_loop3A_292 = vector.shape_cast %parallel_loop3A_291 : vector<1x16xf32> to vector<16xf32>
      %parallel_loop3A_293 = arith.addf %parallel_loop3A_265, %parallel_loop3A_292 : vector<16xf32>
      %parallel_loop3A_294 = arith.addf %parallel_loop3A_286, %parallel_loop3A_293 : vector<16xf32>
      %parallel_loop3A_295 = arith.addf %parallel_loop3A_272, %parallel_loop3A_279 : vector<16xf32>
      %parallel_loop3A_296 = arith.addf %parallel_loop3A_294, %parallel_loop3A_295 : vector<16xf32>
      %parallel_loop3A_297 = arith.constant 64 : i32
      %parallel_loop3A_298 = arith.addi %parallel_loop3A_297, %parallel_loop3A_109 : i32
      %parallel_loop3A_299 = arith.index_cast %parallel_loop3A_298 : i32 to index
      %parallel_loop3A_300 = arith.constant 0 : index
      %parallel_loop3A_301 = tpu.vector_load %arg10[%parallel_loop3A_299, %parallel_loop3A_300] {strides = array<i32>} : memref<512x16xf32, #tpu.memory_space<vmem>>, vector<1x16xf32>,
      %parallel_loop3A_302 = vector.shape_cast %parallel_loop3A_301 : vector<1x16xf32> to vector<16xf32>
      %parallel_loop3A_303 = vector.shape_cast %parallel_loop3A_296 : vector<16xf32> to vector<1x16xf32>
      tpu.vector_store %arg10[%parallel_loop3A_299, %parallel_loop3A_300], %parallel_loop3A_303 {strides = array<i32>} : memref<512x16xf32, #tpu.memory_space<vmem>>, vector<1x16xf32>,
    } {sc.loop_unroll_factor = 1 : i64, sc.parallel_access}
    %dma_start3A_34 = arith.constant 4992 : i32
    %dma_start3A_35 = tpu.memref_slice %arg7[%dma_start3A_34] : memref<13312xi32, #tpu.memory_space<vmem>> -> memref<1664xi32, #tpu.memory_space<vmem>>
    %dma_start3A_36 = arith.constant 0 : i32
    %dma_start3A_37 = arith.constant 0 : i32
    %dma_start3A_38 = tpu.memref_slice %arg3[%dma_start3A_36, %dma_start3A_37] : memref<2600000x16xf32, #tpu.memory_space<hbm>> -> memref<2600000x16xf32, #tpu.memory_space<hbm>>
    tpu.enqueue_indirect_dma source(%dma_start3A_38 : memref<2600000x16xf32, #tpu.memory_space<hbm>>) target(%arg9 : memref<1664x16xf32, #tpu.memory_space<vmem>>) offsets(%dma_start3A_35 : memref<1664xi32, #tpu.memory_space<vmem>>) semaphore(%arg14 : memref<!tpu.dma_semaphore, #tpu.memory_space<semaphore_mem>>)
    %dma_wait3A_39 = arith.constant 3328 : i32
    %dma_wait3A_40 = tpu.memref_slice %arg7[%dma_wait3A_39] : memref<13312xi32, #tpu.memory_space<vmem>> -> memref<1664xi32, #tpu.memory_space<vmem>>
    %dma_wait3A_41 = arith.constant 0 : i32
    %dma_wait3A_42 = arith.constant 0 : i32
    %dma_wait3A_43 = tpu.memref_slice %arg3[%dma_wait3A_41, %dma_wait3A_42] : memref<2600000x16xf32, #tpu.memory_space<hbm>> -> memref<2600000x16xf32, #tpu.memory_space<hbm>>
    tpu.wait_indirect_dma semaphore(%arg13 : memref<!tpu.dma_semaphore, #tpu.memory_space<semaphore_mem>>) src(%dma_wait3A_43 : memref<2600000x16xf32, #tpu.memory_space<hbm>>) dst(%arg8 : memref<1664x16xf32, #tpu.memory_space<vmem>>)
    %parallel_loop3A_44 = arith.constant 0 : i32
    %parallel_loop3A_45 = arith.constant 64 : i32
    %parallel_loop3A_46 = arith.constant 1 : i32
    scf.for %parallel_loop3A_109 = %parallel_loop3A_44 to %parallel_loop3A_45 step %parallel_loop3A_46  : i32 {
      %parallel_loop3A_110 = arith.constant 26 : i32
      %parallel_loop3A_111 = arith.muli %parallel_loop3A_109, %parallel_loop3A_110 : i32
      %parallel_loop3A_112 = arith.constant 0 : i32
      %parallel_loop3A_113 = arith.addi %parallel_loop3A_111, %parallel_loop3A_112 : i32
      %parallel_loop3A_114 = arith.index_cast %parallel_loop3A_113 : i32 to index
      %parallel_loop3A_115 = arith.constant 0 : index
      %parallel_loop3A_116 = tpu.vector_load %arg8[%parallel_loop3A_114, %parallel_loop3A_115] {strides = array<i32>} : memref<1664x16xf32, #tpu.memory_space<vmem>>, vector<1x16xf32>,
      %parallel_loop3A_117 = vector.shape_cast %parallel_loop3A_116 : vector<1x16xf32> to vector<16xf32>
      %parallel_loop3A_118 = arith.constant 1 : i32
      %parallel_loop3A_119 = arith.addi %parallel_loop3A_111, %parallel_loop3A_118 : i32
      %parallel_loop3A_120 = arith.index_cast %parallel_loop3A_119 : i32 to index
      %parallel_loop3A_121 = arith.constant 0 : index
      %parallel_loop3A_122 = tpu.vector_load %arg8[%parallel_loop3A_120, %parallel_loop3A_121] {strides = array<i32>} : memref<1664x16xf32, #tpu.memory_space<vmem>>, vector<1x16xf32>,
      %parallel_loop3A_123 = vector.shape_cast %parallel_loop3A_122 : vector<1x16xf32> to vector<16xf32>
      %parallel_loop3A_124 = arith.constant 2 : i32
      %parallel_loop3A_125 = arith.addi %parallel_loop3A_111, %parallel_loop3A_124 : i32
      %parallel_loop3A_126 = arith.index_cast %parallel_loop3A_125 : i32 to index
      %parallel_loop3A_127 = arith.constant 0 : index
      %parallel_loop3A_128 = tpu.vector_load %arg8[%parallel_loop3A_126, %parallel_loop3A_127] {strides = array<i32>} : memref<1664x16xf32, #tpu.memory_space<vmem>>, vector<1x16xf32>,
      %parallel_loop3A_129 = vector.shape_cast %parallel_loop3A_128 : vector<1x16xf32> to vector<16xf32>
      %parallel_loop3A_130 = arith.constant 3 : i32
      %parallel_loop3A_131 = arith.addi %parallel_loop3A_111, %parallel_loop3A_130 : i32
      %parallel_loop3A_132 = arith.index_cast %parallel_loop3A_131 : i32 to index
      %parallel_loop3A_133 = arith.constant 0 : index
      %parallel_loop3A_134 = tpu.vector_load %arg8[%parallel_loop3A_132, %parallel_loop3A_133] {strides = array<i32>} : memref<1664x16xf32, #tpu.memory_space<vmem>>, vector<1x16xf32>,
      %parallel_loop3A_135 = vector.shape_cast %parallel_loop3A_134 : vector<1x16xf32> to vector<16xf32>
      %parallel_loop3A_136 = arith.constant 0 : index
      %parallel_loop3A_137 = tpu.vector_load %arg11[%parallel_loop3A_136] {strides = array<i32>} : memref<16xf32, #tpu.memory_space<vmem>>, vector<16xf32>,
      %parallel_loop3A_138 = vector.shape_cast %parallel_loop3A_137 : vector<16xf32> to vector<16xf32>
      %parallel_loop3A_139 = arith.addf %parallel_loop3A_117, %parallel_loop3A_138 : vector<16xf32>
      %parallel_loop3A_140 = arith.constant 4 : i32
      %parallel_loop3A_141 = arith.addi %parallel_loop3A_111, %parallel_loop3A_140 : i32
      %parallel_loop3A_142 = arith.index_cast %parallel_loop3A_141 : i32 to index
      %parallel_loop3A_143 = arith.constant 0 : index
      %parallel_loop3A_144 = tpu.vector_load %arg8[%parallel_loop3A_142, %parallel_loop3A_143] {strides = array<i32>} : memref<1664x16xf32, #tpu.memory_space<vmem>>, vector<1x16xf32>,
      %parallel_loop3A_145 = vector.shape_cast %parallel_loop3A_144 : vector<1x16xf32> to vector<16xf32>
      %parallel_loop3A_146 = arith.addf %parallel_loop3A_139, %parallel_loop3A_145 : vector<16xf32>
      %parallel_loop3A_147 = arith.constant 5 : i32
      %parallel_loop3A_148 = arith.addi %parallel_loop3A_111, %parallel_loop3A_147 : i32
      %parallel_loop3A_149 = arith.index_cast %parallel_loop3A_148 : i32 to index
      %parallel_loop3A_150 = arith.constant 0 : index
      %parallel_loop3A_151 = tpu.vector_load %arg8[%parallel_loop3A_149, %parallel_loop3A_150] {strides = array<i32>} : memref<1664x16xf32, #tpu.memory_space<vmem>>, vector<1x16xf32>,
      %parallel_loop3A_152 = vector.shape_cast %parallel_loop3A_151 : vector<1x16xf32> to vector<16xf32>
      %parallel_loop3A_153 = arith.addf %parallel_loop3A_123, %parallel_loop3A_152 : vector<16xf32>
      %parallel_loop3A_154 = arith.constant 6 : i32
      %parallel_loop3A_155 = arith.addi %parallel_loop3A_111, %parallel_loop3A_154 : i32
      %parallel_loop3A_156 = arith.index_cast %parallel_loop3A_155 : i32 to index
      %parallel_loop3A_157 = arith.constant 0 : index
      %parallel_loop3A_158 = tpu.vector_load %arg8[%parallel_loop3A_156, %parallel_loop3A_157] {strides = array<i32>} : memref<1664x16xf32, #tpu.memory_space<vmem>>, vector<1x16xf32>,
      %parallel_loop3A_159 = vector.shape_cast %parallel_loop3A_158 : vector<1x16xf32> to vector<16xf32>
      %parallel_loop3A_160 = arith.addf %parallel_loop3A_129, %parallel_loop3A_159 : vector<16xf32>
      %parallel_loop3A_161 = arith.constant 7 : i32
      %parallel_loop3A_162 = arith.addi %parallel_loop3A_111, %parallel_loop3A_161 : i32
      %parallel_loop3A_163 = arith.index_cast %parallel_loop3A_162 : i32 to index
      %parallel_loop3A_164 = arith.constant 0 : index
      %parallel_loop3A_165 = tpu.vector_load %arg8[%parallel_loop3A_163, %parallel_loop3A_164] {strides = array<i32>} : memref<1664x16xf32, #tpu.memory_space<vmem>>, vector<1x16xf32>,
      %parallel_loop3A_166 = vector.shape_cast %parallel_loop3A_165 : vector<1x16xf32> to vector<16xf32>
      %parallel_loop3A_167 = arith.addf %parallel_loop3A_135, %parallel_loop3A_166 : vector<16xf32>
      %parallel_loop3A_168 = arith.constant 8 : i32
      %parallel_loop3A_169 = arith.addi %parallel_loop3A_111, %parallel_loop3A_168 : i32
      %parallel_loop3A_170 = arith.index_cast %parallel_loop3A_169 : i32 to index
      %parallel_loop3A_171 = arith.constant 0 : index
      %parallel_loop3A_172 = tpu.vector_load %arg8[%parallel_loop3A_170, %parallel_loop3A_171] {strides = array<i32>} : memref<1664x16xf32, #tpu.memory_space<vmem>>, vector<1x16xf32>,
      %parallel_loop3A_173 = vector.shape_cast %parallel_loop3A_172 : vector<1x16xf32> to vector<16xf32>
      %parallel_loop3A_174 = arith.addf %parallel_loop3A_146, %parallel_loop3A_173 : vector<16xf32>
      %parallel_loop3A_175 = arith.constant 9 : i32
      %parallel_loop3A_176 = arith.addi %parallel_loop3A_111, %parallel_loop3A_175 : i32
      %parallel_loop3A_177 = arith.index_cast %parallel_loop3A_176 : i32 to index
      %parallel_loop3A_178 = arith.constant 0 : index
      %parallel_loop3A_179 = tpu.vector_load %arg8[%parallel_loop3A_177, %parallel_loop3A_178] {strides = array<i32>} : memref<1664x16xf32, #tpu.memory_space<vmem>>, vector<1x16xf32>,
      %parallel_loop3A_180 = vector.shape_cast %parallel_loop3A_179 : vector<1x16xf32> to vector<16xf32>
      %parallel_loop3A_181 = arith.addf %parallel_loop3A_153, %parallel_loop3A_180 : vector<16xf32>
      %parallel_loop3A_182 = arith.constant 10 : i32
      %parallel_loop3A_183 = arith.addi %parallel_loop3A_111, %parallel_loop3A_182 : i32
      %parallel_loop3A_184 = arith.index_cast %parallel_loop3A_183 : i32 to index
      %parallel_loop3A_185 = arith.constant 0 : index
      %parallel_loop3A_186 = tpu.vector_load %arg8[%parallel_loop3A_184, %parallel_loop3A_185] {strides = array<i32>} : memref<1664x16xf32, #tpu.memory_space<vmem>>, vector<1x16xf32>,
      %parallel_loop3A_187 = vector.shape_cast %parallel_loop3A_186 : vector<1x16xf32> to vector<16xf32>
      %parallel_loop3A_188 = arith.addf %parallel_loop3A_160, %parallel_loop3A_187 : vector<16xf32>
      %parallel_loop3A_189 = arith.constant 11 : i32
      %parallel_loop3A_190 = arith.addi %parallel_loop3A_111, %parallel_loop3A_189 : i32
      %parallel_loop3A_191 = arith.index_cast %parallel_loop3A_190 : i32 to index
      %parallel_loop3A_192 = arith.constant 0 : index
      %parallel_loop3A_193 = tpu.vector_load %arg8[%parallel_loop3A_191, %parallel_loop3A_192] {strides = array<i32>} : memref<1664x16xf32, #tpu.memory_space<vmem>>, vector<1x16xf32>,
      %parallel_loop3A_194 = vector.shape_cast %parallel_loop3A_193 : vector<1x16xf32> to vector<16xf32>
      %parallel_loop3A_195 = arith.addf %parallel_loop3A_167, %parallel_loop3A_194 : vector<16xf32>
      %parallel_loop3A_196 = arith.constant 12 : i32
      %parallel_loop3A_197 = arith.addi %parallel_loop3A_111, %parallel_loop3A_196 : i32
      %parallel_loop3A_198 = arith.index_cast %parallel_loop3A_197 : i32 to index
      %parallel_loop3A_199 = arith.constant 0 : index
      %parallel_loop3A_200 = tpu.vector_load %arg8[%parallel_loop3A_198, %parallel_loop3A_199] {strides = array<i32>} : memref<1664x16xf32, #tpu.memory_space<vmem>>, vector<1x16xf32>,
      %parallel_loop3A_201 = vector.shape_cast %parallel_loop3A_200 : vector<1x16xf32> to vector<16xf32>
      %parallel_loop3A_202 = arith.addf %parallel_loop3A_174, %parallel_loop3A_201 : vector<16xf32>
      %parallel_loop3A_203 = arith.constant 13 : i32
      %parallel_loop3A_204 = arith.addi %parallel_loop3A_111, %parallel_loop3A_203 : i32
      %parallel_loop3A_205 = arith.index_cast %parallel_loop3A_204 : i32 to index
      %parallel_loop3A_206 = arith.constant 0 : index
      %parallel_loop3A_207 = tpu.vector_load %arg8[%parallel_loop3A_205, %parallel_loop3A_206] {strides = array<i32>} : memref<1664x16xf32, #tpu.memory_space<vmem>>, vector<1x16xf32>,
      %parallel_loop3A_208 = vector.shape_cast %parallel_loop3A_207 : vector<1x16xf32> to vector<16xf32>
      %parallel_loop3A_209 = arith.addf %parallel_loop3A_181, %parallel_loop3A_208 : vector<16xf32>
      %parallel_loop3A_210 = arith.constant 14 : i32
      %parallel_loop3A_211 = arith.addi %parallel_loop3A_111, %parallel_loop3A_210 : i32
      %parallel_loop3A_212 = arith.index_cast %parallel_loop3A_211 : i32 to index
      %parallel_loop3A_213 = arith.constant 0 : index
      %parallel_loop3A_214 = tpu.vector_load %arg8[%parallel_loop3A_212, %parallel_loop3A_213] {strides = array<i32>} : memref<1664x16xf32, #tpu.memory_space<vmem>>, vector<1x16xf32>,
      %parallel_loop3A_215 = vector.shape_cast %parallel_loop3A_214 : vector<1x16xf32> to vector<16xf32>
      %parallel_loop3A_216 = arith.addf %parallel_loop3A_188, %parallel_loop3A_215 : vector<16xf32>
      %parallel_loop3A_217 = arith.constant 15 : i32
      %parallel_loop3A_218 = arith.addi %parallel_loop3A_111, %parallel_loop3A_217 : i32
      %parallel_loop3A_219 = arith.index_cast %parallel_loop3A_218 : i32 to index
      %parallel_loop3A_220 = arith.constant 0 : index
      %parallel_loop3A_221 = tpu.vector_load %arg8[%parallel_loop3A_219, %parallel_loop3A_220] {strides = array<i32>} : memref<1664x16xf32, #tpu.memory_space<vmem>>, vector<1x16xf32>,
      %parallel_loop3A_222 = vector.shape_cast %parallel_loop3A_221 : vector<1x16xf32> to vector<16xf32>
      %parallel_loop3A_223 = arith.addf %parallel_loop3A_195, %parallel_loop3A_222 : vector<16xf32>
      %parallel_loop3A_224 = arith.constant 16 : i32
      %parallel_loop3A_225 = arith.addi %parallel_loop3A_111, %parallel_loop3A_224 : i32
      %parallel_loop3A_226 = arith.index_cast %parallel_loop3A_225 : i32 to index
      %parallel_loop3A_227 = arith.constant 0 : index
      %parallel_loop3A_228 = tpu.vector_load %arg8[%parallel_loop3A_226, %parallel_loop3A_227] {strides = array<i32>} : memref<1664x16xf32, #tpu.memory_space<vmem>>, vector<1x16xf32>,
      %parallel_loop3A_229 = vector.shape_cast %parallel_loop3A_228 : vector<1x16xf32> to vector<16xf32>
      %parallel_loop3A_230 = arith.addf %parallel_loop3A_202, %parallel_loop3A_229 : vector<16xf32>
      %parallel_loop3A_231 = arith.constant 17 : i32
      %parallel_loop3A_232 = arith.addi %parallel_loop3A_111, %parallel_loop3A_231 : i32
      %parallel_loop3A_233 = arith.index_cast %parallel_loop3A_232 : i32 to index
      %parallel_loop3A_234 = arith.constant 0 : index
      %parallel_loop3A_235 = tpu.vector_load %arg8[%parallel_loop3A_233, %parallel_loop3A_234] {strides = array<i32>} : memref<1664x16xf32, #tpu.memory_space<vmem>>, vector<1x16xf32>,
      %parallel_loop3A_236 = vector.shape_cast %parallel_loop3A_235 : vector<1x16xf32> to vector<16xf32>
      %parallel_loop3A_237 = arith.addf %parallel_loop3A_209, %parallel_loop3A_236 : vector<16xf32>
      %parallel_loop3A_238 = arith.constant 18 : i32
      %parallel_loop3A_239 = arith.addi %parallel_loop3A_111, %parallel_loop3A_238 : i32
      %parallel_loop3A_240 = arith.index_cast %parallel_loop3A_239 : i32 to index
      %parallel_loop3A_241 = arith.constant 0 : index
      %parallel_loop3A_242 = tpu.vector_load %arg8[%parallel_loop3A_240, %parallel_loop3A_241] {strides = array<i32>} : memref<1664x16xf32, #tpu.memory_space<vmem>>, vector<1x16xf32>,
      %parallel_loop3A_243 = vector.shape_cast %parallel_loop3A_242 : vector<1x16xf32> to vector<16xf32>
      %parallel_loop3A_244 = arith.addf %parallel_loop3A_216, %parallel_loop3A_243 : vector<16xf32>
      %parallel_loop3A_245 = arith.constant 19 : i32
      %parallel_loop3A_246 = arith.addi %parallel_loop3A_111, %parallel_loop3A_245 : i32
      %parallel_loop3A_247 = arith.index_cast %parallel_loop3A_246 : i32 to index
      %parallel_loop3A_248 = arith.constant 0 : index
      %parallel_loop3A_249 = tpu.vector_load %arg8[%parallel_loop3A_247, %parallel_loop3A_248] {strides = array<i32>} : memref<1664x16xf32, #tpu.memory_space<vmem>>, vector<1x16xf32>,
      %parallel_loop3A_250 = vector.shape_cast %parallel_loop3A_249 : vector<1x16xf32> to vector<16xf32>
      %parallel_loop3A_251 = arith.addf %parallel_loop3A_223, %parallel_loop3A_250 : vector<16xf32>
      %parallel_loop3A_252 = arith.constant 20 : i32
      %parallel_loop3A_253 = arith.addi %parallel_loop3A_111, %parallel_loop3A_252 : i32
      %parallel_loop3A_254 = arith.index_cast %parallel_loop3A_253 : i32 to index
      %parallel_loop3A_255 = arith.constant 0 : index
      %parallel_loop3A_256 = tpu.vector_load %arg8[%parallel_loop3A_254, %parallel_loop3A_255] {strides = array<i32>} : memref<1664x16xf32, #tpu.memory_space<vmem>>, vector<1x16xf32>,
      %parallel_loop3A_257 = vector.shape_cast %parallel_loop3A_256 : vector<1x16xf32> to vector<16xf32>
      %parallel_loop3A_258 = arith.addf %parallel_loop3A_230, %parallel_loop3A_257 : vector<16xf32>
      %parallel_loop3A_259 = arith.constant 21 : i32
      %parallel_loop3A_260 = arith.addi %parallel_loop3A_111, %parallel_loop3A_259 : i32
      %parallel_loop3A_261 = arith.index_cast %parallel_loop3A_260 : i32 to index
      %parallel_loop3A_262 = arith.constant 0 : index
      %parallel_loop3A_263 = tpu.vector_load %arg8[%parallel_loop3A_261, %parallel_loop3A_262] {strides = array<i32>} : memref<1664x16xf32, #tpu.memory_space<vmem>>, vector<1x16xf32>,
      %parallel_loop3A_264 = vector.shape_cast %parallel_loop3A_263 : vector<1x16xf32> to vector<16xf32>
      %parallel_loop3A_265 = arith.addf %parallel_loop3A_237, %parallel_loop3A_264 : vector<16xf32>
      %parallel_loop3A_266 = arith.constant 22 : i32
      %parallel_loop3A_267 = arith.addi %parallel_loop3A_111, %parallel_loop3A_266 : i32
      %parallel_loop3A_268 = arith.index_cast %parallel_loop3A_267 : i32 to index
      %parallel_loop3A_269 = arith.constant 0 : index
      %parallel_loop3A_270 = tpu.vector_load %arg8[%parallel_loop3A_268, %parallel_loop3A_269] {strides = array<i32>} : memref<1664x16xf32, #tpu.memory_space<vmem>>, vector<1x16xf32>,
      %parallel_loop3A_271 = vector.shape_cast %parallel_loop3A_270 : vector<1x16xf32> to vector<16xf32>
      %parallel_loop3A_272 = arith.addf %parallel_loop3A_244, %parallel_loop3A_271 : vector<16xf32>
      %parallel_loop3A_273 = arith.constant 23 : i32
      %parallel_loop3A_274 = arith.addi %parallel_loop3A_111, %parallel_loop3A_273 : i32
      %parallel_loop3A_275 = arith.index_cast %parallel_loop3A_274 : i32 to index
      %parallel_loop3A_276 = arith.constant 0 : index
      %parallel_loop3A_277 = tpu.vector_load %arg8[%parallel_loop3A_275, %parallel_loop3A_276] {strides = array<i32>} : memref<1664x16xf32, #tpu.memory_space<vmem>>, vector<1x16xf32>,
      %parallel_loop3A_278 = vector.shape_cast %parallel_loop3A_277 : vector<1x16xf32> to vector<16xf32>
      %parallel_loop3A_279 = arith.addf %parallel_loop3A_251, %parallel_loop3A_278 : vector<16xf32>
      %parallel_loop3A_280 = arith.constant 24 : i32
      %parallel_loop3A_281 = arith.addi %parallel_loop3A_111, %parallel_loop3A_280 : i32
      %parallel_loop3A_282 = arith.index_cast %parallel_loop3A_281 : i32 to index
      %parallel_loop3A_283 = arith.constant 0 : index
      %parallel_loop3A_284 = tpu.vector_load %arg8[%parallel_loop3A_282, %parallel_loop3A_283] {strides = array<i32>} : memref<1664x16xf32, #tpu.memory_space<vmem>>, vector<1x16xf32>,
      %parallel_loop3A_285 = vector.shape_cast %parallel_loop3A_284 : vector<1x16xf32> to vector<16xf32>
      %parallel_loop3A_286 = arith.addf %parallel_loop3A_258, %parallel_loop3A_285 : vector<16xf32>
      %parallel_loop3A_287 = arith.constant 25 : i32
      %parallel_loop3A_288 = arith.addi %parallel_loop3A_111, %parallel_loop3A_287 : i32
      %parallel_loop3A_289 = arith.index_cast %parallel_loop3A_288 : i32 to index
      %parallel_loop3A_290 = arith.constant 0 : index
      %parallel_loop3A_291 = tpu.vector_load %arg8[%parallel_loop3A_289, %parallel_loop3A_290] {strides = array<i32>} : memref<1664x16xf32, #tpu.memory_space<vmem>>, vector<1x16xf32>,
      %parallel_loop3A_292 = vector.shape_cast %parallel_loop3A_291 : vector<1x16xf32> to vector<16xf32>
      %parallel_loop3A_293 = arith.addf %parallel_loop3A_265, %parallel_loop3A_292 : vector<16xf32>
      %parallel_loop3A_294 = arith.addf %parallel_loop3A_286, %parallel_loop3A_293 : vector<16xf32>
      %parallel_loop3A_295 = arith.addf %parallel_loop3A_272, %parallel_loop3A_279 : vector<16xf32>
      %parallel_loop3A_296 = arith.addf %parallel_loop3A_294, %parallel_loop3A_295 : vector<16xf32>
      %parallel_loop3A_297 = arith.constant 128 : i32
      %parallel_loop3A_298 = arith.addi %parallel_loop3A_297, %parallel_loop3A_109 : i32
      %parallel_loop3A_299 = arith.index_cast %parallel_loop3A_298 : i32 to index
      %parallel_loop3A_300 = arith.constant 0 : index
      %parallel_loop3A_301 = tpu.vector_load %arg10[%parallel_loop3A_299, %parallel_loop3A_300] {strides = array<i32>} : memref<512x16xf32, #tpu.memory_space<vmem>>, vector<1x16xf32>,
      %parallel_loop3A_302 = vector.shape_cast %parallel_loop3A_301 : vector<1x16xf32> to vector<16xf32>
      %parallel_loop3A_303 = vector.shape_cast %parallel_loop3A_296 : vector<16xf32> to vector<1x16xf32>
      tpu.vector_store %arg10[%parallel_loop3A_299, %parallel_loop3A_300], %parallel_loop3A_303 {strides = array<i32>} : memref<512x16xf32, #tpu.memory_space<vmem>>, vector<1x16xf32>,
    } {sc.loop_unroll_factor = 1 : i64, sc.parallel_access}
    %dma_start3A_47 = arith.constant 6656 : i32
    %dma_start3A_48 = tpu.memref_slice %arg7[%dma_start3A_47] : memref<13312xi32, #tpu.memory_space<vmem>> -> memref<1664xi32, #tpu.memory_space<vmem>>
    %dma_start3A_49 = arith.constant 0 : i32
    %dma_start3A_50 = arith.constant 0 : i32
    %dma_start3A_51 = tpu.memref_slice %arg3[%dma_start3A_49, %dma_start3A_50] : memref<2600000x16xf32, #tpu.memory_space<hbm>> -> memref<2600000x16xf32, #tpu.memory_space<hbm>>
    tpu.enqueue_indirect_dma source(%dma_start3A_51 : memref<2600000x16xf32, #tpu.memory_space<hbm>>) target(%arg8 : memref<1664x16xf32, #tpu.memory_space<vmem>>) offsets(%dma_start3A_48 : memref<1664xi32, #tpu.memory_space<vmem>>) semaphore(%arg13 : memref<!tpu.dma_semaphore, #tpu.memory_space<semaphore_mem>>)
    %dma_wait3A_52 = arith.constant 4992 : i32
    %dma_wait3A_53 = tpu.memref_slice %arg7[%dma_wait3A_52] : memref<13312xi32, #tpu.memory_space<vmem>> -> memref<1664xi32, #tpu.memory_space<vmem>>
    %dma_wait3A_54 = arith.constant 0 : i32
    %dma_wait3A_55 = arith.constant 0 : i32
    %dma_wait3A_56 = tpu.memref_slice %arg3[%dma_wait3A_54, %dma_wait3A_55] : memref<2600000x16xf32, #tpu.memory_space<hbm>> -> memref<2600000x16xf32, #tpu.memory_space<hbm>>
    tpu.wait_indirect_dma semaphore(%arg14 : memref<!tpu.dma_semaphore, #tpu.memory_space<semaphore_mem>>) src(%dma_wait3A_56 : memref<2600000x16xf32, #tpu.memory_space<hbm>>) dst(%arg9 : memref<1664x16xf32, #tpu.memory_space<vmem>>)
    %parallel_loop3A_57 = arith.constant 0 : i32
    %parallel_loop3A_58 = arith.constant 64 : i32
    %parallel_loop3A_59 = arith.constant 1 : i32
    scf.for %parallel_loop3A_109 = %parallel_loop3A_57 to %parallel_loop3A_58 step %parallel_loop3A_59  : i32 {
      %parallel_loop3A_110 = arith.constant 26 : i32
      %parallel_loop3A_111 = arith.muli %parallel_loop3A_109, %parallel_loop3A_110 : i32
      %parallel_loop3A_112 = arith.constant 0 : i32
      %parallel_loop3A_113 = arith.addi %parallel_loop3A_111, %parallel_loop3A_112 : i32
      %parallel_loop3A_114 = arith.index_cast %parallel_loop3A_113 : i32 to index
      %parallel_loop3A_115 = arith.constant 0 : index
      %parallel_loop3A_116 = tpu.vector_load %arg9[%parallel_loop3A_114, %parallel_loop3A_115] {strides = array<i32>} : memref<1664x16xf32, #tpu.memory_space<vmem>>, vector<1x16xf32>,
      %parallel_loop3A_117 = vector.shape_cast %parallel_loop3A_116 : vector<1x16xf32> to vector<16xf32>
      %parallel_loop3A_118 = arith.constant 1 : i32
      %parallel_loop3A_119 = arith.addi %parallel_loop3A_111, %parallel_loop3A_118 : i32
      %parallel_loop3A_120 = arith.index_cast %parallel_loop3A_119 : i32 to index
      %parallel_loop3A_121 = arith.constant 0 : index
      %parallel_loop3A_122 = tpu.vector_load %arg9[%parallel_loop3A_120, %parallel_loop3A_121] {strides = array<i32>} : memref<1664x16xf32, #tpu.memory_space<vmem>>, vector<1x16xf32>,
      %parallel_loop3A_123 = vector.shape_cast %parallel_loop3A_122 : vector<1x16xf32> to vector<16xf32>
      %parallel_loop3A_124 = arith.constant 2 : i32
      %parallel_loop3A_125 = arith.addi %parallel_loop3A_111, %parallel_loop3A_124 : i32
      %parallel_loop3A_126 = arith.index_cast %parallel_loop3A_125 : i32 to index
      %parallel_loop3A_127 = arith.constant 0 : index
      %parallel_loop3A_128 = tpu.vector_load %arg9[%parallel_loop3A_126, %parallel_loop3A_127] {strides = array<i32>} : memref<1664x16xf32, #tpu.memory_space<vmem>>, vector<1x16xf32>,
      %parallel_loop3A_129 = vector.shape_cast %parallel_loop3A_128 : vector<1x16xf32> to vector<16xf32>
      %parallel_loop3A_130 = arith.constant 3 : i32
      %parallel_loop3A_131 = arith.addi %parallel_loop3A_111, %parallel_loop3A_130 : i32
      %parallel_loop3A_132 = arith.index_cast %parallel_loop3A_131 : i32 to index
      %parallel_loop3A_133 = arith.constant 0 : index
      %parallel_loop3A_134 = tpu.vector_load %arg9[%parallel_loop3A_132, %parallel_loop3A_133] {strides = array<i32>} : memref<1664x16xf32, #tpu.memory_space<vmem>>, vector<1x16xf32>,
      %parallel_loop3A_135 = vector.shape_cast %parallel_loop3A_134 : vector<1x16xf32> to vector<16xf32>
      %parallel_loop3A_136 = arith.constant 0 : index
      %parallel_loop3A_137 = tpu.vector_load %arg11[%parallel_loop3A_136] {strides = array<i32>} : memref<16xf32, #tpu.memory_space<vmem>>, vector<16xf32>,
      %parallel_loop3A_138 = vector.shape_cast %parallel_loop3A_137 : vector<16xf32> to vector<16xf32>
      %parallel_loop3A_139 = arith.addf %parallel_loop3A_117, %parallel_loop3A_138 : vector<16xf32>
      %parallel_loop3A_140 = arith.constant 4 : i32
      %parallel_loop3A_141 = arith.addi %parallel_loop3A_111, %parallel_loop3A_140 : i32
      %parallel_loop3A_142 = arith.index_cast %parallel_loop3A_141 : i32 to index
      %parallel_loop3A_143 = arith.constant 0 : index
      %parallel_loop3A_144 = tpu.vector_load %arg9[%parallel_loop3A_142, %parallel_loop3A_143] {strides = array<i32>} : memref<1664x16xf32, #tpu.memory_space<vmem>>, vector<1x16xf32>,
      %parallel_loop3A_145 = vector.shape_cast %parallel_loop3A_144 : vector<1x16xf32> to vector<16xf32>
      %parallel_loop3A_146 = arith.addf %parallel_loop3A_139, %parallel_loop3A_145 : vector<16xf32>
      %parallel_loop3A_147 = arith.constant 5 : i32
      %parallel_loop3A_148 = arith.addi %parallel_loop3A_111, %parallel_loop3A_147 : i32
      %parallel_loop3A_149 = arith.index_cast %parallel_loop3A_148 : i32 to index
      %parallel_loop3A_150 = arith.constant 0 : index
      %parallel_loop3A_151 = tpu.vector_load %arg9[%parallel_loop3A_149, %parallel_loop3A_150] {strides = array<i32>} : memref<1664x16xf32, #tpu.memory_space<vmem>>, vector<1x16xf32>,
      %parallel_loop3A_152 = vector.shape_cast %parallel_loop3A_151 : vector<1x16xf32> to vector<16xf32>
      %parallel_loop3A_153 = arith.addf %parallel_loop3A_123, %parallel_loop3A_152 : vector<16xf32>
      %parallel_loop3A_154 = arith.constant 6 : i32
      %parallel_loop3A_155 = arith.addi %parallel_loop3A_111, %parallel_loop3A_154 : i32
      %parallel_loop3A_156 = arith.index_cast %parallel_loop3A_155 : i32 to index
      %parallel_loop3A_157 = arith.constant 0 : index
      %parallel_loop3A_158 = tpu.vector_load %arg9[%parallel_loop3A_156, %parallel_loop3A_157] {strides = array<i32>} : memref<1664x16xf32, #tpu.memory_space<vmem>>, vector<1x16xf32>,
      %parallel_loop3A_159 = vector.shape_cast %parallel_loop3A_158 : vector<1x16xf32> to vector<16xf32>
      %parallel_loop3A_160 = arith.addf %parallel_loop3A_129, %parallel_loop3A_159 : vector<16xf32>
      %parallel_loop3A_161 = arith.constant 7 : i32
      %parallel_loop3A_162 = arith.addi %parallel_loop3A_111, %parallel_loop3A_161 : i32
      %parallel_loop3A_163 = arith.index_cast %parallel_loop3A_162 : i32 to index
      %parallel_loop3A_164 = arith.constant 0 : index
      %parallel_loop3A_165 = tpu.vector_load %arg9[%parallel_loop3A_163, %parallel_loop3A_164] {strides = array<i32>} : memref<1664x16xf32, #tpu.memory_space<vmem>>, vector<1x16xf32>,
      %parallel_loop3A_166 = vector.shape_cast %parallel_loop3A_165 : vector<1x16xf32> to vector<16xf32>
      %parallel_loop3A_167 = arith.addf %parallel_loop3A_135, %parallel_loop3A_166 : vector<16xf32>
      %parallel_loop3A_168 = arith.constant 8 : i32
      %parallel_loop3A_169 = arith.addi %parallel_loop3A_111, %parallel_loop3A_168 : i32
      %parallel_loop3A_170 = arith.index_cast %parallel_loop3A_169 : i32 to index
      %parallel_loop3A_171 = arith.constant 0 : index
      %parallel_loop3A_172 = tpu.vector_load %arg9[%parallel_loop3A_170, %parallel_loop3A_171] {strides = array<i32>} : memref<1664x16xf32, #tpu.memory_space<vmem>>, vector<1x16xf32>,
      %parallel_loop3A_173 = vector.shape_cast %parallel_loop3A_172 : vector<1x16xf32> to vector<16xf32>
      %parallel_loop3A_174 = arith.addf %parallel_loop3A_146, %parallel_loop3A_173 : vector<16xf32>
      %parallel_loop3A_175 = arith.constant 9 : i32
      %parallel_loop3A_176 = arith.addi %parallel_loop3A_111, %parallel_loop3A_175 : i32
      %parallel_loop3A_177 = arith.index_cast %parallel_loop3A_176 : i32 to index
      %parallel_loop3A_178 = arith.constant 0 : index
      %parallel_loop3A_179 = tpu.vector_load %arg9[%parallel_loop3A_177, %parallel_loop3A_178] {strides = array<i32>} : memref<1664x16xf32, #tpu.memory_space<vmem>>, vector<1x16xf32>,
      %parallel_loop3A_180 = vector.shape_cast %parallel_loop3A_179 : vector<1x16xf32> to vector<16xf32>
      %parallel_loop3A_181 = arith.addf %parallel_loop3A_153, %parallel_loop3A_180 : vector<16xf32>
      %parallel_loop3A_182 = arith.constant 10 : i32
      %parallel_loop3A_183 = arith.addi %parallel_loop3A_111, %parallel_loop3A_182 : i32
      %parallel_loop3A_184 = arith.index_cast %parallel_loop3A_183 : i32 to index
      %parallel_loop3A_185 = arith.constant 0 : index
      %parallel_loop3A_186 = tpu.vector_load %arg9[%parallel_loop3A_184, %parallel_loop3A_185] {strides = array<i32>} : memref<1664x16xf32, #tpu.memory_space<vmem>>, vector<1x16xf32>,
      %parallel_loop3A_187 = vector.shape_cast %parallel_loop3A_186 : vector<1x16xf32> to vector<16xf32>
      %parallel_loop3A_188 = arith.addf %parallel_loop3A_160, %parallel_loop3A_187 : vector<16xf32>
      %parallel_loop3A_189 = arith.constant 11 : i32
      %parallel_loop3A_190 = arith.addi %parallel_loop3A_111, %parallel_loop3A_189 : i32
      %parallel_loop3A_191 = arith.index_cast %parallel_loop3A_190 : i32 to index
      %parallel_loop3A_192 = arith.constant 0 : index
      %parallel_loop3A_193 = tpu.vector_load %arg9[%parallel_loop3A_191, %parallel_loop3A_192] {strides = array<i32>} : memref<1664x16xf32, #tpu.memory_space<vmem>>, vector<1x16xf32>,
      %parallel_loop3A_194 = vector.shape_cast %parallel_loop3A_193 : vector<1x16xf32> to vector<16xf32>
      %parallel_loop3A_195 = arith.addf %parallel_loop3A_167, %parallel_loop3A_194 : vector<16xf32>
      %parallel_loop3A_196 = arith.constant 12 : i32
      %parallel_loop3A_197 = arith.addi %parallel_loop3A_111, %parallel_loop3A_196 : i32
      %parallel_loop3A_198 = arith.index_cast %parallel_loop3A_197 : i32 to index
      %parallel_loop3A_199 = arith.constant 0 : index
      %parallel_loop3A_200 = tpu.vector_load %arg9[%parallel_loop3A_198, %parallel_loop3A_199] {strides = array<i32>} : memref<1664x16xf32, #tpu.memory_space<vmem>>, vector<1x16xf32>,
      %parallel_loop3A_201 = vector.shape_cast %parallel_loop3A_200 : vector<1x16xf32> to vector<16xf32>
      %parallel_loop3A_202 = arith.addf %parallel_loop3A_174, %parallel_loop3A_201 : vector<16xf32>
      %parallel_loop3A_203 = arith.constant 13 : i32
      %parallel_loop3A_204 = arith.addi %parallel_loop3A_111, %parallel_loop3A_203 : i32
      %parallel_loop3A_205 = arith.index_cast %parallel_loop3A_204 : i32 to index
      %parallel_loop3A_206 = arith.constant 0 : index
      %parallel_loop3A_207 = tpu.vector_load %arg9[%parallel_loop3A_205, %parallel_loop3A_206] {strides = array<i32>} : memref<1664x16xf32, #tpu.memory_space<vmem>>, vector<1x16xf32>,
      %parallel_loop3A_208 = vector.shape_cast %parallel_loop3A_207 : vector<1x16xf32> to vector<16xf32>
      %parallel_loop3A_209 = arith.addf %parallel_loop3A_181, %parallel_loop3A_208 : vector<16xf32>
      %parallel_loop3A_210 = arith.constant 14 : i32
      %parallel_loop3A_211 = arith.addi %parallel_loop3A_111, %parallel_loop3A_210 : i32
      %parallel_loop3A_212 = arith.index_cast %parallel_loop3A_211 : i32 to index
      %parallel_loop3A_213 = arith.constant 0 : index
      %parallel_loop3A_214 = tpu.vector_load %arg9[%parallel_loop3A_212, %parallel_loop3A_213] {strides = array<i32>} : memref<1664x16xf32, #tpu.memory_space<vmem>>, vector<1x16xf32>,
      %parallel_loop3A_215 = vector.shape_cast %parallel_loop3A_214 : vector<1x16xf32> to vector<16xf32>
      %parallel_loop3A_216 = arith.addf %parallel_loop3A_188, %parallel_loop3A_215 : vector<16xf32>
      %parallel_loop3A_217 = arith.constant 15 : i32
      %parallel_loop3A_218 = arith.addi %parallel_loop3A_111, %parallel_loop3A_217 : i32
      %parallel_loop3A_219 = arith.index_cast %parallel_loop3A_218 : i32 to index
      %parallel_loop3A_220 = arith.constant 0 : index
      %parallel_loop3A_221 = tpu.vector_load %arg9[%parallel_loop3A_219, %parallel_loop3A_220] {strides = array<i32>} : memref<1664x16xf32, #tpu.memory_space<vmem>>, vector<1x16xf32>,
      %parallel_loop3A_222 = vector.shape_cast %parallel_loop3A_221 : vector<1x16xf32> to vector<16xf32>
      %parallel_loop3A_223 = arith.addf %parallel_loop3A_195, %parallel_loop3A_222 : vector<16xf32>
      %parallel_loop3A_224 = arith.constant 16 : i32
      %parallel_loop3A_225 = arith.addi %parallel_loop3A_111, %parallel_loop3A_224 : i32
      %parallel_loop3A_226 = arith.index_cast %parallel_loop3A_225 : i32 to index
      %parallel_loop3A_227 = arith.constant 0 : index
      %parallel_loop3A_228 = tpu.vector_load %arg9[%parallel_loop3A_226, %parallel_loop3A_227] {strides = array<i32>} : memref<1664x16xf32, #tpu.memory_space<vmem>>, vector<1x16xf32>,
      %parallel_loop3A_229 = vector.shape_cast %parallel_loop3A_228 : vector<1x16xf32> to vector<16xf32>
      %parallel_loop3A_230 = arith.addf %parallel_loop3A_202, %parallel_loop3A_229 : vector<16xf32>
      %parallel_loop3A_231 = arith.constant 17 : i32
      %parallel_loop3A_232 = arith.addi %parallel_loop3A_111, %parallel_loop3A_231 : i32
      %parallel_loop3A_233 = arith.index_cast %parallel_loop3A_232 : i32 to index
      %parallel_loop3A_234 = arith.constant 0 : index
      %parallel_loop3A_235 = tpu.vector_load %arg9[%parallel_loop3A_233, %parallel_loop3A_234] {strides = array<i32>} : memref<1664x16xf32, #tpu.memory_space<vmem>>, vector<1x16xf32>,
      %parallel_loop3A_236 = vector.shape_cast %parallel_loop3A_235 : vector<1x16xf32> to vector<16xf32>
      %parallel_loop3A_237 = arith.addf %parallel_loop3A_209, %parallel_loop3A_236 : vector<16xf32>
      %parallel_loop3A_238 = arith.constant 18 : i32
      %parallel_loop3A_239 = arith.addi %parallel_loop3A_111, %parallel_loop3A_238 : i32
      %parallel_loop3A_240 = arith.index_cast %parallel_loop3A_239 : i32 to index
      %parallel_loop3A_241 = arith.constant 0 : index
      %parallel_loop3A_242 = tpu.vector_load %arg9[%parallel_loop3A_240, %parallel_loop3A_241] {strides = array<i32>} : memref<1664x16xf32, #tpu.memory_space<vmem>>, vector<1x16xf32>,
      %parallel_loop3A_243 = vector.shape_cast %parallel_loop3A_242 : vector<1x16xf32> to vector<16xf32>
      %parallel_loop3A_244 = arith.addf %parallel_loop3A_216, %parallel_loop3A_243 : vector<16xf32>
      %parallel_loop3A_245 = arith.constant 19 : i32
      %parallel_loop3A_246 = arith.addi %parallel_loop3A_111, %parallel_loop3A_245 : i32
      %parallel_loop3A_247 = arith.index_cast %parallel_loop3A_246 : i32 to index
      %parallel_loop3A_248 = arith.constant 0 : index
      %parallel_loop3A_249 = tpu.vector_load %arg9[%parallel_loop3A_247, %parallel_loop3A_248] {strides = array<i32>} : memref<1664x16xf32, #tpu.memory_space<vmem>>, vector<1x16xf32>,
      %parallel_loop3A_250 = vector.shape_cast %parallel_loop3A_249 : vector<1x16xf32> to vector<16xf32>
      %parallel_loop3A_251 = arith.addf %parallel_loop3A_223, %parallel_loop3A_250 : vector<16xf32>
      %parallel_loop3A_252 = arith.constant 20 : i32
      %parallel_loop3A_253 = arith.addi %parallel_loop3A_111, %parallel_loop3A_252 : i32
      %parallel_loop3A_254 = arith.index_cast %parallel_loop3A_253 : i32 to index
      %parallel_loop3A_255 = arith.constant 0 : index
      %parallel_loop3A_256 = tpu.vector_load %arg9[%parallel_loop3A_254, %parallel_loop3A_255] {strides = array<i32>} : memref<1664x16xf32, #tpu.memory_space<vmem>>, vector<1x16xf32>,
      %parallel_loop3A_257 = vector.shape_cast %parallel_loop3A_256 : vector<1x16xf32> to vector<16xf32>
      %parallel_loop3A_258 = arith.addf %parallel_loop3A_230, %parallel_loop3A_257 : vector<16xf32>
      %parallel_loop3A_259 = arith.constant 21 : i32
      %parallel_loop3A_260 = arith.addi %parallel_loop3A_111, %parallel_loop3A_259 : i32
      %parallel_loop3A_261 = arith.index_cast %parallel_loop3A_260 : i32 to index
      %parallel_loop3A_262 = arith.constant 0 : index
      %parallel_loop3A_263 = tpu.vector_load %arg9[%parallel_loop3A_261, %parallel_loop3A_262] {strides = array<i32>} : memref<1664x16xf32, #tpu.memory_space<vmem>>, vector<1x16xf32>,
      %parallel_loop3A_264 = vector.shape_cast %parallel_loop3A_263 : vector<1x16xf32> to vector<16xf32>
      %parallel_loop3A_265 = arith.addf %parallel_loop3A_237, %parallel_loop3A_264 : vector<16xf32>
      %parallel_loop3A_266 = arith.constant 22 : i32
      %parallel_loop3A_267 = arith.addi %parallel_loop3A_111, %parallel_loop3A_266 : i32
      %parallel_loop3A_268 = arith.index_cast %parallel_loop3A_267 : i32 to index
      %parallel_loop3A_269 = arith.constant 0 : index
      %parallel_loop3A_270 = tpu.vector_load %arg9[%parallel_loop3A_268, %parallel_loop3A_269] {strides = array<i32>} : memref<1664x16xf32, #tpu.memory_space<vmem>>, vector<1x16xf32>,
      %parallel_loop3A_271 = vector.shape_cast %parallel_loop3A_270 : vector<1x16xf32> to vector<16xf32>
      %parallel_loop3A_272 = arith.addf %parallel_loop3A_244, %parallel_loop3A_271 : vector<16xf32>
      %parallel_loop3A_273 = arith.constant 23 : i32
      %parallel_loop3A_274 = arith.addi %parallel_loop3A_111, %parallel_loop3A_273 : i32
      %parallel_loop3A_275 = arith.index_cast %parallel_loop3A_274 : i32 to index
      %parallel_loop3A_276 = arith.constant 0 : index
      %parallel_loop3A_277 = tpu.vector_load %arg9[%parallel_loop3A_275, %parallel_loop3A_276] {strides = array<i32>} : memref<1664x16xf32, #tpu.memory_space<vmem>>, vector<1x16xf32>,
      %parallel_loop3A_278 = vector.shape_cast %parallel_loop3A_277 : vector<1x16xf32> to vector<16xf32>
      %parallel_loop3A_279 = arith.addf %parallel_loop3A_251, %parallel_loop3A_278 : vector<16xf32>
      %parallel_loop3A_280 = arith.constant 24 : i32
      %parallel_loop3A_281 = arith.addi %parallel_loop3A_111, %parallel_loop3A_280 : i32
      %parallel_loop3A_282 = arith.index_cast %parallel_loop3A_281 : i32 to index
      %parallel_loop3A_283 = arith.constant 0 : index
      %parallel_loop3A_284 = tpu.vector_load %arg9[%parallel_loop3A_282, %parallel_loop3A_283] {strides = array<i32>} : memref<1664x16xf32, #tpu.memory_space<vmem>>, vector<1x16xf32>,
      %parallel_loop3A_285 = vector.shape_cast %parallel_loop3A_284 : vector<1x16xf32> to vector<16xf32>
      %parallel_loop3A_286 = arith.addf %parallel_loop3A_258, %parallel_loop3A_285 : vector<16xf32>
      %parallel_loop3A_287 = arith.constant 25 : i32
      %parallel_loop3A_288 = arith.addi %parallel_loop3A_111, %parallel_loop3A_287 : i32
      %parallel_loop3A_289 = arith.index_cast %parallel_loop3A_288 : i32 to index
      %parallel_loop3A_290 = arith.constant 0 : index
      %parallel_loop3A_291 = tpu.vector_load %arg9[%parallel_loop3A_289, %parallel_loop3A_290] {strides = array<i32>} : memref<1664x16xf32, #tpu.memory_space<vmem>>, vector<1x16xf32>,
      %parallel_loop3A_292 = vector.shape_cast %parallel_loop3A_291 : vector<1x16xf32> to vector<16xf32>
      %parallel_loop3A_293 = arith.addf %parallel_loop3A_265, %parallel_loop3A_292 : vector<16xf32>
      %parallel_loop3A_294 = arith.addf %parallel_loop3A_286, %parallel_loop3A_293 : vector<16xf32>
      %parallel_loop3A_295 = arith.addf %parallel_loop3A_272, %parallel_loop3A_279 : vector<16xf32>
      %parallel_loop3A_296 = arith.addf %parallel_loop3A_294, %parallel_loop3A_295 : vector<16xf32>
      %parallel_loop3A_297 = arith.constant 192 : i32
      %parallel_loop3A_298 = arith.addi %parallel_loop3A_297, %parallel_loop3A_109 : i32
      %parallel_loop3A_299 = arith.index_cast %parallel_loop3A_298 : i32 to index
      %parallel_loop3A_300 = arith.constant 0 : index
      %parallel_loop3A_301 = tpu.vector_load %arg10[%parallel_loop3A_299, %parallel_loop3A_300] {strides = array<i32>} : memref<512x16xf32, #tpu.memory_space<vmem>>, vector<1x16xf32>,
      %parallel_loop3A_302 = vector.shape_cast %parallel_loop3A_301 : vector<1x16xf32> to vector<16xf32>
      %parallel_loop3A_303 = vector.shape_cast %parallel_loop3A_296 : vector<16xf32> to vector<1x16xf32>
      tpu.vector_store %arg10[%parallel_loop3A_299, %parallel_loop3A_300], %parallel_loop3A_303 {strides = array<i32>} : memref<512x16xf32, #tpu.memory_space<vmem>>, vector<1x16xf32>,
    } {sc.loop_unroll_factor = 1 : i64, sc.parallel_access}
    %dma_start3A_60 = arith.constant 8320 : i32
    %dma_start3A_61 = tpu.memref_slice %arg7[%dma_start3A_60] : memref<13312xi32, #tpu.memory_space<vmem>> -> memref<1664xi32, #tpu.memory_space<vmem>>
    %dma_start3A_62 = arith.constant 0 : i32
    %dma_start3A_63 = arith.constant 0 : i32
    %dma_start3A_64 = tpu.memref_slice %arg3[%dma_start3A_62, %dma_start3A_63] : memref<2600000x16xf32, #tpu.memory_space<hbm>> -> memref<2600000x16xf32, #tpu.memory_space<hbm>>
    tpu.enqueue_indirect_dma source(%dma_start3A_64 : memref<2600000x16xf32, #tpu.memory_space<hbm>>) target(%arg9 : memref<1664x16xf32, #tpu.memory_space<vmem>>) offsets(%dma_start3A_61 : memref<1664xi32, #tpu.memory_space<vmem>>) semaphore(%arg14 : memref<!tpu.dma_semaphore, #tpu.memory_space<semaphore_mem>>)
    %dma_wait3A_65 = arith.constant 6656 : i32
    %dma_wait3A_66 = tpu.memref_slice %arg7[%dma_wait3A_65] : memref<13312xi32, #tpu.memory_space<vmem>> -> memref<1664xi32, #tpu.memory_space<vmem>>
    %dma_wait3A_67 = arith.constant 0 : i32
    %dma_wait3A_68 = arith.constant 0 : i32
    %dma_wait3A_69 = tpu.memref_slice %arg3[%dma_wait3A_67, %dma_wait3A_68] : memref<2600000x16xf32, #tpu.memory_space<hbm>> -> memref<2600000x16xf32, #tpu.memory_space<hbm>>
    tpu.wait_indirect_dma semaphore(%arg13 : memref<!tpu.dma_semaphore, #tpu.memory_space<semaphore_mem>>) src(%dma_wait3A_69 : memref<2600000x16xf32, #tpu.memory_space<hbm>>) dst(%arg8 : memref<1664x16xf32, #tpu.memory_space<vmem>>)
    %parallel_loop3A_70 = arith.constant 0 : i32
    %parallel_loop3A_71 = arith.constant 64 : i32
    %parallel_loop3A_72 = arith.constant 1 : i32
    scf.for %parallel_loop3A_109 = %parallel_loop3A_70 to %parallel_loop3A_71 step %parallel_loop3A_72  : i32 {
      %parallel_loop3A_110 = arith.constant 26 : i32
      %parallel_loop3A_111 = arith.muli %parallel_loop3A_109, %parallel_loop3A_110 : i32
      %parallel_loop3A_112 = arith.constant 0 : i32
      %parallel_loop3A_113 = arith.addi %parallel_loop3A_111, %parallel_loop3A_112 : i32
      %parallel_loop3A_114 = arith.index_cast %parallel_loop3A_113 : i32 to index
      %parallel_loop3A_115 = arith.constant 0 : index
      %parallel_loop3A_116 = tpu.vector_load %arg8[%parallel_loop3A_114, %parallel_loop3A_115] {strides = array<i32>} : memref<1664x16xf32, #tpu.memory_space<vmem>>, vector<1x16xf32>,
      %parallel_loop3A_117 = vector.shape_cast %parallel_loop3A_116 : vector<1x16xf32> to vector<16xf32>
      %parallel_loop3A_118 = arith.constant 1 : i32
      %parallel_loop3A_119 = arith.addi %parallel_loop3A_111, %parallel_loop3A_118 : i32
      %parallel_loop3A_120 = arith.index_cast %parallel_loop3A_119 : i32 to index
      %parallel_loop3A_121 = arith.constant 0 : index
      %parallel_loop3A_122 = tpu.vector_load %arg8[%parallel_loop3A_120, %parallel_loop3A_121] {strides = array<i32>} : memref<1664x16xf32, #tpu.memory_space<vmem>>, vector<1x16xf32>,
      %parallel_loop3A_123 = vector.shape_cast %parallel_loop3A_122 : vector<1x16xf32> to vector<16xf32>
      %parallel_loop3A_124 = arith.constant 2 : i32
      %parallel_loop3A_125 = arith.addi %parallel_loop3A_111, %parallel_loop3A_124 : i32
      %parallel_loop3A_126 = arith.index_cast %parallel_loop3A_125 : i32 to index
      %parallel_loop3A_127 = arith.constant 0 : index
      %parallel_loop3A_128 = tpu.vector_load %arg8[%parallel_loop3A_126, %parallel_loop3A_127] {strides = array<i32>} : memref<1664x16xf32, #tpu.memory_space<vmem>>, vector<1x16xf32>,
      %parallel_loop3A_129 = vector.shape_cast %parallel_loop3A_128 : vector<1x16xf32> to vector<16xf32>
      %parallel_loop3A_130 = arith.constant 3 : i32
      %parallel_loop3A_131 = arith.addi %parallel_loop3A_111, %parallel_loop3A_130 : i32
      %parallel_loop3A_132 = arith.index_cast %parallel_loop3A_131 : i32 to index
      %parallel_loop3A_133 = arith.constant 0 : index
      %parallel_loop3A_134 = tpu.vector_load %arg8[%parallel_loop3A_132, %parallel_loop3A_133] {strides = array<i32>} : memref<1664x16xf32, #tpu.memory_space<vmem>>, vector<1x16xf32>,
      %parallel_loop3A_135 = vector.shape_cast %parallel_loop3A_134 : vector<1x16xf32> to vector<16xf32>
      %parallel_loop3A_136 = arith.constant 0 : index
      %parallel_loop3A_137 = tpu.vector_load %arg11[%parallel_loop3A_136] {strides = array<i32>} : memref<16xf32, #tpu.memory_space<vmem>>, vector<16xf32>,
      %parallel_loop3A_138 = vector.shape_cast %parallel_loop3A_137 : vector<16xf32> to vector<16xf32>
      %parallel_loop3A_139 = arith.addf %parallel_loop3A_117, %parallel_loop3A_138 : vector<16xf32>
      %parallel_loop3A_140 = arith.constant 4 : i32
      %parallel_loop3A_141 = arith.addi %parallel_loop3A_111, %parallel_loop3A_140 : i32
      %parallel_loop3A_142 = arith.index_cast %parallel_loop3A_141 : i32 to index
      %parallel_loop3A_143 = arith.constant 0 : index
      %parallel_loop3A_144 = tpu.vector_load %arg8[%parallel_loop3A_142, %parallel_loop3A_143] {strides = array<i32>} : memref<1664x16xf32, #tpu.memory_space<vmem>>, vector<1x16xf32>,
      %parallel_loop3A_145 = vector.shape_cast %parallel_loop3A_144 : vector<1x16xf32> to vector<16xf32>
      %parallel_loop3A_146 = arith.addf %parallel_loop3A_139, %parallel_loop3A_145 : vector<16xf32>
      %parallel_loop3A_147 = arith.constant 5 : i32
      %parallel_loop3A_148 = arith.addi %parallel_loop3A_111, %parallel_loop3A_147 : i32
      %parallel_loop3A_149 = arith.index_cast %parallel_loop3A_148 : i32 to index
      %parallel_loop3A_150 = arith.constant 0 : index
      %parallel_loop3A_151 = tpu.vector_load %arg8[%parallel_loop3A_149, %parallel_loop3A_150] {strides = array<i32>} : memref<1664x16xf32, #tpu.memory_space<vmem>>, vector<1x16xf32>,
      %parallel_loop3A_152 = vector.shape_cast %parallel_loop3A_151 : vector<1x16xf32> to vector<16xf32>
      %parallel_loop3A_153 = arith.addf %parallel_loop3A_123, %parallel_loop3A_152 : vector<16xf32>
      %parallel_loop3A_154 = arith.constant 6 : i32
      %parallel_loop3A_155 = arith.addi %parallel_loop3A_111, %parallel_loop3A_154 : i32
      %parallel_loop3A_156 = arith.index_cast %parallel_loop3A_155 : i32 to index
      %parallel_loop3A_157 = arith.constant 0 : index
      %parallel_loop3A_158 = tpu.vector_load %arg8[%parallel_loop3A_156, %parallel_loop3A_157] {strides = array<i32>} : memref<1664x16xf32, #tpu.memory_space<vmem>>, vector<1x16xf32>,
      %parallel_loop3A_159 = vector.shape_cast %parallel_loop3A_158 : vector<1x16xf32> to vector<16xf32>
      %parallel_loop3A_160 = arith.addf %parallel_loop3A_129, %parallel_loop3A_159 : vector<16xf32>
      %parallel_loop3A_161 = arith.constant 7 : i32
      %parallel_loop3A_162 = arith.addi %parallel_loop3A_111, %parallel_loop3A_161 : i32
      %parallel_loop3A_163 = arith.index_cast %parallel_loop3A_162 : i32 to index
      %parallel_loop3A_164 = arith.constant 0 : index
      %parallel_loop3A_165 = tpu.vector_load %arg8[%parallel_loop3A_163, %parallel_loop3A_164] {strides = array<i32>} : memref<1664x16xf32, #tpu.memory_space<vmem>>, vector<1x16xf32>,
      %parallel_loop3A_166 = vector.shape_cast %parallel_loop3A_165 : vector<1x16xf32> to vector<16xf32>
      %parallel_loop3A_167 = arith.addf %parallel_loop3A_135, %parallel_loop3A_166 : vector<16xf32>
      %parallel_loop3A_168 = arith.constant 8 : i32
      %parallel_loop3A_169 = arith.addi %parallel_loop3A_111, %parallel_loop3A_168 : i32
      %parallel_loop3A_170 = arith.index_cast %parallel_loop3A_169 : i32 to index
      %parallel_loop3A_171 = arith.constant 0 : index
      %parallel_loop3A_172 = tpu.vector_load %arg8[%parallel_loop3A_170, %parallel_loop3A_171] {strides = array<i32>} : memref<1664x16xf32, #tpu.memory_space<vmem>>, vector<1x16xf32>,
      %parallel_loop3A_173 = vector.shape_cast %parallel_loop3A_172 : vector<1x16xf32> to vector<16xf32>
      %parallel_loop3A_174 = arith.addf %parallel_loop3A_146, %parallel_loop3A_173 : vector<16xf32>
      %parallel_loop3A_175 = arith.constant 9 : i32
      %parallel_loop3A_176 = arith.addi %parallel_loop3A_111, %parallel_loop3A_175 : i32
      %parallel_loop3A_177 = arith.index_cast %parallel_loop3A_176 : i32 to index
      %parallel_loop3A_178 = arith.constant 0 : index
      %parallel_loop3A_179 = tpu.vector_load %arg8[%parallel_loop3A_177, %parallel_loop3A_178] {strides = array<i32>} : memref<1664x16xf32, #tpu.memory_space<vmem>>, vector<1x16xf32>,
      %parallel_loop3A_180 = vector.shape_cast %parallel_loop3A_179 : vector<1x16xf32> to vector<16xf32>
      %parallel_loop3A_181 = arith.addf %parallel_loop3A_153, %parallel_loop3A_180 : vector<16xf32>
      %parallel_loop3A_182 = arith.constant 10 : i32
      %parallel_loop3A_183 = arith.addi %parallel_loop3A_111, %parallel_loop3A_182 : i32
      %parallel_loop3A_184 = arith.index_cast %parallel_loop3A_183 : i32 to index
      %parallel_loop3A_185 = arith.constant 0 : index
      %parallel_loop3A_186 = tpu.vector_load %arg8[%parallel_loop3A_184, %parallel_loop3A_185] {strides = array<i32>} : memref<1664x16xf32, #tpu.memory_space<vmem>>, vector<1x16xf32>,
      %parallel_loop3A_187 = vector.shape_cast %parallel_loop3A_186 : vector<1x16xf32> to vector<16xf32>
      %parallel_loop3A_188 = arith.addf %parallel_loop3A_160, %parallel_loop3A_187 : vector<16xf32>
      %parallel_loop3A_189 = arith.constant 11 : i32
      %parallel_loop3A_190 = arith.addi %parallel_loop3A_111, %parallel_loop3A_189 : i32
      %parallel_loop3A_191 = arith.index_cast %parallel_loop3A_190 : i32 to index
      %parallel_loop3A_192 = arith.constant 0 : index
      %parallel_loop3A_193 = tpu.vector_load %arg8[%parallel_loop3A_191, %parallel_loop3A_192] {strides = array<i32>} : memref<1664x16xf32, #tpu.memory_space<vmem>>, vector<1x16xf32>,
      %parallel_loop3A_194 = vector.shape_cast %parallel_loop3A_193 : vector<1x16xf32> to vector<16xf32>
      %parallel_loop3A_195 = arith.addf %parallel_loop3A_167, %parallel_loop3A_194 : vector<16xf32>
      %parallel_loop3A_196 = arith.constant 12 : i32
      %parallel_loop3A_197 = arith.addi %parallel_loop3A_111, %parallel_loop3A_196 : i32
      %parallel_loop3A_198 = arith.index_cast %parallel_loop3A_197 : i32 to index
      %parallel_loop3A_199 = arith.constant 0 : index
      %parallel_loop3A_200 = tpu.vector_load %arg8[%parallel_loop3A_198, %parallel_loop3A_199] {strides = array<i32>} : memref<1664x16xf32, #tpu.memory_space<vmem>>, vector<1x16xf32>,
      %parallel_loop3A_201 = vector.shape_cast %parallel_loop3A_200 : vector<1x16xf32> to vector<16xf32>
      %parallel_loop3A_202 = arith.addf %parallel_loop3A_174, %parallel_loop3A_201 : vector<16xf32>
      %parallel_loop3A_203 = arith.constant 13 : i32
      %parallel_loop3A_204 = arith.addi %parallel_loop3A_111, %parallel_loop3A_203 : i32
      %parallel_loop3A_205 = arith.index_cast %parallel_loop3A_204 : i32 to index
      %parallel_loop3A_206 = arith.constant 0 : index
      %parallel_loop3A_207 = tpu.vector_load %arg8[%parallel_loop3A_205, %parallel_loop3A_206] {strides = array<i32>} : memref<1664x16xf32, #tpu.memory_space<vmem>>, vector<1x16xf32>,
      %parallel_loop3A_208 = vector.shape_cast %parallel_loop3A_207 : vector<1x16xf32> to vector<16xf32>
      %parallel_loop3A_209 = arith.addf %parallel_loop3A_181, %parallel_loop3A_208 : vector<16xf32>
      %parallel_loop3A_210 = arith.constant 14 : i32
      %parallel_loop3A_211 = arith.addi %parallel_loop3A_111, %parallel_loop3A_210 : i32
      %parallel_loop3A_212 = arith.index_cast %parallel_loop3A_211 : i32 to index
      %parallel_loop3A_213 = arith.constant 0 : index
      %parallel_loop3A_214 = tpu.vector_load %arg8[%parallel_loop3A_212, %parallel_loop3A_213] {strides = array<i32>} : memref<1664x16xf32, #tpu.memory_space<vmem>>, vector<1x16xf32>,
      %parallel_loop3A_215 = vector.shape_cast %parallel_loop3A_214 : vector<1x16xf32> to vector<16xf32>
      %parallel_loop3A_216 = arith.addf %parallel_loop3A_188, %parallel_loop3A_215 : vector<16xf32>
      %parallel_loop3A_217 = arith.constant 15 : i32
      %parallel_loop3A_218 = arith.addi %parallel_loop3A_111, %parallel_loop3A_217 : i32
      %parallel_loop3A_219 = arith.index_cast %parallel_loop3A_218 : i32 to index
      %parallel_loop3A_220 = arith.constant 0 : index
      %parallel_loop3A_221 = tpu.vector_load %arg8[%parallel_loop3A_219, %parallel_loop3A_220] {strides = array<i32>} : memref<1664x16xf32, #tpu.memory_space<vmem>>, vector<1x16xf32>,
      %parallel_loop3A_222 = vector.shape_cast %parallel_loop3A_221 : vector<1x16xf32> to vector<16xf32>
      %parallel_loop3A_223 = arith.addf %parallel_loop3A_195, %parallel_loop3A_222 : vector<16xf32>
      %parallel_loop3A_224 = arith.constant 16 : i32
      %parallel_loop3A_225 = arith.addi %parallel_loop3A_111, %parallel_loop3A_224 : i32
      %parallel_loop3A_226 = arith.index_cast %parallel_loop3A_225 : i32 to index
      %parallel_loop3A_227 = arith.constant 0 : index
      %parallel_loop3A_228 = tpu.vector_load %arg8[%parallel_loop3A_226, %parallel_loop3A_227] {strides = array<i32>} : memref<1664x16xf32, #tpu.memory_space<vmem>>, vector<1x16xf32>,
      %parallel_loop3A_229 = vector.shape_cast %parallel_loop3A_228 : vector<1x16xf32> to vector<16xf32>
      %parallel_loop3A_230 = arith.addf %parallel_loop3A_202, %parallel_loop3A_229 : vector<16xf32>
      %parallel_loop3A_231 = arith.constant 17 : i32
      %parallel_loop3A_232 = arith.addi %parallel_loop3A_111, %parallel_loop3A_231 : i32
      %parallel_loop3A_233 = arith.index_cast %parallel_loop3A_232 : i32 to index
      %parallel_loop3A_234 = arith.constant 0 : index
      %parallel_loop3A_235 = tpu.vector_load %arg8[%parallel_loop3A_233, %parallel_loop3A_234] {strides = array<i32>} : memref<1664x16xf32, #tpu.memory_space<vmem>>, vector<1x16xf32>,
      %parallel_loop3A_236 = vector.shape_cast %parallel_loop3A_235 : vector<1x16xf32> to vector<16xf32>
      %parallel_loop3A_237 = arith.addf %parallel_loop3A_209, %parallel_loop3A_236 : vector<16xf32>
      %parallel_loop3A_238 = arith.constant 18 : i32
      %parallel_loop3A_239 = arith.addi %parallel_loop3A_111, %parallel_loop3A_238 : i32
      %parallel_loop3A_240 = arith.index_cast %parallel_loop3A_239 : i32 to index
      %parallel_loop3A_241 = arith.constant 0 : index
      %parallel_loop3A_242 = tpu.vector_load %arg8[%parallel_loop3A_240, %parallel_loop3A_241] {strides = array<i32>} : memref<1664x16xf32, #tpu.memory_space<vmem>>, vector<1x16xf32>,
      %parallel_loop3A_243 = vector.shape_cast %parallel_loop3A_242 : vector<1x16xf32> to vector<16xf32>
      %parallel_loop3A_244 = arith.addf %parallel_loop3A_216, %parallel_loop3A_243 : vector<16xf32>
      %parallel_loop3A_245 = arith.constant 19 : i32
      %parallel_loop3A_246 = arith.addi %parallel_loop3A_111, %parallel_loop3A_245 : i32
      %parallel_loop3A_247 = arith.index_cast %parallel_loop3A_246 : i32 to index
      %parallel_loop3A_248 = arith.constant 0 : index
      %parallel_loop3A_249 = tpu.vector_load %arg8[%parallel_loop3A_247, %parallel_loop3A_248] {strides = array<i32>} : memref<1664x16xf32, #tpu.memory_space<vmem>>, vector<1x16xf32>,
      %parallel_loop3A_250 = vector.shape_cast %parallel_loop3A_249 : vector<1x16xf32> to vector<16xf32>
      %parallel_loop3A_251 = arith.addf %parallel_loop3A_223, %parallel_loop3A_250 : vector<16xf32>
      %parallel_loop3A_252 = arith.constant 20 : i32
      %parallel_loop3A_253 = arith.addi %parallel_loop3A_111, %parallel_loop3A_252 : i32
      %parallel_loop3A_254 = arith.index_cast %parallel_loop3A_253 : i32 to index
      %parallel_loop3A_255 = arith.constant 0 : index
      %parallel_loop3A_256 = tpu.vector_load %arg8[%parallel_loop3A_254, %parallel_loop3A_255] {strides = array<i32>} : memref<1664x16xf32, #tpu.memory_space<vmem>>, vector<1x16xf32>,
      %parallel_loop3A_257 = vector.shape_cast %parallel_loop3A_256 : vector<1x16xf32> to vector<16xf32>
      %parallel_loop3A_258 = arith.addf %parallel_loop3A_230, %parallel_loop3A_257 : vector<16xf32>
      %parallel_loop3A_259 = arith.constant 21 : i32
      %parallel_loop3A_260 = arith.addi %parallel_loop3A_111, %parallel_loop3A_259 : i32
      %parallel_loop3A_261 = arith.index_cast %parallel_loop3A_260 : i32 to index
      %parallel_loop3A_262 = arith.constant 0 : index
      %parallel_loop3A_263 = tpu.vector_load %arg8[%parallel_loop3A_261, %parallel_loop3A_262] {strides = array<i32>} : memref<1664x16xf32, #tpu.memory_space<vmem>>, vector<1x16xf32>,
      %parallel_loop3A_264 = vector.shape_cast %parallel_loop3A_263 : vector<1x16xf32> to vector<16xf32>
      %parallel_loop3A_265 = arith.addf %parallel_loop3A_237, %parallel_loop3A_264 : vector<16xf32>
      %parallel_loop3A_266 = arith.constant 22 : i32
      %parallel_loop3A_267 = arith.addi %parallel_loop3A_111, %parallel_loop3A_266 : i32
      %parallel_loop3A_268 = arith.index_cast %parallel_loop3A_267 : i32 to index
      %parallel_loop3A_269 = arith.constant 0 : index
      %parallel_loop3A_270 = tpu.vector_load %arg8[%parallel_loop3A_268, %parallel_loop3A_269] {strides = array<i32>} : memref<1664x16xf32, #tpu.memory_space<vmem>>, vector<1x16xf32>,
      %parallel_loop3A_271 = vector.shape_cast %parallel_loop3A_270 : vector<1x16xf32> to vector<16xf32>
      %parallel_loop3A_272 = arith.addf %parallel_loop3A_244, %parallel_loop3A_271 : vector<16xf32>
      %parallel_loop3A_273 = arith.constant 23 : i32
      %parallel_loop3A_274 = arith.addi %parallel_loop3A_111, %parallel_loop3A_273 : i32
      %parallel_loop3A_275 = arith.index_cast %parallel_loop3A_274 : i32 to index
      %parallel_loop3A_276 = arith.constant 0 : index
      %parallel_loop3A_277 = tpu.vector_load %arg8[%parallel_loop3A_275, %parallel_loop3A_276] {strides = array<i32>} : memref<1664x16xf32, #tpu.memory_space<vmem>>, vector<1x16xf32>,
      %parallel_loop3A_278 = vector.shape_cast %parallel_loop3A_277 : vector<1x16xf32> to vector<16xf32>
      %parallel_loop3A_279 = arith.addf %parallel_loop3A_251, %parallel_loop3A_278 : vector<16xf32>
      %parallel_loop3A_280 = arith.constant 24 : i32
      %parallel_loop3A_281 = arith.addi %parallel_loop3A_111, %parallel_loop3A_280 : i32
      %parallel_loop3A_282 = arith.index_cast %parallel_loop3A_281 : i32 to index
      %parallel_loop3A_283 = arith.constant 0 : index
      %parallel_loop3A_284 = tpu.vector_load %arg8[%parallel_loop3A_282, %parallel_loop3A_283] {strides = array<i32>} : memref<1664x16xf32, #tpu.memory_space<vmem>>, vector<1x16xf32>,
      %parallel_loop3A_285 = vector.shape_cast %parallel_loop3A_284 : vector<1x16xf32> to vector<16xf32>
      %parallel_loop3A_286 = arith.addf %parallel_loop3A_258, %parallel_loop3A_285 : vector<16xf32>
      %parallel_loop3A_287 = arith.constant 25 : i32
      %parallel_loop3A_288 = arith.addi %parallel_loop3A_111, %parallel_loop3A_287 : i32
      %parallel_loop3A_289 = arith.index_cast %parallel_loop3A_288 : i32 to index
      %parallel_loop3A_290 = arith.constant 0 : index
      %parallel_loop3A_291 = tpu.vector_load %arg8[%parallel_loop3A_289, %parallel_loop3A_290] {strides = array<i32>} : memref<1664x16xf32, #tpu.memory_space<vmem>>, vector<1x16xf32>,
      %parallel_loop3A_292 = vector.shape_cast %parallel_loop3A_291 : vector<1x16xf32> to vector<16xf32>
      %parallel_loop3A_293 = arith.addf %parallel_loop3A_265, %parallel_loop3A_292 : vector<16xf32>
      %parallel_loop3A_294 = arith.addf %parallel_loop3A_286, %parallel_loop3A_293 : vector<16xf32>
      %parallel_loop3A_295 = arith.addf %parallel_loop3A_272, %parallel_loop3A_279 : vector<16xf32>
      %parallel_loop3A_296 = arith.addf %parallel_loop3A_294, %parallel_loop3A_295 : vector<16xf32>
      %parallel_loop3A_297 = arith.constant 256 : i32
      %parallel_loop3A_298 = arith.addi %parallel_loop3A_297, %parallel_loop3A_109 : i32
      %parallel_loop3A_299 = arith.index_cast %parallel_loop3A_298 : i32 to index
      %parallel_loop3A_300 = arith.constant 0 : index
      %parallel_loop3A_301 = tpu.vector_load %arg10[%parallel_loop3A_299, %parallel_loop3A_300] {strides = array<i32>} : memref<512x16xf32, #tpu.memory_space<vmem>>, vector<1x16xf32>,
      %parallel_loop3A_302 = vector.shape_cast %parallel_loop3A_301 : vector<1x16xf32> to vector<16xf32>
      %parallel_loop3A_303 = vector.shape_cast %parallel_loop3A_296 : vector<16xf32> to vector<1x16xf32>
      tpu.vector_store %arg10[%parallel_loop3A_299, %parallel_loop3A_300], %parallel_loop3A_303 {strides = array<i32>} : memref<512x16xf32, #tpu.memory_space<vmem>>, vector<1x16xf32>,
    } {sc.loop_unroll_factor = 1 : i64, sc.parallel_access}
    %dma_start3A_73 = arith.constant 9984 : i32
    %dma_start3A_74 = tpu.memref_slice %arg7[%dma_start3A_73] : memref<13312xi32, #tpu.memory_space<vmem>> -> memref<1664xi32, #tpu.memory_space<vmem>>
    %dma_start3A_75 = arith.constant 0 : i32
    %dma_start3A_76 = arith.constant 0 : i32
    %dma_start3A_77 = tpu.memref_slice %arg3[%dma_start3A_75, %dma_start3A_76] : memref<2600000x16xf32, #tpu.memory_space<hbm>> -> memref<2600000x16xf32, #tpu.memory_space<hbm>>
    tpu.enqueue_indirect_dma source(%dma_start3A_77 : memref<2600000x16xf32, #tpu.memory_space<hbm>>) target(%arg8 : memref<1664x16xf32, #tpu.memory_space<vmem>>) offsets(%dma_start3A_74 : memref<1664xi32, #tpu.memory_space<vmem>>) semaphore(%arg13 : memref<!tpu.dma_semaphore, #tpu.memory_space<semaphore_mem>>)
    %dma_wait3A_78 = arith.constant 8320 : i32
    %dma_wait3A_79 = tpu.memref_slice %arg7[%dma_wait3A_78] : memref<13312xi32, #tpu.memory_space<vmem>> -> memref<1664xi32, #tpu.memory_space<vmem>>
    %dma_wait3A_80 = arith.constant 0 : i32
    %dma_wait3A_81 = arith.constant 0 : i32
    %dma_wait3A_82 = tpu.memref_slice %arg3[%dma_wait3A_80, %dma_wait3A_81] : memref<2600000x16xf32, #tpu.memory_space<hbm>> -> memref<2600000x16xf32, #tpu.memory_space<hbm>>
    tpu.wait_indirect_dma semaphore(%arg14 : memref<!tpu.dma_semaphore, #tpu.memory_space<semaphore_mem>>) src(%dma_wait3A_82 : memref<2600000x16xf32, #tpu.memory_space<hbm>>) dst(%arg9 : memref<1664x16xf32, #tpu.memory_space<vmem>>)
    %parallel_loop3A_83 = arith.constant 0 : i32
    %parallel_loop3A_84 = arith.constant 64 : i32
    %parallel_loop3A_85 = arith.constant 1 : i32
    scf.for %parallel_loop3A_109 = %parallel_loop3A_83 to %parallel_loop3A_84 step %parallel_loop3A_85  : i32 {
      %parallel_loop3A_110 = arith.constant 26 : i32
      %parallel_loop3A_111 = arith.muli %parallel_loop3A_109, %parallel_loop3A_110 : i32
      %parallel_loop3A_112 = arith.constant 0 : i32
      %parallel_loop3A_113 = arith.addi %parallel_loop3A_111, %parallel_loop3A_112 : i32
      %parallel_loop3A_114 = arith.index_cast %parallel_loop3A_113 : i32 to index
      %parallel_loop3A_115 = arith.constant 0 : index
      %parallel_loop3A_116 = tpu.vector_load %arg9[%parallel_loop3A_114, %parallel_loop3A_115] {strides = array<i32>} : memref<1664x16xf32, #tpu.memory_space<vmem>>, vector<1x16xf32>,
      %parallel_loop3A_117 = vector.shape_cast %parallel_loop3A_116 : vector<1x16xf32> to vector<16xf32>
      %parallel_loop3A_118 = arith.constant 1 : i32
      %parallel_loop3A_119 = arith.addi %parallel_loop3A_111, %parallel_loop3A_118 : i32
      %parallel_loop3A_120 = arith.index_cast %parallel_loop3A_119 : i32 to index
      %parallel_loop3A_121 = arith.constant 0 : index
      %parallel_loop3A_122 = tpu.vector_load %arg9[%parallel_loop3A_120, %parallel_loop3A_121] {strides = array<i32>} : memref<1664x16xf32, #tpu.memory_space<vmem>>, vector<1x16xf32>,
      %parallel_loop3A_123 = vector.shape_cast %parallel_loop3A_122 : vector<1x16xf32> to vector<16xf32>
      %parallel_loop3A_124 = arith.constant 2 : i32
      %parallel_loop3A_125 = arith.addi %parallel_loop3A_111, %parallel_loop3A_124 : i32
      %parallel_loop3A_126 = arith.index_cast %parallel_loop3A_125 : i32 to index
      %parallel_loop3A_127 = arith.constant 0 : index
      %parallel_loop3A_128 = tpu.vector_load %arg9[%parallel_loop3A_126, %parallel_loop3A_127] {strides = array<i32>} : memref<1664x16xf32, #tpu.memory_space<vmem>>, vector<1x16xf32>,
      %parallel_loop3A_129 = vector.shape_cast %parallel_loop3A_128 : vector<1x16xf32> to vector<16xf32>
      %parallel_loop3A_130 = arith.constant 3 : i32
      %parallel_loop3A_131 = arith.addi %parallel_loop3A_111, %parallel_loop3A_130 : i32
      %parallel_loop3A_132 = arith.index_cast %parallel_loop3A_131 : i32 to index
      %parallel_loop3A_133 = arith.constant 0 : index
      %parallel_loop3A_134 = tpu.vector_load %arg9[%parallel_loop3A_132, %parallel_loop3A_133] {strides = array<i32>} : memref<1664x16xf32, #tpu.memory_space<vmem>>, vector<1x16xf32>,
      %parallel_loop3A_135 = vector.shape_cast %parallel_loop3A_134 : vector<1x16xf32> to vector<16xf32>
      %parallel_loop3A_136 = arith.constant 0 : index
      %parallel_loop3A_137 = tpu.vector_load %arg11[%parallel_loop3A_136] {strides = array<i32>} : memref<16xf32, #tpu.memory_space<vmem>>, vector<16xf32>,
      %parallel_loop3A_138 = vector.shape_cast %parallel_loop3A_137 : vector<16xf32> to vector<16xf32>
      %parallel_loop3A_139 = arith.addf %parallel_loop3A_117, %parallel_loop3A_138 : vector<16xf32>
      %parallel_loop3A_140 = arith.constant 4 : i32
      %parallel_loop3A_141 = arith.addi %parallel_loop3A_111, %parallel_loop3A_140 : i32
      %parallel_loop3A_142 = arith.index_cast %parallel_loop3A_141 : i32 to index
      %parallel_loop3A_143 = arith.constant 0 : index
      %parallel_loop3A_144 = tpu.vector_load %arg9[%parallel_loop3A_142, %parallel_loop3A_143] {strides = array<i32>} : memref<1664x16xf32, #tpu.memory_space<vmem>>, vector<1x16xf32>,
      %parallel_loop3A_145 = vector.shape_cast %parallel_loop3A_144 : vector<1x16xf32> to vector<16xf32>
      %parallel_loop3A_146 = arith.addf %parallel_loop3A_139, %parallel_loop3A_145 : vector<16xf32>
      %parallel_loop3A_147 = arith.constant 5 : i32
      %parallel_loop3A_148 = arith.addi %parallel_loop3A_111, %parallel_loop3A_147 : i32
      %parallel_loop3A_149 = arith.index_cast %parallel_loop3A_148 : i32 to index
      %parallel_loop3A_150 = arith.constant 0 : index
      %parallel_loop3A_151 = tpu.vector_load %arg9[%parallel_loop3A_149, %parallel_loop3A_150] {strides = array<i32>} : memref<1664x16xf32, #tpu.memory_space<vmem>>, vector<1x16xf32>,
      %parallel_loop3A_152 = vector.shape_cast %parallel_loop3A_151 : vector<1x16xf32> to vector<16xf32>
      %parallel_loop3A_153 = arith.addf %parallel_loop3A_123, %parallel_loop3A_152 : vector<16xf32>
      %parallel_loop3A_154 = arith.constant 6 : i32
      %parallel_loop3A_155 = arith.addi %parallel_loop3A_111, %parallel_loop3A_154 : i32
      %parallel_loop3A_156 = arith.index_cast %parallel_loop3A_155 : i32 to index
      %parallel_loop3A_157 = arith.constant 0 : index
      %parallel_loop3A_158 = tpu.vector_load %arg9[%parallel_loop3A_156, %parallel_loop3A_157] {strides = array<i32>} : memref<1664x16xf32, #tpu.memory_space<vmem>>, vector<1x16xf32>,
      %parallel_loop3A_159 = vector.shape_cast %parallel_loop3A_158 : vector<1x16xf32> to vector<16xf32>
      %parallel_loop3A_160 = arith.addf %parallel_loop3A_129, %parallel_loop3A_159 : vector<16xf32>
      %parallel_loop3A_161 = arith.constant 7 : i32
      %parallel_loop3A_162 = arith.addi %parallel_loop3A_111, %parallel_loop3A_161 : i32
      %parallel_loop3A_163 = arith.index_cast %parallel_loop3A_162 : i32 to index
      %parallel_loop3A_164 = arith.constant 0 : index
      %parallel_loop3A_165 = tpu.vector_load %arg9[%parallel_loop3A_163, %parallel_loop3A_164] {strides = array<i32>} : memref<1664x16xf32, #tpu.memory_space<vmem>>, vector<1x16xf32>,
      %parallel_loop3A_166 = vector.shape_cast %parallel_loop3A_165 : vector<1x16xf32> to vector<16xf32>
      %parallel_loop3A_167 = arith.addf %parallel_loop3A_135, %parallel_loop3A_166 : vector<16xf32>
      %parallel_loop3A_168 = arith.constant 8 : i32
      %parallel_loop3A_169 = arith.addi %parallel_loop3A_111, %parallel_loop3A_168 : i32
      %parallel_loop3A_170 = arith.index_cast %parallel_loop3A_169 : i32 to index
      %parallel_loop3A_171 = arith.constant 0 : index
      %parallel_loop3A_172 = tpu.vector_load %arg9[%parallel_loop3A_170, %parallel_loop3A_171] {strides = array<i32>} : memref<1664x16xf32, #tpu.memory_space<vmem>>, vector<1x16xf32>,
      %parallel_loop3A_173 = vector.shape_cast %parallel_loop3A_172 : vector<1x16xf32> to vector<16xf32>
      %parallel_loop3A_174 = arith.addf %parallel_loop3A_146, %parallel_loop3A_173 : vector<16xf32>
      %parallel_loop3A_175 = arith.constant 9 : i32
      %parallel_loop3A_176 = arith.addi %parallel_loop3A_111, %parallel_loop3A_175 : i32
      %parallel_loop3A_177 = arith.index_cast %parallel_loop3A_176 : i32 to index
      %parallel_loop3A_178 = arith.constant 0 : index
      %parallel_loop3A_179 = tpu.vector_load %arg9[%parallel_loop3A_177, %parallel_loop3A_178] {strides = array<i32>} : memref<1664x16xf32, #tpu.memory_space<vmem>>, vector<1x16xf32>,
      %parallel_loop3A_180 = vector.shape_cast %parallel_loop3A_179 : vector<1x16xf32> to vector<16xf32>
      %parallel_loop3A_181 = arith.addf %parallel_loop3A_153, %parallel_loop3A_180 : vector<16xf32>
      %parallel_loop3A_182 = arith.constant 10 : i32
      %parallel_loop3A_183 = arith.addi %parallel_loop3A_111, %parallel_loop3A_182 : i32
      %parallel_loop3A_184 = arith.index_cast %parallel_loop3A_183 : i32 to index
      %parallel_loop3A_185 = arith.constant 0 : index
      %parallel_loop3A_186 = tpu.vector_load %arg9[%parallel_loop3A_184, %parallel_loop3A_185] {strides = array<i32>} : memref<1664x16xf32, #tpu.memory_space<vmem>>, vector<1x16xf32>,
      %parallel_loop3A_187 = vector.shape_cast %parallel_loop3A_186 : vector<1x16xf32> to vector<16xf32>
      %parallel_loop3A_188 = arith.addf %parallel_loop3A_160, %parallel_loop3A_187 : vector<16xf32>
      %parallel_loop3A_189 = arith.constant 11 : i32
      %parallel_loop3A_190 = arith.addi %parallel_loop3A_111, %parallel_loop3A_189 : i32
      %parallel_loop3A_191 = arith.index_cast %parallel_loop3A_190 : i32 to index
      %parallel_loop3A_192 = arith.constant 0 : index
      %parallel_loop3A_193 = tpu.vector_load %arg9[%parallel_loop3A_191, %parallel_loop3A_192] {strides = array<i32>} : memref<1664x16xf32, #tpu.memory_space<vmem>>, vector<1x16xf32>,
      %parallel_loop3A_194 = vector.shape_cast %parallel_loop3A_193 : vector<1x16xf32> to vector<16xf32>
      %parallel_loop3A_195 = arith.addf %parallel_loop3A_167, %parallel_loop3A_194 : vector<16xf32>
      %parallel_loop3A_196 = arith.constant 12 : i32
      %parallel_loop3A_197 = arith.addi %parallel_loop3A_111, %parallel_loop3A_196 : i32
      %parallel_loop3A_198 = arith.index_cast %parallel_loop3A_197 : i32 to index
      %parallel_loop3A_199 = arith.constant 0 : index
      %parallel_loop3A_200 = tpu.vector_load %arg9[%parallel_loop3A_198, %parallel_loop3A_199] {strides = array<i32>} : memref<1664x16xf32, #tpu.memory_space<vmem>>, vector<1x16xf32>,
      %parallel_loop3A_201 = vector.shape_cast %parallel_loop3A_200 : vector<1x16xf32> to vector<16xf32>
      %parallel_loop3A_202 = arith.addf %parallel_loop3A_174, %parallel_loop3A_201 : vector<16xf32>
      %parallel_loop3A_203 = arith.constant 13 : i32
      %parallel_loop3A_204 = arith.addi %parallel_loop3A_111, %parallel_loop3A_203 : i32
      %parallel_loop3A_205 = arith.index_cast %parallel_loop3A_204 : i32 to index
      %parallel_loop3A_206 = arith.constant 0 : index
      %parallel_loop3A_207 = tpu.vector_load %arg9[%parallel_loop3A_205, %parallel_loop3A_206] {strides = array<i32>} : memref<1664x16xf32, #tpu.memory_space<vmem>>, vector<1x16xf32>,
      %parallel_loop3A_208 = vector.shape_cast %parallel_loop3A_207 : vector<1x16xf32> to vector<16xf32>
      %parallel_loop3A_209 = arith.addf %parallel_loop3A_181, %parallel_loop3A_208 : vector<16xf32>
      %parallel_loop3A_210 = arith.constant 14 : i32
      %parallel_loop3A_211 = arith.addi %parallel_loop3A_111, %parallel_loop3A_210 : i32
      %parallel_loop3A_212 = arith.index_cast %parallel_loop3A_211 : i32 to index
      %parallel_loop3A_213 = arith.constant 0 : index
      %parallel_loop3A_214 = tpu.vector_load %arg9[%parallel_loop3A_212, %parallel_loop3A_213] {strides = array<i32>} : memref<1664x16xf32, #tpu.memory_space<vmem>>, vector<1x16xf32>,
      %parallel_loop3A_215 = vector.shape_cast %parallel_loop3A_214 : vector<1x16xf32> to vector<16xf32>
      %parallel_loop3A_216 = arith.addf %parallel_loop3A_188, %parallel_loop3A_215 : vector<16xf32>
      %parallel_loop3A_217 = arith.constant 15 : i32
      %parallel_loop3A_218 = arith.addi %parallel_loop3A_111, %parallel_loop3A_217 : i32
      %parallel_loop3A_219 = arith.index_cast %parallel_loop3A_218 : i32 to index
      %parallel_loop3A_220 = arith.constant 0 : index
      %parallel_loop3A_221 = tpu.vector_load %arg9[%parallel_loop3A_219, %parallel_loop3A_220] {strides = array<i32>} : memref<1664x16xf32, #tpu.memory_space<vmem>>, vector<1x16xf32>,
      %parallel_loop3A_222 = vector.shape_cast %parallel_loop3A_221 : vector<1x16xf32> to vector<16xf32>
      %parallel_loop3A_223 = arith.addf %parallel_loop3A_195, %parallel_loop3A_222 : vector<16xf32>
      %parallel_loop3A_224 = arith.constant 16 : i32
      %parallel_loop3A_225 = arith.addi %parallel_loop3A_111, %parallel_loop3A_224 : i32
      %parallel_loop3A_226 = arith.index_cast %parallel_loop3A_225 : i32 to index
      %parallel_loop3A_227 = arith.constant 0 : index
      %parallel_loop3A_228 = tpu.vector_load %arg9[%parallel_loop3A_226, %parallel_loop3A_227] {strides = array<i32>} : memref<1664x16xf32, #tpu.memory_space<vmem>>, vector<1x16xf32>,
      %parallel_loop3A_229 = vector.shape_cast %parallel_loop3A_228 : vector<1x16xf32> to vector<16xf32>
      %parallel_loop3A_230 = arith.addf %parallel_loop3A_202, %parallel_loop3A_229 : vector<16xf32>
      %parallel_loop3A_231 = arith.constant 17 : i32
      %parallel_loop3A_232 = arith.addi %parallel_loop3A_111, %parallel_loop3A_231 : i32
      %parallel_loop3A_233 = arith.index_cast %parallel_loop3A_232 : i32 to index
      %parallel_loop3A_234 = arith.constant 0 : index
      %parallel_loop3A_235 = tpu.vector_load %arg9[%parallel_loop3A_233, %parallel_loop3A_234] {strides = array<i32>} : memref<1664x16xf32, #tpu.memory_space<vmem>>, vector<1x16xf32>,
      %parallel_loop3A_236 = vector.shape_cast %parallel_loop3A_235 : vector<1x16xf32> to vector<16xf32>
      %parallel_loop3A_237 = arith.addf %parallel_loop3A_209, %parallel_loop3A_236 : vector<16xf32>
      %parallel_loop3A_238 = arith.constant 18 : i32
      %parallel_loop3A_239 = arith.addi %parallel_loop3A_111, %parallel_loop3A_238 : i32
      %parallel_loop3A_240 = arith.index_cast %parallel_loop3A_239 : i32 to index
      %parallel_loop3A_241 = arith.constant 0 : index
      %parallel_loop3A_242 = tpu.vector_load %arg9[%parallel_loop3A_240, %parallel_loop3A_241] {strides = array<i32>} : memref<1664x16xf32, #tpu.memory_space<vmem>>, vector<1x16xf32>,
      %parallel_loop3A_243 = vector.shape_cast %parallel_loop3A_242 : vector<1x16xf32> to vector<16xf32>
      %parallel_loop3A_244 = arith.addf %parallel_loop3A_216, %parallel_loop3A_243 : vector<16xf32>
      %parallel_loop3A_245 = arith.constant 19 : i32
      %parallel_loop3A_246 = arith.addi %parallel_loop3A_111, %parallel_loop3A_245 : i32
      %parallel_loop3A_247 = arith.index_cast %parallel_loop3A_246 : i32 to index
      %parallel_loop3A_248 = arith.constant 0 : index
      %parallel_loop3A_249 = tpu.vector_load %arg9[%parallel_loop3A_247, %parallel_loop3A_248] {strides = array<i32>} : memref<1664x16xf32, #tpu.memory_space<vmem>>, vector<1x16xf32>,
      %parallel_loop3A_250 = vector.shape_cast %parallel_loop3A_249 : vector<1x16xf32> to vector<16xf32>
      %parallel_loop3A_251 = arith.addf %parallel_loop3A_223, %parallel_loop3A_250 : vector<16xf32>
      %parallel_loop3A_252 = arith.constant 20 : i32
      %parallel_loop3A_253 = arith.addi %parallel_loop3A_111, %parallel_loop3A_252 : i32
      %parallel_loop3A_254 = arith.index_cast %parallel_loop3A_253 : i32 to index
      %parallel_loop3A_255 = arith.constant 0 : index
      %parallel_loop3A_256 = tpu.vector_load %arg9[%parallel_loop3A_254, %parallel_loop3A_255] {strides = array<i32>} : memref<1664x16xf32, #tpu.memory_space<vmem>>, vector<1x16xf32>,
      %parallel_loop3A_257 = vector.shape_cast %parallel_loop3A_256 : vector<1x16xf32> to vector<16xf32>
      %parallel_loop3A_258 = arith.addf %parallel_loop3A_230, %parallel_loop3A_257 : vector<16xf32>
      %parallel_loop3A_259 = arith.constant 21 : i32
      %parallel_loop3A_260 = arith.addi %parallel_loop3A_111, %parallel_loop3A_259 : i32
      %parallel_loop3A_261 = arith.index_cast %parallel_loop3A_260 : i32 to index
      %parallel_loop3A_262 = arith.constant 0 : index
      %parallel_loop3A_263 = tpu.vector_load %arg9[%parallel_loop3A_261, %parallel_loop3A_262] {strides = array<i32>} : memref<1664x16xf32, #tpu.memory_space<vmem>>, vector<1x16xf32>,
      %parallel_loop3A_264 = vector.shape_cast %parallel_loop3A_263 : vector<1x16xf32> to vector<16xf32>
      %parallel_loop3A_265 = arith.addf %parallel_loop3A_237, %parallel_loop3A_264 : vector<16xf32>
      %parallel_loop3A_266 = arith.constant 22 : i32
      %parallel_loop3A_267 = arith.addi %parallel_loop3A_111, %parallel_loop3A_266 : i32
      %parallel_loop3A_268 = arith.index_cast %parallel_loop3A_267 : i32 to index
      %parallel_loop3A_269 = arith.constant 0 : index
      %parallel_loop3A_270 = tpu.vector_load %arg9[%parallel_loop3A_268, %parallel_loop3A_269] {strides = array<i32>} : memref<1664x16xf32, #tpu.memory_space<vmem>>, vector<1x16xf32>,
      %parallel_loop3A_271 = vector.shape_cast %parallel_loop3A_270 : vector<1x16xf32> to vector<16xf32>
      %parallel_loop3A_272 = arith.addf %parallel_loop3A_244, %parallel_loop3A_271 : vector<16xf32>
      %parallel_loop3A_273 = arith.constant 23 : i32
      %parallel_loop3A_274 = arith.addi %parallel_loop3A_111, %parallel_loop3A_273 : i32
      %parallel_loop3A_275 = arith.index_cast %parallel_loop3A_274 : i32 to index
      %parallel_loop3A_276 = arith.constant 0 : index
      %parallel_loop3A_277 = tpu.vector_load %arg9[%parallel_loop3A_275, %parallel_loop3A_276] {strides = array<i32>} : memref<1664x16xf32, #tpu.memory_space<vmem>>, vector<1x16xf32>,
      %parallel_loop3A_278 = vector.shape_cast %parallel_loop3A_277 : vector<1x16xf32> to vector<16xf32>
      %parallel_loop3A_279 = arith.addf %parallel_loop3A_251, %parallel_loop3A_278 : vector<16xf32>
      %parallel_loop3A_280 = arith.constant 24 : i32
      %parallel_loop3A_281 = arith.addi %parallel_loop3A_111, %parallel_loop3A_280 : i32
      %parallel_loop3A_282 = arith.index_cast %parallel_loop3A_281 : i32 to index
      %parallel_loop3A_283 = arith.constant 0 : index
      %parallel_loop3A_284 = tpu.vector_load %arg9[%parallel_loop3A_282, %parallel_loop3A_283] {strides = array<i32>} : memref<1664x16xf32, #tpu.memory_space<vmem>>, vector<1x16xf32>,
      %parallel_loop3A_285 = vector.shape_cast %parallel_loop3A_284 : vector<1x16xf32> to vector<16xf32>
      %parallel_loop3A_286 = arith.addf %parallel_loop3A_258, %parallel_loop3A_285 : vector<16xf32>
      %parallel_loop3A_287 = arith.constant 25 : i32
      %parallel_loop3A_288 = arith.addi %parallel_loop3A_111, %parallel_loop3A_287 : i32
      %parallel_loop3A_289 = arith.index_cast %parallel_loop3A_288 : i32 to index
      %parallel_loop3A_290 = arith.constant 0 : index
      %parallel_loop3A_291 = tpu.vector_load %arg9[%parallel_loop3A_289, %parallel_loop3A_290] {strides = array<i32>} : memref<1664x16xf32, #tpu.memory_space<vmem>>, vector<1x16xf32>,
      %parallel_loop3A_292 = vector.shape_cast %parallel_loop3A_291 : vector<1x16xf32> to vector<16xf32>
      %parallel_loop3A_293 = arith.addf %parallel_loop3A_265, %parallel_loop3A_292 : vector<16xf32>
      %parallel_loop3A_294 = arith.addf %parallel_loop3A_286, %parallel_loop3A_293 : vector<16xf32>
      %parallel_loop3A_295 = arith.addf %parallel_loop3A_272, %parallel_loop3A_279 : vector<16xf32>
      %parallel_loop3A_296 = arith.addf %parallel_loop3A_294, %parallel_loop3A_295 : vector<16xf32>
      %parallel_loop3A_297 = arith.constant 320 : i32
      %parallel_loop3A_298 = arith.addi %parallel_loop3A_297, %parallel_loop3A_109 : i32
      %parallel_loop3A_299 = arith.index_cast %parallel_loop3A_298 : i32 to index
      %parallel_loop3A_300 = arith.constant 0 : index
      %parallel_loop3A_301 = tpu.vector_load %arg10[%parallel_loop3A_299, %parallel_loop3A_300] {strides = array<i32>} : memref<512x16xf32, #tpu.memory_space<vmem>>, vector<1x16xf32>,
      %parallel_loop3A_302 = vector.shape_cast %parallel_loop3A_301 : vector<1x16xf32> to vector<16xf32>
      %parallel_loop3A_303 = vector.shape_cast %parallel_loop3A_296 : vector<16xf32> to vector<1x16xf32>
      tpu.vector_store %arg10[%parallel_loop3A_299, %parallel_loop3A_300], %parallel_loop3A_303 {strides = array<i32>} : memref<512x16xf32, #tpu.memory_space<vmem>>, vector<1x16xf32>,
    } {sc.loop_unroll_factor = 1 : i64, sc.parallel_access}
    %dma_start3A_86 = arith.constant 11648 : i32
    %dma_start3A_87 = tpu.memref_slice %arg7[%dma_start3A_86] : memref<13312xi32, #tpu.memory_space<vmem>> -> memref<1664xi32, #tpu.memory_space<vmem>>
    %dma_start3A_88 = arith.constant 0 : i32
    %dma_start3A_89 = arith.constant 0 : i32
    %dma_start3A_90 = tpu.memref_slice %arg3[%dma_start3A_88, %dma_start3A_89] : memref<2600000x16xf32, #tpu.memory_space<hbm>> -> memref<2600000x16xf32, #tpu.memory_space<hbm>>
    tpu.enqueue_indirect_dma source(%dma_start3A_90 : memref<2600000x16xf32, #tpu.memory_space<hbm>>) target(%arg9 : memref<1664x16xf32, #tpu.memory_space<vmem>>) offsets(%dma_start3A_87 : memref<1664xi32, #tpu.memory_space<vmem>>) semaphore(%arg14 : memref<!tpu.dma_semaphore, #tpu.memory_space<semaphore_mem>>)
    %dma_wait3A_91 = arith.constant 9984 : i32
    %dma_wait3A_92 = tpu.memref_slice %arg7[%dma_wait3A_91] : memref<13312xi32, #tpu.memory_space<vmem>> -> memref<1664xi32, #tpu.memory_space<vmem>>
    %dma_wait3A_93 = arith.constant 0 : i32
    %dma_wait3A_94 = arith.constant 0 : i32
    %dma_wait3A_95 = tpu.memref_slice %arg3[%dma_wait3A_93, %dma_wait3A_94] : memref<2600000x16xf32, #tpu.memory_space<hbm>> -> memref<2600000x16xf32, #tpu.memory_space<hbm>>
    tpu.wait_indirect_dma semaphore(%arg13 : memref<!tpu.dma_semaphore, #tpu.memory_space<semaphore_mem>>) src(%dma_wait3A_95 : memref<2600000x16xf32, #tpu.memory_space<hbm>>) dst(%arg8 : memref<1664x16xf32, #tpu.memory_space<vmem>>)
    %parallel_loop3A_96 = arith.constant 0 : i32
    %parallel_loop3A_97 = arith.constant 64 : i32
    %parallel_loop3A_98 = arith.constant 1 : i32
    scf.for %parallel_loop3A_109 = %parallel_loop3A_96 to %parallel_loop3A_97 step %parallel_loop3A_98  : i32 {
      %parallel_loop3A_110 = arith.constant 26 : i32
      %parallel_loop3A_111 = arith.muli %parallel_loop3A_109, %parallel_loop3A_110 : i32
      %parallel_loop3A_112 = arith.constant 0 : i32
      %parallel_loop3A_113 = arith.addi %parallel_loop3A_111, %parallel_loop3A_112 : i32
      %parallel_loop3A_114 = arith.index_cast %parallel_loop3A_113 : i32 to index
      %parallel_loop3A_115 = arith.constant 0 : index
      %parallel_loop3A_116 = tpu.vector_load %arg8[%parallel_loop3A_114, %parallel_loop3A_115] {strides = array<i32>} : memref<1664x16xf32, #tpu.memory_space<vmem>>, vector<1x16xf32>,
      %parallel_loop3A_117 = vector.shape_cast %parallel_loop3A_116 : vector<1x16xf32> to vector<16xf32>
      %parallel_loop3A_118 = arith.constant 1 : i32
      %parallel_loop3A_119 = arith.addi %parallel_loop3A_111, %parallel_loop3A_118 : i32
      %parallel_loop3A_120 = arith.index_cast %parallel_loop3A_119 : i32 to index
      %parallel_loop3A_121 = arith.constant 0 : index
      %parallel_loop3A_122 = tpu.vector_load %arg8[%parallel_loop3A_120, %parallel_loop3A_121] {strides = array<i32>} : memref<1664x16xf32, #tpu.memory_space<vmem>>, vector<1x16xf32>,
      %parallel_loop3A_123 = vector.shape_cast %parallel_loop3A_122 : vector<1x16xf32> to vector<16xf32>
      %parallel_loop3A_124 = arith.constant 2 : i32
      %parallel_loop3A_125 = arith.addi %parallel_loop3A_111, %parallel_loop3A_124 : i32
      %parallel_loop3A_126 = arith.index_cast %parallel_loop3A_125 : i32 to index
      %parallel_loop3A_127 = arith.constant 0 : index
      %parallel_loop3A_128 = tpu.vector_load %arg8[%parallel_loop3A_126, %parallel_loop3A_127] {strides = array<i32>} : memref<1664x16xf32, #tpu.memory_space<vmem>>, vector<1x16xf32>,
      %parallel_loop3A_129 = vector.shape_cast %parallel_loop3A_128 : vector<1x16xf32> to vector<16xf32>
      %parallel_loop3A_130 = arith.constant 3 : i32
      %parallel_loop3A_131 = arith.addi %parallel_loop3A_111, %parallel_loop3A_130 : i32
      %parallel_loop3A_132 = arith.index_cast %parallel_loop3A_131 : i32 to index
      %parallel_loop3A_133 = arith.constant 0 : index
      %parallel_loop3A_134 = tpu.vector_load %arg8[%parallel_loop3A_132, %parallel_loop3A_133] {strides = array<i32>} : memref<1664x16xf32, #tpu.memory_space<vmem>>, vector<1x16xf32>,
      %parallel_loop3A_135 = vector.shape_cast %parallel_loop3A_134 : vector<1x16xf32> to vector<16xf32>
      %parallel_loop3A_136 = arith.constant 0 : index
      %parallel_loop3A_137 = tpu.vector_load %arg11[%parallel_loop3A_136] {strides = array<i32>} : memref<16xf32, #tpu.memory_space<vmem>>, vector<16xf32>,
      %parallel_loop3A_138 = vector.shape_cast %parallel_loop3A_137 : vector<16xf32> to vector<16xf32>
      %parallel_loop3A_139 = arith.addf %parallel_loop3A_117, %parallel_loop3A_138 : vector<16xf32>
      %parallel_loop3A_140 = arith.constant 4 : i32
      %parallel_loop3A_141 = arith.addi %parallel_loop3A_111, %parallel_loop3A_140 : i32
      %parallel_loop3A_142 = arith.index_cast %parallel_loop3A_141 : i32 to index
      %parallel_loop3A_143 = arith.constant 0 : index
      %parallel_loop3A_144 = tpu.vector_load %arg8[%parallel_loop3A_142, %parallel_loop3A_143] {strides = array<i32>} : memref<1664x16xf32, #tpu.memory_space<vmem>>, vector<1x16xf32>,
      %parallel_loop3A_145 = vector.shape_cast %parallel_loop3A_144 : vector<1x16xf32> to vector<16xf32>
      %parallel_loop3A_146 = arith.addf %parallel_loop3A_139, %parallel_loop3A_145 : vector<16xf32>
      %parallel_loop3A_147 = arith.constant 5 : i32
      %parallel_loop3A_148 = arith.addi %parallel_loop3A_111, %parallel_loop3A_147 : i32
      %parallel_loop3A_149 = arith.index_cast %parallel_loop3A_148 : i32 to index
      %parallel_loop3A_150 = arith.constant 0 : index
      %parallel_loop3A_151 = tpu.vector_load %arg8[%parallel_loop3A_149, %parallel_loop3A_150] {strides = array<i32>} : memref<1664x16xf32, #tpu.memory_space<vmem>>, vector<1x16xf32>,
      %parallel_loop3A_152 = vector.shape_cast %parallel_loop3A_151 : vector<1x16xf32> to vector<16xf32>
      %parallel_loop3A_153 = arith.addf %parallel_loop3A_123, %parallel_loop3A_152 : vector<16xf32>
      %parallel_loop3A_154 = arith.constant 6 : i32
      %parallel_loop3A_155 = arith.addi %parallel_loop3A_111, %parallel_loop3A_154 : i32
      %parallel_loop3A_156 = arith.index_cast %parallel_loop3A_155 : i32 to index
      %parallel_loop3A_157 = arith.constant 0 : index
      %parallel_loop3A_158 = tpu.vector_load %arg8[%parallel_loop3A_156, %parallel_loop3A_157] {strides = array<i32>} : memref<1664x16xf32, #tpu.memory_space<vmem>>, vector<1x16xf32>,
      %parallel_loop3A_159 = vector.shape_cast %parallel_loop3A_158 : vector<1x16xf32> to vector<16xf32>
      %parallel_loop3A_160 = arith.addf %parallel_loop3A_129, %parallel_loop3A_159 : vector<16xf32>
      %parallel_loop3A_161 = arith.constant 7 : i32
      %parallel_loop3A_162 = arith.addi %parallel_loop3A_111, %parallel_loop3A_161 : i32
      %parallel_loop3A_163 = arith.index_cast %parallel_loop3A_162 : i32 to index
      %parallel_loop3A_164 = arith.constant 0 : index
      %parallel_loop3A_165 = tpu.vector_load %arg8[%parallel_loop3A_163, %parallel_loop3A_164] {strides = array<i32>} : memref<1664x16xf32, #tpu.memory_space<vmem>>, vector<1x16xf32>,
      %parallel_loop3A_166 = vector.shape_cast %parallel_loop3A_165 : vector<1x16xf32> to vector<16xf32>
      %parallel_loop3A_167 = arith.addf %parallel_loop3A_135, %parallel_loop3A_166 : vector<16xf32>
      %parallel_loop3A_168 = arith.constant 8 : i32
      %parallel_loop3A_169 = arith.addi %parallel_loop3A_111, %parallel_loop3A_168 : i32
      %parallel_loop3A_170 = arith.index_cast %parallel_loop3A_169 : i32 to index
      %parallel_loop3A_171 = arith.constant 0 : index
      %parallel_loop3A_172 = tpu.vector_load %arg8[%parallel_loop3A_170, %parallel_loop3A_171] {strides = array<i32>} : memref<1664x16xf32, #tpu.memory_space<vmem>>, vector<1x16xf32>,
      %parallel_loop3A_173 = vector.shape_cast %parallel_loop3A_172 : vector<1x16xf32> to vector<16xf32>
      %parallel_loop3A_174 = arith.addf %parallel_loop3A_146, %parallel_loop3A_173 : vector<16xf32>
      %parallel_loop3A_175 = arith.constant 9 : i32
      %parallel_loop3A_176 = arith.addi %parallel_loop3A_111, %parallel_loop3A_175 : i32
      %parallel_loop3A_177 = arith.index_cast %parallel_loop3A_176 : i32 to index
      %parallel_loop3A_178 = arith.constant 0 : index
      %parallel_loop3A_179 = tpu.vector_load %arg8[%parallel_loop3A_177, %parallel_loop3A_178] {strides = array<i32>} : memref<1664x16xf32, #tpu.memory_space<vmem>>, vector<1x16xf32>,
      %parallel_loop3A_180 = vector.shape_cast %parallel_loop3A_179 : vector<1x16xf32> to vector<16xf32>
      %parallel_loop3A_181 = arith.addf %parallel_loop3A_153, %parallel_loop3A_180 : vector<16xf32>
      %parallel_loop3A_182 = arith.constant 10 : i32
      %parallel_loop3A_183 = arith.addi %parallel_loop3A_111, %parallel_loop3A_182 : i32
      %parallel_loop3A_184 = arith.index_cast %parallel_loop3A_183 : i32 to index
      %parallel_loop3A_185 = arith.constant 0 : index
      %parallel_loop3A_186 = tpu.vector_load %arg8[%parallel_loop3A_184, %parallel_loop3A_185] {strides = array<i32>} : memref<1664x16xf32, #tpu.memory_space<vmem>>, vector<1x16xf32>,
      %parallel_loop3A_187 = vector.shape_cast %parallel_loop3A_186 : vector<1x16xf32> to vector<16xf32>
      %parallel_loop3A_188 = arith.addf %parallel_loop3A_160, %parallel_loop3A_187 : vector<16xf32>
      %parallel_loop3A_189 = arith.constant 11 : i32
      %parallel_loop3A_190 = arith.addi %parallel_loop3A_111, %parallel_loop3A_189 : i32
      %parallel_loop3A_191 = arith.index_cast %parallel_loop3A_190 : i32 to index
      %parallel_loop3A_192 = arith.constant 0 : index
      %parallel_loop3A_193 = tpu.vector_load %arg8[%parallel_loop3A_191, %parallel_loop3A_192] {strides = array<i32>} : memref<1664x16xf32, #tpu.memory_space<vmem>>, vector<1x16xf32>,
      %parallel_loop3A_194 = vector.shape_cast %parallel_loop3A_193 : vector<1x16xf32> to vector<16xf32>
      %parallel_loop3A_195 = arith.addf %parallel_loop3A_167, %parallel_loop3A_194 : vector<16xf32>
      %parallel_loop3A_196 = arith.constant 12 : i32
      %parallel_loop3A_197 = arith.addi %parallel_loop3A_111, %parallel_loop3A_196 : i32
      %parallel_loop3A_198 = arith.index_cast %parallel_loop3A_197 : i32 to index
      %parallel_loop3A_199 = arith.constant 0 : index
      %parallel_loop3A_200 = tpu.vector_load %arg8[%parallel_loop3A_198, %parallel_loop3A_199] {strides = array<i32>} : memref<1664x16xf32, #tpu.memory_space<vmem>>, vector<1x16xf32>,
      %parallel_loop3A_201 = vector.shape_cast %parallel_loop3A_200 : vector<1x16xf32> to vector<16xf32>
      %parallel_loop3A_202 = arith.addf %parallel_loop3A_174, %parallel_loop3A_201 : vector<16xf32>
      %parallel_loop3A_203 = arith.constant 13 : i32
      %parallel_loop3A_204 = arith.addi %parallel_loop3A_111, %parallel_loop3A_203 : i32
      %parallel_loop3A_205 = arith.index_cast %parallel_loop3A_204 : i32 to index
      %parallel_loop3A_206 = arith.constant 0 : index
      %parallel_loop3A_207 = tpu.vector_load %arg8[%parallel_loop3A_205, %parallel_loop3A_206] {strides = array<i32>} : memref<1664x16xf32, #tpu.memory_space<vmem>>, vector<1x16xf32>,
      %parallel_loop3A_208 = vector.shape_cast %parallel_loop3A_207 : vector<1x16xf32> to vector<16xf32>
      %parallel_loop3A_209 = arith.addf %parallel_loop3A_181, %parallel_loop3A_208 : vector<16xf32>
      %parallel_loop3A_210 = arith.constant 14 : i32
      %parallel_loop3A_211 = arith.addi %parallel_loop3A_111, %parallel_loop3A_210 : i32
      %parallel_loop3A_212 = arith.index_cast %parallel_loop3A_211 : i32 to index
      %parallel_loop3A_213 = arith.constant 0 : index
      %parallel_loop3A_214 = tpu.vector_load %arg8[%parallel_loop3A_212, %parallel_loop3A_213] {strides = array<i32>} : memref<1664x16xf32, #tpu.memory_space<vmem>>, vector<1x16xf32>,
      %parallel_loop3A_215 = vector.shape_cast %parallel_loop3A_214 : vector<1x16xf32> to vector<16xf32>
      %parallel_loop3A_216 = arith.addf %parallel_loop3A_188, %parallel_loop3A_215 : vector<16xf32>
      %parallel_loop3A_217 = arith.constant 15 : i32
      %parallel_loop3A_218 = arith.addi %parallel_loop3A_111, %parallel_loop3A_217 : i32
      %parallel_loop3A_219 = arith.index_cast %parallel_loop3A_218 : i32 to index
      %parallel_loop3A_220 = arith.constant 0 : index
      %parallel_loop3A_221 = tpu.vector_load %arg8[%parallel_loop3A_219, %parallel_loop3A_220] {strides = array<i32>} : memref<1664x16xf32, #tpu.memory_space<vmem>>, vector<1x16xf32>,
      %parallel_loop3A_222 = vector.shape_cast %parallel_loop3A_221 : vector<1x16xf32> to vector<16xf32>
      %parallel_loop3A_223 = arith.addf %parallel_loop3A_195, %parallel_loop3A_222 : vector<16xf32>
      %parallel_loop3A_224 = arith.constant 16 : i32
      %parallel_loop3A_225 = arith.addi %parallel_loop3A_111, %parallel_loop3A_224 : i32
      %parallel_loop3A_226 = arith.index_cast %parallel_loop3A_225 : i32 to index
      %parallel_loop3A_227 = arith.constant 0 : index
      %parallel_loop3A_228 = tpu.vector_load %arg8[%parallel_loop3A_226, %parallel_loop3A_227] {strides = array<i32>} : memref<1664x16xf32, #tpu.memory_space<vmem>>, vector<1x16xf32>,
      %parallel_loop3A_229 = vector.shape_cast %parallel_loop3A_228 : vector<1x16xf32> to vector<16xf32>
      %parallel_loop3A_230 = arith.addf %parallel_loop3A_202, %parallel_loop3A_229 : vector<16xf32>
      %parallel_loop3A_231 = arith.constant 17 : i32
      %parallel_loop3A_232 = arith.addi %parallel_loop3A_111, %parallel_loop3A_231 : i32
      %parallel_loop3A_233 = arith.index_cast %parallel_loop3A_232 : i32 to index
      %parallel_loop3A_234 = arith.constant 0 : index
      %parallel_loop3A_235 = tpu.vector_load %arg8[%parallel_loop3A_233, %parallel_loop3A_234] {strides = array<i32>} : memref<1664x16xf32, #tpu.memory_space<vmem>>, vector<1x16xf32>,
      %parallel_loop3A_236 = vector.shape_cast %parallel_loop3A_235 : vector<1x16xf32> to vector<16xf32>
      %parallel_loop3A_237 = arith.addf %parallel_loop3A_209, %parallel_loop3A_236 : vector<16xf32>
      %parallel_loop3A_238 = arith.constant 18 : i32
      %parallel_loop3A_239 = arith.addi %parallel_loop3A_111, %parallel_loop3A_238 : i32
      %parallel_loop3A_240 = arith.index_cast %parallel_loop3A_239 : i32 to index
      %parallel_loop3A_241 = arith.constant 0 : index
      %parallel_loop3A_242 = tpu.vector_load %arg8[%parallel_loop3A_240, %parallel_loop3A_241] {strides = array<i32>} : memref<1664x16xf32, #tpu.memory_space<vmem>>, vector<1x16xf32>,
      %parallel_loop3A_243 = vector.shape_cast %parallel_loop3A_242 : vector<1x16xf32> to vector<16xf32>
      %parallel_loop3A_244 = arith.addf %parallel_loop3A_216, %parallel_loop3A_243 : vector<16xf32>
      %parallel_loop3A_245 = arith.constant 19 : i32
      %parallel_loop3A_246 = arith.addi %parallel_loop3A_111, %parallel_loop3A_245 : i32
      %parallel_loop3A_247 = arith.index_cast %parallel_loop3A_246 : i32 to index
      %parallel_loop3A_248 = arith.constant 0 : index
      %parallel_loop3A_249 = tpu.vector_load %arg8[%parallel_loop3A_247, %parallel_loop3A_248] {strides = array<i32>} : memref<1664x16xf32, #tpu.memory_space<vmem>>, vector<1x16xf32>,
      %parallel_loop3A_250 = vector.shape_cast %parallel_loop3A_249 : vector<1x16xf32> to vector<16xf32>
      %parallel_loop3A_251 = arith.addf %parallel_loop3A_223, %parallel_loop3A_250 : vector<16xf32>
      %parallel_loop3A_252 = arith.constant 20 : i32
      %parallel_loop3A_253 = arith.addi %parallel_loop3A_111, %parallel_loop3A_252 : i32
      %parallel_loop3A_254 = arith.index_cast %parallel_loop3A_253 : i32 to index
      %parallel_loop3A_255 = arith.constant 0 : index
      %parallel_loop3A_256 = tpu.vector_load %arg8[%parallel_loop3A_254, %parallel_loop3A_255] {strides = array<i32>} : memref<1664x16xf32, #tpu.memory_space<vmem>>, vector<1x16xf32>,
      %parallel_loop3A_257 = vector.shape_cast %parallel_loop3A_256 : vector<1x16xf32> to vector<16xf32>
      %parallel_loop3A_258 = arith.addf %parallel_loop3A_230, %parallel_loop3A_257 : vector<16xf32>
      %parallel_loop3A_259 = arith.constant 21 : i32
      %parallel_loop3A_260 = arith.addi %parallel_loop3A_111, %parallel_loop3A_259 : i32
      %parallel_loop3A_261 = arith.index_cast %parallel_loop3A_260 : i32 to index
      %parallel_loop3A_262 = arith.constant 0 : index
      %parallel_loop3A_263 = tpu.vector_load %arg8[%parallel_loop3A_261, %parallel_loop3A_262] {strides = array<i32>} : memref<1664x16xf32, #tpu.memory_space<vmem>>, vector<1x16xf32>,
      %parallel_loop3A_264 = vector.shape_cast %parallel_loop3A_263 : vector<1x16xf32> to vector<16xf32>
      %parallel_loop3A_265 = arith.addf %parallel_loop3A_237, %parallel_loop3A_264 : vector<16xf32>
      %parallel_loop3A_266 = arith.constant 22 : i32
      %parallel_loop3A_267 = arith.addi %parallel_loop3A_111, %parallel_loop3A_266 : i32
      %parallel_loop3A_268 = arith.index_cast %parallel_loop3A_267 : i32 to index
      %parallel_loop3A_269 = arith.constant 0 : index
      %parallel_loop3A_270 = tpu.vector_load %arg8[%parallel_loop3A_268, %parallel_loop3A_269] {strides = array<i32>} : memref<1664x16xf32, #tpu.memory_space<vmem>>, vector<1x16xf32>,
      %parallel_loop3A_271 = vector.shape_cast %parallel_loop3A_270 : vector<1x16xf32> to vector<16xf32>
      %parallel_loop3A_272 = arith.addf %parallel_loop3A_244, %parallel_loop3A_271 : vector<16xf32>
      %parallel_loop3A_273 = arith.constant 23 : i32
      %parallel_loop3A_274 = arith.addi %parallel_loop3A_111, %parallel_loop3A_273 : i32
      %parallel_loop3A_275 = arith.index_cast %parallel_loop3A_274 : i32 to index
      %parallel_loop3A_276 = arith.constant 0 : index
      %parallel_loop3A_277 = tpu.vector_load %arg8[%parallel_loop3A_275, %parallel_loop3A_276] {strides = array<i32>} : memref<1664x16xf32, #tpu.memory_space<vmem>>, vector<1x16xf32>,
      %parallel_loop3A_278 = vector.shape_cast %parallel_loop3A_277 : vector<1x16xf32> to vector<16xf32>
      %parallel_loop3A_279 = arith.addf %parallel_loop3A_251, %parallel_loop3A_278 : vector<16xf32>
      %parallel_loop3A_280 = arith.constant 24 : i32
      %parallel_loop3A_281 = arith.addi %parallel_loop3A_111, %parallel_loop3A_280 : i32
      %parallel_loop3A_282 = arith.index_cast %parallel_loop3A_281 : i32 to index
      %parallel_loop3A_283 = arith.constant 0 : index
      %parallel_loop3A_284 = tpu.vector_load %arg8[%parallel_loop3A_282, %parallel_loop3A_283] {strides = array<i32>} : memref<1664x16xf32, #tpu.memory_space<vmem>>, vector<1x16xf32>,
      %parallel_loop3A_285 = vector.shape_cast %parallel_loop3A_284 : vector<1x16xf32> to vector<16xf32>
      %parallel_loop3A_286 = arith.addf %parallel_loop3A_258, %parallel_loop3A_285 : vector<16xf32>
      %parallel_loop3A_287 = arith.constant 25 : i32
      %parallel_loop3A_288 = arith.addi %parallel_loop3A_111, %parallel_loop3A_287 : i32
      %parallel_loop3A_289 = arith.index_cast %parallel_loop3A_288 : i32 to index
      %parallel_loop3A_290 = arith.constant 0 : index
      %parallel_loop3A_291 = tpu.vector_load %arg8[%parallel_loop3A_289, %parallel_loop3A_290] {strides = array<i32>} : memref<1664x16xf32, #tpu.memory_space<vmem>>, vector<1x16xf32>,
      %parallel_loop3A_292 = vector.shape_cast %parallel_loop3A_291 : vector<1x16xf32> to vector<16xf32>
      %parallel_loop3A_293 = arith.addf %parallel_loop3A_265, %parallel_loop3A_292 : vector<16xf32>
      %parallel_loop3A_294 = arith.addf %parallel_loop3A_286, %parallel_loop3A_293 : vector<16xf32>
      %parallel_loop3A_295 = arith.addf %parallel_loop3A_272, %parallel_loop3A_279 : vector<16xf32>
      %parallel_loop3A_296 = arith.addf %parallel_loop3A_294, %parallel_loop3A_295 : vector<16xf32>
      %parallel_loop3A_297 = arith.constant 384 : i32
      %parallel_loop3A_298 = arith.addi %parallel_loop3A_297, %parallel_loop3A_109 : i32
      %parallel_loop3A_299 = arith.index_cast %parallel_loop3A_298 : i32 to index
      %parallel_loop3A_300 = arith.constant 0 : index
      %parallel_loop3A_301 = tpu.vector_load %arg10[%parallel_loop3A_299, %parallel_loop3A_300] {strides = array<i32>} : memref<512x16xf32, #tpu.memory_space<vmem>>, vector<1x16xf32>,
      %parallel_loop3A_302 = vector.shape_cast %parallel_loop3A_301 : vector<1x16xf32> to vector<16xf32>
      %parallel_loop3A_303 = vector.shape_cast %parallel_loop3A_296 : vector<16xf32> to vector<1x16xf32>
      tpu.vector_store %arg10[%parallel_loop3A_299, %parallel_loop3A_300], %parallel_loop3A_303 {strides = array<i32>} : memref<512x16xf32, #tpu.memory_space<vmem>>, vector<1x16xf32>,
    } {sc.loop_unroll_factor = 1 : i64, sc.parallel_access}
    %dma_wait3A_99 = arith.constant 11648 : i32
    %dma_wait3A_100 = tpu.memref_slice %arg7[%dma_wait3A_99] : memref<13312xi32, #tpu.memory_space<vmem>> -> memref<1664xi32, #tpu.memory_space<vmem>>
    %dma_wait3A_101 = arith.constant 0 : i32
    %dma_wait3A_102 = arith.constant 0 : i32
    %dma_wait3A_103 = tpu.memref_slice %arg3[%dma_wait3A_101, %dma_wait3A_102] : memref<2600000x16xf32, #tpu.memory_space<hbm>> -> memref<2600000x16xf32, #tpu.memory_space<hbm>>
    tpu.wait_indirect_dma semaphore(%arg14 : memref<!tpu.dma_semaphore, #tpu.memory_space<semaphore_mem>>) src(%dma_wait3A_103 : memref<2600000x16xf32, #tpu.memory_space<hbm>>) dst(%arg9 : memref<1664x16xf32, #tpu.memory_space<vmem>>)
    %parallel_loop3A_104 = arith.constant 0 : i32
    %parallel_loop3A_105 = arith.constant 64 : i32
    %parallel_loop3A_106 = arith.constant 1 : i32
    scf.for %parallel_loop3A_109 = %parallel_loop3A_104 to %parallel_loop3A_105 step %parallel_loop3A_106  : i32 {
      %parallel_loop3A_110 = arith.constant 26 : i32
      %parallel_loop3A_111 = arith.muli %parallel_loop3A_109, %parallel_loop3A_110 : i32
      %parallel_loop3A_112 = arith.constant 0 : i32
      %parallel_loop3A_113 = arith.addi %parallel_loop3A_111, %parallel_loop3A_112 : i32
      %parallel_loop3A_114 = arith.index_cast %parallel_loop3A_113 : i32 to index
      %parallel_loop3A_115 = arith.constant 0 : index
      %parallel_loop3A_116 = tpu.vector_load %arg9[%parallel_loop3A_114, %parallel_loop3A_115] {strides = array<i32>} : memref<1664x16xf32, #tpu.memory_space<vmem>>, vector<1x16xf32>,
      %parallel_loop3A_117 = vector.shape_cast %parallel_loop3A_116 : vector<1x16xf32> to vector<16xf32>
      %parallel_loop3A_118 = arith.constant 1 : i32
      %parallel_loop3A_119 = arith.addi %parallel_loop3A_111, %parallel_loop3A_118 : i32
      %parallel_loop3A_120 = arith.index_cast %parallel_loop3A_119 : i32 to index
      %parallel_loop3A_121 = arith.constant 0 : index
      %parallel_loop3A_122 = tpu.vector_load %arg9[%parallel_loop3A_120, %parallel_loop3A_121] {strides = array<i32>} : memref<1664x16xf32, #tpu.memory_space<vmem>>, vector<1x16xf32>,
      %parallel_loop3A_123 = vector.shape_cast %parallel_loop3A_122 : vector<1x16xf32> to vector<16xf32>
      %parallel_loop3A_124 = arith.constant 2 : i32
      %parallel_loop3A_125 = arith.addi %parallel_loop3A_111, %parallel_loop3A_124 : i32
      %parallel_loop3A_126 = arith.index_cast %parallel_loop3A_125 : i32 to index
      %parallel_loop3A_127 = arith.constant 0 : index
      %parallel_loop3A_128 = tpu.vector_load %arg9[%parallel_loop3A_126, %parallel_loop3A_127] {strides = array<i32>} : memref<1664x16xf32, #tpu.memory_space<vmem>>, vector<1x16xf32>,
      %parallel_loop3A_129 = vector.shape_cast %parallel_loop3A_128 : vector<1x16xf32> to vector<16xf32>
      %parallel_loop3A_130 = arith.constant 3 : i32
      %parallel_loop3A_131 = arith.addi %parallel_loop3A_111, %parallel_loop3A_130 : i32
      %parallel_loop3A_132 = arith.index_cast %parallel_loop3A_131 : i32 to index
      %parallel_loop3A_133 = arith.constant 0 : index
      %parallel_loop3A_134 = tpu.vector_load %arg9[%parallel_loop3A_132, %parallel_loop3A_133] {strides = array<i32>} : memref<1664x16xf32, #tpu.memory_space<vmem>>, vector<1x16xf32>,
      %parallel_loop3A_135 = vector.shape_cast %parallel_loop3A_134 : vector<1x16xf32> to vector<16xf32>
      %parallel_loop3A_136 = arith.constant 0 : index
      %parallel_loop3A_137 = tpu.vector_load %arg11[%parallel_loop3A_136] {strides = array<i32>} : memref<16xf32, #tpu.memory_space<vmem>>, vector<16xf32>,
      %parallel_loop3A_138 = vector.shape_cast %parallel_loop3A_137 : vector<16xf32> to vector<16xf32>
      %parallel_loop3A_139 = arith.addf %parallel_loop3A_117, %parallel_loop3A_138 : vector<16xf32>
      %parallel_loop3A_140 = arith.constant 4 : i32
      %parallel_loop3A_141 = arith.addi %parallel_loop3A_111, %parallel_loop3A_140 : i32
      %parallel_loop3A_142 = arith.index_cast %parallel_loop3A_141 : i32 to index
      %parallel_loop3A_143 = arith.constant 0 : index
      %parallel_loop3A_144 = tpu.vector_load %arg9[%parallel_loop3A_142, %parallel_loop3A_143] {strides = array<i32>} : memref<1664x16xf32, #tpu.memory_space<vmem>>, vector<1x16xf32>,
      %parallel_loop3A_145 = vector.shape_cast %parallel_loop3A_144 : vector<1x16xf32> to vector<16xf32>
      %parallel_loop3A_146 = arith.addf %parallel_loop3A_139, %parallel_loop3A_145 : vector<16xf32>
      %parallel_loop3A_147 = arith.constant 5 : i32
      %parallel_loop3A_148 = arith.addi %parallel_loop3A_111, %parallel_loop3A_147 : i32
      %parallel_loop3A_149 = arith.index_cast %parallel_loop3A_148 : i32 to index
      %parallel_loop3A_150 = arith.constant 0 : index
      %parallel_loop3A_151 = tpu.vector_load %arg9[%parallel_loop3A_149, %parallel_loop3A_150] {strides = array<i32>} : memref<1664x16xf32, #tpu.memory_space<vmem>>, vector<1x16xf32>,
      %parallel_loop3A_152 = vector.shape_cast %parallel_loop3A_151 : vector<1x16xf32> to vector<16xf32>
      %parallel_loop3A_153 = arith.addf %parallel_loop3A_123, %parallel_loop3A_152 : vector<16xf32>
      %parallel_loop3A_154 = arith.constant 6 : i32
      %parallel_loop3A_155 = arith.addi %parallel_loop3A_111, %parallel_loop3A_154 : i32
      %parallel_loop3A_156 = arith.index_cast %parallel_loop3A_155 : i32 to index
      %parallel_loop3A_157 = arith.constant 0 : index
      %parallel_loop3A_158 = tpu.vector_load %arg9[%parallel_loop3A_156, %parallel_loop3A_157] {strides = array<i32>} : memref<1664x16xf32, #tpu.memory_space<vmem>>, vector<1x16xf32>,
      %parallel_loop3A_159 = vector.shape_cast %parallel_loop3A_158 : vector<1x16xf32> to vector<16xf32>
      %parallel_loop3A_160 = arith.addf %parallel_loop3A_129, %parallel_loop3A_159 : vector<16xf32>
      %parallel_loop3A_161 = arith.constant 7 : i32
      %parallel_loop3A_162 = arith.addi %parallel_loop3A_111, %parallel_loop3A_161 : i32
      %parallel_loop3A_163 = arith.index_cast %parallel_loop3A_162 : i32 to index
      %parallel_loop3A_164 = arith.constant 0 : index
      %parallel_loop3A_165 = tpu.vector_load %arg9[%parallel_loop3A_163, %parallel_loop3A_164] {strides = array<i32>} : memref<1664x16xf32, #tpu.memory_space<vmem>>, vector<1x16xf32>,
      %parallel_loop3A_166 = vector.shape_cast %parallel_loop3A_165 : vector<1x16xf32> to vector<16xf32>
      %parallel_loop3A_167 = arith.addf %parallel_loop3A_135, %parallel_loop3A_166 : vector<16xf32>
      %parallel_loop3A_168 = arith.constant 8 : i32
      %parallel_loop3A_169 = arith.addi %parallel_loop3A_111, %parallel_loop3A_168 : i32
      %parallel_loop3A_170 = arith.index_cast %parallel_loop3A_169 : i32 to index
      %parallel_loop3A_171 = arith.constant 0 : index
      %parallel_loop3A_172 = tpu.vector_load %arg9[%parallel_loop3A_170, %parallel_loop3A_171] {strides = array<i32>} : memref<1664x16xf32, #tpu.memory_space<vmem>>, vector<1x16xf32>,
      %parallel_loop3A_173 = vector.shape_cast %parallel_loop3A_172 : vector<1x16xf32> to vector<16xf32>
      %parallel_loop3A_174 = arith.addf %parallel_loop3A_146, %parallel_loop3A_173 : vector<16xf32>
      %parallel_loop3A_175 = arith.constant 9 : i32
      %parallel_loop3A_176 = arith.addi %parallel_loop3A_111, %parallel_loop3A_175 : i32
      %parallel_loop3A_177 = arith.index_cast %parallel_loop3A_176 : i32 to index
      %parallel_loop3A_178 = arith.constant 0 : index
      %parallel_loop3A_179 = tpu.vector_load %arg9[%parallel_loop3A_177, %parallel_loop3A_178] {strides = array<i32>} : memref<1664x16xf32, #tpu.memory_space<vmem>>, vector<1x16xf32>,
      %parallel_loop3A_180 = vector.shape_cast %parallel_loop3A_179 : vector<1x16xf32> to vector<16xf32>
      %parallel_loop3A_181 = arith.addf %parallel_loop3A_153, %parallel_loop3A_180 : vector<16xf32>
      %parallel_loop3A_182 = arith.constant 10 : i32
      %parallel_loop3A_183 = arith.addi %parallel_loop3A_111, %parallel_loop3A_182 : i32
      %parallel_loop3A_184 = arith.index_cast %parallel_loop3A_183 : i32 to index
      %parallel_loop3A_185 = arith.constant 0 : index
      %parallel_loop3A_186 = tpu.vector_load %arg9[%parallel_loop3A_184, %parallel_loop3A_185] {strides = array<i32>} : memref<1664x16xf32, #tpu.memory_space<vmem>>, vector<1x16xf32>,
      %parallel_loop3A_187 = vector.shape_cast %parallel_loop3A_186 : vector<1x16xf32> to vector<16xf32>
      %parallel_loop3A_188 = arith.addf %parallel_loop3A_160, %parallel_loop3A_187 : vector<16xf32>
      %parallel_loop3A_189 = arith.constant 11 : i32
      %parallel_loop3A_190 = arith.addi %parallel_loop3A_111, %parallel_loop3A_189 : i32
      %parallel_loop3A_191 = arith.index_cast %parallel_loop3A_190 : i32 to index
      %parallel_loop3A_192 = arith.constant 0 : index
      %parallel_loop3A_193 = tpu.vector_load %arg9[%parallel_loop3A_191, %parallel_loop3A_192] {strides = array<i32>} : memref<1664x16xf32, #tpu.memory_space<vmem>>, vector<1x16xf32>,
      %parallel_loop3A_194 = vector.shape_cast %parallel_loop3A_193 : vector<1x16xf32> to vector<16xf32>
      %parallel_loop3A_195 = arith.addf %parallel_loop3A_167, %parallel_loop3A_194 : vector<16xf32>
      %parallel_loop3A_196 = arith.constant 12 : i32
      %parallel_loop3A_197 = arith.addi %parallel_loop3A_111, %parallel_loop3A_196 : i32
      %parallel_loop3A_198 = arith.index_cast %parallel_loop3A_197 : i32 to index
      %parallel_loop3A_199 = arith.constant 0 : index
      %parallel_loop3A_200 = tpu.vector_load %arg9[%parallel_loop3A_198, %parallel_loop3A_199] {strides = array<i32>} : memref<1664x16xf32, #tpu.memory_space<vmem>>, vector<1x16xf32>,
      %parallel_loop3A_201 = vector.shape_cast %parallel_loop3A_200 : vector<1x16xf32> to vector<16xf32>
      %parallel_loop3A_202 = arith.addf %parallel_loop3A_174, %parallel_loop3A_201 : vector<16xf32>
      %parallel_loop3A_203 = arith.constant 13 : i32
      %parallel_loop3A_204 = arith.addi %parallel_loop3A_111, %parallel_loop3A_203 : i32
      %parallel_loop3A_205 = arith.index_cast %parallel_loop3A_204 : i32 to index
      %parallel_loop3A_206 = arith.constant 0 : index
      %parallel_loop3A_207 = tpu.vector_load %arg9[%parallel_loop3A_205, %parallel_loop3A_206] {strides = array<i32>} : memref<1664x16xf32, #tpu.memory_space<vmem>>, vector<1x16xf32>,
      %parallel_loop3A_208 = vector.shape_cast %parallel_loop3A_207 : vector<1x16xf32> to vector<16xf32>
      %parallel_loop3A_209 = arith.addf %parallel_loop3A_181, %parallel_loop3A_208 : vector<16xf32>
      %parallel_loop3A_210 = arith.constant 14 : i32
      %parallel_loop3A_211 = arith.addi %parallel_loop3A_111, %parallel_loop3A_210 : i32
      %parallel_loop3A_212 = arith.index_cast %parallel_loop3A_211 : i32 to index
      %parallel_loop3A_213 = arith.constant 0 : index
      %parallel_loop3A_214 = tpu.vector_load %arg9[%parallel_loop3A_212, %parallel_loop3A_213] {strides = array<i32>} : memref<1664x16xf32, #tpu.memory_space<vmem>>, vector<1x16xf32>,
      %parallel_loop3A_215 = vector.shape_cast %parallel_loop3A_214 : vector<1x16xf32> to vector<16xf32>
      %parallel_loop3A_216 = arith.addf %parallel_loop3A_188, %parallel_loop3A_215 : vector<16xf32>
      %parallel_loop3A_217 = arith.constant 15 : i32
      %parallel_loop3A_218 = arith.addi %parallel_loop3A_111, %parallel_loop3A_217 : i32
      %parallel_loop3A_219 = arith.index_cast %parallel_loop3A_218 : i32 to index
      %parallel_loop3A_220 = arith.constant 0 : index
      %parallel_loop3A_221 = tpu.vector_load %arg9[%parallel_loop3A_219, %parallel_loop3A_220] {strides = array<i32>} : memref<1664x16xf32, #tpu.memory_space<vmem>>, vector<1x16xf32>,
      %parallel_loop3A_222 = vector.shape_cast %parallel_loop3A_221 : vector<1x16xf32> to vector<16xf32>
      %parallel_loop3A_223 = arith.addf %parallel_loop3A_195, %parallel_loop3A_222 : vector<16xf32>
      %parallel_loop3A_224 = arith.constant 16 : i32
      %parallel_loop3A_225 = arith.addi %parallel_loop3A_111, %parallel_loop3A_224 : i32
      %parallel_loop3A_226 = arith.index_cast %parallel_loop3A_225 : i32 to index
      %parallel_loop3A_227 = arith.constant 0 : index
      %parallel_loop3A_228 = tpu.vector_load %arg9[%parallel_loop3A_226, %parallel_loop3A_227] {strides = array<i32>} : memref<1664x16xf32, #tpu.memory_space<vmem>>, vector<1x16xf32>,
      %parallel_loop3A_229 = vector.shape_cast %parallel_loop3A_228 : vector<1x16xf32> to vector<16xf32>
      %parallel_loop3A_230 = arith.addf %parallel_loop3A_202, %parallel_loop3A_229 : vector<16xf32>
      %parallel_loop3A_231 = arith.constant 17 : i32
      %parallel_loop3A_232 = arith.addi %parallel_loop3A_111, %parallel_loop3A_231 : i32
      %parallel_loop3A_233 = arith.index_cast %parallel_loop3A_232 : i32 to index
      %parallel_loop3A_234 = arith.constant 0 : index
      %parallel_loop3A_235 = tpu.vector_load %arg9[%parallel_loop3A_233, %parallel_loop3A_234] {strides = array<i32>} : memref<1664x16xf32, #tpu.memory_space<vmem>>, vector<1x16xf32>,
      %parallel_loop3A_236 = vector.shape_cast %parallel_loop3A_235 : vector<1x16xf32> to vector<16xf32>
      %parallel_loop3A_237 = arith.addf %parallel_loop3A_209, %parallel_loop3A_236 : vector<16xf32>
      %parallel_loop3A_238 = arith.constant 18 : i32
      %parallel_loop3A_239 = arith.addi %parallel_loop3A_111, %parallel_loop3A_238 : i32
      %parallel_loop3A_240 = arith.index_cast %parallel_loop3A_239 : i32 to index
      %parallel_loop3A_241 = arith.constant 0 : index
      %parallel_loop3A_242 = tpu.vector_load %arg9[%parallel_loop3A_240, %parallel_loop3A_241] {strides = array<i32>} : memref<1664x16xf32, #tpu.memory_space<vmem>>, vector<1x16xf32>,
      %parallel_loop3A_243 = vector.shape_cast %parallel_loop3A_242 : vector<1x16xf32> to vector<16xf32>
      %parallel_loop3A_244 = arith.addf %parallel_loop3A_216, %parallel_loop3A_243 : vector<16xf32>
      %parallel_loop3A_245 = arith.constant 19 : i32
      %parallel_loop3A_246 = arith.addi %parallel_loop3A_111, %parallel_loop3A_245 : i32
      %parallel_loop3A_247 = arith.index_cast %parallel_loop3A_246 : i32 to index
      %parallel_loop3A_248 = arith.constant 0 : index
      %parallel_loop3A_249 = tpu.vector_load %arg9[%parallel_loop3A_247, %parallel_loop3A_248] {strides = array<i32>} : memref<1664x16xf32, #tpu.memory_space<vmem>>, vector<1x16xf32>,
      %parallel_loop3A_250 = vector.shape_cast %parallel_loop3A_249 : vector<1x16xf32> to vector<16xf32>
      %parallel_loop3A_251 = arith.addf %parallel_loop3A_223, %parallel_loop3A_250 : vector<16xf32>
      %parallel_loop3A_252 = arith.constant 20 : i32
      %parallel_loop3A_253 = arith.addi %parallel_loop3A_111, %parallel_loop3A_252 : i32
      %parallel_loop3A_254 = arith.index_cast %parallel_loop3A_253 : i32 to index
      %parallel_loop3A_255 = arith.constant 0 : index
      %parallel_loop3A_256 = tpu.vector_load %arg9[%parallel_loop3A_254, %parallel_loop3A_255] {strides = array<i32>} : memref<1664x16xf32, #tpu.memory_space<vmem>>, vector<1x16xf32>,
      %parallel_loop3A_257 = vector.shape_cast %parallel_loop3A_256 : vector<1x16xf32> to vector<16xf32>
      %parallel_loop3A_258 = arith.addf %parallel_loop3A_230, %parallel_loop3A_257 : vector<16xf32>
      %parallel_loop3A_259 = arith.constant 21 : i32
      %parallel_loop3A_260 = arith.addi %parallel_loop3A_111, %parallel_loop3A_259 : i32
      %parallel_loop3A_261 = arith.index_cast %parallel_loop3A_260 : i32 to index
      %parallel_loop3A_262 = arith.constant 0 : index
      %parallel_loop3A_263 = tpu.vector_load %arg9[%parallel_loop3A_261, %parallel_loop3A_262] {strides = array<i32>} : memref<1664x16xf32, #tpu.memory_space<vmem>>, vector<1x16xf32>,
      %parallel_loop3A_264 = vector.shape_cast %parallel_loop3A_263 : vector<1x16xf32> to vector<16xf32>
      %parallel_loop3A_265 = arith.addf %parallel_loop3A_237, %parallel_loop3A_264 : vector<16xf32>
      %parallel_loop3A_266 = arith.constant 22 : i32
      %parallel_loop3A_267 = arith.addi %parallel_loop3A_111, %parallel_loop3A_266 : i32
      %parallel_loop3A_268 = arith.index_cast %parallel_loop3A_267 : i32 to index
      %parallel_loop3A_269 = arith.constant 0 : index
      %parallel_loop3A_270 = tpu.vector_load %arg9[%parallel_loop3A_268, %parallel_loop3A_269] {strides = array<i32>} : memref<1664x16xf32, #tpu.memory_space<vmem>>, vector<1x16xf32>,
      %parallel_loop3A_271 = vector.shape_cast %parallel_loop3A_270 : vector<1x16xf32> to vector<16xf32>
      %parallel_loop3A_272 = arith.addf %parallel_loop3A_244, %parallel_loop3A_271 : vector<16xf32>
      %parallel_loop3A_273 = arith.constant 23 : i32
      %parallel_loop3A_274 = arith.addi %parallel_loop3A_111, %parallel_loop3A_273 : i32
      %parallel_loop3A_275 = arith.index_cast %parallel_loop3A_274 : i32 to index
      %parallel_loop3A_276 = arith.constant 0 : index
      %parallel_loop3A_277 = tpu.vector_load %arg9[%parallel_loop3A_275, %parallel_loop3A_276] {strides = array<i32>} : memref<1664x16xf32, #tpu.memory_space<vmem>>, vector<1x16xf32>,
      %parallel_loop3A_278 = vector.shape_cast %parallel_loop3A_277 : vector<1x16xf32> to vector<16xf32>
      %parallel_loop3A_279 = arith.addf %parallel_loop3A_251, %parallel_loop3A_278 : vector<16xf32>
      %parallel_loop3A_280 = arith.constant 24 : i32
      %parallel_loop3A_281 = arith.addi %parallel_loop3A_111, %parallel_loop3A_280 : i32
      %parallel_loop3A_282 = arith.index_cast %parallel_loop3A_281 : i32 to index
      %parallel_loop3A_283 = arith.constant 0 : index
      %parallel_loop3A_284 = tpu.vector_load %arg9[%parallel_loop3A_282, %parallel_loop3A_283] {strides = array<i32>} : memref<1664x16xf32, #tpu.memory_space<vmem>>, vector<1x16xf32>,
      %parallel_loop3A_285 = vector.shape_cast %parallel_loop3A_284 : vector<1x16xf32> to vector<16xf32>
      %parallel_loop3A_286 = arith.addf %parallel_loop3A_258, %parallel_loop3A_285 : vector<16xf32>
      %parallel_loop3A_287 = arith.constant 25 : i32
      %parallel_loop3A_288 = arith.addi %parallel_loop3A_111, %parallel_loop3A_287 : i32
      %parallel_loop3A_289 = arith.index_cast %parallel_loop3A_288 : i32 to index
      %parallel_loop3A_290 = arith.constant 0 : index
      %parallel_loop3A_291 = tpu.vector_load %arg9[%parallel_loop3A_289, %parallel_loop3A_290] {strides = array<i32>} : memref<1664x16xf32, #tpu.memory_space<vmem>>, vector<1x16xf32>,
      %parallel_loop3A_292 = vector.shape_cast %parallel_loop3A_291 : vector<1x16xf32> to vector<16xf32>
      %parallel_loop3A_293 = arith.addf %parallel_loop3A_265, %parallel_loop3A_292 : vector<16xf32>
      %parallel_loop3A_294 = arith.addf %parallel_loop3A_286, %parallel_loop3A_293 : vector<16xf32>
      %parallel_loop3A_295 = arith.addf %parallel_loop3A_272, %parallel_loop3A_279 : vector<16xf32>
      %parallel_loop3A_296 = arith.addf %parallel_loop3A_294, %parallel_loop3A_295 : vector<16xf32>
      %parallel_loop3A_297 = arith.constant 448 : i32
      %parallel_loop3A_298 = arith.addi %parallel_loop3A_297, %parallel_loop3A_109 : i32
      %parallel_loop3A_299 = arith.index_cast %parallel_loop3A_298 : i32 to index
      %parallel_loop3A_300 = arith.constant 0 : index
      %parallel_loop3A_301 = tpu.vector_load %arg10[%parallel_loop3A_299, %parallel_loop3A_300] {strides = array<i32>} : memref<512x16xf32, #tpu.memory_space<vmem>>, vector<1x16xf32>,
      %parallel_loop3A_302 = vector.shape_cast %parallel_loop3A_301 : vector<1x16xf32> to vector<16xf32>
      %parallel_loop3A_303 = vector.shape_cast %parallel_loop3A_296 : vector<16xf32> to vector<1x16xf32>
      tpu.vector_store %arg10[%parallel_loop3A_299, %parallel_loop3A_300], %parallel_loop3A_303 {strides = array<i32>} : memref<512x16xf32, #tpu.memory_space<vmem>>, vector<1x16xf32>,
    } {sc.loop_unroll_factor = 1 : i64, sc.parallel_access}
    %mul3A_107 = arith.constant 512 : i32
    %mul3A_108 = arith.muli %add3A, %mul3A_107 : i32
    "tpu.region"() ({
      %run_scoped3A = tpu.sem_alloc : memref<!tpu.dma_semaphore, #tpu.memory_space<semaphore_mem>>
      %dma_start3A_109 = arith.constant 0 : i32
      %dma_start3A_110 = tpu.memref_slice %arg6[%mul3A_108, %dma_start3A_109] : memref<16384x16xf32, #tpu.memory_space<hbm>> -> memref<512x16xf32, #tpu.memory_space<hbm>>
      %dma_start3A_111 = arith.constant 0 : i32
      %dma_start3A_112 = tpu.memref_slice %arg6[%mul3A_108, %dma_start3A_111] : memref<16384x16xf32, #tpu.memory_space<hbm>> -> memref<512x16xf32, #tpu.memory_space<hbm>>
      tpu.enqueue_dma source(%arg10 : memref<512x16xf32, #tpu.memory_space<vmem>>) target(%dma_start3A_112 : memref<512x16xf32, #tpu.memory_space<hbm>>) target_semaphore(%run_scoped3A : memref<!tpu.dma_semaphore, #tpu.memory_space<semaphore_mem>>)
      %dma_wait3A_113 = arith.constant 0 : i32
      %dma_wait3A_114 = tpu.memref_slice %arg6[%mul3A_108, %dma_wait3A_113] : memref<16384x16xf32, #tpu.memory_space<hbm>> -> memref<512x16xf32, #tpu.memory_space<hbm>>
      %dma_wait3A_115 = arith.constant 0 : i32
      %dma_wait3A_116 = tpu.memref_slice %arg6[%mul3A_108, %dma_wait3A_115] : memref<16384x16xf32, #tpu.memory_space<hbm>> -> memref<512x16xf32, #tpu.memory_space<hbm>>
      tpu.wait_dma2 semaphore(%run_scoped3A : memref<!tpu.dma_semaphore, #tpu.memory_space<semaphore_mem>>) src(%arg10 : memref<512x16xf32, #tpu.memory_space<vmem>>) dst(%dma_wait3A_116 : memref<512x16xf32, #tpu.memory_space<hbm>>)
      tpu.yield
    }) : () -> ()
    return
  }
}

</mosaic_0001>

<sc_bundles>
// kernel: kernel.4.cloned.1.call-start
scs
__scs_entry_jumppad:
0x0: {  	(pc) =	sbr.rel $0x88, $3  }
0x1: {  	(tag) =	ssettag $0x0;
	lr =	simm.s32 $0x1  }
0x2: {  	[smem:$0x3F9D] =	sst lr;
	_ =	strace $0xD0000000  }
0x3: {  	_ = 	snop  }
0x4: {  	_ = 	snop  }
0x5: {  	_ = 	snop  }
0x6: {  	_ = 	snop  }
0x7: {  	_ = 	snop  }
__scs_overlays_trampoline_lowered:
0x8: {  	[smem:$0x3FAC] =	sst s0  }
0x9: {  	[smem:$0x3FAD] =	sst s1  }
0xa: {  	[smem:$0x3FAE] =	sst s2  }
0xb: {  	[smem:$0x3FAF] =	sst s3  }
0xc: {  	[smem:$0x3FB0] =	sst s4  }
0xd: {  	[smem:$0x3FB1] =	sst s5  }
0xe: {  	[smem:$0x3FB2] =	sst s6  }
0xf: {  	[smem:$0x3FB3] =	sst s7  }
0x10: {  	[smem:$0x3FB4] =	sst s8  }
0x11: {  	[smem:$0x3FB5] =	sst s9;
	s0 =	simm.s32 @!p0 $0x0  }
0x12: {  	s1 =	sld [smem:$0x3F9B];
	s0 =	simm.s32 @p0 $0x1  }
0x13: {  	[smem:$0x3FB6] =	sst s0;
	s0 =	simm.s32 @!p1 $0x0  }
0x14: {  	s2 =	sld [smem:$0x3F9A];
	s0 =	simm.s32 @p1 $0x1  }
0x15: {  	[smem:$0x3FB7] =	sst s0;
	s0 =	simm.s32 @!p2 $0x0  }
0x16: {  	s3 =	sld [smem:$0x3FDB];
	s0 =	simm.s32 @p2 $0x1  }
0x17: {  	s4 =	simm.s32 $0x1BF5;
	[smem:$0x3FB9] =	sst s0  }
0x18: {  	s0 =	sld [smem:$0x3F9C];
	_ =	swait.ge [sflag:s4], $0x0  }
0x19: {  	s7 =	sld [smem:$0x3F9D]  }
0x1a: {  	s8 =	sadd.s32 $0xFFFFE003, lr  }
0x1b: {  	s9 =	sadd.s32 $0xFFFFFEF7, lr;
	s5 =	simm.s32 $0xFFFFFFFF;
	p2 =	slt.u32 s8, $0xFFFFF086  }
0x1c: {  	p1 =	slt.u32 s9, $0xF7A;
	s5 =	simm.s32 @!p2 $0x0  }
0x1d: {  	s5 =	simm.s32 @p1 $0x1;
	p0 =	seq.s32 s7, s2  }
0x1e: {  	s7 =	smul.u32 @!p0 $0xF7A, s2;
	p2 =	seq.s32 @!p0 s5, $0x0  }
0x1f: {  	s9 =	smul.u32 $0xF7A, s1;
	s8 =	simm.s32 @!p0 $0x1BF5;
	p2 =	por !p2, p0  }
0x20: {  	[sflag:s8] =	ssyncset.s32 @!p0 $0xFFFFF086;
	s6 =	sadd.s32 @!p0 s3, s7;
	s7 =	simm.s32 @!p0 $0x108  }
0x21: {  	s3 =	sadd.s32 s3, s9;
	s6 =	sadd.s32 @!p0 $0x88, s6;
	s7 =	simm.s32 @p2 $0x1082  }
0x22: {  	[simem:s7], [sflag:s8] =	dma.local @!p0 [hbm:s6], $0xF7A  }
0x23: {  	s9 =	sor.u32 $0xD0000000, s2;
	s6 =	simm.s32 $0x108;
	_ =	swait.ge @!p0 [sflag:s8], $0x0  }
0x24: {  	s3 =	sadd.s32 $0x88, s3;
	s6 =	simm.s32 @!p1 $0x1082;
	[sflag:s4] =	ssyncset.s32 $0xFFFFF086  }
0x25: {  	[simem:s6], [sflag:s4] =	dma.local [hbm:s3], $0xF7A  }
0x26: {  	[smem:$0x3F9D] =	sst s1;
	(tag) =	ssettag s2;
	_ =	strace s9  }
0x27: {  	s1 =	sld [smem:$0x3FAD]  }
0x28: {  	s2 =	sld [smem:$0x3FAE]  }
0x29: {  	s4 =	sld [smem:$0x3FB0]  }
0x2a: {  	p0 =	seq.s32 s5, $0x0;
	s5 =	sld [smem:$0x3FB1]  }
0x2b: {  	s6 =	sld [smem:$0x3FB2]  }
0x2c: {  	s7 =	sld [smem:$0x3FB3]  }
0x2d: {  	s3 =	simm.s32 $0x108;
	s8 =	sld [smem:$0x3FB4]  }
0x2e: {  	s3 =	simm.s32 @!p0 $0x1082;
	s9 =	sld [smem:$0x3FB5]  }
0x2f: {  	lr =	sadd.s32 s0, s3;
	s0 =	sld [smem:$0x3FAC]  }
0x30: {  	s3 =	sld [smem:$0x3FAF]  }
0x31: {  	[smem:$0x3FB8] =	sst s10  }
0x32: {  	s10 =	sld [smem:$0x3FB6];
	_ =	sdelay $0x3  }
0x33: {  	p0 =	seq.s32 s10, $0x1;
	s10 =	sld [smem:$0x3FB8];
	_ =	sdelay $0x3  }
0x34: {  	[smem:$0x3FB8] =	sst s10  }
0x35: {  	s10 =	sld [smem:$0x3FB7];
	_ =	sdelay $0x3  }
0x36: {  	p1 =	seq.s32 s10, $0x1;
	s10 =	sld [smem:$0x3FB8];
	_ =	sdelay $0x3  }
0x37: {  	[smem:$0x3FB8] =	sst s10  }
0x38: {  	s10 =	sld [smem:$0x3FB9]  }
0x39: {  	_ = 	snop;
	(pc) =	sbr.ind lr, $3  }
0x3a: {  	_ = 	snop  }
0x3b: {  	_ = 	snop  }
0x3c: {  	p2 =	seq.s32 s10, $0x1;
	s10 =	sld [smem:$0x3FB8]  }
0x3d: {  	_ =	shalt  }
0x3e: {  	_ =	shalt  }
0x3f: {  	_ =	shalt  }
0x40: {  	_ =	shalt  }
0x41: {  	_ =	shalt  }
0x42: {  	_ =	shalt  }
0x43: {  	_ =	shalt  }
0x44: {  	_ =	shalt  }
0x45: {  	_ =	shalt  }
0x46: {  	_ =	shalt  }
0x47: {  	_ =	shalt  }
0x48: {  	_ =	shalt  }
0x49: {  	_ =	shalt  }
0x4a: {  	_ =	shalt  }
0x4b: {  	_ =	shalt  }
0x4c: {  	_ =	shalt  }
0x4d: {  	_ =	shalt  }
0x4e: {  	_ =	shalt  }
0x4f: {  	_ =	shalt  }
0x50: {  	_ =	shalt  }
0x51: {  	_ =	shalt  }
0x52: {  	_ =	shalt  }
0x53: {  	_ =	shalt  }
0x54: {  	_ =	shalt  }
0x55: {  	_ =	shalt  }
0x56: {  	_ =	shalt  }
0x57: {  	_ =	shalt  }
0x58: {  	_ =	shalt  }
0x59: {  	_ =	shalt  }
0x5a: {  	_ =	shalt  }
0x5b: {  	_ =	shalt  }
0x5c: {  	_ =	shalt  }
0x5d: {  	_ =	shalt  }
0x5e: {  	_ =	shalt  }
0x5f: {  	_ =	shalt  }
0x60: {  	_ =	shalt  }
0x61: {  	_ =	shalt  }
0x62: {  	_ =	shalt  }
0x63: {  	_ =	shalt  }
0x64: {  	_ =	shalt  }
0x65: {  	_ =	shalt  }
0x66: {  	_ =	shalt  }
0x67: {  	_ =	shalt  }
0x68: {  	_ =	shalt  }
0x69: {  	_ =	shalt  }
0x6a: {  	_ =	shalt  }
0x6b: {  	_ =	shalt  }
0x6c: {  	_ =	shalt  }
0x6d: {  	_ =	shalt  }
0x6e: {  	_ =	shalt  }
0x6f: {  	_ =	shalt  }
0x70: {  	_ =	shalt  }
0x71: {  	_ =	shalt  }
0x72: {  	_ =	shalt  }
0x73: {  	_ =	shalt  }
0x74: {  	_ =	shalt  }
0x75: {  	_ =	shalt  }
0x76: {  	_ =	shalt  }
0x77: {  	_ =	shalt  }
0x78: {  	_ =	shalt  }
0x79: {  	_ =	shalt  }
0x7a: {  	_ =	shalt  }
0x7b: {  	_ =	shalt  }
0x7c: {  	_ =	shalt  }
0x7d: {  	_ =	shalt  }
0x7e: {  	_ =	shalt  }
0x7f: {  	_ =	shalt  }
0x80: {  	_ =	shalt  }
0x81: {  	_ =	shalt  }
0x82: {  	_ =	shalt  }
0x83: {  	_ =	shalt  }
0x84: {  	_ =	shalt  }
0x85: {  	_ =	shalt  }
0x86: {  	_ =	shalt  }
0x87: {  	_ =	shalt  }
.Lfunc_end0:
.L_simem_size_0:
called_computation_lowered:
.L_overlay_start_0:
0x88: {  	s2 =	sld [smem:$0x3FD9]  }
0x89: {  	s3 =	sld [smem:$0x3FFE];
	_ =	sdelay $0x1  }
0x8a: {  	s1 =	srdreg.scid  }
0x8b: {  	s0 =	sand.u32 $0x1, s1  }
0x8c: {  	s17 =	sshll.u32 s0, $0xA;
	s2 =	sadd.s32 s3, s2  }
0x8d: {  	s2 =	sadd.s32 s2, s17  }
0x8e: {  	[smem:$0x3FC4] =	sst s2  }
0x8f: {  	_ = 	snop  }
0x90: {  	s2 =	sld [smem:$0x3FC8]  }
0x91: {  	s18 =	sld [smem:$0x3FD0];
	(tm) =	ssettm $0x1  }
0x92: {  	s4 =	sld [smem:$0x3FFB];
	_ =	sdelay $0x3  }
0x93: {  	_ =	strace s4  }
0x94: {  	s4 =	sld [smem:$0x3FFC];
	_ =	sdelay $0x3  }
0x95: {  	_ =	strace s4  }
0x96: {  	s4 =	sld [smem:$0x3FFD];
	_ =	sdelay $0x3  }
0x97: {  	_ =	strace s4  }
0x98: {  	_ =	strace $0x8FFFFFFF  }
0x99: {  	s19 =	sld [smem:$0x3FDB];
	_ =	sdelay $0x1  }
0x9a: {  	s5 =	simm.s32 $_scs_section_size  }
0x9b: {  	s6 =	simm.s32 $_size__tile_overlayer_lowered;
	s7 =	simm.s32 $_tile_overlayer_lowered  }
0x9c: {  	s22 =	simm.s32 $0x1BFF;
	s21 =	sshll.u32 s7, $0x1;
	s4 =	sadd.s32 s5, s19  }
0x9d: {  	s8 =	simm.s32 $0x0;
	s20 =	sshll.u32 s6, $0x1;
	s6 =	sadd.s32 s21, s4  }
0x9e: {  	[timem:s8], [sflag:s22] =	dma.local [hbm:s6], s20  }
0x9f: {  	_ =	swait.ge [sflag:s22], s20  }
0xa0: {  	s5 =	ssub.s32 $0x0, s20;
	[sflag:s22] =	ssyncset.done $0x0  }
0xa1: {  	[sflag:s22] =	ssyncadd.s32 s5;
	_ =	sdelay $0x1  }
0xa2: {  	s23 =	simm.s32 $0x1B8B  }
0xa3: {  	_ =	swait.ge [sflag:s23], $0x1  }
0xa4: {  	[sflag:s23] =	ssyncset.done $0x0  }
0xa5: {  	s25 =	simm.s32 $0x1B8E;
	s24 =	sld [smem:$0x3FFE];
	[sflag:s23] =	ssyncadd.s32 $0xFFFFFFFF  }
0xa6: {  	s26 =	simm.s32 $execute0_lowered;
	[smem:$0x3FD2] =	sst s25  }
0xa7: {  	s6 =	sshll.u32 s26, $0x1;
	_ =	strace $0x80000046;
	[dreg:$0x1] =	wrdreg $0xFFFFFFFF  }
0xa8: {  	s28 =	simm.s32 $_size_execute0_lowered;
	s4 =	sadd.s32 s4, s6;
	[dreg:$0x0] =	wrdreg $0x0  }
0xa9: {  	s6 =	sshll.u32 s28, $0x1;
	[dreg:$0x2] =	wrdreg s4  }
0xaa: {  	[dreg:$0x3] =	wrdreg s6  }
0xab: {  	[dreg:$0x4] =	wrdreg $0xC0  }
0xac: {  	_ =	task [dreg:s8], $0x5FFFF  }
0xad: {  	[dreg:$0x1] =	wrdreg $0xFFFFFFFF  }
0xae: {  	[dreg:$0x0] =	wrdreg $0x60  }
0xaf: {  	[dreg:$0x2] =	wrdreg s2  }
0xb0: {  	[dreg:$0x3] =	wrdreg s18  }
0xb1: {  	[dreg:$0x4] =	wrdreg s24  }
0xb2: {  	[dreg:$0x5] =	wrdreg $0x9  }
0xb3: {  	_ =	task.clear_ibuf [dreg:s8], $0x6FFFF;
	_ =	strace $0x90000046  }
0xb4: {  	s29 =	simm.s32 $0x9;
	_ =	strace $0x80000048  }
0xb5: {  	_ =	swait.ge [sflag:s29], $0x1  }
0xb6: {  	[sflag:s29] =	ssyncadd.s32 $0xFFFFFFFF  }
0xb7: {  	_ =	strace $0x90000048  }
0xb8: {  	_ =	sfence  }
0xb9: {  	s30 =	sld [smem:$0x0];
	_ =	sdelay $0x2  }
0xba: {  	s31 =	sshll.u32 s1, $0xD;
	s1 =	sshrl.u32 s1, $0x2  }
0xbb: {  	s3 =	sand.u32 $0x4000, s31;
	s1 =	sadd.s32 s1, s30  }
0xbc: {  	s0 =	sor.u32 s3, s0;
	s1 =	sshll.u32 s1, $0x11  }
0xbd: {  	s0 =	sor.u32 s1, s0  }
0xbe: {  	s0 =	sadd.s32 $0x8F2B, s0  }
0xbf: {  	[sflag:s0] =	ssyncadd.remote.s32 $0x1  }
0xc0: {  	_ =	sfence.sel $0xFFFF  }
0xc1: {  	[dreg:$0x0] =	wrdreg $0xFFFFFFFF;
	(pc) =	sbr.abs _section_cstart, $3  }
0xc2: {  	[dreg:$0x1] =	wrdreg $0xFFFFFFFF  }
0xc3: {  	_ =	task.clear_ibuf [dreg:s8], $0x2FFFF;
	_ =	strace $0x9FFFFFFF  }
0xc4: {  	(tm) =	ssettm $0x7FFFFFFF  }
0xc5: {  	_ =	shalt  }
tec
execute0_lowered:
.L_overlay_start_1:
0x0: {  	(tag) =	ssettag $0x1  }
0x1: {  	s1 =	rddreg [dreg:$0x0]  }
0x2: {  	s0 =	rddreg [dreg:$0x2]  }
0x3: {  	s2 =	srdreg.scid;
	s4 =	simm.s32 $0x0;
	s5 =	stileid.u32  }
0x4: {  	s2 =	sand.u32 $0x1, s2;
	[smem:$0x7FF] =	sst s4;
	s5 =	sshll.u32 s5, $0x1  }
0x5: {  	s6 =	sadd.s32 $0xC00, s0;
	s8 =	sadd.s32 $0x10, s1;
	s3 =	ssub.s32 $0x2, s2  }
0x6: {  	s9 =	sadd.s32 $0x20, s1;
	s5 =	sor.u32 s2, s5;
	s7 =	sshrl.u32 s3, $0x1  }
0x7: {  	s0 =	sadd.s32 $0x4F6400, s0;
	s2 =	ssub.s32 s3, s7;
	s3 =	sshll.u32 s5, $0xA  }
0x8: {  	_ =	strace $0x80000047;
	[dreg:$0xe] =	wrdreg s0;
	s10 =	sadd.s32 s3, s8  }
0x9: {  	s12 =	sadd.s32 $0x30, s1;
	s24 =	sadd.s32 s3, s9;
	[dreg:$0x5] =	wrdreg s10  }
0xa: {  	s16 =	sadd.s32 $0x40, s1;
	s25 =	sadd.s32 s3, s12;
	[dreg:$0x6] =	wrdreg s24  }
0xb: {  	s14 =	sadd.s32 $0x50, s1;
	s29 =	sadd.s32 s3, s16;
	[dreg:$0x7] =	wrdreg s25  }
0xc: {  	s17 =	sadd.s32 s3, s14;
	[dreg:$0xa] =	wrdreg s29  }
0xd: {  	s7 =	sadd.s32 s1, s3;
	[dreg:$0xd] =	wrdreg s17  }
0xe: {  	s26 =	sadd.s32 $0x27AC80, s7;
	[dreg:$0x4] =	wrdreg s7  }
0xf: {  	s28 =	sadd.s32 $0x27AC90, s7;
	[dreg:$0x8] =	wrdreg s26  }
0x10: {  	s11 =	sadd.s32 $0x27ACA0, s7;
	[dreg:$0x9] =	wrdreg s28  }
0x11: {  	s13 =	sadd.s32 $0x27ACB0, s7;
	[dreg:$0xb] =	wrdreg s11  }
0x12: {  	s18 =	sadd.s32 $0x27ACC0, s7;
	[dreg:$0xc] =	wrdreg s13  }
0x13: {  	s19 =	sadd.s32 $0x27ACD0, s7;
	[dreg:$0xf] =	wrdreg s18  }
0x14: {  	s20 =	sadd.s32 $0x27ACE0, s7;
	[dreg:$0x10] =	wrdreg s19  }
0x15: {  	s21 =	sadd.s32 $0x27ACF0, s7;
	[dreg:$0x11] =	wrdreg s20  }
0x16: {  	s22 =	sadd.s32 $0x8000, s7;
	[dreg:$0x12] =	wrdreg s21  }
0x17: {  	s23 =	sadd.s32 $0x8010, s7;
	[dreg:$0x13] =	wrdreg s22  }
0x18: {  	s24 =	sadd.s32 $0x8020, s7;
	[dreg:$0x14] =	wrdreg s23  }
0x19: {  	s29 =	sadd.s32 $0x8050, s7;
	[dreg:$0x15] =	wrdreg s24  }
0x1a: {  	s10 =	sadd.s32 $0x8060, s7;
	[dreg:$0x18] =	wrdreg s29  }
0x1b: {  	s17 =	sadd.s32 $0x282C80, s7;
	[dreg:$0x19] =	wrdreg s10  }
0x1c: {  	s26 =	sadd.s32 $0x8030, s7;
	[dreg:$0x1c] =	wrdreg s17  }
0x1d: {  	s28 =	sadd.s32 $0x8040, s7;
	[dreg:$0x16] =	wrdreg s26  }
0x1e: {  	s25 =	sadd.s32 $0x60, s1;
	s11 =	sadd.s32 $0x8070, s7;
	[dreg:$0x17] =	wrdreg s28  }
0x1f: {  	s15 =	sadd.s32 $0x70, s1;
	s13 =	sadd.s32 s3, s25;
	[dreg:$0x1a] =	wrdreg s11  }
0x20: {  	p0 =	sne.s32 s5, $0x0;
	s18 =	sadd.s32 $0x282C90, s7;
	[dreg:$0x1b] =	wrdreg s13  }
0x21: {  	s31 =	sor.u32 $0x60, s5;
	s19 =	sadd.s32 s3, s15;
	[dreg:$0x1d] =	wrdreg s18  }
0x22: {  	s0 =	sor.u32 $0x20, s5;
	s20 =	sadd.s32 $0x282CA0, s7;
	[dreg:$0x1e] =	wrdreg s19  }
0x23: {  	s30 =	smov.u32 s5;
	s21 =	sadd.s32 $0x282CB0, s7;
	[dreg:$0x1f] =	wrdreg s20  }
0x24: {  	s22 =	smax.u32 s2, $0x1;
	s23 =	sadd.s32 $0x282CC0, s7;
	[smem:$0x7F7] =	sst s21  }
0x25: {  	s24 =	sadd.s32 $0x282CD0, s7;
	s29 =	sor.u32 $0x40, s5;
	[smem:$0x7F8] =	sst s22  }
0x26: {  	s2 =	sor.u32 $0x80, s5;
	s3 =	simm.s32 $0x80;
	[smem:$0x7F9] =	sst s23  }
0x27: {  	s10 =	simm.s32 $0x400;
	[smem:$0x7FA] =	sst s24;
	s26 =	sadd.s32 $0x282CE0, s7  }
0x28: {  	s28 =	sadd.s32 $0x282CF0, s7;
	[smem:$0x7FD] =	sst s29;
	s11 =	simm.s32 $0x4000  }
0x29: {  	v0 =	vlaneseq.u32;
	s18 =	simm.s32 $0x1;
	s19 =	simm.s32 $0x8000;
	s20 =	simm.s32 $0xC000  }
0x2a: {  	v0 =	vmul.u32 $0x400, v0;
	s21 =	simm.s32 $0x2;
	s22 =	simm.s32 $0x3;
	[smem:$0x7FB] =	sst s26  }
0x2b: {  	s23 =	simm.s32 $0x4;
	s13 =	simm.s32 $0x0;
	[smem:$0x7FC] =	sst s28  }
.LBB2_1:
0x2c: {  	[smem:$0x7F6] =	sst s13  }
0x2d: {  	s5 =	rddreg [dreg:$0x4]  }
0x2e: {  	s24 =	rddreg [dreg:$0x5]  }
0x2f: {  	[tilespmem:s4], [sflag:$0x1] =	stream.strided.gather [hbm4b:s5+s3], $0x400, s10, s3, $0x38;
	[tilespmem:$0x14000] =	vst v63  }
0x30: {  	s26 =	rddreg [dreg:$0x6]  }
0x31: {  	[tilespmem:s10], [sflag:$0x1] =	stream.strided.gather [hbm4b:s24+s3], $0x400, s10, s3, $0x38;
	[tilespmem:$0x14000] =	vst v63  }
0x32: {  	s7 =	simm.s32 $0x800;
	s28 =	rddreg [dreg:$0x7]  }
0x33: {  	[tilespmem:s7], [sflag:$0x1] =	stream.strided.gather [hbm4b:s26+s3], $0x400, s10, s3, $0x38;
	[tilespmem:$0x14000] =	vst v63  }
0x34: {  	s29 =	simm.s32 $0xC00;
	s13 =	rddreg [dreg:$0xa]  }
0x35: {  	[tilespmem:s29], [sflag:$0x1] =	stream.strided.gather [hbm4b:s28+s3], $0x400, s10, s3, $0x38;
	[tilespmem:$0x14000] =	vst v63  }
0x36: {  	s17 =	simm.s32 $0x1000;
	s24 =	rddreg [dreg:$0xd]  }
0x37: {  	[tilespmem:s17], [sflag:$0x1] =	stream.strided.gather [hbm4b:s13+s3], $0x400, s10, s3, $0x38;
	[tilespmem:$0x14000] =	vst v63  }
0x38: {  	s26 =	simm.s32 $0x1400;
	s7 =	rddreg [dreg:$0x13]  }
0x39: {  	[tilespmem:s26], [sflag:$0x1] =	stream.strided.gather [hbm4b:s24+s3], $0x400, s10, s3, $0x38;
	[tilespmem:$0x14000] =	vst v63  }
0x3a: {  	s28 =	rddreg [dreg:$0x1b];
	s29 =	simm.s32 $0x1800  }
0x3b: {  	[tilespmem:s29], [sflag:$0x1] =	stream.strided.gather [hbm4b:s28+s3], $0x400, s10, s3, $0x38;
	[tilespmem:$0x14000] =	vst v63  }
0x3c: {  	s13 =	rddreg [dreg:$0x1e];
	s17 =	simm.s32 $0x1C00  }
0x3d: {  	[tilespmem:s17], [sflag:$0x1] =	stream.strided.gather [hbm4b:s13+s3], $0x400, s10, s3, $0x38;
	[tilespmem:$0x14000] =	vst v63  }
0x3e: {  	s24 =	rddreg [dreg:$0x8];
	s26 =	simm.s32 $0x2000  }
0x3f: {  	[tilespmem:s26], [sflag:$0x1] =	stream.strided.gather [hbm4b:s24+s3], $0x400, s10, s3, $0x38;
	[tilespmem:$0x14000] =	vst v63  }
0x40: {  	s28 =	rddreg [dreg:$0x9];
	s29 =	simm.s32 $0x2400  }
0x41: {  	[tilespmem:s29], [sflag:$0x1] =	stream.strided.gather [hbm4b:s28+s3], $0x400, s10, s3, $0x38;
	[tilespmem:$0x14000] =	vst v63  }
0x42: {  	s13 =	rddreg [dreg:$0xb];
	s17 =	simm.s32 $0x2800  }
0x43: {  	[tilespmem:s17], [sflag:$0x1] =	stream.strided.gather [hbm4b:s13+s3], $0x400, s10, s3, $0x38;
	[tilespmem:$0x14000] =	vst v63  }
0x44: {  	s24 =	rddreg [dreg:$0xc];
	s26 =	simm.s32 $0x2C00  }
0x45: {  	[tilespmem:s26], [sflag:$0x1] =	stream.strided.gather [hbm4b:s24+s3], $0x400, s10, s3, $0x38;
	[tilespmem:$0x14000] =	vst v63  }
0x46: {  	s28 =	rddreg [dreg:$0xf];
	s29 =	simm.s32 $0x3000  }
0x47: {  	[tilespmem:s29], [sflag:$0x1] =	stream.strided.gather [hbm4b:s28+s3], $0x400, s10, s3, $0x38;
	[tilespmem:$0x14000] =	vst v63  }
0x48: {  	s13 =	rddreg [dreg:$0x10];
	s17 =	simm.s32 $0x3400  }
0x49: {  	[tilespmem:s17], [sflag:$0x1] =	stream.strided.gather [hbm4b:s13+s3], $0x400, s10, s3, $0x38;
	[tilespmem:$0x14000] =	vst v63  }
0x4a: {  	s24 =	rddreg [dreg:$0x11];
	s26 =	simm.s32 $0x3800  }
0x4b: {  	[tilespmem:s26], [sflag:$0x1] =	stream.strided.gather [hbm4b:s24+s3], $0x400, s10, s3, $0x38;
	[tilespmem:$0x14000] =	vst v63  }
0x4c: {  	s28 =	rddreg [dreg:$0x12];
	s29 =	simm.s32 $0x3C00  }
0x4d: {  	[tilespmem:s29], [sflag:$0x1] =	stream.strided.gather [hbm4b:s28+s3], $0x400, s10, s3, $0x38;
	[tilespmem:$0x14000] =	vst v63  }
0x4e: {  	s13 =	rddreg [dreg:$0x14]  }
0x4f: {  	[tilespmem:s11], [sflag:$0x2] =	stream.strided.gather [hbm4b:s7+s3], $0x400, s10, s3, $0x38;
	[tilespmem:$0x14000] =	vst v63  }
0x50: {  	s17 =	simm.s32 $0x4400;
	s24 =	rddreg [dreg:$0x15]  }
0x51: {  	[tilespmem:s17], [sflag:$0x2] =	stream.strided.gather [hbm4b:s13+s3], $0x400, s10, s3, $0x38;
	[tilespmem:$0x14000] =	vst v63  }
0x52: {  	s26 =	simm.s32 $0x4800;
	s28 =	rddreg [dreg:$0x16]  }
0x53: {  	[tilespmem:s26], [sflag:$0x2] =	stream.strided.gather [hbm4b:s24+s3], $0x400, s10, s3, $0x38;
	[tilespmem:$0x14000] =	vst v63  }
0x54: {  	s29 =	simm.s32 $0x4C00;
	s13 =	rddreg [dreg:$0x17]  }
0x55: {  	[tilespmem:s29], [sflag:$0x2] =	stream.strided.gather [hbm4b:s28+s3], $0x400, s10, s3, $0x38;
	[tilespmem:$0x14000] =	vst v63  }
0x56: {  	s17 =	simm.s32 $0x5000;
	s24 =	rddreg [dreg:$0x18]  }
0x57: {  	[tilespmem:s17], [sflag:$0x2] =	stream.strided.gather [hbm4b:s13+s3], $0x400, s10, s3, $0x38;
	[tilespmem:$0x14000] =	vst v63  }
0x58: {  	s26 =	simm.s32 $0x5400;
	s28 =	rddreg [dreg:$0x19]  }
0x59: {  	[tilespmem:s26], [sflag:$0x2] =	stream.strided.gather [hbm4b:s24+s3], $0x400, s10, s3, $0x38;
	[tilespmem:$0x14000] =	vst v63  }
0x5a: {  	s29 =	simm.s32 $0x5800;
	s13 =	rddreg [dreg:$0x1a]  }
0x5b: {  	[tilespmem:s29], [sflag:$0x2] =	stream.strided.gather [hbm4b:s28+s3], $0x400, s10, s3, $0x38;
	[tilespmem:$0x14000] =	vst v63  }
0x5c: {  	s17 =	simm.s32 $0x5C00;
	s24 =	rddreg [dreg:$0x1c]  }
0x5d: {  	[tilespmem:s17], [sflag:$0x2] =	stream.strided.gather [hbm4b:s13+s3], $0x400, s10, s3, $0x38;
	[tilespmem:$0x14000] =	vst v63  }
0x5e: {  	s26 =	simm.s32 $0x6000;
	s28 =	rddreg [dreg:$0x1d]  }
0x5f: {  	[tilespmem:s26], [sflag:$0x2] =	stream.strided.gather [hbm4b:s24+s3], $0x400, s10, s3, $0x38;
	[tilespmem:$0x14000] =	vst v63  }
0x60: {  	s29 =	simm.s32 $0x6400;
	s13 =	rddreg [dreg:$0x1f]  }
0x61: {  	[tilespmem:s29], [sflag:$0x2] =	stream.strided.gather [hbm4b:s28+s3], $0x400, s10, s3, $0x38;
	[tilespmem:$0x14000] =	vst v63  }
0x62: {  	s17 =	simm.s32 $0x6800;
	s24 =	sld [smem:$0x7F7]  }
0x63: {  	[tilespmem:s17], [sflag:$0x2] =	stream.strided.gather [hbm4b:s13+s3], $0x400, s10, s3, $0x38;
	[tilespmem:$0x14000] =	vst v63  }
0x64: {  	s26 =	simm.s32 $0x6C00;
	s28 =	sld [smem:$0x7F9]  }
0x65: {  	[tilespmem:s26], [sflag:$0x2] =	stream.strided.gather [hbm4b:s24+s3], $0x400, s10, s3, $0x38;
	[tilespmem:$0x14000] =	vst v63  }
0x66: {  	s29 =	simm.s32 $0x7000;
	s13 =	sld [smem:$0x7FA]  }
0x67: {  	[tilespmem:s29], [sflag:$0x2] =	stream.strided.gather [hbm4b:s28+s3], $0x400, s10, s3, $0x38;
	[tilespmem:$0x14000] =	vst v63  }
0x68: {  	s17 =	simm.s32 $0x7400;
	s24 =	sld [smem:$0x7FB]  }
0x69: {  	[tilespmem:s17], [sflag:$0x2] =	stream.strided.gather [hbm4b:s13+s3], $0x400, s10, s3, $0x38;
	[tilespmem:$0x14000] =	vst v63  }
0x6a: {  	s26 =	simm.s32 $0x7800;
	s28 =	sld [smem:$0x7FC]  }
0x6b: {  	[tilespmem:s26], [sflag:$0x2] =	stream.strided.gather [hbm4b:s24+s3], $0x400, s10, s3, $0x38;
	[tilespmem:$0x14000] =	vst v63  }
0x6c: {  	s29 =	simm.s32 $0x7C00;
	s24 =	simm.s32 $0x0  }
0x6d: {  	[tilespmem:s29], [sflag:$0x2] =	stream.strided.gather [hbm4b:s28+s3], $0x400, s10, s3, $0x38;
	[tilespmem:$0x14000] =	vst v63  }
.LBB2_2:
0x6e: {  	_ =	swait.ge [sflag:s18], $0x400  }
0x6f: {  	[sflag:s18] =	ssyncset.done $0x0  }
0x70: {  	[sflag:s18] =	ssyncadd.s32 $0xFFFFFC00  }
0x71: {  	_ =	swait.ge [sflag:s18], $0x400  }
0x72: {  	[sflag:s18] =	ssyncset.done $0x0  }
0x73: {  	[sflag:s18] =	ssyncadd.s32 $0xFFFFFC00  }
0x74: {  	_ =	swait.ge [sflag:s18], $0x400  }
0x75: {  	[sflag:s18] =	ssyncset.done $0x0  }
0x76: {  	[sflag:s18] =	ssyncadd.s32 $0xFFFFFC00  }
0x77: {  	_ =	swait.ge [sflag:s18], $0x400  }
0x78: {  	[sflag:s18] =	ssyncset.done $0x0  }
0x79: {  	[sflag:s18] =	ssyncadd.s32 $0xFFFFFC00  }
0x7a: {  	_ =	swait.ge [sflag:s18], $0x400  }
0x7b: {  	[sflag:s18] =	ssyncset.done $0x0  }
0x7c: {  	[sflag:s18] =	ssyncadd.s32 $0xFFFFFC00  }
0x7d: {  	_ =	swait.ge [sflag:s18], $0x400  }
0x7e: {  	[sflag:s18] =	ssyncset.done $0x0  }
0x7f: {  	[sflag:s18] =	ssyncadd.s32 $0xFFFFFC00  }
0x80: {  	_ =	swait.ge [sflag:s18], $0x400  }
0x81: {  	[sflag:s18] =	ssyncset.done $0x0  }
0x82: {  	[sflag:s18] =	ssyncadd.s32 $0xFFFFFC00  }
0x83: {  	_ =	swait.ge [sflag:s18], $0x400  }
0x84: {  	[sflag:s18] =	ssyncset.done $0x0  }
0x85: {  	[sflag:s18] =	ssyncadd.s32 $0xFFFFFC00  }
0x86: {  	_ =	swait.ge [sflag:s18], $0x400  }
0x87: {  	[sflag:s18] =	ssyncset.done $0x0  }
0x88: {  	[sflag:s18] =	ssyncadd.s32 $0xFFFFFC00  }
0x89: {  	_ =	swait.ge [sflag:s18], $0x400  }
0x8a: {  	[sflag:s18] =	ssyncset.done $0x0  }
0x8b: {  	[sflag:s18] =	ssyncadd.s32 $0xFFFFFC00  }
0x8c: {  	_ =	swait.ge [sflag:s18], $0x400  }
0x8d: {  	[sflag:s18] =	ssyncset.done $0x0  }
0x8e: {  	[sflag:s18] =	ssyncadd.s32 $0xFFFFFC00  }
0x8f: {  	_ =	swait.ge [sflag:s18], $0x400  }
0x90: {  	[sflag:s18] =	ssyncset.done $0x0  }
0x91: {  	[sflag:s18] =	ssyncadd.s32 $0xFFFFFC00  }
0x92: {  	_ =	swait.ge [sflag:s18], $0x400  }
0x93: {  	[sflag:s18] =	ssyncset.done $0x0  }
0x94: {  	[sflag:s18] =	ssyncadd.s32 $0xFFFFFC00  }
0x95: {  	_ =	swait.ge [sflag:s18], $0x400  }
0x96: {  	[sflag:s18] =	ssyncset.done $0x0  }
0x97: {  	[sflag:s18] =	ssyncadd.s32 $0xFFFFFC00  }
0x98: {  	_ =	swait.ge [sflag:s18], $0x400  }
0x99: {  	s5 =	sld [smem:$0x7FD]  }
0x9a: {  	s28 =	smul.u32 $0x60, s24;
	_ =	sdelay $0x1  }
0x9b: {  	[sflag:s18] =	ssyncset.done $0x0;
	s26 =	sadd.s32 s5, s28  }
0x9c: {  	[sflag:s18] =	ssyncadd.s32 $0xFFFFFC00;
	p1 =	slt.s32 s26, $0x9EA  }
0x9d: {  	_ =	swait.ge [sflag:s18], $0x400;
	s26 =	simm.s32 @!p1 $0x9EA  }
0x9e: {  	[sflag:s18] =	ssyncset.done $0x0;
	s7 =	sshll.u32 s26, $0xA  }
0x9f: {  	[sflag:s18] =	ssyncadd.s32 $0xFFFFFC00;
	s13 =	sadd.s32 s1, s7  }
0xa0: {  	[tilespmem:s19], [sflag:$0x3] =	stream.strided.gather [hbm4b:s13+s3], $0x400, s10, s3, $0x38;
	[tilespmem:$0x14000] =	vst v63  }
0xa1: {  	s17 =	simm.s32 $0x8400;
	s5 =	sadd.s32 s7, s8  }
0xa2: {  	[tilespmem:s17], [sflag:$0x3] =	stream.strided.gather [hbm4b:s5+s3], $0x400, s10, s3, $0x38;
	[tilespmem:$0x14000] =	vst v63  }
0xa3: {  	s5 =	sadd.s32 s7, s9;
	s17 =	simm.s32 $0x8800  }
0xa4: {  	[tilespmem:s17], [sflag:$0x3] =	stream.strided.gather [hbm4b:s5+s3], $0x400, s10, s3, $0x38;
	[tilespmem:$0x14000] =	vst v63  }
0xa5: {  	s5 =	sadd.s32 s7, s12;
	s17 =	simm.s32 $0x8C00  }
0xa6: {  	[tilespmem:s17], [sflag:$0x3] =	stream.strided.gather [hbm4b:s5+s3], $0x400, s10, s3, $0x38;
	[tilespmem:$0x14000] =	vst v63  }
0xa7: {  	s5 =	sadd.s32 s7, s16;
	s17 =	simm.s32 $0x9000  }
0xa8: {  	[tilespmem:s17], [sflag:$0x3] =	stream.strided.gather [hbm4b:s5+s3], $0x400, s10, s3, $0x38;
	[tilespmem:$0x14000] =	vst v63  }
0xa9: {  	s5 =	sadd.s32 s7, s14;
	s17 =	simm.s32 $0x9400  }
0xaa: {  	[tilespmem:s17], [sflag:$0x3] =	stream.strided.gather [hbm4b:s5+s3], $0x400, s10, s3, $0x38;
	[tilespmem:$0x14000] =	vst v63  }
0xab: {  	s5 =	sadd.s32 s7, s25;
	s17 =	simm.s32 $0x9800  }
0xac: {  	[tilespmem:s17], [sflag:$0x3] =	stream.strided.gather [hbm4b:s5+s3], $0x400, s10, s3, $0x38;
	[tilespmem:$0x14000] =	vst v63  }
0xad: {  	s5 =	sadd.s32 s7, s15;
	s7 =	sand.u32 $0x1FFFFC00, s7  }
0xae: {  	s17 =	simm.s32 $0x9C00;
	s7 =	sadd.s32 s1, s7  }
0xaf: {  	[tilespmem:s17], [sflag:$0x3] =	stream.strided.gather [hbm4b:s5+s3], $0x400, s10, s3, $0x38;
	[tilespmem:$0x14000] =	vst v63  }
0xb0: {  	s5 =	sadd.s32 $0x27AC80, s7;
	s17 =	simm.s32 $0xA000  }
0xb1: {  	[tilespmem:s17], [sflag:$0x3] =	stream.strided.gather [hbm4b:s5+s3], $0x400, s10, s3, $0x38;
	[tilespmem:$0x14000] =	vst v63  }
0xb2: {  	s5 =	sadd.s32 $0x27AC90, s7;
	s17 =	simm.s32 $0xA400  }
0xb3: {  	[tilespmem:s17], [sflag:$0x3] =	stream.strided.gather [hbm4b:s5+s3], $0x400, s10, s3, $0x38;
	[tilespmem:$0x14000] =	vst v63  }
0xb4: {  	s5 =	sadd.s32 $0x27ACA0, s7;
	s17 =	simm.s32 $0xA800  }
0xb5: {  	[tilespmem:s17], [sflag:$0x3] =	stream.strided.gather [hbm4b:s5+s3], $0x400, s10, s3, $0x38;
	[tilespmem:$0x14000] =	vst v63  }
0xb6: {  	s5 =	sadd.s32 $0x27ACB0, s7;
	s17 =	simm.s32 $0xAC00  }
0xb7: {  	[tilespmem:s17], [sflag:$0x3] =	stream.strided.gather [hbm4b:s5+s3], $0x400, s10, s3, $0x38;
	[tilespmem:$0x14000] =	vst v63  }
0xb8: {  	s5 =	sadd.s32 $0x27ACC0, s7;
	s17 =	simm.s32 $0xB000  }
0xb9: {  	[tilespmem:s17], [sflag:$0x3] =	stream.strided.gather [hbm4b:s5+s3], $0x400, s10, s3, $0x38;
	[tilespmem:$0x14000] =	vst v63  }
0xba: {  	p1 =	seq.s32 s24, $0x0;
	s5 =	sadd.s32 $0x27ACD0, s7;
	s17 =	simm.s32 $0xB400  }
0xbb: {  	[tilespmem:s17], [sflag:$0x3] =	stream.strided.gather [hbm4b:s5+s3], $0x400, s10, s3, $0x38;
	[tilespmem:$0x14000] =	vst v63  }
0xbc: {  	s13 =	simm.s32 $0x7;
	s5 =	sadd.s32 $0x27ACE0, s7;
	s17 =	simm.s32 $0xB800  }
0xbd: {  	[tilespmem:s17], [sflag:$0x3] =	stream.strided.gather [hbm4b:s5+s3], $0x400, s10, s3, $0x38;
	[tilespmem:$0x14000] =	vst v63  }
0xbe: {  	s7 =	sadd.s32 $0x27ACF0, s7;
	s17 =	simm.s32 $0xBC00;
	s5 =	simm.s32 $0x2  }
0xbf: {  	v1 =	vor.u32 s13, v0;
	[tilespmem:s17], [sflag:$0x3] =	stream.strided.gather [hbm4b:s7+s3], $0x400, s10, s3, $0x38;
	[tilespmem:$0x14000] =	vst v63  }
0xc0: {  	v3 =	vor.u32 s5, v0;
	s5 =	simm.s32 $0x4;
	s7 =	simm.s32 @!p1 $0x4  }
0xc1: {  	s13 =	simm.s32 $0x5;
	v5 =	vor.u32 s5, v0;
	_ =	swait.ge @!p1 [sflag:s7], $0x4000  }
0xc2: {  	v6 =	vor.u32 s13, v0;
	s17 =	simm.s32 $0x1;
	[sflag:s7] =	ssyncset.done @!p1 $0x0  }
0xc3: {  	v2 =	vor.u32 s17, v0;
	s17 =	simm.s32 $0x3;
	[sflag:s7] =	ssyncadd.s32 @!p1 $0xFFFFC000  }
0xc4: {  	v4 =	vor.u32 s17, v0;
	s17 =	simm.s32 $0x6;
	v1 =	vld.idx.msk [tilespmem:v1+s4+$0x0], $0xffff  }
0xc5: {  	v7 =	vor.u32 s17, v0;
	s17 =	simm.s32 $0xF;
	v9 =	vld.idx.msk [tilespmem:v3+s4+$0x0], $0xffff  }
0xc6: {  	s5 =	simm.s32 $0x0;
	v11 =	vor.u32 s17, v0;
	v14 =	vld.idx.msk [tilespmem:v5+s4+$0x0], $0xffff  }
0xc7: {  	v8 =	vor.u32 s5, v0;
	s17 =	simm.s32 $0xA;
	v5 =	vld.idx.msk [tilespmem:v6+s4+$0x0], $0xffff  }
0xc8: {  	s5 =	simm.s32 $0x9;
	v15 =	vor.u32 s17, v0;
	v2 =	vld.idx.msk [tilespmem:v2+s4+$0x0], $0xffff  }
0xc9: {  	s29 =	simm.s32 $0xC040;
	v13 =	vor.u32 s5, v0;
	s5 =	simm.s32 $0xB;
	v12 =	vld.idx.msk [tilespmem:v4+s4+$0x0], $0xffff  }
0xca: {  	s13 =	simm.s32 $0xC;
	v10 =	vor.u32 s5, v0;
	v4 =	vld.idx.msk [tilespmem:v7+s4+$0x0], $0xffff;
	[tilespmem:s29+$0x30] =	vst v1  }
0xcb: {  	s17 =	simm.s32 $0xD;
	v1 =	vld.idx.msk [tilespmem:v11+s4+$0x0], $0xffff;
	[tilespmem:s29+$0xFFFFFFE0] =	vst v9;
	v11 =	vor.u32 s13, v0  }
0xcc: {  	v3 =	vld.idx.msk [tilespmem:v8+s4+$0x0], $0xffff;
	v8 =	vor.u32 s17, v0;
	s17 =	simm.s32 $0xE;
	[tilespmem:s29+$0x0] =	vst v14  }
0xcd: {  	s5 =	simm.s32 $0x8;
	v9 =	vor.u32 s17, v0;
	v6 =	vld.idx.msk [tilespmem:v15+s4+$0x0], $0xffff;
	[tilespmem:s29+$0xFFFFFFD0] =	vst v2  }
0xce: {  	s7 =	simm.s32 $0x10;
	v7 =	vor.u32 s5, v0;
	s17 =	simm.s32 $0x17;
	s13 =	simm.s32 $0x18;
	v2 =	vld.idx.msk [tilespmem:v13+s4+$0x0], $0xffff;
	[tilespmem:s29+$0xFFFFFFF0] =	vst v12  }
.LBB2_3:
0xcf: {  	p2 =	slt.u32 s13, $0x3F8;
	s5 =	sadd.s32 $0x1, s7;
	v12 =	vor.u32 s17, v0;
	v13 =	vld.idx.msk [tilespmem:v10+s4+$0x0], $0xffff;
	[tilespmem:s29+$0x10] =	vst v5  }
0xd0: {  	v14 =	vor.u32 s5, v0;
	s5 =	sadd.s32 $0x2, s7;
	v15 =	vld.idx.msk [tilespmem:v11+s4+$0x0], $0xffff;
	[tilespmem:s29+$0x20] =	vst v4  }
0xd1: {  	v16 =	vor.u32 s5, v0;
	s5 =	sadd.s32 $0x3, s7;
	v5 =	vld.idx.msk [tilespmem:v8+s4+$0x0], $0xffff;
	[tilespmem:s29+$0xFFFFFFC0] =	vst v3;
	s29 =	sadd.s32 $0x80, s29  }
.Ltmp0:
0xd2: {  	v10 =	vor.u32 s5, v0;
	s5 =	sadd.s32 $0x4, s7;
	v4 =	vld.idx.msk [tilespmem:v9+s4+$0x0], $0xffff;
	[tilespmem:s29+$0x30] =	vst v1;
	(pc) =	sbr.rel @p2 .LBB2_3-.Ltmp0, $4  }
0xd3: {  	v11 =	vor.u32 s5, v0;
	s5 =	sadd.s32 $0x5, s7;
	v3 =	vld.idx.msk [tilespmem:v7+s4+$0x0], $0xffff;
	[tilespmem:s29+$0xFFFFFFD0] =	vst v2  }
0xd4: {  	v8 =	vor.u32 s5, v0;
	s5 =	sadd.s32 $0x6, s7;
	v1 =	vld.idx.msk [tilespmem:v12+s4+$0x0], $0xffff;
	[tilespmem:s29+$0xFFFFFFE0] =	vst v6  }
0xd5: {  	v2 =	vld.idx.msk [tilespmem:v14+s4+$0x0], $0xffff;
	v9 =	vor.u32 s5, v0;
	[tilespmem:s29+$0xFFFFFFF0] =	vst v13  }
0xd6: {  	s17 =	sadd.s32 $0x7, s13;
	v7 =	vor.u32 s7, v0;
	s7 =	smov.u32 s13;
	s13 =	sadd.s32 $0x8, s13;
	v6 =	vld.idx.msk [tilespmem:v16+s4+$0x0], $0xffff;
	[tilespmem:s29+$0x0] =	vst v15  }
0xd7: {  	_ =	sdelay $0x2  }
0xd8: {  	[tilespmem:s29+$0x10] =	vst v5  }
0xd9: {  	s5 =	sadd.s32 $0x1, s7;
	v5 =	vor.u32 s17, v0;
	v10 =	vld.idx.msk [tilespmem:v10+s4+$0x0], $0xffff;
	[tilespmem:s29+$0x20] =	vst v4  }
0xda: {  	s17 =	sadd.s32 $0x2, s7;
	v11 =	vld.idx.msk [tilespmem:v11+s4+$0x0], $0xffff;
	s13 =	sadd.s32 $0x80, s29;
	v4 =	vor.u32 s5, v0;
	[tilespmem:s29+$0xFFFFFFC0] =	vst v3  }
0xdb: {  	v8 =	vld.idx.msk [tilespmem:v8+s4+$0x0], $0xffff;
	v3 =	vor.u32 s17, v0;
	s17 =	sadd.s32 $0x3, s7;
	[tilespmem:s13+$0x30] =	vst v1  }
0xdc: {  	v9 =	vld.idx.msk [tilespmem:v9+s4+$0x0], $0xffff;
	v1 =	vor.u32 s17, v0;
	s17 =	sadd.s32 $0x4, s7;
	[tilespmem:s13+$0xFFFFFFD0] =	vst v2  }
0xdd: {  	v7 =	vld.idx.msk [tilespmem:v7+s4+$0x0], $0xffff;
	v2 =	vor.u32 s17, v0;
	s17 =	sadd.s32 $0x5, s7;
	[tilespmem:s13+$0xFFFFFFE0] =	vst v6  }
0xde: {  	v6 =	vor.u32 s17, v0;
	s17 =	sadd.s32 $0x6, s7;
	v5 =	vld.idx.msk [tilespmem:v5+s4+$0x0], $0xffff;
	[tilespmem:s13+$0xFFFFFFF0] =	vst v10  }
0xdf: {  	v10 =	vor.u32 s17, v0;
	[tilespmem:s13+$0x0] =	vst v11;
	v4 =	vld.idx.msk [tilespmem:v4+s4+$0x0], $0xffff  }
0xe0: {  	v11 =	vor.u32 s7, v0;
	[tilespmem:s13+$0x10] =	vst v8;
	v3 =	vld.idx.msk [tilespmem:v3+s4+$0x0], $0xffff  }
0xe1: {  	[tilespmem:s13+$0x20] =	vst v9;
	v1 =	vld.idx.msk [tilespmem:v1+s4+$0x0], $0xffff  }
0xe2: {  	[tilespmem:s13+$0xFFFFFFC0] =	vst v7;
	s13 =	sadd.s32 $0x80, s13;
	v2 =	vld.idx.msk [tilespmem:v2+s4+$0x0], $0xffff  }
0xe3: {  	v6 =	vld.idx.msk [tilespmem:v6+s4+$0x0], $0xffff;
	[tilespmem:s13+$0x30] =	vst v5  }
0xe4: {  	v5 =	vld.idx.msk [tilespmem:v10+s4+$0x0], $0xffff;
	[tilespmem:s13+$0xFFFFFFD0] =	vst v4  }
0xe5: {  	v4 =	vld.idx.msk [tilespmem:v11+s4+$0x0], $0xffff;
	[tilespmem:s13+$0xFFFFFFE0] =	vst v3  }
0xe6: {  	[tilespmem:s13+$0xFFFFFFF0] =	vst v1  }
0xe7: {  	[tilespmem:s13+$0x0] =	vst v2  }
0xe8: {  	s17 =	sor.u32 s30, s28;
	[tilespmem:s13+$0x10] =	vst v6  }
0xe9: {  	s7 =	sshll.u32 s17, $0xB;
	[tilespmem:s13+$0x20] =	vst v5  }
0xea: {  	s7 =	sadd.s32 s6, s7;
	[tilespmem:s13+$0xFFFFFFC0] =	vst v4  }
0xeb: {  	[hbm4b:s7+s4] =	stream.linear.scatter [tilespmem:s20], [sflag:$0x4], $0x4000, $0x38;
	[tilespmem:$0x14000] =	vst v63  }
0xec: {  	_ =	swait.ge [sflag:s21], $0x400  }
0xed: {  	[sflag:s21] =	ssyncset.done $0x0  }
0xee: {  	[sflag:s21] =	ssyncadd.s32 $0xFFFFFC00  }
0xef: {  	_ =	swait.ge [sflag:s21], $0x400  }
0xf0: {  	[sflag:s21] =	ssyncset.done $0x0  }
0xf1: {  	[sflag:s21] =	ssyncadd.s32 $0xFFFFFC00  }
0xf2: {  	_ =	swait.ge [sflag:s21], $0x400  }
0xf3: {  	[sflag:s21] =	ssyncset.done $0x0  }
0xf4: {  	[sflag:s21] =	ssyncadd.s32 $0xFFFFFC00  }
0xf5: {  	_ =	swait.ge [sflag:s21], $0x400  }
0xf6: {  	[sflag:s21] =	ssyncset.done $0x0  }
0xf7: {  	[sflag:s21] =	ssyncadd.s32 $0xFFFFFC00  }
0xf8: {  	_ =	swait.ge [sflag:s21], $0x400  }
0xf9: {  	[sflag:s21] =	ssyncset.done $0x0  }
0xfa: {  	[sflag:s21] =	ssyncadd.s32 $0xFFFFFC00  }
0xfb: {  	_ =	swait.ge [sflag:s21], $0x400  }
0xfc: {  	[sflag:s21] =	ssyncset.done $0x0  }
0xfd: {  	[sflag:s21] =	ssyncadd.s32 $0xFFFFFC00  }
0xfe: {  	_ =	swait.ge [sflag:s21], $0x400  }
0xff: {  	[sflag:s21] =	ssyncset.done $0x0  }
0x100: {  	[sflag:s21] =	ssyncadd.s32 $0xFFFFFC00  }
0x101: {  	_ =	swait.ge [sflag:s21], $0x400  }
0x102: {  	[sflag:s21] =	ssyncset.done $0x0  }
0x103: {  	[sflag:s21] =	ssyncadd.s32 $0xFFFFFC00  }
0x104: {  	_ =	swait.ge [sflag:s21], $0x400  }
0x105: {  	[sflag:s21] =	ssyncset.done $0x0  }
0x106: {  	[sflag:s21] =	ssyncadd.s32 $0xFFFFFC00  }
0x107: {  	_ =	swait.ge [sflag:s21], $0x400  }
0x108: {  	[sflag:s21] =	ssyncset.done $0x0  }
0x109: {  	[sflag:s21] =	ssyncadd.s32 $0xFFFFFC00  }
0x10a: {  	_ =	swait.ge [sflag:s21], $0x400  }
0x10b: {  	[sflag:s21] =	ssyncset.done $0x0  }
0x10c: {  	[sflag:s21] =	ssyncadd.s32 $0xFFFFFC00  }
0x10d: {  	_ =	swait.ge [sflag:s21], $0x400  }
0x10e: {  	[sflag:s21] =	ssyncset.done $0x0  }
0x10f: {  	[sflag:s21] =	ssyncadd.s32 $0xFFFFFC00  }
0x110: {  	_ =	swait.ge [sflag:s21], $0x400  }
0x111: {  	[sflag:s21] =	ssyncset.done $0x0  }
0x112: {  	[sflag:s21] =	ssyncadd.s32 $0xFFFFFC00  }
0x113: {  	_ =	swait.ge [sflag:s21], $0x400  }
0x114: {  	[sflag:s21] =	ssyncset.done $0x0  }
0x115: {  	[sflag:s21] =	ssyncadd.s32 $0xFFFFFC00  }
0x116: {  	_ =	swait.ge [sflag:s21], $0x400  }
0x117: {  	s5 =	sadd.s32 s31, s28;
	[sflag:s21] =	ssyncset.done $0x0  }
0x118: {  	p2 =	slt.s32 s5, $0x9EA;
	[sflag:s21] =	ssyncadd.s32 $0xFFFFFC00  }
0x119: {  	s5 =	simm.s32 @!p2 $0x9EA;
	_ =	swait.ge [sflag:s21], $0x400  }
0x11a: {  	s5 =	sshll.u32 s5, $0xA;
	[sflag:s21] =	ssyncset.done $0x0  }
0x11b: {  	s13 =	sadd.s32 s1, s5;
	[sflag:s21] =	ssyncadd.s32 $0xFFFFFC00  }
0x11c: {  	[tilespmem:s4], [sflag:$0x1] =	stream.strided.gather [hbm4b:s13+s3], $0x400, s10, s3, $0x38;
	[tilespmem:$0x14000] =	vst v63  }
0x11d: {  	s17 =	sadd.s32 s5, s8  }
0x11e: {  	[tilespmem:s10], [sflag:$0x1] =	stream.strided.gather [hbm4b:s17+s3], $0x400, s10, s3, $0x38;
	[tilespmem:$0x14000] =	vst v63  }
0x11f: {  	s13 =	sadd.s32 s5, s9;
	s17 =	simm.s32 $0x800  }
0x120: {  	[tilespmem:s17], [sflag:$0x1] =	stream.strided.gather [hbm4b:s13+s3], $0x400, s10, s3, $0x38;
	[tilespmem:$0x14000] =	vst v63  }
0x121: {  	s13 =	sadd.s32 s5, s12;
	s17 =	simm.s32 $0xC00  }
0x122: {  	[tilespmem:s17], [sflag:$0x1] =	stream.strided.gather [hbm4b:s13+s3], $0x400, s10, s3, $0x38;
	[tilespmem:$0x14000] =	vst v63  }
0x123: {  	s13 =	sadd.s32 s5, s16;
	s17 =	simm.s32 $0x1000  }
0x124: {  	[tilespmem:s17], [sflag:$0x1] =	stream.strided.gather [hbm4b:s13+s3], $0x400, s10, s3, $0x38;
	[tilespmem:$0x14000] =	vst v63  }
0x125: {  	s13 =	sadd.s32 s5, s14;
	s17 =	simm.s32 $0x1400  }
0x126: {  	[tilespmem:s17], [sflag:$0x1] =	stream.strided.gather [hbm4b:s13+s3], $0x400, s10, s3, $0x38;
	[tilespmem:$0x14000] =	vst v63  }
0x127: {  	s13 =	sadd.s32 s5, s25;
	s17 =	simm.s32 $0x1800  }
0x128: {  	[tilespmem:s17], [sflag:$0x1] =	stream.strided.gather [hbm4b:s13+s3], $0x400, s10, s3, $0x38;
	[tilespmem:$0x14000] =	vst v63  }
0x129: {  	s13 =	sadd.s32 s5, s15;
	s5 =	sand.u32 $0x1FFFFC00, s5  }
0x12a: {  	s17 =	simm.s32 $0x1C00;
	s5 =	sadd.s32 s1, s5  }
0x12b: {  	[tilespmem:s17], [sflag:$0x1] =	stream.strided.gather [hbm4b:s13+s3], $0x400, s10, s3, $0x38;
	[tilespmem:$0x14000] =	vst v63  }
0x12c: {  	s13 =	sadd.s32 $0x27AC80, s5;
	s17 =	simm.s32 $0x2000  }
0x12d: {  	[tilespmem:s17], [sflag:$0x1] =	stream.strided.gather [hbm4b:s13+s3], $0x400, s10, s3, $0x38;
	[tilespmem:$0x14000] =	vst v63  }
0x12e: {  	s13 =	sadd.s32 $0x27AC90, s5;
	s17 =	simm.s32 $0x2400  }
0x12f: {  	[tilespmem:s17], [sflag:$0x1] =	stream.strided.gather [hbm4b:s13+s3], $0x400, s10, s3, $0x38;
	[tilespmem:$0x14000] =	vst v63  }
0x130: {  	s13 =	sadd.s32 $0x27ACA0, s5;
	s17 =	simm.s32 $0x2800  }
0x131: {  	[tilespmem:s17], [sflag:$0x1] =	stream.strided.gather [hbm4b:s13+s3], $0x400, s10, s3, $0x38;
	[tilespmem:$0x14000] =	vst v63  }
0x132: {  	s13 =	sadd.s32 $0x27ACB0, s5;
	s17 =	simm.s32 $0x2C00  }
0x133: {  	[tilespmem:s17], [sflag:$0x1] =	stream.strided.gather [hbm4b:s13+s3], $0x400, s10, s3, $0x38;
	[tilespmem:$0x14000] =	vst v63  }
0x134: {  	s13 =	sadd.s32 $0x27ACC0, s5;
	s17 =	simm.s32 $0x3000  }
0x135: {  	[tilespmem:s17], [sflag:$0x1] =	stream.strided.gather [hbm4b:s13+s3], $0x400, s10, s3, $0x38;
	[tilespmem:$0x14000] =	vst v63  }
0x136: {  	s13 =	sadd.s32 $0x27ACD0, s5;
	s17 =	simm.s32 $0x3400  }
0x137: {  	[tilespmem:s17], [sflag:$0x1] =	stream.strided.gather [hbm4b:s13+s3], $0x400, s10, s3, $0x38;
	[tilespmem:$0x14000] =	vst v63  }
0x138: {  	s7 =	simm.s32 $0x7;
	s13 =	sadd.s32 $0x27ACE0, s5;
	s17 =	simm.s32 $0x3800  }
0x139: {  	[tilespmem:s17], [sflag:$0x1] =	stream.strided.gather [hbm4b:s13+s3], $0x400, s10, s3, $0x38;
	[tilespmem:$0x14000] =	vst v63  }
0x13a: {  	s5 =	sadd.s32 $0x27ACF0, s5;
	s17 =	simm.s32 $0x3C00;
	s13 =	simm.s32 $0x1  }
0x13b: {  	v1 =	vor.u32 s7, v0;
	[tilespmem:s17], [sflag:$0x1] =	stream.strided.gather [hbm4b:s5+s3], $0x400, s10, s3, $0x38;
	[tilespmem:$0x14000] =	vst v63  }
0x13c: {  	v2 =	vor.u32 s13, v0;
	s13 =	simm.s32 $0x3;
	s5 =	simm.s32 @!p1 $0x5  }
0x13d: {  	s17 =	simm.s32 $0x2;
	v4 =	vor.u32 s13, v0;
	_ =	swait.ge @!p1 [sflag:s5], $0x4000  }
0x13e: {  	s13 =	simm.s32 $0x6;
	v3 =	vor.u32 s17, v0;
	[sflag:s5] =	ssyncset.done @!p1 $0x0  }
0x13f: {  	s17 =	simm.s32 $0x4;
	v7 =	vor.u32 s13, v0;
	[sflag:s5] =	ssyncadd.s32 @!p1 $0xFFFFC000  }
0x140: {  	s7 =	simm.s32 $0x5;
	v5 =	vor.u32 s17, v0;
	v1 =	vld.idx.msk [tilespmem:v1+s11+$0x0], $0xffff  }
0x141: {  	v6 =	vor.u32 s7, v0;
	s13 =	simm.s32 $0xF;
	v2 =	vld.idx.msk [tilespmem:v2+s11+$0x0], $0xffff  }
0x142: {  	s17 =	simm.s32 $0x0;
	v11 =	vor.u32 s13, v0;
	v12 =	vld.idx.msk [tilespmem:v4+s11+$0x0], $0xffff  }
0x143: {  	s13 =	simm.s32 $0xA;
	v8 =	vor.u32 s17, v0;
	v9 =	vld.idx.msk [tilespmem:v3+s11+$0x0], $0xffff  }
0x144: {  	s17 =	simm.s32 $0x9;
	v15 =	vor.u32 s13, v0;
	v4 =	vld.idx.msk [tilespmem:v7+s11+$0x0], $0xffff  }
0x145: {  	s29 =	simm.s32 $0x10040;
	v13 =	vor.u32 s17, v0;
	s17 =	simm.s32 $0xB;
	v14 =	vld.idx.msk [tilespmem:v5+s11+$0x0], $0xffff  }
0x146: {  	s7 =	simm.s32 $0xC;
	v10 =	vor.u32 s17, v0;
	v5 =	vld.idx.msk [tilespmem:v6+s11+$0x0], $0xffff;
	[tilespmem:s29+$0x30] =	vst v1  }
0x147: {  	s17 =	simm.s32 $0xD;
	[tilespmem:s29+$0xFFFFFFD0] =	vst v2;
	v1 =	vld.idx.msk [tilespmem:v11+s11+$0x0], $0xffff;
	v11 =	vor.u32 s7, v0  }
0x148: {  	v3 =	vld.idx.msk [tilespmem:v8+s11+$0x0], $0xffff;
	v8 =	vor.u32 s17, v0;
	s17 =	simm.s32 $0xE;
	[tilespmem:s29+$0xFFFFFFF0] =	vst v12  }
0x149: {  	s13 =	simm.s32 $0x8;
	v6 =	vld.idx.msk [tilespmem:v15+s11+$0x0], $0xffff;
	[tilespmem:s29+$0xFFFFFFE0] =	vst v9;
	v9 =	vor.u32 s17, v0  }
0x14a: {  	v7 =	vor.u32 s13, v0;
	s13 =	simm.s32 $0x18;
	v2 =	vld.idx.msk [tilespmem:v13+s11+$0x0], $0xffff;
	s7 =	simm.s32 $0x10;
	s17 =	simm.s32 $0x17;
	[tilespmem:s29+$0x0] =	vst v14  }
.LBB2_5:
0x14b: {  	p1 =	slt.u32 s13, $0x3F8;
	s5 =	sadd.s32 $0x1, s7;
	v12 =	vor.u32 s17, v0;
	v13 =	vld.idx.msk [tilespmem:v10+s11+$0x0], $0xffff;
	[tilespmem:s29+$0x10] =	vst v5  }
0x14c: {  	v14 =	vor.u32 s5, v0;
	s5 =	sadd.s32 $0x2, s7;
	v15 =	vld.idx.msk [tilespmem:v11+s11+$0x0], $0xffff;
	[tilespmem:s29+$0x20] =	vst v4  }
0x14d: {  	v16 =	vor.u32 s5, v0;
	s5 =	sadd.s32 $0x3, s7;
	v5 =	vld.idx.msk [tilespmem:v8+s11+$0x0], $0xffff;
	[tilespmem:s29+$0xFFFFFFC0] =	vst v3;
	s29 =	sadd.s32 $0x80, s29  }
.Ltmp1:
0x14e: {  	v10 =	vor.u32 s5, v0;
	s5 =	sadd.s32 $0x4, s7;
	v4 =	vld.idx.msk [tilespmem:v9+s11+$0x0], $0xffff;
	[tilespmem:s29+$0x30] =	vst v1;
	(pc) =	sbr.rel @p1 .LBB2_5-.Ltmp1, $4  }
0x14f: {  	v11 =	vor.u32 s5, v0;
	s5 =	sadd.s32 $0x5, s7;
	v3 =	vld.idx.msk [tilespmem:v7+s11+$0x0], $0xffff;
	[tilespmem:s29+$0xFFFFFFD0] =	vst v2  }
0x150: {  	v8 =	vor.u32 s5, v0;
	s5 =	sadd.s32 $0x6, s7;
	v1 =	vld.idx.msk [tilespmem:v12+s11+$0x0], $0xffff;
	[tilespmem:s29+$0xFFFFFFE0] =	vst v6  }
0x151: {  	v2 =	vld.idx.msk [tilespmem:v14+s11+$0x0], $0xffff;
	v9 =	vor.u32 s5, v0;
	[tilespmem:s29+$0xFFFFFFF0] =	vst v13  }
0x152: {  	s17 =	sadd.s32 $0x7, s13;
	v7 =	vor.u32 s7, v0;
	s7 =	smov.u32 s13;
	s13 =	sadd.s32 $0x8, s13;
	v6 =	vld.idx.msk [tilespmem:v16+s11+$0x0], $0xffff;
	[tilespmem:s29+$0x0] =	vst v15  }
0x153: {  	_ =	sdelay $0x2  }
0x154: {  	[tilespmem:s29+$0x10] =	vst v5  }
0x155: {  	v5 =	vor.u32 s17, v0;
	s5 =	sadd.s32 $0x1, s7;
	v10 =	vld.idx.msk [tilespmem:v10+s11+$0x0], $0xffff;
	[tilespmem:s29+$0x20] =	vst v4  }
0x156: {  	s17 =	sadd.s32 $0x2, s7;
	v11 =	vld.idx.msk [tilespmem:v11+s11+$0x0], $0xffff;
	s13 =	sadd.s32 $0x80, s29;
	v4 =	vor.u32 s5, v0;
	[tilespmem:s29+$0xFFFFFFC0] =	vst v3  }
0x157: {  	v8 =	vld.idx.msk [tilespmem:v8+s11+$0x0], $0xffff;
	v3 =	vor.u32 s17, v0;
	s29 =	sadd.s32 $0x3, s7;
	[tilespmem:s13+$0x30] =	vst v1  }
0x158: {  	v9 =	vld.idx.msk [tilespmem:v9+s11+$0x0], $0xffff;
	s17 =	sadd.s32 $0x4, s7;
	v1 =	vor.u32 s29, v0;
	[tilespmem:s13+$0xFFFFFFD0] =	vst v2  }
0x159: {  	v7 =	vld.idx.msk [tilespmem:v7+s11+$0x0], $0xffff;
	s29 =	sadd.s32 $0x5, s7;
	v2 =	vor.u32 s17, v0;
	[tilespmem:s13+$0xFFFFFFE0] =	vst v6  }
0x15a: {  	s17 =	sadd.s32 $0x6, s7;
	v6 =	vor.u32 s29, v0;
	v5 =	vld.idx.msk [tilespmem:v5+s11+$0x0], $0xffff;
	[tilespmem:s13+$0xFFFFFFF0] =	vst v10  }
0x15b: {  	v10 =	vor.u32 s17, v0;
	[tilespmem:s13+$0x0] =	vst v11;
	v4 =	vld.idx.msk [tilespmem:v4+s11+$0x0], $0xffff  }
0x15c: {  	v11 =	vor.u32 s7, v0;
	[tilespmem:s13+$0x10] =	vst v8;
	v3 =	vld.idx.msk [tilespmem:v3+s11+$0x0], $0xffff  }
0x15d: {  	[tilespmem:s13+$0x20] =	vst v9;
	v1 =	vld.idx.msk [tilespmem:v1+s11+$0x0], $0xffff  }
0x15e: {  	s29 =	sadd.s32 $0x80, s13;
	[tilespmem:s13+$0xFFFFFFC0] =	vst v7;
	v2 =	vld.idx.msk [tilespmem:v2+s11+$0x0], $0xffff  }
0x15f: {  	v6 =	vld.idx.msk [tilespmem:v6+s11+$0x0], $0xffff;
	[tilespmem:s29+$0x30] =	vst v5  }
0x160: {  	v5 =	vld.idx.msk [tilespmem:v10+s11+$0x0], $0xffff;
	[tilespmem:s29+$0xFFFFFFD0] =	vst v4  }
0x161: {  	v4 =	vld.idx.msk [tilespmem:v11+s11+$0x0], $0xffff;
	[tilespmem:s29+$0xFFFFFFE0] =	vst v3  }
0x162: {  	s7 =	sadd.s32 s0, s28;
	[tilespmem:s29+$0xFFFFFFF0] =	vst v1  }
0x163: {  	p1 =	slt.s32 s7, $0x9EA;
	[tilespmem:s29+$0x0] =	vst v2  }
0x164: {  	s7 =	simm.s32 @!p1 $0x9EA;
	[tilespmem:s29+$0x10] =	vst v6  }
0x165: {  	s7 =	sshll.u32 s7, $0xB;
	[tilespmem:s29+$0x20] =	vst v5  }
0x166: {  	s13 =	simm.s32 $0x10000;
	s7 =	sadd.s32 s6, s7;
	[tilespmem:s29+$0xFFFFFFC0] =	vst v4;
	s29 =	simm.s32 $0x0  }
0x167: {  	[hbm4b:s7+s29] =	stream.linear.scatter [tilespmem:s13], [sflag:$0x5], $0x4000, $0x38;
	[tilespmem:$0x14000] =	vst v63  }
0x168: {  	_ =	swait.ge [sflag:s22], $0x400  }
0x169: {  	[sflag:s22] =	ssyncset.done $0x0  }
0x16a: {  	[sflag:s22] =	ssyncadd.s32 $0xFFFFFC00  }
0x16b: {  	_ =	swait.ge [sflag:s22], $0x400  }
0x16c: {  	[sflag:s22] =	ssyncset.done $0x0  }
0x16d: {  	[sflag:s22] =	ssyncadd.s32 $0xFFFFFC00  }
0x16e: {  	_ =	swait.ge [sflag:s22], $0x400  }
0x16f: {  	[sflag:s22] =	ssyncset.done $0x0  }
0x170: {  	[sflag:s22] =	ssyncadd.s32 $0xFFFFFC00  }
0x171: {  	_ =	swait.ge [sflag:s22], $0x400  }
0x172: {  	[sflag:s22] =	ssyncset.done $0x0  }
0x173: {  	[sflag:s22] =	ssyncadd.s32 $0xFFFFFC00  }
0x174: {  	_ =	swait.ge [sflag:s22], $0x400  }
0x175: {  	[sflag:s22] =	ssyncset.done $0x0  }
0x176: {  	[sflag:s22] =	ssyncadd.s32 $0xFFFFFC00  }
0x177: {  	_ =	swait.ge [sflag:s22], $0x400  }
0x178: {  	[sflag:s22] =	ssyncset.done $0x0  }
0x179: {  	[sflag:s22] =	ssyncadd.s32 $0xFFFFFC00  }
0x17a: {  	_ =	swait.ge [sflag:s22], $0x400  }
0x17b: {  	[sflag:s22] =	ssyncset.done $0x0  }
0x17c: {  	[sflag:s22] =	ssyncadd.s32 $0xFFFFFC00  }
0x17d: {  	_ =	swait.ge [sflag:s22], $0x400  }
0x17e: {  	[sflag:s22] =	ssyncset.done $0x0  }
0x17f: {  	[sflag:s22] =	ssyncadd.s32 $0xFFFFFC00  }
0x180: {  	_ =	swait.ge [sflag:s22], $0x400  }
0x181: {  	[sflag:s22] =	ssyncset.done $0x0  }
0x182: {  	[sflag:s22] =	ssyncadd.s32 $0xFFFFFC00  }
0x183: {  	_ =	swait.ge [sflag:s22], $0x400  }
0x184: {  	[sflag:s22] =	ssyncset.done $0x0  }
0x185: {  	[sflag:s22] =	ssyncadd.s32 $0xFFFFFC00  }
0x186: {  	_ =	swait.ge [sflag:s22], $0x400  }
0x187: {  	[sflag:s22] =	ssyncset.done $0x0  }
0x188: {  	[sflag:s22] =	ssyncadd.s32 $0xFFFFFC00  }
0x189: {  	_ =	swait.ge [sflag:s22], $0x400  }
0x18a: {  	[sflag:s22] =	ssyncset.done $0x0  }
0x18b: {  	[sflag:s22] =	ssyncadd.s32 $0xFFFFFC00  }
0x18c: {  	_ =	swait.ge [sflag:s22], $0x400  }
0x18d: {  	[sflag:s22] =	ssyncset.done $0x0  }
0x18e: {  	[sflag:s22] =	ssyncadd.s32 $0xFFFFFC00  }
0x18f: {  	_ =	swait.ge [sflag:s22], $0x400  }
0x190: {  	[sflag:s22] =	ssyncset.done $0x0  }
0x191: {  	[sflag:s22] =	ssyncadd.s32 $0xFFFFFC00  }
0x192: {  	_ =	swait.ge [sflag:s22], $0x400  }
0x193: {  	s5 =	sadd.s32 s2, s28;
	[sflag:s22] =	ssyncset.done $0x0  }
0x194: {  	p1 =	slt.s32 s5, $0x9EA;
	[sflag:s22] =	ssyncadd.s32 $0xFFFFFC00  }
0x195: {  	s5 =	simm.s32 @!p1 $0x9EA;
	_ =	swait.ge [sflag:s22], $0x400  }
0x196: {  	s5 =	sshll.u32 s5, $0xA;
	[sflag:s22] =	ssyncset.done $0x0  }
0x197: {  	s17 =	sadd.s32 s1, s5;
	[sflag:s22] =	ssyncadd.s32 $0xFFFFFC00  }
0x198: {  	[tilespmem:s11], [sflag:$0x2] =	stream.strided.gather [hbm4b:s17+s3], $0x400, s10, s3, $0x38;
	[tilespmem:$0x14000] =	vst v63  }
0x199: {  	s13 =	sadd.s32 s5, s8;
	s17 =	simm.s32 $0x4400  }
0x19a: {  	[tilespmem:s17], [sflag:$0x2] =	stream.strided.gather [hbm4b:s13+s3], $0x400, s10, s3, $0x38;
	[tilespmem:$0x14000] =	vst v63  }
0x19b: {  	s13 =	sadd.s32 s5, s9;
	s17 =	simm.s32 $0x4800  }
0x19c: {  	[tilespmem:s17], [sflag:$0x2] =	stream.strided.gather [hbm4b:s13+s3], $0x400, s10, s3, $0x38;
	[tilespmem:$0x14000] =	vst v63  }
0x19d: {  	s13 =	sadd.s32 s5, s12;
	s17 =	simm.s32 $0x4C00  }
0x19e: {  	[tilespmem:s17], [sflag:$0x2] =	stream.strided.gather [hbm4b:s13+s3], $0x400, s10, s3, $0x38;
	[tilespmem:$0x14000] =	vst v63  }
0x19f: {  	s13 =	sadd.s32 s5, s16;
	s17 =	simm.s32 $0x5000  }
0x1a0: {  	[tilespmem:s17], [sflag:$0x2] =	stream.strided.gather [hbm4b:s13+s3], $0x400, s10, s3, $0x38;
	[tilespmem:$0x14000] =	vst v63  }
0x1a1: {  	s13 =	sadd.s32 s5, s14;
	s17 =	simm.s32 $0x5400  }
0x1a2: {  	[tilespmem:s17], [sflag:$0x2] =	stream.strided.gather [hbm4b:s13+s3], $0x400, s10, s3, $0x38;
	[tilespmem:$0x14000] =	vst v63  }
0x1a3: {  	s13 =	sadd.s32 s5, s25;
	s17 =	simm.s32 $0x5800  }
0x1a4: {  	[tilespmem:s17], [sflag:$0x2] =	stream.strided.gather [hbm4b:s13+s3], $0x400, s10, s3, $0x38;
	[tilespmem:$0x14000] =	vst v63  }
0x1a5: {  	s13 =	sadd.s32 s5, s15;
	s5 =	sand.u32 $0x1FFFFC00, s5  }
0x1a6: {  	s17 =	simm.s32 $0x5C00;
	s5 =	sadd.s32 s1, s5  }
0x1a7: {  	[tilespmem:s17], [sflag:$0x2] =	stream.strided.gather [hbm4b:s13+s3], $0x400, s10, s3, $0x38;
	[tilespmem:$0x14000] =	vst v63  }
0x1a8: {  	s13 =	sadd.s32 $0x27AC80, s5;
	s17 =	simm.s32 $0x6000  }
0x1a9: {  	[tilespmem:s17], [sflag:$0x2] =	stream.strided.gather [hbm4b:s13+s3], $0x400, s10, s3, $0x38;
	[tilespmem:$0x14000] =	vst v63  }
0x1aa: {  	s13 =	sadd.s32 $0x27AC90, s5;
	s17 =	simm.s32 $0x6400  }
0x1ab: {  	[tilespmem:s17], [sflag:$0x2] =	stream.strided.gather [hbm4b:s13+s3], $0x400, s10, s3, $0x38;
	[tilespmem:$0x14000] =	vst v63  }
0x1ac: {  	s13 =	sadd.s32 $0x27ACA0, s5;
	s17 =	simm.s32 $0x6800  }
0x1ad: {  	[tilespmem:s17], [sflag:$0x2] =	stream.strided.gather [hbm4b:s13+s3], $0x400, s10, s3, $0x38;
	[tilespmem:$0x14000] =	vst v63  }
0x1ae: {  	s13 =	sadd.s32 $0x27ACB0, s5;
	s17 =	simm.s32 $0x6C00  }
0x1af: {  	[tilespmem:s17], [sflag:$0x2] =	stream.strided.gather [hbm4b:s13+s3], $0x400, s10, s3, $0x38;
	[tilespmem:$0x14000] =	vst v63  }
0x1b0: {  	s13 =	sadd.s32 $0x27ACC0, s5;
	s17 =	simm.s32 $0x7000  }
0x1b1: {  	[tilespmem:s17], [sflag:$0x2] =	stream.strided.gather [hbm4b:s13+s3], $0x400, s10, s3, $0x38;
	[tilespmem:$0x14000] =	vst v63  }
0x1b2: {  	s13 =	sadd.s32 $0x27ACD0, s5;
	s17 =	simm.s32 $0x7400  }
0x1b3: {  	[tilespmem:s17], [sflag:$0x2] =	stream.strided.gather [hbm4b:s13+s3], $0x400, s10, s3, $0x38;
	[tilespmem:$0x14000] =	vst v63  }
0x1b4: {  	s13 =	sadd.s32 $0x27ACE0, s5;
	s17 =	simm.s32 $0x7800  }
0x1b5: {  	[tilespmem:s17], [sflag:$0x2] =	stream.strided.gather [hbm4b:s13+s3], $0x400, s10, s3, $0x38;
	[tilespmem:$0x14000] =	vst v63  }
0x1b6: {  	s7 =	simm.s32 $0x4;
	s13 =	simm.s32 $0x7  }
0x1b7: {  	s5 =	sadd.s32 $0x27ACF0, s5;
	s17 =	simm.s32 $0x7C00;
	v1 =	vor.u32 s13, v0;
	s13 =	simm.s32 $0x2  }
0x1b8: {  	v5 =	vor.u32 s7, v0;
	[tilespmem:s17], [sflag:$0x2] =	stream.strided.gather [hbm4b:s5+s3], $0x400, s10, s3, $0x38;
	[tilespmem:$0x14000] =	vst v63  }
0x1b9: {  	s17 =	simm.s32 $0x1;
	v3 =	vor.u32 s13, v0;
	_ =	swait.ge [sflag:s23], $0x4000  }
0x1ba: {  	s13 =	simm.s32 $0x5;
	v2 =	vor.u32 s17, v0;
	[sflag:s23] =	ssyncset.done $0x0  }
0x1bb: {  	s17 =	simm.s32 $0x3;
	v6 =	vor.u32 s13, v0;
	[sflag:s23] =	ssyncadd.s32 $0xFFFFC000  }
0x1bc: {  	v4 =	vor.u32 s17, v0;
	s17 =	simm.s32 $0x6;
	v1 =	vld.idx.msk [tilespmem:v1+s19+$0x0], $0xffff  }
0x1bd: {  	s7 =	simm.s32 $0xF;
	v7 =	vor.u32 s17, v0;
	v14 =	vld.idx.msk [tilespmem:v5+s19+$0x0], $0xffff  }
0x1be: {  	v11 =	vor.u32 s7, v0;
	v9 =	vld.idx.msk [tilespmem:v3+s19+$0x0], $0xffff  }
0x1bf: {  	v8 =	vor.u32 s29, v0;
	s17 =	simm.s32 $0xA;
	v2 =	vld.idx.msk [tilespmem:v2+s19+$0x0], $0xffff  }
0x1c0: {  	s13 =	simm.s32 $0x9;
	v15 =	vor.u32 s17, v0;
	v5 =	vld.idx.msk [tilespmem:v6+s19+$0x0], $0xffff  }
0x1c1: {  	s28 =	simm.s32 $0xC040;
	s29 =	simm.s32 $0xB;
	v13 =	vor.u32 s13, v0;
	v12 =	vld.idx.msk [tilespmem:v4+s19+$0x0], $0xffff  }
0x1c2: {  	v10 =	vor.u32 s29, v0;
	s7 =	simm.s32 $0xC;
	v4 =	vld.idx.msk [tilespmem:v7+s19+$0x0], $0xffff;
	[tilespmem:s28+$0x30] =	vst v1  }
0x1c3: {  	s17 =	simm.s32 $0xD;
	v1 =	vld.idx.msk [tilespmem:v11+s19+$0x0], $0xffff;
	v11 =	vor.u32 s7, v0;
	[tilespmem:s28+$0x0] =	vst v14  }
0x1c4: {  	s29 =	simm.s32 $0xE;
	v3 =	vld.idx.msk [tilespmem:v8+s19+$0x0], $0xffff;
	v8 =	vor.u32 s17, v0;
	[tilespmem:s28+$0xFFFFFFE0] =	vst v9  }
0x1c5: {  	s13 =	simm.s32 $0x8;
	v6 =	vld.idx.msk [tilespmem:v15+s19+$0x0], $0xffff;
	v9 =	vor.u32 s29, v0;
	[tilespmem:s28+$0xFFFFFFD0] =	vst v2  }
0x1c6: {  	s17 =	simm.s32 $0x17;
	v7 =	vor.u32 s13, v0;
	s13 =	simm.s32 $0x18;
	s7 =	simm.s32 $0x10;
	v2 =	vld.idx.msk [tilespmem:v13+s19+$0x0], $0xffff;
	[tilespmem:s28+$0xFFFFFFF0] =	vst v12  }
.LBB2_7:
0x1c7: {  	p1 =	slt.u32 s13, $0x3F8;
	s5 =	sadd.s32 $0x1, s7;
	v12 =	vor.u32 s17, v0;
	v13 =	vld.idx.msk [tilespmem:v10+s19+$0x0], $0xffff;
	[tilespmem:s28+$0x10] =	vst v5  }
0x1c8: {  	v14 =	vor.u32 s5, v0;
	s5 =	sadd.s32 $0x2, s7;
	v15 =	vld.idx.msk [tilespmem:v11+s19+$0x0], $0xffff;
	[tilespmem:s28+$0x20] =	vst v4  }
0x1c9: {  	v16 =	vor.u32 s5, v0;
	s5 =	sadd.s32 $0x3, s7;
	v5 =	vld.idx.msk [tilespmem:v8+s19+$0x0], $0xffff;
	[tilespmem:s28+$0xFFFFFFC0] =	vst v3;
	s28 =	sadd.s32 $0x80, s28  }
.Ltmp2:
0x1ca: {  	v10 =	vor.u32 s5, v0;
	s5 =	sadd.s32 $0x4, s7;
	v4 =	vld.idx.msk [tilespmem:v9+s19+$0x0], $0xffff;
	[tilespmem:s28+$0x30] =	vst v1;
	(pc) =	sbr.rel @p1 .LBB2_7-.Ltmp2, $4  }
0x1cb: {  	v11 =	vor.u32 s5, v0;
	s5 =	sadd.s32 $0x5, s7;
	v3 =	vld.idx.msk [tilespmem:v7+s19+$0x0], $0xffff;
	[tilespmem:s28+$0xFFFFFFD0] =	vst v2  }
0x1cc: {  	v8 =	vor.u32 s5, v0;
	s5 =	sadd.s32 $0x6, s7;
	v1 =	vld.idx.msk [tilespmem:v12+s19+$0x0], $0xffff;
	[tilespmem:s28+$0xFFFFFFE0] =	vst v6  }
0x1cd: {  	v2 =	vld.idx.msk [tilespmem:v14+s19+$0x0], $0xffff;
	v9 =	vor.u32 s5, v0;
	[tilespmem:s28+$0xFFFFFFF0] =	vst v13  }
0x1ce: {  	s17 =	sadd.s32 $0x7, s13;
	v7 =	vor.u32 s7, v0;
	s7 =	smov.u32 s13;
	s13 =	sadd.s32 $0x8, s13;
	v6 =	vld.idx.msk [tilespmem:v16+s19+$0x0], $0xffff;
	[tilespmem:s28+$0x0] =	vst v15  }
0x1cf: {  	_ =	sdelay $0x2  }
0x1d0: {  	[tilespmem:s28+$0x10] =	vst v5  }
0x1d1: {  	v57 =	vor.u32 s17, v0;
	v10 =	vld.idx.msk [tilespmem:v10+s19+$0x0], $0xffff;
	[tilespmem:s28+$0x20] =	vst v4  }
0x1d2: {  	s5 =	sadd.s32 $0x1, s7;
	v11 =	vld.idx.msk [tilespmem:v11+s19+$0x0], $0xffff;
	s13 =	sadd.s32 $0x80, s28;
	v61 =	vor.u32 s7, v0;
	[tilespmem:s28+$0xFFFFFFC0] =	vst v3  }
0x1d3: {  	s17 =	sadd.s32 $0x2, s7;
	v8 =	vld.idx.msk [tilespmem:v8+s19+$0x0], $0xffff;
	v58 =	vor.u32 s5, v0;
	[tilespmem:s13+$0x30] =	vst v1  }
0x1d4: {  	s29 =	sadd.s32 $0x3, s7;
	v9 =	vld.idx.msk [tilespmem:v9+s19+$0x0], $0xffff;
	v3 =	vor.u32 s17, v0;
	[tilespmem:s13+$0xFFFFFFD0] =	vst v2  }
0x1d5: {  	v7 =	vld.idx.msk [tilespmem:v7+s19+$0x0], $0xffff;
	s28 =	sadd.s32 $0x5, s7;
	v1 =	vor.u32 s29, v0;
	[tilespmem:s13+$0xFFFFFFE0] =	vst v6  }
0x1d6: {  	s17 =	sadd.s32 $0x4, s7;
	v59 =	vor.u32 s28, v0;
	v5 =	vld.idx.msk [tilespmem:v57+s19+$0x0], $0xffff;
	[tilespmem:s13+$0xFFFFFFF0] =	vst v10  }
0x1d7: {  	s29 =	sadd.s32 $0x6, s7;
	v2 =	vor.u32 s17, v0;
	[tilespmem:s13+$0x0] =	vst v11;
	v63 =	vld.idx.msk [tilespmem:v61+s19+$0x0], $0xffff  }
0x1d8: {  	v60 =	vor.u32 s29, v0;
	[tilespmem:s13+$0x10] =	vst v8;
	v4 =	vld.idx.msk [tilespmem:v58+s19+$0x0], $0xffff  }
0x1d9: {  	[tilespmem:s13+$0x20] =	vst v9;
	v3 =	vld.idx.msk [tilespmem:v3+s19+$0x0], $0xffff  }
0x1da: {  	s17 =	sadd.s32 $0x80, s13;
	[tilespmem:s13+$0xFFFFFFC0] =	vst v7;
	v1 =	vld.idx.msk [tilespmem:v1+s19+$0x0], $0xffff  }
0x1db: {  	v6 =	vld.idx.msk [tilespmem:v59+s19+$0x0], $0xffff;
	[tilespmem:s17+$0x30] =	vst v5  }
0x1dc: {  	v2 =	vld.idx.msk [tilespmem:v2+s19+$0x0], $0xffff;
	[tilespmem:s17+$0xFFFFFFC0] =	vst v63  }
0x1dd: {  	s24 =	sadd.s32 $0x1, s24;
	v62 =	vld.idx.msk [tilespmem:v60+s19+$0x0], $0xffff;
	[tilespmem:s17+$0xFFFFFFD0] =	vst v4  }
0x1de: {  	p1 =	sne.s32 s24, $0x1B;
	[tilespmem:s17+$0xFFFFFFE0] =	vst v3  }
.Ltmp3:
0x1df: {  	[tilespmem:s17+$0xFFFFFFF0] =	vst v1;
	(pc) =	sbr.rel @p1 .LBB2_2-.Ltmp3, $4  }
0x1e0: {  	[tilespmem:s17+$0x10] =	vst v6  }
0x1e1: {  	s28 =	sshll.u32 s26, $0xB;
	[tilespmem:s17+$0x0] =	vst v2  }
0x1e2: {  	s29 =	sadd.s32 s6, s28;
	[tilespmem:s17+$0x20] =	vst v62  }
0x1e3: {  	[hbm4b:s29+s4] =	stream.linear.scatter [tilespmem:s20], [sflag:$0x4], $0x4000, $0x38;
	[tilespmem:$0x14000] =	vst v63  }
0x1e4: {  	_ =	swait.ge [sflag:s18], $0x400  }
0x1e5: {  	[sflag:s18] =	ssyncset.done $0x0  }
0x1e6: {  	[sflag:s18] =	ssyncadd.s32 $0xFFFFFC00  }
0x1e7: {  	_ =	swait.ge [sflag:s18], $0x400  }
0x1e8: {  	[sflag:s18] =	ssyncset.done $0x0  }
0x1e9: {  	[sflag:s18] =	ssyncadd.s32 $0xFFFFFC00  }
0x1ea: {  	_ =	swait.ge [sflag:s18], $0x400  }
0x1eb: {  	[sflag:s18] =	ssyncset.done $0x0  }
0x1ec: {  	[sflag:s18] =	ssyncadd.s32 $0xFFFFFC00  }
0x1ed: {  	_ =	swait.ge [sflag:s18], $0x400  }
0x1ee: {  	[sflag:s18] =	ssyncset.done $0x0  }
0x1ef: {  	[sflag:s18] =	ssyncadd.s32 $0xFFFFFC00  }
0x1f0: {  	_ =	swait.ge [sflag:s18], $0x400  }
0x1f1: {  	[sflag:s18] =	ssyncset.done $0x0  }
0x1f2: {  	[sflag:s18] =	ssyncadd.s32 $0xFFFFFC00  }
0x1f3: {  	_ =	swait.ge [sflag:s18], $0x400  }
0x1f4: {  	[sflag:s18] =	ssyncset.done $0x0  }
0x1f5: {  	[sflag:s18] =	ssyncadd.s32 $0xFFFFFC00  }
0x1f6: {  	_ =	swait.ge [sflag:s18], $0x400  }
0x1f7: {  	[sflag:s18] =	ssyncset.done $0x0  }
0x1f8: {  	[sflag:s18] =	ssyncadd.s32 $0xFFFFFC00  }
0x1f9: {  	_ =	swait.ge [sflag:s18], $0x400  }
0x1fa: {  	[sflag:s18] =	ssyncset.done $0x0  }
0x1fb: {  	[sflag:s18] =	ssyncadd.s32 $0xFFFFFC00  }
0x1fc: {  	_ =	swait.ge [sflag:s18], $0x400  }
0x1fd: {  	[sflag:s18] =	ssyncset.done $0x0  }
0x1fe: {  	[sflag:s18] =	ssyncadd.s32 $0xFFFFFC00  }
0x1ff: {  	_ =	swait.ge [sflag:s18], $0x400  }
0x200: {  	[sflag:s18] =	ssyncset.done $0x0  }
0x201: {  	[sflag:s18] =	ssyncadd.s32 $0xFFFFFC00  }
0x202: {  	_ =	swait.ge [sflag:s18], $0x400  }
0x203: {  	[sflag:s18] =	ssyncset.done $0x0  }
0x204: {  	[sflag:s18] =	ssyncadd.s32 $0xFFFFFC00  }
0x205: {  	_ =	swait.ge [sflag:s18], $0x400  }
0x206: {  	[sflag:s18] =	ssyncset.done $0x0  }
0x207: {  	[sflag:s18] =	ssyncadd.s32 $0xFFFFFC00  }
0x208: {  	_ =	swait.ge [sflag:s18], $0x400  }
0x209: {  	[sflag:s18] =	ssyncset.done $0x0  }
0x20a: {  	[sflag:s18] =	ssyncadd.s32 $0xFFFFFC00  }
0x20b: {  	_ =	swait.ge [sflag:s18], $0x400  }
0x20c: {  	[sflag:s18] =	ssyncset.done $0x0  }
0x20d: {  	[sflag:s18] =	ssyncadd.s32 $0xFFFFFC00  }
0x20e: {  	_ =	swait.ge [sflag:s18], $0x400  }
0x20f: {  	[sflag:s18] =	ssyncset.done $0x0  }
0x210: {  	[sflag:s18] =	ssyncadd.s32 $0xFFFFFC00  }
0x211: {  	_ =	swait.ge [sflag:s18], $0x400  }
0x212: {  	[sflag:s18] =	ssyncset.done $0x0  }
0x213: {  	[sflag:s18] =	ssyncadd.s32 $0xFFFFFC00  }
0x214: {  	_ =	swait.ge [sflag:s21], $0x400  }
0x215: {  	[sflag:s21] =	ssyncset.done $0x0  }
0x216: {  	[sflag:s21] =	ssyncadd.s32 $0xFFFFFC00  }
0x217: {  	_ =	swait.ge [sflag:s21], $0x400  }
0x218: {  	[sflag:s21] =	ssyncset.done $0x0  }
0x219: {  	[sflag:s21] =	ssyncadd.s32 $0xFFFFFC00  }
0x21a: {  	_ =	swait.ge [sflag:s21], $0x400  }
0x21b: {  	[sflag:s21] =	ssyncset.done $0x0  }
0x21c: {  	[sflag:s21] =	ssyncadd.s32 $0xFFFFFC00  }
0x21d: {  	_ =	swait.ge [sflag:s21], $0x400  }
0x21e: {  	[sflag:s21] =	ssyncset.done $0x0  }
0x21f: {  	[sflag:s21] =	ssyncadd.s32 $0xFFFFFC00  }
0x220: {  	_ =	swait.ge [sflag:s21], $0x400  }
0x221: {  	[sflag:s21] =	ssyncset.done $0x0  }
0x222: {  	[sflag:s21] =	ssyncadd.s32 $0xFFFFFC00  }
0x223: {  	_ =	swait.ge [sflag:s21], $0x400  }
0x224: {  	[sflag:s21] =	ssyncset.done $0x0  }
0x225: {  	[sflag:s21] =	ssyncadd.s32 $0xFFFFFC00  }
0x226: {  	_ =	swait.ge [sflag:s21], $0x400  }
0x227: {  	[sflag:s21] =	ssyncset.done $0x0  }
0x228: {  	[sflag:s21] =	ssyncadd.s32 $0xFFFFFC00  }
0x229: {  	_ =	swait.ge [sflag:s21], $0x400  }
0x22a: {  	[sflag:s21] =	ssyncset.done $0x0  }
0x22b: {  	[sflag:s21] =	ssyncadd.s32 $0xFFFFFC00  }
0x22c: {  	_ =	swait.ge [sflag:s21], $0x400  }
0x22d: {  	[sflag:s21] =	ssyncset.done $0x0  }
0x22e: {  	[sflag:s21] =	ssyncadd.s32 $0xFFFFFC00  }
0x22f: {  	_ =	swait.ge [sflag:s21], $0x400  }
0x230: {  	[sflag:s21] =	ssyncset.done $0x0  }
0x231: {  	[sflag:s21] =	ssyncadd.s32 $0xFFFFFC00  }
0x232: {  	_ =	swait.ge [sflag:s21], $0x400  }
0x233: {  	[sflag:s21] =	ssyncset.done $0x0  }
0x234: {  	[sflag:s21] =	ssyncadd.s32 $0xFFFFFC00  }
0x235: {  	_ =	swait.ge [sflag:s21], $0x400  }
0x236: {  	[sflag:s21] =	ssyncset.done $0x0  }
0x237: {  	[sflag:s21] =	ssyncadd.s32 $0xFFFFFC00  }
0x238: {  	_ =	swait.ge [sflag:s21], $0x400  }
0x239: {  	[sflag:s21] =	ssyncset.done $0x0  }
0x23a: {  	[sflag:s21] =	ssyncadd.s32 $0xFFFFFC00  }
0x23b: {  	_ =	swait.ge [sflag:s21], $0x400  }
0x23c: {  	[sflag:s21] =	ssyncset.done $0x0  }
0x23d: {  	[sflag:s21] =	ssyncadd.s32 $0xFFFFFC00  }
0x23e: {  	_ =	swait.ge [sflag:s21], $0x400  }
0x23f: {  	[sflag:s21] =	ssyncset.done $0x0  }
0x240: {  	[sflag:s21] =	ssyncadd.s32 $0xFFFFFC00  }
0x241: {  	_ =	swait.ge [sflag:s21], $0x400  }
0x242: {  	[sflag:s21] =	ssyncset.done $0x0  }
0x243: {  	[sflag:s21] =	ssyncadd.s32 $0xFFFFFC00  }
0x244: {  	_ =	swait.ge [sflag:s23], $0x4000  }
0x245: {  	[sflag:s23] =	ssyncset.done $0x0  }
0x246: {  	s7 =	simm.s32 $0x5;
	[sflag:s23] =	ssyncadd.s32 $0xFFFFC000  }
0x247: {  	_ =	swait.ge [sflag:s7], $0x4000  }
0x248: {  	s5 =	stileid.u32;
	[sflag:s7] =	ssyncset.done $0x0  }
0x249: {  	s5 =	sshll.u32 @!p0 s5, $0x6;
	s13 =	rddreg [dreg:$0xe];
	[sflag:s7] =	ssyncadd.s32 $0xFFFFC000  }
0x24a: {  	s5 =	sor.u32 @!p0 $0x1C06, s5;
	s7 =	rddreg [dreg:$0x1]  }
0x24b: {  	[hbm:s13], [sflag:s5] =	dma.local @!p0 [hbm:s7], $0x80  }
0x24c: {  	s5 =	simm.s32 @!p0 $0x6  }
0x24d: {  	_ =	swait.ge @!p0 [sflag:s5], $0x80  }
0x24e: {  	s28 =	sld [smem:$0x7F6]  }
0x24f: {  	s29 =	sld [smem:$0x7F8];
	_ =	sdelay $0x1  }
0x250: {  	s13 =	sadd.s32 $0x1, s28  }
0x251: {  	p1 =	sne.s32 s13, s29  }
.Ltmp4:
0x252: {  	_ = 	snop;
	(pc) =	sbr.rel @p1 .LBB2_1-.Ltmp4, $3  }
0x253: {  	_ =	sdelay $0x1  }
0x254: {  	[sflag:s5] =	ssyncset.done @!p0 $0x0  }
0x255: {  	[sflag:s5] =	ssyncadd.s32 @!p0 $0xFFFFFF80  }
0x256: {  	_ =	sfence.sel $0x180000  }
0x257: {  	[bflag:$0x0] =	sbarrier.arrive $0xFFFF  }
0x258: {  	_ =	strace $0x90000047  }
0x259: {  	s0 =	stileid.u32;
	[bflag:$0x2] =	sbarrier.arrive $0xFFFF  }
0x25a: {  	p0 =	sne.s32 s0, $0x0;
	s0 =	rddreg [dreg:$0x3]  }
0x25b: {  	s0 =	sadd.s32 @!p0 $0x100000, s0  }
0x25c: {  	[sflag:s0] =	ssyncadd.tile.s32 @!p0 $0x1;
	_ =	shalt  }
.Lfunc_end2:
_tile_overlayer_lowered:
.L_overlay_start_2:
0x25d: {  	(tag) =	ssettag $0x2  }
0x25e: {  	s0 =	rddreg [dreg:$0x0];
	s2 =	stileid.u32  }
0x25f: {  	s1 =	rddreg [dreg:$0x1];
	p0 =	sne.s32 s2, $0x0  }
0x260: {  	s3 =	rddreg [dreg:$0x2];
	[bflag:$0x3] =	sbarrier.arrive $0xFFFF;
	s2 =	simm.s32 @!p0 $0x1C06  }
0x261: {  	[timem:s3], [sflag:s2] =	dma.local @!p0 [hbm:s0], s1  }
0x262: {  	s0 =	simm.s32 @!p0 $0x6  }
0x263: {  	_ =	swait.ge @!p0 [sflag:s0], s1  }
0x264: {  	s1 =	ssub.s32 @!p0 $0x0, s1;
	[sflag:s0] =	ssyncset.done @!p0 $0x0  }
0x265: {  	[sflag:s0] =	ssyncadd.s32 @!p0 s1  }
0x266: {  	[bflag:$0x3] =	sbarrier.arrive $0xFFFF  }
0x267: {  	_ =	shalt  }

// kernel: kernel.7.cloned.1.call-start
scs
__scs_entry_jumppad:
0x0: {  	(pc) =	sbr.rel $0x88, $3  }
0x1: {  	(tag) =	ssettag $0x0;
	lr =	simm.s32 $0x1  }
0x2: {  	[smem:$0x3F9D] =	sst lr;
	_ =	strace $0xD0000000  }
0x3: {  	_ = 	snop  }
0x4: {  	_ = 	snop  }
0x5: {  	_ = 	snop  }
0x6: {  	_ = 	snop  }
0x7: {  	_ = 	snop  }
__scs_overlays_trampoline_lowered:
0x8: {  	[smem:$0x3FAC] =	sst s0  }
0x9: {  	[smem:$0x3FAD] =	sst s1  }
0xa: {  	[smem:$0x3FAE] =	sst s2  }
0xb: {  	[smem:$0x3FAF] =	sst s3  }
0xc: {  	[smem:$0x3FB0] =	sst s4  }
0xd: {  	[smem:$0x3FB1] =	sst s5  }
0xe: {  	[smem:$0x3FB2] =	sst s6  }
0xf: {  	[smem:$0x3FB3] =	sst s7  }
0x10: {  	[smem:$0x3FB4] =	sst s8  }
0x11: {  	[smem:$0x3FB5] =	sst s9;
	s0 =	simm.s32 @!p0 $0x0  }
0x12: {  	s1 =	sld [smem:$0x3F9B];
	s0 =	simm.s32 @p0 $0x1  }
0x13: {  	[smem:$0x3FB6] =	sst s0;
	s0 =	simm.s32 @!p1 $0x0  }
0x14: {  	s2 =	sld [smem:$0x3F9A];
	s0 =	simm.s32 @p1 $0x1  }
0x15: {  	[smem:$0x3FB7] =	sst s0;
	s0 =	simm.s32 @!p2 $0x0  }
0x16: {  	s3 =	sld [smem:$0x3FDB];
	s0 =	simm.s32 @p2 $0x1  }
0x17: {  	s4 =	simm.s32 $0x1BF5;
	[smem:$0x3FB9] =	sst s0  }
0x18: {  	s0 =	sld [smem:$0x3F9C];
	_ =	swait.ge [sflag:s4], $0x0  }
0x19: {  	s7 =	sld [smem:$0x3F9D]  }
0x1a: {  	s8 =	sadd.s32 $0xFFFFE003, lr  }
0x1b: {  	s9 =	sadd.s32 $0xFFFFFEF7, lr;
	s5 =	simm.s32 $0xFFFFFFFF;
	p2 =	slt.u32 s8, $0xFFFFF086  }
0x1c: {  	p1 =	slt.u32 s9, $0xF7A;
	s5 =	simm.s32 @!p2 $0x0  }
0x1d: {  	s5 =	simm.s32 @p1 $0x1;
	p0 =	seq.s32 s7, s2  }
0x1e: {  	s7 =	smul.u32 @!p0 $0xF7A, s2;
	p2 =	seq.s32 @!p0 s5, $0x0  }
0x1f: {  	s9 =	smul.u32 $0xF7A, s1;
	s8 =	simm.s32 @!p0 $0x1BF5;
	p2 =	por !p2, p0  }
0x20: {  	[sflag:s8] =	ssyncset.s32 @!p0 $0xFFFFF086;
	s6 =	sadd.s32 @!p0 s3, s7;
	s7 =	simm.s32 @!p0 $0x108  }
0x21: {  	s3 =	sadd.s32 s3, s9;
	s6 =	sadd.s32 @!p0 $0x88, s6;
	s7 =	simm.s32 @p2 $0x1082  }
0x22: {  	[simem:s7], [sflag:s8] =	dma.local @!p0 [hbm:s6], $0xF7A  }
0x23: {  	s9 =	sor.u32 $0xD0000000, s2;
	s6 =	simm.s32 $0x108;
	_ =	swait.ge @!p0 [sflag:s8], $0x0  }
0x24: {  	s3 =	sadd.s32 $0x88, s3;
	s6 =	simm.s32 @!p1 $0x1082;
	[sflag:s4] =	ssyncset.s32 $0xFFFFF086  }
0x25: {  	[simem:s6], [sflag:s4] =	dma.local [hbm:s3], $0xF7A  }
0x26: {  	[smem:$0x3F9D] =	sst s1;
	(tag) =	ssettag s2;
	_ =	strace s9  }
0x27: {  	s1 =	sld [smem:$0x3FAD]  }
0x28: {  	s2 =	sld [smem:$0x3FAE]  }
0x29: {  	s4 =	sld [smem:$0x3FB0]  }
0x2a: {  	p0 =	seq.s32 s5, $0x0;
	s5 =	sld [smem:$0x3FB1]  }
0x2b: {  	s6 =	sld [smem:$0x3FB2]  }
0x2c: {  	s7 =	sld [smem:$0x3FB3]  }
0x2d: {  	s3 =	simm.s32 $0x108;
	s8 =	sld [smem:$0x3FB4]  }
0x2e: {  	s3 =	simm.s32 @!p0 $0x1082;
	s9 =	sld [smem:$0x3FB5]  }
0x2f: {  	lr =	sadd.s32 s0, s3;
	s0 =	sld [smem:$0x3FAC]  }
0x30: {  	s3 =	sld [smem:$0x3FAF]  }
0x31: {  	[smem:$0x3FB8] =	sst s10  }
0x32: {  	s10 =	sld [smem:$0x3FB6];
	_ =	sdelay $0x3  }
0x33: {  	p0 =	seq.s32 s10, $0x1;
	s10 =	sld [smem:$0x3FB8];
	_ =	sdelay $0x3  }
0x34: {  	[smem:$0x3FB8] =	sst s10  }
0x35: {  	s10 =	sld [smem:$0x3FB7];
	_ =	sdelay $0x3  }
0x36: {  	p1 =	seq.s32 s10, $0x1;
	s10 =	sld [smem:$0x3FB8];
	_ =	sdelay $0x3  }
0x37: {  	[smem:$0x3FB8] =	sst s10  }
0x38: {  	s10 =	sld [smem:$0x3FB9]  }
0x39: {  	_ = 	snop;
	(pc) =	sbr.ind lr, $3  }
0x3a: {  	_ = 	snop  }
0x3b: {  	_ = 	snop  }
0x3c: {  	p2 =	seq.s32 s10, $0x1;
	s10 =	sld [smem:$0x3FB8]  }
0x3d: {  	_ =	shalt  }
0x3e: {  	_ =	shalt  }
0x3f: {  	_ =	shalt  }
0x40: {  	_ =	shalt  }
0x41: {  	_ =	shalt  }
0x42: {  	_ =	shalt  }
0x43: {  	_ =	shalt  }
0x44: {  	_ =	shalt  }
0x45: {  	_ =	shalt  }
0x46: {  	_ =	shalt  }
0x47: {  	_ =	shalt  }
0x48: {  	_ =	shalt  }
0x49: {  	_ =	shalt  }
0x4a: {  	_ =	shalt  }
0x4b: {  	_ =	shalt  }
0x4c: {  	_ =	shalt  }
0x4d: {  	_ =	shalt  }
0x4e: {  	_ =	shalt  }
0x4f: {  	_ =	shalt  }
0x50: {  	_ =	shalt  }
0x51: {  	_ =	shalt  }
0x52: {  	_ =	shalt  }
0x53: {  	_ =	shalt  }
0x54: {  	_ =	shalt  }
0x55: {  	_ =	shalt  }
0x56: {  	_ =	shalt  }
0x57: {  	_ =	shalt  }
0x58: {  	_ =	shalt  }
0x59: {  	_ =	shalt  }
0x5a: {  	_ =	shalt  }
0x5b: {  	_ =	shalt  }
0x5c: {  	_ =	shalt  }
0x5d: {  	_ =	shalt  }
0x5e: {  	_ =	shalt  }
0x5f: {  	_ =	shalt  }
0x60: {  	_ =	shalt  }
0x61: {  	_ =	shalt  }
0x62: {  	_ =	shalt  }
0x63: {  	_ =	shalt  }
0x64: {  	_ =	shalt  }
0x65: {  	_ =	shalt  }
0x66: {  	_ =	shalt  }
0x67: {  	_ =	shalt  }
0x68: {  	_ =	shalt  }
0x69: {  	_ =	shalt  }
0x6a: {  	_ =	shalt  }
0x6b: {  	_ =	shalt  }
0x6c: {  	_ =	shalt  }
0x6d: {  	_ =	shalt  }
0x6e: {  	_ =	shalt  }
0x6f: {  	_ =	shalt  }
0x70: {  	_ =	shalt  }
0x71: {  	_ =	shalt  }
0x72: {  	_ =	shalt  }
0x73: {  	_ =	shalt  }
0x74: {  	_ =	shalt  }
0x75: {  	_ =	shalt  }
0x76: {  	_ =	shalt  }
0x77: {  	_ =	shalt  }
0x78: {  	_ =	shalt  }
0x79: {  	_ =	shalt  }
0x7a: {  	_ =	shalt  }
0x7b: {  	_ =	shalt  }
0x7c: {  	_ =	shalt  }
0x7d: {  	_ =	shalt  }
0x7e: {  	_ =	shalt  }
0x7f: {  	_ =	shalt  }
0x80: {  	_ =	shalt  }
0x81: {  	_ =	shalt  }
0x82: {  	_ =	shalt  }
0x83: {  	_ =	shalt  }
0x84: {  	_ =	shalt  }
0x85: {  	_ =	shalt  }
0x86: {  	_ =	shalt  }
0x87: {  	_ =	shalt  }
.Lfunc_end0:
.L_simem_size_0:
called_computation.1_lowered:
.L_overlay_start_0:
0x88: {  	s2 =	sld [smem:$0x3FD9]  }
0x89: {  	s3 =	sld [smem:$0x3FFE];
	_ =	sdelay $0x1  }
0x8a: {  	s1 =	srdreg.scid  }
0x8b: {  	s0 =	sand.u32 $0x1, s1  }
0x8c: {  	s17 =	sshll.u32 s0, $0xA;
	s2 =	sadd.s32 s3, s2  }
0x8d: {  	s2 =	sadd.s32 s2, s17  }
0x8e: {  	[smem:$0x3FC4] =	sst s2  }
0x8f: {  	_ = 	snop  }
0x90: {  	s2 =	sld [smem:$0x3FC7]  }
0x91: {  	s18 =	sld [smem:$0x3FD0];
	(tm) =	ssettm $0x1  }
0x92: {  	s4 =	sld [smem:$0x3FFB];
	_ =	sdelay $0x3  }
0x93: {  	_ =	strace s4  }
0x94: {  	s4 =	sld [smem:$0x3FFC];
	_ =	sdelay $0x3  }
0x95: {  	_ =	strace s4  }
0x96: {  	s4 =	sld [smem:$0x3FFD];
	_ =	sdelay $0x3  }
0x97: {  	_ =	strace s4  }
0x98: {  	_ =	strace $0x8FFFFFFF  }
0x99: {  	s19 =	sld [smem:$0x3FDB];
	_ =	sdelay $0x1  }
0x9a: {  	s5 =	simm.s32 $_scs_section_size  }
0x9b: {  	s6 =	simm.s32 $_size__tile_overlayer_lowered;
	s7 =	simm.s32 $_tile_overlayer_lowered  }
0x9c: {  	s22 =	simm.s32 $0x1BFF;
	s21 =	sshll.u32 s7, $0x1;
	s4 =	sadd.s32 s5, s19  }
0x9d: {  	s8 =	simm.s32 $0x0;
	s20 =	sshll.u32 s6, $0x1;
	s6 =	sadd.s32 s21, s4  }
0x9e: {  	[timem:s8], [sflag:s22] =	dma.local [hbm:s6], s20  }
0x9f: {  	_ =	swait.ge [sflag:s22], s20  }
0xa0: {  	s5 =	ssub.s32 $0x0, s20;
	[sflag:s22] =	ssyncset.done $0x0  }
0xa1: {  	[sflag:s22] =	ssyncadd.s32 s5;
	_ =	sdelay $0x1  }
0xa2: {  	s23 =	simm.s32 $0x1B8B  }
0xa3: {  	_ =	swait.ge [sflag:s23], $0x1  }
0xa4: {  	[sflag:s23] =	ssyncset.done $0x0  }
0xa5: {  	s25 =	simm.s32 $0x1B8E;
	s24 =	sld [smem:$0x3FFE];
	[sflag:s23] =	ssyncadd.s32 $0xFFFFFFFF  }
0xa6: {  	s26 =	simm.s32 $execute0_lowered;
	[smem:$0x3FD2] =	sst s25  }
0xa7: {  	s6 =	sshll.u32 s26, $0x1;
	_ =	strace $0x80000049;
	[dreg:$0x1] =	wrdreg $0xFFFFFFFF  }
0xa8: {  	s28 =	simm.s32 $_size_execute0_lowered;
	s4 =	sadd.s32 s4, s6;
	[dreg:$0x0] =	wrdreg $0x0  }
0xa9: {  	s6 =	sshll.u32 s28, $0x1;
	[dreg:$0x2] =	wrdreg s4  }
0xaa: {  	[dreg:$0x3] =	wrdreg s6  }
0xab: {  	[dreg:$0x4] =	wrdreg $0xC0  }
0xac: {  	_ =	task [dreg:s8], $0x5FFFF  }
0xad: {  	[dreg:$0x1] =	wrdreg $0xFFFFFFFF  }
0xae: {  	[dreg:$0x0] =	wrdreg $0x60  }
0xaf: {  	[dreg:$0x2] =	wrdreg s24  }
0xb0: {  	[dreg:$0x3] =	wrdreg s2  }
0xb1: {  	[dreg:$0x4] =	wrdreg s18  }
0xb2: {  	[dreg:$0x5] =	wrdreg $0x9  }
0xb3: {  	_ =	task.clear_ibuf [dreg:s8], $0x6FFFF;
	_ =	strace $0x90000049  }
0xb4: {  	s29 =	simm.s32 $0x9;
	_ =	strace $0x8000004B  }
0xb5: {  	_ =	swait.ge [sflag:s29], $0x1  }
0xb6: {  	[sflag:s29] =	ssyncadd.s32 $0xFFFFFFFF  }
0xb7: {  	_ =	strace $0x9000004B  }
0xb8: {  	_ =	sfence  }
0xb9: {  	s30 =	sld [smem:$0x0];
	_ =	sdelay $0x2  }
0xba: {  	s31 =	sshll.u32 s1, $0xD;
	s1 =	sshrl.u32 s1, $0x2  }
0xbb: {  	s3 =	sand.u32 $0x4000, s31;
	s1 =	sadd.s32 s1, s30  }
0xbc: {  	s0 =	sor.u32 s3, s0;
	s1 =	sshll.u32 s1, $0x11  }
0xbd: {  	s0 =	sor.u32 s1, s0  }
0xbe: {  	s0 =	sadd.s32 $0x8F2B, s0  }
0xbf: {  	[sflag:s0] =	ssyncadd.remote.s32 $0x1  }
0xc0: {  	_ =	sfence.sel $0xFFFF  }
0xc1: {  	[dreg:$0x0] =	wrdreg $0xFFFFFFFF;
	(pc) =	sbr.abs _section_cstart, $3  }
0xc2: {  	[dreg:$0x1] =	wrdreg $0xFFFFFFFF  }
0xc3: {  	_ =	task.clear_ibuf [dreg:s8], $0x2FFFF;
	_ =	strace $0x9FFFFFFF  }
0xc4: {  	(tm) =	ssettm $0x7FFFFFFF  }
0xc5: {  	_ =	shalt  }
tec
execute0_lowered:
.L_overlay_start_1:
0x0: {  	(tag) =	ssettag $0x1  }
0x1: {  	s5 =	rddreg [dreg:$0x0]  }
0x2: {  	s1 =	srdreg.scid;
	s2 =	rddreg [dreg:$0x1]  }
0x3: {  	s0 =	stileid.u32;
	s7 =	rddreg [dreg:$0x2];
	s3 =	simm.s32 $0x0  }
0x4: {  	s11 =	simm.s32 $0x12410;
	s12 =	simm.s32 $0x680;
	s13 =	simm.s32 $0x3400  }
0x5: {  	s14 =	simm.s32 $0x9C00;
	s15 =	simm.s32 $0x1;
	s16 =	simm.s32 $0xD00  }
0x6: {  	s17 =	simm.s32 $0x2;
	s18 =	simm.s32 $0x1380;
	s19 =	simm.s32 $0x1A00  }
0x7: {  	s20 =	simm.s32 $0x2080;
	s21 =	simm.s32 $0x2700;
	s22 =	simm.s32 $0x2D80  }
0x8: {  	s23 =	simm.s32 $0x10400;
	s4 =	sand.u32 $0x1, s1;
	s1 =	rddreg [dreg:$0x3]  }
0x9: {  	s24 =	simm.s32 $0x0;
	s31 =	sshll.u32 s0, $0x1;
	[smem:$0x7FF] =	sst s3  }
0xa: {  	s8 =	sor.u32 s4, s31;
	_ =	strace $0x8000004A;
	s9 =	ssub.s32 $0x2, s4  }
0xb: {  	s6 =	smul.u32 $0x680, s8;
	s10 =	sshrl.u32 s9, $0x1;
	s8 =	sshll.u32 s8, $0xA  }
0xc: {  	s4 =	sadd.s32 $0xC00, s5;
	s9 =	ssub.s32 s9, s10;
	s7 =	sadd.s32 s7, s8  }
0xd: {  	s10 =	simm.s32 $0x12400;
	s6 =	sadd.s32 s6, s5;
	s5 =	sadd.s32 $0x4F6600, s5  }
0xe: {  	s8 =	smax.u32 s9, $0x1;
	s9 =	simm.s32 $0x3;
	s6 =	sadd.s32 $0x4F6800, s6  }
.LBB2_1:
0xf: {  	[tilespmem:s3], [sflag:$0x3] =	stream.linear.gather [hbm4b:s6+s3], $0x3400, $0x38;
	[tilespmem:$0x124E0] =	vst v63  }
0x10: {  	_ =	swait.ge [sflag:s9], $0x3400  }
0x11: {  	[sflag:s9] =	ssyncset.done $0x0  }
0x12: {  	s25 =	smul.u32 $0x4EC5, s3;
	[sflag:s9] =	ssyncadd.s32 $0xFFFFCC00  }
0x13: {  	[tilespmem:s10], [sflag:$0x3] =	stream.linear.gather [hbm4b:s2+s3], $0x10, $0x38;
	[tilespmem:$0x124E0] =	vst v63  }
0x14: {  	_ =	swait.ge [sflag:s9], $0x10  }
0x15: {  	s25 =	sshrl.u32 s25, $0x12;
	[sflag:s9] =	ssyncset.done $0x0  }
0x16: {  	s26 =	smul.u32 $0xD, s25;
	[sflag:s9] =	ssyncadd.s32 $0xFFFFFFF0  }
0x17: {  	[tilespmem:s11], [sflag:$0x3] =	stream.linear.gather [hbm4b:s5+s3], $0xD0, $0x38;
	[tilespmem:$0x124E0] =	vst v63  }
0x18: {  	_ =	swait.ge [sflag:s9], $0xD0  }
0x19: {  	s25 =	simm.s32 $0x1;
	s26 =	ssub.s32 $0x0, s26;
	[sflag:s9] =	ssyncset.done $0x0  }
0x1a: {  	s29 =	smul.u32 $0x4EC5, s25;
	s26 =	sand.u32 $0xFFFF, s26;
	[sflag:s9] =	ssyncadd.s32 $0xFFFFFF30  }
0x1b: {  	s26 =	sshll.u32 s26, $0x4;
	v0 =	vld [tilespmem:s3+$0x0]  }
0x1c: {  	s28 =	simm.s32 $0x2;
	s29 =	sshrl.u32 s29, $0x12;
	v1 =	vld [tilespmem:s26+$0x12410]  }
0x1d: {  	s30 =	smul.u32 $0xD, s29;
	s29 =	simm.s32 $0x0;
	s26 =	simm.s32 $0x0  }
.LBB2_2:
0x1e: {  	s31 =	smul.u32 $0x4EC5, s28;
	s29 =	sadd.s32 $0x10, s29;
	p0 =	sne.s32 s28, $0x33F  }
.Ltmp0:
0x1f: {  	s30 =	ssub.s32 s25, s30;
	s25 =	smov.u32 s28;
	(pc) =	sbr.rel @p0 .LBB2_2-.Ltmp0, $4  }
0x20: {  	s28 =	sadd.s32 $0x1, s28;
	s30 =	sand.u32 $0xFFFF, s30  }
0x21: {  	s30 =	sshll.u32 s30, $0x4;
	v2 =	vadd.s32 v0, v1;
	v0 =	vld [tilespmem:s29+$0x0]  }
0x22: {  	s31 =	sshrl.u32 s31, $0x12;
	v1 =	vld [tilespmem:s30+$0x12410];
	[tilespmem:s26+$0x0] =	vst v2;
	s26 =	smov.u32 s29  }
0x23: {  	s30 =	smul.u32 $0xD, s31  }
0x24: {  	_ = 	snop  }
0x25: {  	s25 =	ssub.s32 s25, s30  }
0x26: {  	s28 =	sadd.s32 $0x10, s29;
	s25 =	sand.u32 $0xFFFF, s25  }
0x27: {  	v2 =	vld [tilespmem:s28+$0x0];
	s25 =	sshll.u32 s25, $0x4  }
0x28: {  	v3 =	vld [tilespmem:s25+$0x12410];
	_ =	sdelay $0x3  }
0x29: {  	v0 =	vadd.s32 v0, v1  }
0x2a: {  	[tilespmem:s26+$0x0] =	vst v0;
	v0 =	vadd.s32 v2, v3  }
0x2b: {  	s25 =	simm.s32 $0x0;
	[tilespmem:s28+$0x0] =	vst v0  }
0x2c: {  	[tilespmem:s13], [sflag:$0x1] =	stream.indirect.gather [hbm4b:s4+s12], $0x10, s25, s12, $0xb8;
	[tilespmem:$0x124E0] =	vst v63  }
0x2d: {  	_ = 	snop  }
0x2e: {  	[tilespmem:s14], [sflag:$0x2] =	stream.indirect.gather [hbm4b:s4+s12], $0x10, s12, s12, $0xb8;
	[tilespmem:$0x124E0] =	vst v63  }
0x2f: {  	_ =	swait.ge [sflag:s15], $0x6800  }
0x30: {  	[sflag:s15] =	ssyncset.done $0x0  }
0x31: {  	[sflag:s15] =	ssyncadd.s32 $0xFFFF9800  }
0x32: {  	s26 =	simm.s32 $0x34D0;
	v6 =	vld [tilespmem:$0x12400]  }
0x33: {  	v0 =	vld [tilespmem:s26+$0x90]  }
0x34: {  	v2 =	vld [tilespmem:s26+$0xA0]  }
0x35: {  	v1 =	vld [tilespmem:s26+$0x50]  }
0x36: {  	v3 =	vld [tilespmem:s26+$0x60]  }
0x37: {  	v4 =	vld [tilespmem:s26+$0x10]  }
0x38: {  	v5 =	vld [tilespmem:s26+$0x20]  }
0x39: {  	v7 =	vld [tilespmem:s26+$0xFFFFFFD0]  }
0x3a: {  	v8 =	vld [tilespmem:s26+$0xFFFFFFE0]  }
0x3b: {  	v9 =	vld [tilespmem:s26+$0xFFFFFF50]  }
0x3c: {  	v10 =	vld [tilespmem:s26+$0xFFFFFF60]  }
0x3d: {  	v11 =	vld [tilespmem:s26+$0xFFFFFF90]  }
0x3e: {  	v12 =	vld [tilespmem:s26+$0xFFFFFFA0]  }
0x3f: {  	v13 =	vld [tilespmem:s26+$0xFFFFFF40]  }
0x40: {  	s28 =	simm.s32 $0x40;
	v14 =	vld [tilespmem:s26+$0xFFFFFF30]  }
.LBB2_4:
0x41: {  	p0 =	sne.s32 s28, $0xFC0;
	v15 =	vld [tilespmem:s26+$0xFFFFFF70]  }
0x42: {  	v16 =	vld [tilespmem:s26+$0xFFFFFF80]  }
0x43: {  	v17 =	vld [tilespmem:s26+$0xFFFFFFB0]  }
0x44: {  	v18 =	vld [tilespmem:s26+$0xFFFFFFC0]  }
0x45: {  	v6 =	vadd.f32 v6, v14;
	v14 =	vld [tilespmem:s26+$0xFFFFFFF0]  }
0x46: {  	v19 =	vld [tilespmem:s26+$0x0]  }
0x47: {  	v6 =	vadd.f32 v15, v6;
	v13 =	vadd.f32 v16, v13;
	v15 =	vld [tilespmem:s26+$0x30]  }
0x48: {  	v9 =	vadd.f32 v11, v9;
	v10 =	vadd.f32 v12, v10;
	v11 =	vld [tilespmem:s26+$0x40]  }
0x49: {  	v6 =	vadd.f32 v17, v6;
	v12 =	vadd.f32 v18, v13;
	v13 =	vld [tilespmem:s26+$0x70]  }
0x4a: {  	v7 =	vadd.f32 v7, v9;
	v8 =	vadd.f32 v8, v10;
	v9 =	vld [tilespmem:s26+$0x80]  }
0x4b: {  	v10 =	vadd.f32 v14, v6;
	v12 =	vadd.f32 v19, v12;
	v14 =	vld [tilespmem:s26+$0xB0]  }
0x4c: {  	v4 =	vadd.f32 v4, v7;
	v5 =	vadd.f32 v5, v8;
	v7 =	vld [tilespmem:s26+$0xC0]  }
0x4d: {  	s26 =	sadd.s32 $0x1A0, s26;
	v6 =	vld [tilespmem:$0x12400];
	v8 =	vadd.f32 v15, v10;
	v10 =	vadd.f32 v11, v12  }
0x4e: {  	v4 =	vadd.f32 v1, v4;
	v3 =	vadd.f32 v3, v5;
	v11 =	vld [tilespmem:s26+$0x90]  }
0x4f: {  	v12 =	vld [tilespmem:s26+$0xA0];
	v5 =	vadd.f32 v13, v8;
	v8 =	vadd.f32 v9, v10  }
0x50: {  	v2 =	vadd.f32 v2, v3;
	v13 =	vadd.f32 v0, v4;
	v1 =	vld [tilespmem:s26+$0x50]  }
0x51: {  	v3 =	vld [tilespmem:s26+$0x60];
	v9 =	vadd.f32 v14, v5;
	v7 =	vadd.f32 v7, v8  }
0x52: {  	v4 =	vld [tilespmem:s26+$0x10]  }
0x53: {  	v10 =	vadd.f32 v2, v13;
	v5 =	vld [tilespmem:s26+$0x20];
	v9 =	vadd.f32 v7, v9;
	v0 =	vmov v11  }
0x54: {  	v7 =	vld [tilespmem:s26+$0xFFFFFFD0];
	v2 =	vmov v12  }
0x55: {  	v8 =	vld [tilespmem:s26+$0xFFFFFFE0];
	v11 =	vadd.f32 v9, v10  }
0x56: {  	s29 =	sshra.s32 s25, $0x2;
	s25 =	smov.u32 s28;
	v9 =	vld [tilespmem:s26+$0xFFFFFF50]  }
.Ltmp1:
0x57: {  	v10 =	vld [tilespmem:s26+$0xFFFFFF60];
	[tilespmem:s29+$0x10400] =	vst v11;
	(pc) =	sbr.rel @p0 .LBB2_4-.Ltmp1, $4  }
0x58: {  	v11 =	vld [tilespmem:s26+$0xFFFFFF90]  }
0x59: {  	v12 =	vld [tilespmem:s26+$0xFFFFFFA0]  }
0x5a: {  	v13 =	vld [tilespmem:s26+$0xFFFFFF40]  }
0x5b: {  	s28 =	sadd.s32 $0x40, s28;
	v14 =	vld [tilespmem:s26+$0xFFFFFF30]  }
0x5c: {  	v15 =	vld [tilespmem:s26+$0xFFFFFF70]  }
0x5d: {  	v16 =	vld [tilespmem:s26+$0xFFFFFF80]  }
0x5e: {  	v17 =	vld [tilespmem:s26+$0xFFFFFFB0]  }
0x5f: {  	v18 =	vld [tilespmem:s26+$0xFFFFFFC0]  }
0x60: {  	v19 =	vld [tilespmem:s26+$0x0];
	v6 =	vadd.f32 v6, v14  }
0x61: {  	v9 =	vadd.f32 v11, v9;
	v14 =	vld [tilespmem:s26+$0xFFFFFFF0]  }
0x62: {  	v11 =	vld [tilespmem:s26+$0x40];
	v13 =	vadd.f32 v16, v13;
	v6 =	vadd.f32 v15, v6  }
0x63: {  	v10 =	vadd.f32 v12, v10;
	v7 =	vadd.f32 v7, v9;
	v15 =	vld [tilespmem:s26+$0x30]  }
0x64: {  	v9 =	vld [tilespmem:s26+$0x80];
	v12 =	vadd.f32 v18, v13;
	v6 =	vadd.f32 v17, v6  }
0x65: {  	v8 =	vadd.f32 v8, v10;
	v4 =	vadd.f32 v4, v7;
	v13 =	vld [tilespmem:s26+$0x70]  }
0x66: {  	v7 =	vld [tilespmem:s26+$0xC0];
	v10 =	vadd.f32 v19, v12;
	v6 =	vadd.f32 v14, v6  }
0x67: {  	v5 =	vadd.f32 v5, v8;
	v12 =	vld [tilespmem:s26+$0xB0]  }
0x68: {  	v8 =	vadd.f32 v11, v10;
	v6 =	vadd.f32 v15, v6  }
0x69: {  	v1 =	vadd.f32 v1, v4;
	v3 =	vadd.f32 v3, v5  }
0x6a: {  	v5 =	vadd.f32 v9, v8;
	v4 =	vadd.f32 v13, v6  }
0x6b: {  	v0 =	vadd.f32 v0, v1;
	v1 =	vadd.f32 v2, v3  }
0x6c: {  	v3 =	vadd.f32 v7, v5;
	v2 =	vadd.f32 v12, v4;
	_ =	sdelay $0x1  }
0x6d: {  	v0 =	vadd.f32 v1, v0;
	v2 =	vadd.f32 v3, v2;
	_ =	sdelay $0x1  }
0x6e: {  	v0 =	vadd.f32 v2, v0  }
0x6f: {  	s25 =	sshra.s32 s25, $0x2  }
0x70: {  	[tilespmem:s25+$0x10400] =	vst v0  }
0x71: {  	[tilespmem:s13], [sflag:$0x1] =	stream.indirect.gather [hbm4b:s4+s12], $0x10, s16, s12, $0xb8;
	[tilespmem:$0x124E0] =	vst v63  }
0x72: {  	_ =	swait.ge [sflag:s17], $0x6800  }
0x73: {  	[sflag:s17] =	ssyncset.done $0x0  }
0x74: {  	[sflag:s17] =	ssyncadd.s32 $0xFFFF9800  }
0x75: {  	s25 =	simm.s32 $0x9CD0;
	v6 =	vld [tilespmem:$0x12400]  }
0x76: {  	v0 =	vld [tilespmem:s25+$0x90]  }
0x77: {  	v2 =	vld [tilespmem:s25+$0xA0]  }
0x78: {  	v1 =	vld [tilespmem:s25+$0x50]  }
0x79: {  	v3 =	vld [tilespmem:s25+$0x60]  }
0x7a: {  	v4 =	vld [tilespmem:s25+$0x10]  }
0x7b: {  	v5 =	vld [tilespmem:s25+$0x20]  }
0x7c: {  	v7 =	vld [tilespmem:s25+$0xFFFFFFD0]  }
0x7d: {  	v8 =	vld [tilespmem:s25+$0xFFFFFFE0]  }
0x7e: {  	v9 =	vld [tilespmem:s25+$0xFFFFFF50]  }
0x7f: {  	v10 =	vld [tilespmem:s25+$0xFFFFFF60]  }
0x80: {  	v11 =	vld [tilespmem:s25+$0xFFFFFF90]  }
0x81: {  	v12 =	vld [tilespmem:s25+$0xFFFFFFA0]  }
0x82: {  	v13 =	vld [tilespmem:s25+$0xFFFFFF40]  }
0x83: {  	s28 =	simm.s32 $0x40;
	s26 =	simm.s32 $0x0;
	v14 =	vld [tilespmem:s25+$0xFFFFFF30]  }
.LBB2_6:
0x84: {  	p0 =	sne.s32 s28, $0xFC0;
	v15 =	vld [tilespmem:s25+$0xFFFFFF70]  }
0x85: {  	v16 =	vld [tilespmem:s25+$0xFFFFFF80]  }
0x86: {  	v17 =	vld [tilespmem:s25+$0xFFFFFFB0]  }
0x87: {  	v18 =	vld [tilespmem:s25+$0xFFFFFFC0]  }
0x88: {  	v6 =	vadd.f32 v6, v14;
	v14 =	vld [tilespmem:s25+$0xFFFFFFF0]  }
0x89: {  	v19 =	vld [tilespmem:s25+$0x0]  }
0x8a: {  	v6 =	vadd.f32 v15, v6;
	v13 =	vadd.f32 v16, v13;
	v15 =	vld [tilespmem:s25+$0x30]  }
0x8b: {  	v9 =	vadd.f32 v11, v9;
	v10 =	vadd.f32 v12, v10;
	v11 =	vld [tilespmem:s25+$0x40]  }
0x8c: {  	v6 =	vadd.f32 v17, v6;
	v12 =	vadd.f32 v18, v13;
	v13 =	vld [tilespmem:s25+$0x70]  }
0x8d: {  	v7 =	vadd.f32 v7, v9;
	v8 =	vadd.f32 v8, v10;
	v9 =	vld [tilespmem:s25+$0x80]  }
0x8e: {  	v10 =	vadd.f32 v14, v6;
	v12 =	vadd.f32 v19, v12;
	v14 =	vld [tilespmem:s25+$0xB0]  }
0x8f: {  	v4 =	vadd.f32 v4, v7;
	v5 =	vadd.f32 v5, v8;
	v7 =	vld [tilespmem:s25+$0xC0]  }
0x90: {  	s25 =	sadd.s32 $0x1A0, s25;
	v6 =	vld [tilespmem:$0x12400];
	v8 =	vadd.f32 v15, v10;
	v10 =	vadd.f32 v11, v12  }
0x91: {  	v4 =	vadd.f32 v1, v4;
	v3 =	vadd.f32 v3, v5;
	v11 =	vld [tilespmem:s25+$0x90]  }
0x92: {  	v12 =	vld [tilespmem:s25+$0xA0];
	v5 =	vadd.f32 v13, v8;
	v8 =	vadd.f32 v9, v10  }
0x93: {  	v2 =	vadd.f32 v2, v3;
	v13 =	vadd.f32 v0, v4;
	v1 =	vld [tilespmem:s25+$0x50]  }
0x94: {  	v3 =	vld [tilespmem:s25+$0x60];
	v9 =	vadd.f32 v14, v5;
	v7 =	vadd.f32 v7, v8  }
0x95: {  	v4 =	vld [tilespmem:s25+$0x10]  }
0x96: {  	v10 =	vadd.f32 v2, v13;
	v5 =	vld [tilespmem:s25+$0x20];
	v9 =	vadd.f32 v7, v9;
	v0 =	vmov v11  }
0x97: {  	v7 =	vld [tilespmem:s25+$0xFFFFFFD0];
	v2 =	vmov v12  }
0x98: {  	v8 =	vld [tilespmem:s25+$0xFFFFFFE0];
	v11 =	vadd.f32 v9, v10  }
0x99: {  	s29 =	sshra.s32 s26, $0x2;
	s26 =	smov.u32 s28;
	v9 =	vld [tilespmem:s25+$0xFFFFFF50]  }
.Ltmp2:
0x9a: {  	v10 =	vld [tilespmem:s25+$0xFFFFFF60];
	[tilespmem:s29+$0x10800] =	vst v11;
	(pc) =	sbr.rel @p0 .LBB2_6-.Ltmp2, $4  }
0x9b: {  	v11 =	vld [tilespmem:s25+$0xFFFFFF90]  }
0x9c: {  	v12 =	vld [tilespmem:s25+$0xFFFFFFA0]  }
0x9d: {  	v13 =	vld [tilespmem:s25+$0xFFFFFF40]  }
0x9e: {  	s28 =	sadd.s32 $0x40, s28;
	v14 =	vld [tilespmem:s25+$0xFFFFFF30]  }
0x9f: {  	v15 =	vld [tilespmem:s25+$0xFFFFFF70]  }
0xa0: {  	v16 =	vld [tilespmem:s25+$0xFFFFFF80]  }
0xa1: {  	v17 =	vld [tilespmem:s25+$0xFFFFFFB0]  }
0xa2: {  	v18 =	vld [tilespmem:s25+$0xFFFFFFC0]  }
0xa3: {  	v19 =	vld [tilespmem:s25+$0x0];
	v6 =	vadd.f32 v6, v14  }
0xa4: {  	v9 =	vadd.f32 v11, v9;
	v14 =	vld [tilespmem:s25+$0xFFFFFFF0]  }
0xa5: {  	v11 =	vld [tilespmem:s25+$0x40];
	v13 =	vadd.f32 v16, v13;
	v6 =	vadd.f32 v15, v6  }
0xa6: {  	v10 =	vadd.f32 v12, v10;
	v7 =	vadd.f32 v7, v9;
	v15 =	vld [tilespmem:s25+$0x30]  }
0xa7: {  	v9 =	vld [tilespmem:s25+$0x80];
	v12 =	vadd.f32 v18, v13;
	v6 =	vadd.f32 v17, v6  }
0xa8: {  	v8 =	vadd.f32 v8, v10;
	v4 =	vadd.f32 v4, v7;
	v13 =	vld [tilespmem:s25+$0x70]  }
0xa9: {  	v7 =	vld [tilespmem:s25+$0xC0];
	v10 =	vadd.f32 v19, v12;
	v6 =	vadd.f32 v14, v6  }
0xaa: {  	v5 =	vadd.f32 v5, v8;
	v12 =	vld [tilespmem:s25+$0xB0]  }
0xab: {  	v8 =	vadd.f32 v11, v10;
	v6 =	vadd.f32 v15, v6  }
0xac: {  	v1 =	vadd.f32 v1, v4;
	v3 =	vadd.f32 v3, v5  }
0xad: {  	v5 =	vadd.f32 v9, v8;
	v4 =	vadd.f32 v13, v6  }
0xae: {  	v0 =	vadd.f32 v0, v1;
	v1 =	vadd.f32 v2, v3  }
0xaf: {  	v3 =	vadd.f32 v7, v5;
	v2 =	vadd.f32 v12, v4;
	_ =	sdelay $0x1  }
0xb0: {  	v0 =	vadd.f32 v1, v0;
	v2 =	vadd.f32 v3, v2;
	_ =	sdelay $0x1  }
0xb1: {  	v0 =	vadd.f32 v2, v0  }
0xb2: {  	s31 =	sshra.s32 s26, $0x2  }
0xb3: {  	[tilespmem:s31+$0x10800] =	vst v0  }
0xb4: {  	[tilespmem:s14], [sflag:$0x2] =	stream.indirect.gather [hbm4b:s4+s12], $0x10, s18, s12, $0xb8;
	[tilespmem:$0x124E0] =	vst v63  }
0xb5: {  	_ =	swait.ge [sflag:s15], $0x6800  }
0xb6: {  	[sflag:s15] =	ssyncset.done $0x0  }
0xb7: {  	[sflag:s15] =	ssyncadd.s32 $0xFFFF9800  }
0xb8: {  	s25 =	simm.s32 $0x34D0;
	v6 =	vld [tilespmem:$0x12400]  }
0xb9: {  	v0 =	vld [tilespmem:s25+$0x90]  }
0xba: {  	v2 =	vld [tilespmem:s25+$0xA0]  }
0xbb: {  	v1 =	vld [tilespmem:s25+$0x50]  }
0xbc: {  	v3 =	vld [tilespmem:s25+$0x60]  }
0xbd: {  	v4 =	vld [tilespmem:s25+$0x10]  }
0xbe: {  	v5 =	vld [tilespmem:s25+$0x20]  }
0xbf: {  	v7 =	vld [tilespmem:s25+$0xFFFFFFD0]  }
0xc0: {  	v8 =	vld [tilespmem:s25+$0xFFFFFFE0]  }
0xc1: {  	v9 =	vld [tilespmem:s25+$0xFFFFFF50]  }
0xc2: {  	v10 =	vld [tilespmem:s25+$0xFFFFFF60]  }
0xc3: {  	v11 =	vld [tilespmem:s25+$0xFFFFFF90]  }
0xc4: {  	v12 =	vld [tilespmem:s25+$0xFFFFFFA0]  }
0xc5: {  	v13 =	vld [tilespmem:s25+$0xFFFFFF40]  }
0xc6: {  	s26 =	simm.s32 $0x0;
	s28 =	simm.s32 $0x40;
	v14 =	vld [tilespmem:s25+$0xFFFFFF30]  }
.LBB2_8:
0xc7: {  	p0 =	sne.s32 s28, $0xFC0;
	v15 =	vld [tilespmem:s25+$0xFFFFFF70]  }
0xc8: {  	v16 =	vld [tilespmem:s25+$0xFFFFFF80]  }
0xc9: {  	v17 =	vld [tilespmem:s25+$0xFFFFFFB0]  }
0xca: {  	v18 =	vld [tilespmem:s25+$0xFFFFFFC0]  }
0xcb: {  	v6 =	vadd.f32 v6, v14;
	v14 =	vld [tilespmem:s25+$0xFFFFFFF0]  }
0xcc: {  	v19 =	vld [tilespmem:s25+$0x0]  }
0xcd: {  	v6 =	vadd.f32 v15, v6;
	v13 =	vadd.f32 v16, v13;
	v15 =	vld [tilespmem:s25+$0x30]  }
0xce: {  	v9 =	vadd.f32 v11, v9;
	v10 =	vadd.f32 v12, v10;
	v11 =	vld [tilespmem:s25+$0x40]  }
0xcf: {  	v6 =	vadd.f32 v17, v6;
	v12 =	vadd.f32 v18, v13;
	v13 =	vld [tilespmem:s25+$0x70]  }
0xd0: {  	v7 =	vadd.f32 v7, v9;
	v8 =	vadd.f32 v8, v10;
	v9 =	vld [tilespmem:s25+$0x80]  }
0xd1: {  	v10 =	vadd.f32 v14, v6;
	v12 =	vadd.f32 v19, v12;
	v14 =	vld [tilespmem:s25+$0xB0]  }
0xd2: {  	v4 =	vadd.f32 v4, v7;
	v5 =	vadd.f32 v5, v8;
	v7 =	vld [tilespmem:s25+$0xC0]  }
0xd3: {  	s25 =	sadd.s32 $0x1A0, s25;
	v6 =	vld [tilespmem:$0x12400];
	v8 =	vadd.f32 v15, v10;
	v10 =	vadd.f32 v11, v12  }
0xd4: {  	v4 =	vadd.f32 v1, v4;
	v3 =	vadd.f32 v3, v5;
	v11 =	vld [tilespmem:s25+$0x90]  }
0xd5: {  	v12 =	vld [tilespmem:s25+$0xA0];
	v5 =	vadd.f32 v13, v8;
	v8 =	vadd.f32 v9, v10  }
0xd6: {  	v2 =	vadd.f32 v2, v3;
	v13 =	vadd.f32 v0, v4;
	v1 =	vld [tilespmem:s25+$0x50]  }
0xd7: {  	v3 =	vld [tilespmem:s25+$0x60];
	v9 =	vadd.f32 v14, v5;
	v7 =	vadd.f32 v7, v8  }
0xd8: {  	v4 =	vld [tilespmem:s25+$0x10]  }
0xd9: {  	v10 =	vadd.f32 v2, v13;
	v5 =	vld [tilespmem:s25+$0x20];
	v9 =	vadd.f32 v7, v9;
	v0 =	vmov v11  }
0xda: {  	v7 =	vld [tilespmem:s25+$0xFFFFFFD0];
	v2 =	vmov v12  }
0xdb: {  	v8 =	vld [tilespmem:s25+$0xFFFFFFE0];
	v11 =	vadd.f32 v9, v10  }
0xdc: {  	s29 =	sshra.s32 s26, $0x2;
	s26 =	smov.u32 s28;
	v9 =	vld [tilespmem:s25+$0xFFFFFF50]  }
.Ltmp3:
0xdd: {  	v10 =	vld [tilespmem:s25+$0xFFFFFF60];
	[tilespmem:s29+$0x10C00] =	vst v11;
	(pc) =	sbr.rel @p0 .LBB2_8-.Ltmp3, $4  }
0xde: {  	v11 =	vld [tilespmem:s25+$0xFFFFFF90]  }
0xdf: {  	v12 =	vld [tilespmem:s25+$0xFFFFFFA0]  }
0xe0: {  	v13 =	vld [tilespmem:s25+$0xFFFFFF40]  }
0xe1: {  	s28 =	sadd.s32 $0x40, s28;
	v14 =	vld [tilespmem:s25+$0xFFFFFF30]  }
0xe2: {  	v15 =	vld [tilespmem:s25+$0xFFFFFF70]  }
0xe3: {  	v16 =	vld [tilespmem:s25+$0xFFFFFF80]  }
0xe4: {  	v17 =	vld [tilespmem:s25+$0xFFFFFFB0]  }
0xe5: {  	v18 =	vld [tilespmem:s25+$0xFFFFFFC0]  }
0xe6: {  	v19 =	vld [tilespmem:s25+$0x0];
	v6 =	vadd.f32 v6, v14  }
0xe7: {  	v9 =	vadd.f32 v11, v9;
	v14 =	vld [tilespmem:s25+$0xFFFFFFF0]  }
0xe8: {  	v11 =	vld [tilespmem:s25+$0x40];
	v13 =	vadd.f32 v16, v13;
	v6 =	vadd.f32 v15, v6  }
0xe9: {  	v10 =	vadd.f32 v12, v10;
	v7 =	vadd.f32 v7, v9;
	v15 =	vld [tilespmem:s25+$0x30]  }
0xea: {  	v9 =	vld [tilespmem:s25+$0x80];
	v12 =	vadd.f32 v18, v13;
	v6 =	vadd.f32 v17, v6  }
0xeb: {  	v8 =	vadd.f32 v8, v10;
	v4 =	vadd.f32 v4, v7;
	v13 =	vld [tilespmem:s25+$0x70]  }
0xec: {  	v7 =	vld [tilespmem:s25+$0xC0];
	v10 =	vadd.f32 v19, v12;
	v6 =	vadd.f32 v14, v6  }
0xed: {  	v5 =	vadd.f32 v5, v8;
	v12 =	vld [tilespmem:s25+$0xB0]  }
0xee: {  	v8 =	vadd.f32 v11, v10;
	v6 =	vadd.f32 v15, v6  }
0xef: {  	v1 =	vadd.f32 v1, v4;
	v3 =	vadd.f32 v3, v5  }
0xf0: {  	v5 =	vadd.f32 v9, v8;
	v4 =	vadd.f32 v13, v6  }
0xf1: {  	v0 =	vadd.f32 v0, v1;
	v1 =	vadd.f32 v2, v3  }
0xf2: {  	v3 =	vadd.f32 v7, v5;
	v2 =	vadd.f32 v12, v4;
	_ =	sdelay $0x1  }
0xf3: {  	v0 =	vadd.f32 v1, v0;
	v2 =	vadd.f32 v3, v2;
	_ =	sdelay $0x1  }
0xf4: {  	v0 =	vadd.f32 v2, v0  }
0xf5: {  	s31 =	sshra.s32 s26, $0x2  }
0xf6: {  	[tilespmem:s31+$0x10C00] =	vst v0  }
0xf7: {  	[tilespmem:s13], [sflag:$0x1] =	stream.indirect.gather [hbm4b:s4+s12], $0x10, s19, s12, $0xb8;
	[tilespmem:$0x124E0] =	vst v63  }
0xf8: {  	_ =	swait.ge [sflag:s17], $0x6800  }
0xf9: {  	[sflag:s17] =	ssyncset.done $0x0  }
0xfa: {  	[sflag:s17] =	ssyncadd.s32 $0xFFFF9800  }
0xfb: {  	s25 =	simm.s32 $0x9CD0;
	v6 =	vld [tilespmem:$0x12400]  }
0xfc: {  	v0 =	vld [tilespmem:s25+$0x90]  }
0xfd: {  	v2 =	vld [tilespmem:s25+$0xA0]  }
0xfe: {  	v1 =	vld [tilespmem:s25+$0x50]  }
0xff: {  	v3 =	vld [tilespmem:s25+$0x60]  }
0x100: {  	v4 =	vld [tilespmem:s25+$0x10]  }
0x101: {  	v5 =	vld [tilespmem:s25+$0x20]  }
0x102: {  	v7 =	vld [tilespmem:s25+$0xFFFFFFD0]  }
0x103: {  	v8 =	vld [tilespmem:s25+$0xFFFFFFE0]  }
0x104: {  	v9 =	vld [tilespmem:s25+$0xFFFFFF50]  }
0x105: {  	v10 =	vld [tilespmem:s25+$0xFFFFFF60]  }
0x106: {  	v11 =	vld [tilespmem:s25+$0xFFFFFF90]  }
0x107: {  	v12 =	vld [tilespmem:s25+$0xFFFFFFA0]  }
0x108: {  	v13 =	vld [tilespmem:s25+$0xFFFFFF40]  }
0x109: {  	s26 =	simm.s32 $0x0;
	s28 =	simm.s32 $0x40;
	v14 =	vld [tilespmem:s25+$0xFFFFFF30]  }
.LBB2_10:
0x10a: {  	p0 =	sne.s32 s28, $0xFC0;
	v15 =	vld [tilespmem:s25+$0xFFFFFF70]  }
0x10b: {  	v16 =	vld [tilespmem:s25+$0xFFFFFF80]  }
0x10c: {  	v17 =	vld [tilespmem:s25+$0xFFFFFFB0]  }
0x10d: {  	v18 =	vld [tilespmem:s25+$0xFFFFFFC0]  }
0x10e: {  	v6 =	vadd.f32 v6, v14;
	v14 =	vld [tilespmem:s25+$0xFFFFFFF0]  }
0x10f: {  	v19 =	vld [tilespmem:s25+$0x0]  }
0x110: {  	v6 =	vadd.f32 v15, v6;
	v13 =	vadd.f32 v16, v13;
	v15 =	vld [tilespmem:s25+$0x30]  }
0x111: {  	v9 =	vadd.f32 v11, v9;
	v10 =	vadd.f32 v12, v10;
	v11 =	vld [tilespmem:s25+$0x40]  }
0x112: {  	v6 =	vadd.f32 v17, v6;
	v12 =	vadd.f32 v18, v13;
	v13 =	vld [tilespmem:s25+$0x70]  }
0x113: {  	v7 =	vadd.f32 v7, v9;
	v8 =	vadd.f32 v8, v10;
	v9 =	vld [tilespmem:s25+$0x80]  }
0x114: {  	v10 =	vadd.f32 v14, v6;
	v12 =	vadd.f32 v19, v12;
	v14 =	vld [tilespmem:s25+$0xB0]  }
0x115: {  	v4 =	vadd.f32 v4, v7;
	v5 =	vadd.f32 v5, v8;
	v7 =	vld [tilespmem:s25+$0xC0]  }
0x116: {  	s25 =	sadd.s32 $0x1A0, s25;
	v6 =	vld [tilespmem:$0x12400];
	v8 =	vadd.f32 v15, v10;
	v10 =	vadd.f32 v11, v12  }
0x117: {  	v4 =	vadd.f32 v1, v4;
	v3 =	vadd.f32 v3, v5;
	v11 =	vld [tilespmem:s25+$0x90]  }
0x118: {  	v12 =	vld [tilespmem:s25+$0xA0];
	v5 =	vadd.f32 v13, v8;
	v8 =	vadd.f32 v9, v10  }
0x119: {  	v2 =	vadd.f32 v2, v3;
	v13 =	vadd.f32 v0, v4;
	v1 =	vld [tilespmem:s25+$0x50]  }
0x11a: {  	v3 =	vld [tilespmem:s25+$0x60];
	v9 =	vadd.f32 v14, v5;
	v7 =	vadd.f32 v7, v8  }
0x11b: {  	v4 =	vld [tilespmem:s25+$0x10]  }
0x11c: {  	v10 =	vadd.f32 v2, v13;
	v5 =	vld [tilespmem:s25+$0x20];
	v9 =	vadd.f32 v7, v9;
	v0 =	vmov v11  }
0x11d: {  	v7 =	vld [tilespmem:s25+$0xFFFFFFD0];
	v2 =	vmov v12  }
0x11e: {  	v8 =	vld [tilespmem:s25+$0xFFFFFFE0];
	v11 =	vadd.f32 v9, v10  }
0x11f: {  	s29 =	sshra.s32 s26, $0x2;
	s26 =	smov.u32 s28;
	v9 =	vld [tilespmem:s25+$0xFFFFFF50]  }
.Ltmp4:
0x120: {  	v10 =	vld [tilespmem:s25+$0xFFFFFF60];
	[tilespmem:s29+$0x11000] =	vst v11;
	(pc) =	sbr.rel @p0 .LBB2_10-.Ltmp4, $4  }
0x121: {  	v11 =	vld [tilespmem:s25+$0xFFFFFF90]  }
0x122: {  	v12 =	vld [tilespmem:s25+$0xFFFFFFA0]  }
0x123: {  	v13 =	vld [tilespmem:s25+$0xFFFFFF40]  }
0x124: {  	s28 =	sadd.s32 $0x40, s28;
	v14 =	vld [tilespmem:s25+$0xFFFFFF30]  }
0x125: {  	v15 =	vld [tilespmem:s25+$0xFFFFFF70]  }
0x126: {  	v16 =	vld [tilespmem:s25+$0xFFFFFF80]  }
0x127: {  	v17 =	vld [tilespmem:s25+$0xFFFFFFB0]  }
0x128: {  	v18 =	vld [tilespmem:s25+$0xFFFFFFC0]  }
0x129: {  	v19 =	vld [tilespmem:s25+$0x0];
	v6 =	vadd.f32 v6, v14  }
0x12a: {  	v9 =	vadd.f32 v11, v9;
	v14 =	vld [tilespmem:s25+$0xFFFFFFF0]  }
0x12b: {  	v11 =	vld [tilespmem:s25+$0x40];
	v13 =	vadd.f32 v16, v13;
	v6 =	vadd.f32 v15, v6  }
0x12c: {  	v10 =	vadd.f32 v12, v10;
	v7 =	vadd.f32 v7, v9;
	v15 =	vld [tilespmem:s25+$0x30]  }
0x12d: {  	v9 =	vld [tilespmem:s25+$0x80];
	v12 =	vadd.f32 v18, v13;
	v6 =	vadd.f32 v17, v6  }
0x12e: {  	v8 =	vadd.f32 v8, v10;
	v4 =	vadd.f32 v4, v7;
	v13 =	vld [tilespmem:s25+$0x70]  }
0x12f: {  	v7 =	vld [tilespmem:s25+$0xC0];
	v10 =	vadd.f32 v19, v12;
	v6 =	vadd.f32 v14, v6  }
0x130: {  	v5 =	vadd.f32 v5, v8;
	v12 =	vld [tilespmem:s25+$0xB0]  }
0x131: {  	v8 =	vadd.f32 v11, v10;
	v6 =	vadd.f32 v15, v6  }
0x132: {  	v1 =	vadd.f32 v1, v4;
	v3 =	vadd.f32 v3, v5  }
0x133: {  	v5 =	vadd.f32 v9, v8;
	v4 =	vadd.f32 v13, v6  }
0x134: {  	v0 =	vadd.f32 v0, v1;
	v1 =	vadd.f32 v2, v3  }
0x135: {  	v3 =	vadd.f32 v7, v5;
	v2 =	vadd.f32 v12, v4;
	_ =	sdelay $0x1  }
0x136: {  	v0 =	vadd.f32 v1, v0;
	v2 =	vadd.f32 v3, v2;
	_ =	sdelay $0x1  }
0x137: {  	v0 =	vadd.f32 v2, v0  }
0x138: {  	s31 =	sshra.s32 s26, $0x2  }
0x139: {  	[tilespmem:s31+$0x11000] =	vst v0  }
0x13a: {  	[tilespmem:s14], [sflag:$0x2] =	stream.indirect.gather [hbm4b:s4+s12], $0x10, s20, s12, $0xb8;
	[tilespmem:$0x124E0] =	vst v63  }
0x13b: {  	_ =	swait.ge [sflag:s15], $0x6800  }
0x13c: {  	[sflag:s15] =	ssyncset.done $0x0  }
0x13d: {  	[sflag:s15] =	ssyncadd.s32 $0xFFFF9800  }
0x13e: {  	s25 =	simm.s32 $0x34D0;
	v6 =	vld [tilespmem:$0x12400]  }
0x13f: {  	v0 =	vld [tilespmem:s25+$0x90]  }
0x140: {  	v2 =	vld [tilespmem:s25+$0xA0]  }
0x141: {  	v1 =	vld [tilespmem:s25+$0x50]  }
0x142: {  	v3 =	vld [tilespmem:s25+$0x60]  }
0x143: {  	v4 =	vld [tilespmem:s25+$0x10]  }
0x144: {  	v5 =	vld [tilespmem:s25+$0x20]  }
0x145: {  	v7 =	vld [tilespmem:s25+$0xFFFFFFD0]  }
0x146: {  	v8 =	vld [tilespmem:s25+$0xFFFFFFE0]  }
0x147: {  	v9 =	vld [tilespmem:s25+$0xFFFFFF50]  }
0x148: {  	v10 =	vld [tilespmem:s25+$0xFFFFFF60]  }
0x149: {  	v11 =	vld [tilespmem:s25+$0xFFFFFF90]  }
0x14a: {  	v12 =	vld [tilespmem:s25+$0xFFFFFFA0]  }
0x14b: {  	v13 =	vld [tilespmem:s25+$0xFFFFFF40]  }
0x14c: {  	s26 =	simm.s32 $0x0;
	s28 =	simm.s32 $0x40;
	v14 =	vld [tilespmem:s25+$0xFFFFFF30]  }
.LBB2_12:
0x14d: {  	p0 =	sne.s32 s28, $0xFC0;
	v15 =	vld [tilespmem:s25+$0xFFFFFF70]  }
0x14e: {  	v16 =	vld [tilespmem:s25+$0xFFFFFF80]  }
0x14f: {  	v17 =	vld [tilespmem:s25+$0xFFFFFFB0]  }
0x150: {  	v18 =	vld [tilespmem:s25+$0xFFFFFFC0]  }
0x151: {  	v6 =	vadd.f32 v6, v14;
	v14 =	vld [tilespmem:s25+$0xFFFFFFF0]  }
0x152: {  	v19 =	vld [tilespmem:s25+$0x0]  }
0x153: {  	v6 =	vadd.f32 v15, v6;
	v13 =	vadd.f32 v16, v13;
	v15 =	vld [tilespmem:s25+$0x30]  }
0x154: {  	v9 =	vadd.f32 v11, v9;
	v10 =	vadd.f32 v12, v10;
	v11 =	vld [tilespmem:s25+$0x40]  }
0x155: {  	v6 =	vadd.f32 v17, v6;
	v12 =	vadd.f32 v18, v13;
	v13 =	vld [tilespmem:s25+$0x70]  }
0x156: {  	v7 =	vadd.f32 v7, v9;
	v8 =	vadd.f32 v8, v10;
	v9 =	vld [tilespmem:s25+$0x80]  }
0x157: {  	v10 =	vadd.f32 v14, v6;
	v12 =	vadd.f32 v19, v12;
	v14 =	vld [tilespmem:s25+$0xB0]  }
0x158: {  	v4 =	vadd.f32 v4, v7;
	v5 =	vadd.f32 v5, v8;
	v7 =	vld [tilespmem:s25+$0xC0]  }
0x159: {  	s25 =	sadd.s32 $0x1A0, s25;
	v6 =	vld [tilespmem:$0x12400];
	v8 =	vadd.f32 v15, v10;
	v10 =	vadd.f32 v11, v12  }
0x15a: {  	v4 =	vadd.f32 v1, v4;
	v3 =	vadd.f32 v3, v5;
	v11 =	vld [tilespmem:s25+$0x90]  }
0x15b: {  	v12 =	vld [tilespmem:s25+$0xA0];
	v5 =	vadd.f32 v13, v8;
	v8 =	vadd.f32 v9, v10  }
0x15c: {  	v2 =	vadd.f32 v2, v3;
	v13 =	vadd.f32 v0, v4;
	v1 =	vld [tilespmem:s25+$0x50]  }
0x15d: {  	v3 =	vld [tilespmem:s25+$0x60];
	v9 =	vadd.f32 v14, v5;
	v7 =	vadd.f32 v7, v8  }
0x15e: {  	v4 =	vld [tilespmem:s25+$0x10]  }
0x15f: {  	v10 =	vadd.f32 v2, v13;
	v5 =	vld [tilespmem:s25+$0x20];
	v9 =	vadd.f32 v7, v9;
	v0 =	vmov v11  }
0x160: {  	v7 =	vld [tilespmem:s25+$0xFFFFFFD0];
	v2 =	vmov v12  }
0x161: {  	v8 =	vld [tilespmem:s25+$0xFFFFFFE0];
	v11 =	vadd.f32 v9, v10  }
0x162: {  	s29 =	sshra.s32 s26, $0x2;
	s26 =	smov.u32 s28;
	v9 =	vld [tilespmem:s25+$0xFFFFFF50]  }
.Ltmp5:
0x163: {  	v10 =	vld [tilespmem:s25+$0xFFFFFF60];
	[tilespmem:s29+$0x11400] =	vst v11;
	(pc) =	sbr.rel @p0 .LBB2_12-.Ltmp5, $4  }
0x164: {  	v11 =	vld [tilespmem:s25+$0xFFFFFF90]  }
0x165: {  	v12 =	vld [tilespmem:s25+$0xFFFFFFA0]  }
0x166: {  	v13 =	vld [tilespmem:s25+$0xFFFFFF40]  }
0x167: {  	s28 =	sadd.s32 $0x40, s28;
	v14 =	vld [tilespmem:s25+$0xFFFFFF30]  }
0x168: {  	v15 =	vld [tilespmem:s25+$0xFFFFFF70]  }
0x169: {  	v16 =	vld [tilespmem:s25+$0xFFFFFF80]  }
0x16a: {  	v17 =	vld [tilespmem:s25+$0xFFFFFFB0]  }
0x16b: {  	v18 =	vld [tilespmem:s25+$0xFFFFFFC0]  }
0x16c: {  	v19 =	vld [tilespmem:s25+$0x0];
	v6 =	vadd.f32 v6, v14  }
0x16d: {  	v9 =	vadd.f32 v11, v9;
	v14 =	vld [tilespmem:s25+$0xFFFFFFF0]  }
0x16e: {  	v11 =	vld [tilespmem:s25+$0x40];
	v13 =	vadd.f32 v16, v13;
	v6 =	vadd.f32 v15, v6  }
0x16f: {  	v10 =	vadd.f32 v12, v10;
	v7 =	vadd.f32 v7, v9;
	v15 =	vld [tilespmem:s25+$0x30]  }
0x170: {  	v9 =	vld [tilespmem:s25+$0x80];
	v12 =	vadd.f32 v18, v13;
	v6 =	vadd.f32 v17, v6  }
0x171: {  	v8 =	vadd.f32 v8, v10;
	v4 =	vadd.f32 v4, v7;
	v13 =	vld [tilespmem:s25+$0x70]  }
0x172: {  	v7 =	vld [tilespmem:s25+$0xC0];
	v10 =	vadd.f32 v19, v12;
	v6 =	vadd.f32 v14, v6  }
0x173: {  	v5 =	vadd.f32 v5, v8;
	v12 =	vld [tilespmem:s25+$0xB0]  }
0x174: {  	v8 =	vadd.f32 v11, v10;
	v6 =	vadd.f32 v15, v6  }
0x175: {  	v1 =	vadd.f32 v1, v4;
	v3 =	vadd.f32 v3, v5  }
0x176: {  	v5 =	vadd.f32 v9, v8;
	v4 =	vadd.f32 v13, v6  }
0x177: {  	v0 =	vadd.f32 v0, v1;
	v1 =	vadd.f32 v2, v3  }
0x178: {  	v3 =	vadd.f32 v7, v5;
	v2 =	vadd.f32 v12, v4;
	_ =	sdelay $0x1  }
0x179: {  	v0 =	vadd.f32 v1, v0;
	v2 =	vadd.f32 v3, v2;
	_ =	sdelay $0x1  }
0x17a: {  	v0 =	vadd.f32 v2, v0  }
0x17b: {  	s31 =	sshra.s32 s26, $0x2  }
0x17c: {  	[tilespmem:s31+$0x11400] =	vst v0  }
0x17d: {  	[tilespmem:s13], [sflag:$0x1] =	stream.indirect.gather [hbm4b:s4+s12], $0x10, s21, s12, $0xb8;
	[tilespmem:$0x124E0] =	vst v63  }
0x17e: {  	_ =	swait.ge [sflag:s17], $0x6800  }
0x17f: {  	[sflag:s17] =	ssyncset.done $0x0  }
0x180: {  	[sflag:s17] =	ssyncadd.s32 $0xFFFF9800  }
0x181: {  	s25 =	simm.s32 $0x9CD0;
	v6 =	vld [tilespmem:$0x12400]  }
0x182: {  	v0 =	vld [tilespmem:s25+$0x90]  }
0x183: {  	v2 =	vld [tilespmem:s25+$0xA0]  }
0x184: {  	v1 =	vld [tilespmem:s25+$0x50]  }
0x185: {  	v3 =	vld [tilespmem:s25+$0x60]  }
0x186: {  	v4 =	vld [tilespmem:s25+$0x10]  }
0x187: {  	v5 =	vld [tilespmem:s25+$0x20]  }
0x188: {  	v7 =	vld [tilespmem:s25+$0xFFFFFFD0]  }
0x189: {  	v8 =	vld [tilespmem:s25+$0xFFFFFFE0]  }
0x18a: {  	v9 =	vld [tilespmem:s25+$0xFFFFFF50]  }
0x18b: {  	v10 =	vld [tilespmem:s25+$0xFFFFFF60]  }
0x18c: {  	v11 =	vld [tilespmem:s25+$0xFFFFFF90]  }
0x18d: {  	v12 =	vld [tilespmem:s25+$0xFFFFFFA0]  }
0x18e: {  	v13 =	vld [tilespmem:s25+$0xFFFFFF40]  }
0x18f: {  	s26 =	simm.s32 $0x0;
	s28 =	simm.s32 $0x40;
	v14 =	vld [tilespmem:s25+$0xFFFFFF30]  }
.LBB2_14:
0x190: {  	p0 =	sne.s32 s28, $0xFC0;
	v15 =	vld [tilespmem:s25+$0xFFFFFF70]  }
0x191: {  	v16 =	vld [tilespmem:s25+$0xFFFFFF80]  }
0x192: {  	v17 =	vld [tilespmem:s25+$0xFFFFFFB0]  }
0x193: {  	v18 =	vld [tilespmem:s25+$0xFFFFFFC0]  }
0x194: {  	v6 =	vadd.f32 v6, v14;
	v14 =	vld [tilespmem:s25+$0xFFFFFFF0]  }
0x195: {  	v19 =	vld [tilespmem:s25+$0x0]  }
0x196: {  	v6 =	vadd.f32 v15, v6;
	v13 =	vadd.f32 v16, v13;
	v15 =	vld [tilespmem:s25+$0x30]  }
0x197: {  	v9 =	vadd.f32 v11, v9;
	v10 =	vadd.f32 v12, v10;
	v11 =	vld [tilespmem:s25+$0x40]  }
0x198: {  	v6 =	vadd.f32 v17, v6;
	v12 =	vadd.f32 v18, v13;
	v13 =	vld [tilespmem:s25+$0x70]  }
0x199: {  	v7 =	vadd.f32 v7, v9;
	v8 =	vadd.f32 v8, v10;
	v9 =	vld [tilespmem:s25+$0x80]  }
0x19a: {  	v10 =	vadd.f32 v14, v6;
	v12 =	vadd.f32 v19, v12;
	v14 =	vld [tilespmem:s25+$0xB0]  }
0x19b: {  	v4 =	vadd.f32 v4, v7;
	v5 =	vadd.f32 v5, v8;
	v7 =	vld [tilespmem:s25+$0xC0]  }
0x19c: {  	s25 =	sadd.s32 $0x1A0, s25;
	v6 =	vld [tilespmem:$0x12400];
	v8 =	vadd.f32 v15, v10;
	v10 =	vadd.f32 v11, v12  }
0x19d: {  	v4 =	vadd.f32 v1, v4;
	v3 =	vadd.f32 v3, v5;
	v11 =	vld [tilespmem:s25+$0x90]  }
0x19e: {  	v12 =	vld [tilespmem:s25+$0xA0];
	v5 =	vadd.f32 v13, v8;
	v8 =	vadd.f32 v9, v10  }
0x19f: {  	v2 =	vadd.f32 v2, v3;
	v13 =	vadd.f32 v0, v4;
	v1 =	vld [tilespmem:s25+$0x50]  }
0x1a0: {  	v3 =	vld [tilespmem:s25+$0x60];
	v9 =	vadd.f32 v14, v5;
	v7 =	vadd.f32 v7, v8  }
0x1a1: {  	v4 =	vld [tilespmem:s25+$0x10]  }
0x1a2: {  	v10 =	vadd.f32 v2, v13;
	v5 =	vld [tilespmem:s25+$0x20];
	v9 =	vadd.f32 v7, v9;
	v0 =	vmov v11  }
0x1a3: {  	v7 =	vld [tilespmem:s25+$0xFFFFFFD0];
	v2 =	vmov v12  }
0x1a4: {  	v8 =	vld [tilespmem:s25+$0xFFFFFFE0];
	v11 =	vadd.f32 v9, v10  }
0x1a5: {  	s29 =	sshra.s32 s26, $0x2;
	s26 =	smov.u32 s28;
	v9 =	vld [tilespmem:s25+$0xFFFFFF50]  }
.Ltmp6:
0x1a6: {  	v10 =	vld [tilespmem:s25+$0xFFFFFF60];
	[tilespmem:s29+$0x11800] =	vst v11;
	(pc) =	sbr.rel @p0 .LBB2_14-.Ltmp6, $4  }
0x1a7: {  	v11 =	vld [tilespmem:s25+$0xFFFFFF90]  }
0x1a8: {  	v12 =	vld [tilespmem:s25+$0xFFFFFFA0]  }
0x1a9: {  	v13 =	vld [tilespmem:s25+$0xFFFFFF40]  }
0x1aa: {  	s28 =	sadd.s32 $0x40, s28;
	v14 =	vld [tilespmem:s25+$0xFFFFFF30]  }
0x1ab: {  	v15 =	vld [tilespmem:s25+$0xFFFFFF70]  }
0x1ac: {  	v16 =	vld [tilespmem:s25+$0xFFFFFF80]  }
0x1ad: {  	v17 =	vld [tilespmem:s25+$0xFFFFFFB0]  }
0x1ae: {  	v18 =	vld [tilespmem:s25+$0xFFFFFFC0]  }
0x1af: {  	v19 =	vld [tilespmem:s25+$0x0];
	v6 =	vadd.f32 v6, v14  }
0x1b0: {  	v9 =	vadd.f32 v11, v9;
	v14 =	vld [tilespmem:s25+$0xFFFFFFF0]  }
0x1b1: {  	v11 =	vld [tilespmem:s25+$0x40];
	v13 =	vadd.f32 v16, v13;
	v6 =	vadd.f32 v15, v6  }
0x1b2: {  	v10 =	vadd.f32 v12, v10;
	v7 =	vadd.f32 v7, v9;
	v15 =	vld [tilespmem:s25+$0x30]  }
0x1b3: {  	v9 =	vld [tilespmem:s25+$0x80];
	v12 =	vadd.f32 v18, v13;
	v6 =	vadd.f32 v17, v6  }
0x1b4: {  	v8 =	vadd.f32 v8, v10;
	v4 =	vadd.f32 v4, v7;
	v13 =	vld [tilespmem:s25+$0x70]  }
0x1b5: {  	v7 =	vld [tilespmem:s25+$0xC0];
	v10 =	vadd.f32 v19, v12;
	v6 =	vadd.f32 v14, v6  }
0x1b6: {  	v5 =	vadd.f32 v5, v8;
	v12 =	vld [tilespmem:s25+$0xB0]  }
0x1b7: {  	v8 =	vadd.f32 v11, v10;
	v6 =	vadd.f32 v15, v6  }
0x1b8: {  	v1 =	vadd.f32 v1, v4;
	v3 =	vadd.f32 v3, v5  }
0x1b9: {  	v5 =	vadd.f32 v9, v8;
	v4 =	vadd.f32 v13, v6  }
0x1ba: {  	v0 =	vadd.f32 v0, v1;
	v1 =	vadd.f32 v2, v3  }
0x1bb: {  	v3 =	vadd.f32 v7, v5;
	v2 =	vadd.f32 v12, v4;
	_ =	sdelay $0x1  }
0x1bc: {  	v0 =	vadd.f32 v1, v0;
	v2 =	vadd.f32 v3, v2;
	_ =	sdelay $0x1  }
0x1bd: {  	v0 =	vadd.f32 v2, v0  }
0x1be: {  	s31 =	sshra.s32 s26, $0x2  }
0x1bf: {  	[tilespmem:s31+$0x11800] =	vst v0  }
0x1c0: {  	[tilespmem:s14], [sflag:$0x2] =	stream.indirect.gather [hbm4b:s4+s12], $0x10, s22, s12, $0xb8;
	[tilespmem:$0x124E0] =	vst v63  }
0x1c1: {  	_ =	swait.ge [sflag:s15], $0x6800  }
0x1c2: {  	[sflag:s15] =	ssyncset.done $0x0  }
0x1c3: {  	[sflag:s15] =	ssyncadd.s32 $0xFFFF9800  }
0x1c4: {  	s25 =	simm.s32 $0x34D0;
	v6 =	vld [tilespmem:$0x12400]  }
0x1c5: {  	v0 =	vld [tilespmem:s25+$0x90]  }
0x1c6: {  	v2 =	vld [tilespmem:s25+$0xA0]  }
0x1c7: {  	v1 =	vld [tilespmem:s25+$0x50]  }
0x1c8: {  	v3 =	vld [tilespmem:s25+$0x60]  }
0x1c9: {  	v4 =	vld [tilespmem:s25+$0x10]  }
0x1ca: {  	v5 =	vld [tilespmem:s25+$0x20]  }
0x1cb: {  	v7 =	vld [tilespmem:s25+$0xFFFFFFD0]  }
0x1cc: {  	v8 =	vld [tilespmem:s25+$0xFFFFFFE0]  }
0x1cd: {  	v9 =	vld [tilespmem:s25+$0xFFFFFF50]  }
0x1ce: {  	v10 =	vld [tilespmem:s25+$0xFFFFFF60]  }
0x1cf: {  	v11 =	vld [tilespmem:s25+$0xFFFFFF90]  }
0x1d0: {  	v12 =	vld [tilespmem:s25+$0xFFFFFFA0]  }
0x1d1: {  	v13 =	vld [tilespmem:s25+$0xFFFFFF40]  }
0x1d2: {  	s26 =	simm.s32 $0x0;
	s28 =	simm.s32 $0x40;
	v14 =	vld [tilespmem:s25+$0xFFFFFF30]  }
.LBB2_16:
0x1d3: {  	p0 =	sne.s32 s28, $0xFC0;
	v15 =	vld [tilespmem:s25+$0xFFFFFF70]  }
0x1d4: {  	v16 =	vld [tilespmem:s25+$0xFFFFFF80]  }
0x1d5: {  	v17 =	vld [tilespmem:s25+$0xFFFFFFB0]  }
0x1d6: {  	v18 =	vld [tilespmem:s25+$0xFFFFFFC0]  }
0x1d7: {  	v6 =	vadd.f32 v6, v14;
	v14 =	vld [tilespmem:s25+$0xFFFFFFF0]  }
0x1d8: {  	v19 =	vld [tilespmem:s25+$0x0]  }
0x1d9: {  	v6 =	vadd.f32 v15, v6;
	v13 =	vadd.f32 v16, v13;
	v15 =	vld [tilespmem:s25+$0x30]  }
0x1da: {  	v9 =	vadd.f32 v11, v9;
	v10 =	vadd.f32 v12, v10;
	v11 =	vld [tilespmem:s25+$0x40]  }
0x1db: {  	v6 =	vadd.f32 v17, v6;
	v12 =	vadd.f32 v18, v13;
	v13 =	vld [tilespmem:s25+$0x70]  }
0x1dc: {  	v7 =	vadd.f32 v7, v9;
	v8 =	vadd.f32 v8, v10;
	v9 =	vld [tilespmem:s25+$0x80]  }
0x1dd: {  	v10 =	vadd.f32 v14, v6;
	v12 =	vadd.f32 v19, v12;
	v14 =	vld [tilespmem:s25+$0xB0]  }
0x1de: {  	v4 =	vadd.f32 v4, v7;
	v5 =	vadd.f32 v5, v8;
	v7 =	vld [tilespmem:s25+$0xC0]  }
0x1df: {  	s25 =	sadd.s32 $0x1A0, s25;
	v6 =	vld [tilespmem:$0x12400];
	v8 =	vadd.f32 v15, v10;
	v10 =	vadd.f32 v11, v12  }
0x1e0: {  	v4 =	vadd.f32 v1, v4;
	v3 =	vadd.f32 v3, v5;
	v11 =	vld [tilespmem:s25+$0x90]  }
0x1e1: {  	v12 =	vld [tilespmem:s25+$0xA0];
	v5 =	vadd.f32 v13, v8;
	v8 =	vadd.f32 v9, v10  }
0x1e2: {  	v2 =	vadd.f32 v2, v3;
	v13 =	vadd.f32 v0, v4;
	v1 =	vld [tilespmem:s25+$0x50]  }
0x1e3: {  	v3 =	vld [tilespmem:s25+$0x60];
	v9 =	vadd.f32 v14, v5;
	v7 =	vadd.f32 v7, v8  }
0x1e4: {  	v4 =	vld [tilespmem:s25+$0x10]  }
0x1e5: {  	v10 =	vadd.f32 v2, v13;
	v5 =	vld [tilespmem:s25+$0x20];
	v9 =	vadd.f32 v7, v9;
	v0 =	vmov v11  }
0x1e6: {  	v7 =	vld [tilespmem:s25+$0xFFFFFFD0];
	v2 =	vmov v12  }
0x1e7: {  	v8 =	vld [tilespmem:s25+$0xFFFFFFE0];
	v11 =	vadd.f32 v9, v10  }
0x1e8: {  	s29 =	sshra.s32 s26, $0x2;
	s26 =	smov.u32 s28;
	v9 =	vld [tilespmem:s25+$0xFFFFFF50]  }
.Ltmp7:
0x1e9: {  	v10 =	vld [tilespmem:s25+$0xFFFFFF60];
	[tilespmem:s29+$0x11C00] =	vst v11;
	(pc) =	sbr.rel @p0 .LBB2_16-.Ltmp7, $4  }
0x1ea: {  	v11 =	vld [tilespmem:s25+$0xFFFFFF90]  }
0x1eb: {  	v12 =	vld [tilespmem:s25+$0xFFFFFFA0]  }
0x1ec: {  	v13 =	vld [tilespmem:s25+$0xFFFFFF40]  }
0x1ed: {  	s28 =	sadd.s32 $0x40, s28;
	v14 =	vld [tilespmem:s25+$0xFFFFFF30]  }
0x1ee: {  	v15 =	vld [tilespmem:s25+$0xFFFFFF70]  }
0x1ef: {  	v16 =	vld [tilespmem:s25+$0xFFFFFF80]  }
0x1f0: {  	v17 =	vld [tilespmem:s25+$0xFFFFFFB0]  }
0x1f1: {  	v18 =	vld [tilespmem:s25+$0xFFFFFFC0]  }
0x1f2: {  	v19 =	vld [tilespmem:s25+$0x0];
	v6 =	vadd.f32 v6, v14  }
0x1f3: {  	v9 =	vadd.f32 v11, v9;
	v14 =	vld [tilespmem:s25+$0xFFFFFFF0]  }
0x1f4: {  	v11 =	vld [tilespmem:s25+$0x40];
	v13 =	vadd.f32 v16, v13;
	v6 =	vadd.f32 v15, v6  }
0x1f5: {  	v10 =	vadd.f32 v12, v10;
	v7 =	vadd.f32 v7, v9;
	v15 =	vld [tilespmem:s25+$0x30]  }
0x1f6: {  	v9 =	vld [tilespmem:s25+$0x80];
	v12 =	vadd.f32 v18, v13;
	v6 =	vadd.f32 v17, v6  }
0x1f7: {  	v8 =	vadd.f32 v8, v10;
	v4 =	vadd.f32 v4, v7;
	v13 =	vld [tilespmem:s25+$0x70]  }
0x1f8: {  	v7 =	vld [tilespmem:s25+$0xC0];
	v10 =	vadd.f32 v19, v12;
	v6 =	vadd.f32 v14, v6  }
0x1f9: {  	v5 =	vadd.f32 v5, v8;
	v12 =	vld [tilespmem:s25+$0xB0]  }
0x1fa: {  	v8 =	vadd.f32 v11, v10;
	v6 =	vadd.f32 v15, v6  }
0x1fb: {  	v1 =	vadd.f32 v1, v4;
	v3 =	vadd.f32 v3, v5  }
0x1fc: {  	v5 =	vadd.f32 v9, v8;
	v4 =	vadd.f32 v13, v6  }
0x1fd: {  	v0 =	vadd.f32 v0, v1;
	v1 =	vadd.f32 v2, v3  }
0x1fe: {  	v3 =	vadd.f32 v7, v5;
	v2 =	vadd.f32 v12, v4;
	_ =	sdelay $0x1  }
0x1ff: {  	v0 =	vadd.f32 v1, v0;
	v2 =	vadd.f32 v3, v2;
	_ =	sdelay $0x1  }
0x200: {  	v0 =	vadd.f32 v2, v0  }
0x201: {  	s31 =	sshra.s32 s26, $0x2  }
0x202: {  	[tilespmem:s31+$0x11C00] =	vst v0  }
0x203: {  	_ =	swait.ge [sflag:s17], $0x6800  }
0x204: {  	[sflag:s17] =	ssyncset.done $0x0  }
0x205: {  	[sflag:s17] =	ssyncadd.s32 $0xFFFF9800  }
0x206: {  	s25 =	simm.s32 $0x9CD0;
	v6 =	vld [tilespmem:$0x12400]  }
0x207: {  	v0 =	vld [tilespmem:s25+$0x90]  }
0x208: {  	v2 =	vld [tilespmem:s25+$0xA0]  }
0x209: {  	v1 =	vld [tilespmem:s25+$0x50]  }
0x20a: {  	v3 =	vld [tilespmem:s25+$0x60]  }
0x20b: {  	v4 =	vld [tilespmem:s25+$0x10]  }
0x20c: {  	v5 =	vld [tilespmem:s25+$0x20]  }
0x20d: {  	v7 =	vld [tilespmem:s25+$0xFFFFFFD0]  }
0x20e: {  	v8 =	vld [tilespmem:s25+$0xFFFFFFE0]  }
0x20f: {  	v9 =	vld [tilespmem:s25+$0xFFFFFF50]  }
0x210: {  	v10 =	vld [tilespmem:s25+$0xFFFFFF60]  }
0x211: {  	v11 =	vld [tilespmem:s25+$0xFFFFFF90]  }
0x212: {  	v12 =	vld [tilespmem:s25+$0xFFFFFFA0]  }
0x213: {  	v13 =	vld [tilespmem:s25+$0xFFFFFF40]  }
0x214: {  	s26 =	simm.s32 $0x0;
	s28 =	simm.s32 $0x40;
	v14 =	vld [tilespmem:s25+$0xFFFFFF30]  }
.LBB2_18:
0x215: {  	p0 =	sne.s32 s28, $0xFC0;
	v15 =	vld [tilespmem:s25+$0xFFFFFF70]  }
0x216: {  	v16 =	vld [tilespmem:s25+$0xFFFFFF80]  }
0x217: {  	v17 =	vld [tilespmem:s25+$0xFFFFFFB0]  }
0x218: {  	v18 =	vld [tilespmem:s25+$0xFFFFFFC0]  }
0x219: {  	v6 =	vadd.f32 v6, v14;
	v14 =	vld [tilespmem:s25+$0xFFFFFFF0]  }
0x21a: {  	v19 =	vld [tilespmem:s25+$0x0]  }
0x21b: {  	v6 =	vadd.f32 v15, v6;
	v13 =	vadd.f32 v16, v13;
	v15 =	vld [tilespmem:s25+$0x30]  }
0x21c: {  	v9 =	vadd.f32 v11, v9;
	v10 =	vadd.f32 v12, v10;
	v11 =	vld [tilespmem:s25+$0x40]  }
0x21d: {  	v6 =	vadd.f32 v17, v6;
	v12 =	vadd.f32 v18, v13;
	v13 =	vld [tilespmem:s25+$0x70]  }
0x21e: {  	v7 =	vadd.f32 v7, v9;
	v8 =	vadd.f32 v8, v10;
	v9 =	vld [tilespmem:s25+$0x80]  }
0x21f: {  	v10 =	vadd.f32 v14, v6;
	v12 =	vadd.f32 v19, v12;
	v14 =	vld [tilespmem:s25+$0xB0]  }
0x220: {  	v4 =	vadd.f32 v4, v7;
	v5 =	vadd.f32 v5, v8;
	v7 =	vld [tilespmem:s25+$0xC0]  }
0x221: {  	s25 =	sadd.s32 $0x1A0, s25;
	v6 =	vld [tilespmem:$0x12400];
	v8 =	vadd.f32 v15, v10;
	v10 =	vadd.f32 v11, v12  }
0x222: {  	v4 =	vadd.f32 v1, v4;
	v3 =	vadd.f32 v3, v5;
	v11 =	vld [tilespmem:s25+$0x90]  }
0x223: {  	v12 =	vld [tilespmem:s25+$0xA0];
	v5 =	vadd.f32 v13, v8;
	v8 =	vadd.f32 v9, v10  }
0x224: {  	v2 =	vadd.f32 v2, v3;
	v13 =	vadd.f32 v0, v4;
	v1 =	vld [tilespmem:s25+$0x50]  }
0x225: {  	v3 =	vld [tilespmem:s25+$0x60];
	v9 =	vadd.f32 v14, v5;
	v7 =	vadd.f32 v7, v8  }
0x226: {  	v4 =	vld [tilespmem:s25+$0x10]  }
0x227: {  	v10 =	vadd.f32 v2, v13;
	v5 =	vld [tilespmem:s25+$0x20];
	v9 =	vadd.f32 v7, v9;
	v0 =	vmov v11  }
0x228: {  	v7 =	vld [tilespmem:s25+$0xFFFFFFD0];
	v2 =	vmov v12  }
0x229: {  	v8 =	vld [tilespmem:s25+$0xFFFFFFE0];
	v11 =	vadd.f32 v9, v10  }
0x22a: {  	s29 =	sshra.s32 s26, $0x2;
	s26 =	smov.u32 s28;
	v9 =	vld [tilespmem:s25+$0xFFFFFF50]  }
.Ltmp8:
0x22b: {  	v10 =	vld [tilespmem:s25+$0xFFFFFF60];
	[tilespmem:s29+$0x12000] =	vst v11;
	(pc) =	sbr.rel @p0 .LBB2_18-.Ltmp8, $4  }
0x22c: {  	v11 =	vld [tilespmem:s25+$0xFFFFFF90]  }
0x22d: {  	v12 =	vld [tilespmem:s25+$0xFFFFFFA0]  }
0x22e: {  	v13 =	vld [tilespmem:s25+$0xFFFFFF40]  }
0x22f: {  	s28 =	sadd.s32 $0x40, s28;
	v14 =	vld [tilespmem:s25+$0xFFFFFF30]  }
0x230: {  	v15 =	vld [tilespmem:s25+$0xFFFFFF70]  }
0x231: {  	v16 =	vld [tilespmem:s25+$0xFFFFFF80]  }
0x232: {  	v17 =	vld [tilespmem:s25+$0xFFFFFFB0]  }
0x233: {  	v18 =	vld [tilespmem:s25+$0xFFFFFFC0]  }
0x234: {  	v49 =	vld [tilespmem:s25+$0xFFFFFFF0];
	v6 =	vadd.f32 v6, v14  }
0x235: {  	v19 =	vld [tilespmem:s25+$0x0]  }
0x236: {  	v50 =	vld [tilespmem:s25+$0x30];
	v13 =	vadd.f32 v16, v13;
	v6 =	vadd.f32 v15, v6  }
0x237: {  	v51 =	vld [tilespmem:s25+$0x40];
	v9 =	vadd.f32 v11, v9;
	v10 =	vadd.f32 v12, v10  }
0x238: {  	v53 =	vld [tilespmem:s25+$0x70];
	v52 =	vadd.f32 v18, v13;
	v6 =	vadd.f32 v17, v6  }
0x239: {  	v54 =	vld [tilespmem:s25+$0x80];
	v7 =	vadd.f32 v7, v9;
	v8 =	vadd.f32 v8, v10  }
0x23a: {  	v56 =	vld [tilespmem:s25+$0xB0];
	v55 =	vadd.f32 v19, v52;
	v6 =	vadd.f32 v49, v6  }
0x23b: {  	v57 =	vld [tilespmem:s25+$0xC0];
	v4 =	vadd.f32 v4, v7;
	v5 =	vadd.f32 v5, v8  }
0x23c: {  	v58 =	vadd.f32 v51, v55;
	v6 =	vadd.f32 v50, v6  }
0x23d: {  	v1 =	vadd.f32 v1, v4;
	v3 =	vadd.f32 v3, v5  }
0x23e: {  	v60 =	vadd.f32 v54, v58;
	v59 =	vadd.f32 v53, v6  }
0x23f: {  	v0 =	vadd.f32 v0, v1;
	v61 =	vadd.f32 v2, v3  }
0x240: {  	v63 =	vadd.f32 v57, v60;
	v62 =	vadd.f32 v56, v59;
	_ =	sdelay $0x1  }
0x241: {  	v0 =	vadd.f32 v61, v0;
	v2 =	vadd.f32 v63, v62;
	_ =	sdelay $0x1  }
0x242: {  	s24 =	sadd.s32 $0x1, s24;
	v0 =	vadd.f32 v2, v0  }
0x243: {  	s31 =	sshra.s32 s26, $0x2;
	p0 =	sne.s32 s24, s8  }
.Ltmp9:
0x244: {  	[tilespmem:s31+$0x12000] =	vst v0;
	(pc) =	sbr.rel @p0 .LBB2_1-.Ltmp9, $4  }
0x245: {  	[hbm4b:s7+s3] =	stream.linear.scatter [tilespmem:s23], [sflag:$0x3], $0x2000, $0x38;
	[tilespmem:$0x124E0] =	vst v63  }
0x246: {  	_ =	swait.ge [sflag:s9], $0x2000  }
0x247: {  	[sflag:s9] =	ssyncset.done $0x0  }
0x248: {  	[sflag:s9] =	ssyncadd.s32 $0xFFFFE000  }
0x249: {  	_ =	sfence.sel $0x180000  }
0x24a: {  	[bflag:$0x0] =	sbarrier.arrive $0xFFFF  }
0x24b: {  	p0 =	sne.s32 s0, $0x0;
	_ =	strace $0x9000004A  }
0x24c: {  	s0 =	sadd.s32 @!p0 $0x100000, s1;
	[bflag:$0x2] =	sbarrier.arrive $0xFFFF  }
0x24d: {  	[sflag:s0] =	ssyncadd.tile.s32 @!p0 $0x1;
	_ =	shalt  }
.Lfunc_end2:
_tile_overlayer_lowered:
.L_overlay_start_2:
0x24e: {  	(tag) =	ssettag $0x2  }
0x24f: {  	s0 =	rddreg [dreg:$0x0];
	s2 =	stileid.u32  }
0x250: {  	s1 =	rddreg [dreg:$0x1];
	p0 =	sne.s32 s2, $0x0  }
0x251: {  	s3 =	rddreg [dreg:$0x2];
	[bflag:$0x3] =	sbarrier.arrive $0xFFFF;
	s2 =	simm.s32 @!p0 $0x1C03  }
0x252: {  	[timem:s3], [sflag:s2] =	dma.local @!p0 [hbm:s0], s1  }
0x253: {  	s0 =	simm.s32 @!p0 $0x3  }
0x254: {  	_ =	swait.ge @!p0 [sflag:s0], s1  }
0x255: {  	s1 =	ssub.s32 @!p0 $0x0, s1;
	[sflag:s0] =	ssyncset.done @!p0 $0x0  }
0x256: {  	[sflag:s0] =	ssyncadd.s32 @!p0 s1  }
0x257: {  	[bflag:$0x3] =	sbarrier.arrive $0xFFFF  }
0x258: {  	_ =	shalt  }

</sc_bundles>
